<compile_context>
chip_gen: v7x
topology: tpu7x:2x2x1
jax: 0.10.2.dev20260603
libtpu: 0.0.44.dev20260713+nightly
codegen_flags: <defaults>
</compile_context>

<pallas_src>
import jax
import jax.numpy as jnp
from jax import lax
from jax.experimental import pallas as pl
from jax.experimental.pallas import tpu as pltpu
from jax.experimental.pallas import tpu_sc as plsc

B = 16384
D = 64
NC = 2
NS = 16
NW = NC * NS
BPW = B // NW
WAVE = 4

_MESH = plsc.VectorSubcoreMesh(core_axis_name="c", subcore_axis_name="s",
                               num_cores=NC, num_subcores=NS)


def _worker_base():
    return (lax.axis_index("s") * NC + lax.axis_index("c")) * BPW


def _dot_body(uid_hbm, pid_hbm, nid_hbm, utabT_hbm, itabT_hbm, diff_hbm,
              uidx, pidx, nidx, ubuf, pbuf, nbuf, diffv, sem):
    base = _worker_base()
    pltpu.sync_copy(uid_hbm.at[pl.ds(base, BPW)], uidx)
    pltpu.sync_copy(pid_hbm.at[pl.ds(base, BPW)], pidx)
    pltpu.sync_copy(nid_hbm.at[pl.ds(base, BPW)], nidx)
    iota16 = lax.iota(jnp.int32, 16)

    def group_body(g, carry):
        uv = uidx[pl.ds(g * 16, 16)]
        pv = pidx[pl.ds(g * 16, 16)]
        nv = nidx[pl.ds(g * 16, 16)]
        diff16 = jnp.zeros((16,), jnp.float32)
        for w in range(16 // WAVE):
            copies = []
            lanes = []
            for j in range(WAVE):
                k = w * WAVE + j
                ub, pb_, nb_ = uv[k], pv[k], nv[k]
                us = pl.multiple_of((ub >> 7) << 7, 128)
                ps = pl.multiple_of((pb_ >> 7) << 7, 128)
                ns = pl.multiple_of((nb_ >> 7) << 7, 128)
                copies.append(pltpu.async_copy(
                    utabT_hbm.at[:, pl.ds(us, 128)], ubuf.at[j], sem))
                copies.append(pltpu.async_copy(
                    itabT_hbm.at[:, pl.ds(ps, 128)], pbuf.at[j], sem))
                copies.append(pltpu.async_copy(
                    itabT_hbm.at[:, pl.ds(ns, 128)], nbuf.at[j], sem))
                lanes.append((ub & 127, pb_ & 127, nb_ & 127))
            for c in copies:
                c.wait()
            for j in range(WAVE):
                k = w * WAVE + j
                ul, pl_, nl = lanes[j]
                j16 = jnp.full((16,), j, jnp.int32)
                ul16 = jnp.full((16,), ul, jnp.int32)
                pl16 = jnp.full((16,), pl_, jnp.int32)
                nl16 = jnp.full((16,), nl, jnp.int32)
                acc = jnp.zeros((16,), jnp.float32)
                for dg in range(D // 16):
                    d16 = dg * 16 + iota16
                    uu = plsc.load_gather(ubuf, [j16, d16, ul16])
                    pp = plsc.load_gather(pbuf, [j16, d16, pl16])
                    nn = plsc.load_gather(nbuf, [j16, d16, nl16])
                    acc = acc + uu * (pp - nn)
                s = jnp.sum(acc)
                diff16 = jnp.where(iota16 == k, s, diff16)
        diffv[pl.ds(g * 16, 16)] = diff16
        return carry

    lax.fori_loop(0, BPW // 16, group_body, 0)
    pltpu.sync_copy(diffv, diff_hbm.at[pl.ds(base, BPW)])


_dot_call = pl.kernel(
    _dot_body,
    out_type=jax.ShapeDtypeStruct((B,), jnp.float32),
    mesh=_MESH,
    scratch_types=[
        pltpu.VMEM((BPW,), jnp.int32),
        pltpu.VMEM((BPW,), jnp.int32),
        pltpu.VMEM((BPW,), jnp.int32),
        pltpu.VMEM((WAVE, D, 128), jnp.float32),
        pltpu.VMEM((WAVE, D, 128), jnp.float32),
        pltpu.VMEM((WAVE, D, 128), jnp.float32),
        pltpu.VMEM((BPW,), jnp.float32),
        pltpu.SemaphoreType.DMA,
    ],
    compiler_params=pltpu.CompilerParams(needs_layout_passes=False),
)


def _bias_body(pid_hbm, nid_hbm, ibias_hbm, bdiff_hbm,
               pidx, nidx, pb, nb, bdiffv, sem):
    base = _worker_base()
    pltpu.sync_copy(pid_hbm.at[pl.ds(base, BPW)], pidx)
    pltpu.sync_copy(nid_hbm.at[pl.ds(base, BPW)], nidx)
    copies = []
    for j in range(BPW // 128):
        sl = pl.ds(j * 128, 128)
        copies.append(pltpu.async_copy(ibias_hbm.at[pidx.at[sl]], pb.at[sl], sem))
        copies.append(pltpu.async_copy(ibias_hbm.at[nidx.at[sl]], nb.at[sl], sem))
    for c in copies:
        c.wait()

    def group_body(i, carry):
        sl = pl.ds(i * 16, 16)
        bdiffv[sl] = pb[sl] - nb[sl]
        return carry

    lax.fori_loop(0, BPW // 16, group_body, 0)
    pltpu.sync_copy(bdiffv, bdiff_hbm.at[pl.ds(base, BPW)])


_bias_call = pl.kernel(
    _bias_body,
    out_type=jax.ShapeDtypeStruct((B,), jnp.float32),
    mesh=_MESH,
    scratch_types=[
        pltpu.VMEM((BPW,), jnp.int32),
        pltpu.VMEM((BPW,), jnp.int32),
        pltpu.VMEM((BPW,), jnp.float32),
        pltpu.VMEM((BPW,), jnp.float32),
        pltpu.VMEM((BPW,), jnp.float32),
        pltpu.SemaphoreType.DMA,
    ],
    compiler_params=pltpu.CompilerParams(needs_layout_passes=False,
                                         use_tc_tiling_on_sc=False),
)


def _loss_body(diff_ref, bd_ref, out_ref):
    x = diff_ref[...] + bd_ref[...]
    sp = jnp.maximum(-x, 0.0) + jnp.log1p(jnp.exp(-jnp.abs(x)))
    out_ref[...] = jnp.sum(sp).reshape(1, 1)


_loss_call = pl.pallas_call(
    _loss_body,
    out_shape=jax.ShapeDtypeStruct((1, 1), jnp.float32),
)


def kernel(user_id, p_item_id, n_item_id, user_table, item_table, item_bias):
    uid = user_id.astype(jnp.int32)
    pid = p_item_id.astype(jnp.int32)
    nid = n_item_id.astype(jnp.int32)
    diff = _dot_call(uid, pid, nid, user_table.T, item_table.T)
    bdiff = _bias_call(pid, nid, item_bias.reshape(-1))
    loss = _loss_call(diff.reshape(B // 128, 128),
                      bdiff.reshape(B // 128, 128))
    return loss[0, 0]

# --- scband reference (transcript-rebuilt; emitter-appended) ---
"""Pipeline reference for scband-bpr-41618233098555 (READ-ONLY COPY).

The authoritative reference and input builder live on the scoring server;
editing this copy changes nothing except your own understanding.
"""

import jax, jax.numpy as jnp
import numpy as np

TOTAL_USERS = 1000000
TOTAL_ITEMS = 1000000
DIM_USER = 64
DIM_ITEM = 64
BATCH = 16384


def setup_inputs(seed: int = 0) -> dict:
    key = jax.random.key(seed)
    k1, k2, k3, k4, k5, k6 = jax.random.split(key, 6)
    user_id = jax.random.randint(k1, (BATCH,), 0, TOTAL_USERS, dtype=jnp.int64) if jax.config.jax_enable_x64 else jax.random.randint(k1, (BATCH,), 0, TOTAL_USERS).astype(jnp.int32)
    p_item_id = jax.random.randint(k2, (BATCH,), 0, TOTAL_ITEMS).astype(user_id.dtype)
    n_item_id = jax.random.randint(k3, (BATCH,), 0, TOTAL_ITEMS).astype(user_id.dtype)
    user_table = jax.random.normal(k4, (TOTAL_USERS, DIM_USER), dtype=jnp.float32) * 0.01
    item_table = jax.random.normal(k5, (TOTAL_ITEMS, DIM_ITEM), dtype=jnp.float32) * 0.01
    item_bias = jax.random.normal(k6, (TOTAL_ITEMS, 1), dtype=jnp.float32) * 0.01
    return {
        "user_id": user_id,
        "p_item_id": p_item_id,
        "n_item_id": n_item_id,
        "user_table": user_table,
        "item_table": item_table,
        "item_bias": item_bias,
    }


def reference(user_id, p_item_id, n_item_id, user_table, item_table, item_bias):
    # Embedding lookups (gather)
    user_vec = jnp.take(user_table, user_id, axis=0)      # [B, D]
    p_item_vec = jnp.take(item_table, p_item_id, axis=0)  # [B, D]
    n_item_vec = jnp.take(item_table, n_item_id, axis=0)  # [B, D]
    p_item_b = jnp.take(item_bias, p_item_id, axis=0)     # [B, 1]
    n_item_b = jnp.take(item_bias, n_item_id, axis=0)     # [B, 1]
    # Pairwise log loss (BPR)
    dot_p = jnp.sum(user_vec * p_item_vec, axis=1, keepdims=True) + p_item_b  # [B,1]
    dot_n = jnp.sum(user_vec * n_item_vec, axis=1, keepdims=True) + n_item_b  # [B,1]
    diff = dot_p - dot_n
    loss = -jnp.sum(jax.nn.log_sigmoid(diff))
    return loss

if __name__ == "__main__":
    import jax
    _d = setup_inputs()
    print(jax.jit(kernel)(*tuple(_d.values())))

</pallas_src>

<mosaic_0001>
#map = affine_map<(d0, d1) -> (0)>
#map1 = affine_map<(d0, d1) -> (0, 0)>
module attributes {stable_mosaic.version = 14 : i64} {
  func.func @_dot_body(%arg0: i32, %arg1: i32, %arg2: memref<16384xi32, #tpu.memory_space<hbm>>, %arg3: memref<16384xi32, #tpu.memory_space<hbm>>, %arg4: memref<16384xi32, #tpu.memory_space<hbm>>, %arg5: memref<64x1000000xf32, #tpu.memory_space<hbm>>, %arg6: memref<64x1000000xf32, #tpu.memory_space<hbm>>, %arg7: memref<16384xf32, #tpu.memory_space<hbm>>, %arg8: memref<512xi32, #tpu.memory_space<vmem>>, %arg9: memref<512xi32, #tpu.memory_space<vmem>>, %arg10: memref<512xi32, #tpu.memory_space<vmem>>, %arg11: memref<4x64x128xf32, #tpu.memory_space<vmem>>, %arg12: memref<4x64x128xf32, #tpu.memory_space<vmem>>, %arg13: memref<4x64x128xf32, #tpu.memory_space<vmem>>, %arg14: memref<512xf32, #tpu.memory_space<vmem>>, %arg15: memref<!tpu.dma_semaphore, #tpu.memory_space<semaphore_mem>>) attributes {dimension_semantics = [#tpu.dimension_semantics<core_parallel>, #tpu.dimension_semantics<subcore_parallel>], iteration_bounds = array<i64: 2, 16>, scalar_prefetch = 0 : i64, scratch_operands = 8 : i64, tpu.core_type = #tpu.core_type<sc_vector_subcore>, window_params = [{transform_indices = #map}, {transform_indices = #map}, {transform_indices = #map}, {transform_indices = #map1}, {transform_indices = #map1}, {transform_indices = #map}]} {
    %mul3A = arith.constant 2 : i32
    %mul3A_0 = arith.muli %arg1, %mul3A : i32
    %add3A = arith.addi %mul3A_0, %arg0 : i32
    %mul3A_1 = arith.constant 512 : i32
    %mul3A_2 = arith.muli %add3A, %mul3A_1 : i32
    "tpu.region"() ({
      %run_scoped3A = tpu.sem_alloc : memref<!tpu.dma_semaphore, #tpu.memory_space<semaphore_mem>>
      %dma_start3A = tpu.memref_slice %arg2[%mul3A_2] : memref<16384xi32, #tpu.memory_space<hbm>> -> memref<512xi32, #tpu.memory_space<hbm>>
      %dma_start3A_8 = tpu.memref_slice %arg2[%mul3A_2] : memref<16384xi32, #tpu.memory_space<hbm>> -> memref<512xi32, #tpu.memory_space<hbm>>
      tpu.enqueue_dma source(%dma_start3A_8 : memref<512xi32, #tpu.memory_space<hbm>>) target(%arg8 : memref<512xi32, #tpu.memory_space<vmem>>) target_semaphore(%run_scoped3A : memref<!tpu.dma_semaphore, #tpu.memory_space<semaphore_mem>>)
      %dma_wait3A = tpu.memref_slice %arg2[%mul3A_2] : memref<16384xi32, #tpu.memory_space<hbm>> -> memref<512xi32, #tpu.memory_space<hbm>>
      %dma_wait3A_9 = tpu.memref_slice %arg2[%mul3A_2] : memref<16384xi32, #tpu.memory_space<hbm>> -> memref<512xi32, #tpu.memory_space<hbm>>
      tpu.wait_dma2 semaphore(%run_scoped3A : memref<!tpu.dma_semaphore, #tpu.memory_space<semaphore_mem>>) src(%dma_wait3A_9 : memref<512xi32, #tpu.memory_space<hbm>>) dst(%arg8 : memref<512xi32, #tpu.memory_space<vmem>>)
      tpu.yield
    }) : () -> ()
    "tpu.region"() ({
      %run_scoped3A = tpu.sem_alloc : memref<!tpu.dma_semaphore, #tpu.memory_space<semaphore_mem>>
      %dma_start3A = tpu.memref_slice %arg3[%mul3A_2] : memref<16384xi32, #tpu.memory_space<hbm>> -> memref<512xi32, #tpu.memory_space<hbm>>
      %dma_start3A_8 = tpu.memref_slice %arg3[%mul3A_2] : memref<16384xi32, #tpu.memory_space<hbm>> -> memref<512xi32, #tpu.memory_space<hbm>>
      tpu.enqueue_dma source(%dma_start3A_8 : memref<512xi32, #tpu.memory_space<hbm>>) target(%arg9 : memref<512xi32, #tpu.memory_space<vmem>>) target_semaphore(%run_scoped3A : memref<!tpu.dma_semaphore, #tpu.memory_space<semaphore_mem>>)
      %dma_wait3A = tpu.memref_slice %arg3[%mul3A_2] : memref<16384xi32, #tpu.memory_space<hbm>> -> memref<512xi32, #tpu.memory_space<hbm>>
      %dma_wait3A_9 = tpu.memref_slice %arg3[%mul3A_2] : memref<16384xi32, #tpu.memory_space<hbm>> -> memref<512xi32, #tpu.memory_space<hbm>>
      tpu.wait_dma2 semaphore(%run_scoped3A : memref<!tpu.dma_semaphore, #tpu.memory_space<semaphore_mem>>) src(%dma_wait3A_9 : memref<512xi32, #tpu.memory_space<hbm>>) dst(%arg9 : memref<512xi32, #tpu.memory_space<vmem>>)
      tpu.yield
    }) : () -> ()
    "tpu.region"() ({
      %run_scoped3A = tpu.sem_alloc : memref<!tpu.dma_semaphore, #tpu.memory_space<semaphore_mem>>
      %dma_start3A = tpu.memref_slice %arg4[%mul3A_2] : memref<16384xi32, #tpu.memory_space<hbm>> -> memref<512xi32, #tpu.memory_space<hbm>>
      %dma_start3A_8 = tpu.memref_slice %arg4[%mul3A_2] : memref<16384xi32, #tpu.memory_space<hbm>> -> memref<512xi32, #tpu.memory_space<hbm>>
      tpu.enqueue_dma source(%dma_start3A_8 : memref<512xi32, #tpu.memory_space<hbm>>) target(%arg10 : memref<512xi32, #tpu.memory_space<vmem>>) target_semaphore(%run_scoped3A : memref<!tpu.dma_semaphore, #tpu.memory_space<semaphore_mem>>)
      %dma_wait3A = tpu.memref_slice %arg4[%mul3A_2] : memref<16384xi32, #tpu.memory_space<hbm>> -> memref<512xi32, #tpu.memory_space<hbm>>
      %dma_wait3A_9 = tpu.memref_slice %arg4[%mul3A_2] : memref<16384xi32, #tpu.memory_space<hbm>> -> memref<512xi32, #tpu.memory_space<hbm>>
      tpu.wait_dma2 semaphore(%run_scoped3A : memref<!tpu.dma_semaphore, #tpu.memory_space<semaphore_mem>>) src(%dma_wait3A_9 : memref<512xi32, #tpu.memory_space<hbm>>) dst(%arg10 : memref<512xi32, #tpu.memory_space<vmem>>)
      tpu.yield
    }) : () -> ()
    %iota3A = tpu.iota {dimensions = array<i32: 0>} : vector<16xi32>
    %scan3A = arith.constant 0 : i32
    %scan3A_3 = arith.constant 0 : i32
    %scan3A_4 = arith.constant 32 : i32
    %scan3A_5 = arith.addi %scan3A_3, %scan3A_4 : i32
    %scan3A_6 = arith.constant 1 : i32
    scf.for %scan3A_8 = %scan3A_3 to %scan3A_5 step %scan3A_6  : i32 {
      %mul3A_9 = arith.constant 16 : i32
      %mul3A_10 = arith.muli %scan3A_8, %mul3A_9 : i32
      %get3A = arith.index_cast %mul3A_10 : i32 to index
      %get3A_11 = tpu.vector_load %arg8[%get3A] {strides = array<i32>} : memref<512xi32, #tpu.memory_space<vmem>>, vector<16xi32>,
      %mul3A_12 = arith.constant 16 : i32
      %mul3A_13 = arith.muli %scan3A_8, %mul3A_12 : i32
      %get3A_14 = arith.index_cast %mul3A_13 : i32 to index
      %get3A_15 = tpu.vector_load %arg9[%get3A_14] {strides = array<i32>} : memref<512xi32, #tpu.memory_space<vmem>>, vector<16xi32>,
      %mul3A_16 = arith.constant 16 : i32
      %mul3A_17 = arith.muli %scan3A_8, %mul3A_16 : i32
      %get3A_18 = arith.index_cast %mul3A_17 : i32 to index
      %get3A_19 = tpu.vector_load %arg10[%get3A_18] {strides = array<i32>} : memref<512xi32, #tpu.memory_space<vmem>>, vector<16xi32>,
      %broadcast_in_dim3A = arith.constant 0.000000e+00 : f32
      %broadcast_in_dim3A_20 = vector.broadcast %broadcast_in_dim3A : f32 to vector<16xf32>
      %slice3A = vector.extract_strided_slice %get3A_11 {offsets = [0], sizes = [1], strides = [1]} : vector<16xi32> to vector<1xi32>
      %squeeze3A = vector.extract %slice3A[0] : i32 from vector<1xi32>
      %slice3A_21 = vector.extract_strided_slice %get3A_15 {offsets = [0], sizes = [1], strides = [1]} : vector<16xi32> to vector<1xi32>
      %squeeze3A_22 = vector.extract %slice3A_21[0] : i32 from vector<1xi32>
      %slice3A_23 = vector.extract_strided_slice %get3A_19 {offsets = [0], sizes = [1], strides = [1]} : vector<16xi32> to vector<1xi32>
      %squeeze3A_24 = vector.extract %slice3A_23[0] : i32 from vector<1xi32>
      %shift_right_arithmetic3A = arith.constant 7 : i32
      %shift_right_arithmetic3A_25 = arith.shrsi %squeeze3A, %shift_right_arithmetic3A : i32
      %shift_left3A = arith.constant 7 : i32
      %shift_left3A_26 = arith.shli %shift_right_arithmetic3A_25, %shift_left3A : i32
      %multiple_of3A = tpu.assume_multiple %shift_left3A_26, 128 : i32
      %shift_right_arithmetic3A_27 = arith.constant 7 : i32
      %shift_right_arithmetic3A_28 = arith.shrsi %squeeze3A_22, %shift_right_arithmetic3A_27 : i32
      %shift_left3A_29 = arith.constant 7 : i32
      %shift_left3A_30 = arith.shli %shift_right_arithmetic3A_28, %shift_left3A_29 : i32
      %multiple_of3A_31 = tpu.assume_multiple %shift_left3A_30, 128 : i32
      %shift_right_arithmetic3A_32 = arith.constant 7 : i32
      %shift_right_arithmetic3A_33 = arith.shrsi %squeeze3A_24, %shift_right_arithmetic3A_32 : i32
      %shift_left3A_34 = arith.constant 7 : i32
      %shift_left3A_35 = arith.shli %shift_right_arithmetic3A_33, %shift_left3A_34 : i32
      %multiple_of3A_36 = tpu.assume_multiple %shift_left3A_35, 128 : i32
      %dma_start3A = arith.constant 0 : i32
      %dma_start3A_37 = arith.constant 0 : i32
      %dma_start3A_38 = arith.constant 0 : i32
      %dma_start3A_39 = tpu.memref_slice %arg11[%dma_start3A, %dma_start3A_37, %dma_start3A_38] : memref<4x64x128xf32, #tpu.memory_space<vmem>> -> memref<1x64x128xf32, #tpu.memory_space<vmem>>
      %dma_start3A_40 = tpu.memref_squeeze %dma_start3A_39 : memref<1x64x128xf32, #tpu.memory_space<vmem>> -> memref<64x128xf32, #tpu.memory_space<vmem>>
      %dma_start3A_41 = arith.constant 0 : i32
      %dma_start3A_42 = tpu.memref_slice %arg5[%dma_start3A_41, %multiple_of3A] : memref<64x1000000xf32, #tpu.memory_space<hbm>> -> memref<64x128xf32, #tpu.memory_space<hbm>>
      %dma_start3A_43 = arith.constant 0 : i32
      %dma_start3A_44 = arith.constant 0 : i32
      %dma_start3A_45 = tpu.memref_slice %arg11[%dma_start3A, %dma_start3A_43, %dma_start3A_44] : memref<4x64x128xf32, #tpu.memory_space<vmem>> -> memref<1x64x128xf32, #tpu.memory_space<vmem>>
      %dma_start3A_46 = tpu.memref_squeeze %dma_start3A_45 : memref<1x64x128xf32, #tpu.memory_space<vmem>> -> memref<64x128xf32, #tpu.memory_space<vmem>>
      %dma_start3A_47 = arith.constant 0 : i32
      %dma_start3A_48 = tpu.memref_slice %arg5[%dma_start3A_47, %multiple_of3A] : memref<64x1000000xf32, #tpu.memory_space<hbm>> -> memref<64x128xf32, #tpu.memory_space<hbm>>
      tpu.enqueue_dma source(%dma_start3A_48 : memref<64x128xf32, #tpu.memory_space<hbm>>) target(%dma_start3A_46 : memref<64x128xf32, #tpu.memory_space<vmem>>) target_semaphore(%arg15 : memref<!tpu.dma_semaphore, #tpu.memory_space<semaphore_mem>>)
      %dma_start3A_49 = arith.constant 0 : i32
      %dma_start3A_50 = arith.constant 0 : i32
      %dma_start3A_51 = arith.constant 0 : i32
      %dma_start3A_52 = tpu.memref_slice %arg12[%dma_start3A_49, %dma_start3A_50, %dma_start3A_51] : memref<4x64x128xf32, #tpu.memory_space<vmem>> -> memref<1x64x128xf32, #tpu.memory_space<vmem>>
      %dma_start3A_53 = tpu.memref_squeeze %dma_start3A_52 : memref<1x64x128xf32, #tpu.memory_space<vmem>> -> memref<64x128xf32, #tpu.memory_space<vmem>>
      %dma_start3A_54 = arith.constant 0 : i32
      %dma_start3A_55 = tpu.memref_slice %arg6[%dma_start3A_54, %multiple_of3A_31] : memref<64x1000000xf32, #tpu.memory_space<hbm>> -> memref<64x128xf32, #tpu.memory_space<hbm>>
      %dma_start3A_56 = arith.constant 0 : i32
      %dma_start3A_57 = arith.constant 0 : i32
      %dma_start3A_58 = tpu.memref_slice %arg12[%dma_start3A_49, %dma_start3A_56, %dma_start3A_57] : memref<4x64x128xf32, #tpu.memory_space<vmem>> -> memref<1x64x128xf32, #tpu.memory_space<vmem>>
      %dma_start3A_59 = tpu.memref_squeeze %dma_start3A_58 : memref<1x64x128xf32, #tpu.memory_space<vmem>> -> memref<64x128xf32, #tpu.memory_space<vmem>>
      %dma_start3A_60 = arith.constant 0 : i32
      %dma_start3A_61 = tpu.memref_slice %arg6[%dma_start3A_60, %multiple_of3A_31] : memref<64x1000000xf32, #tpu.memory_space<hbm>> -> memref<64x128xf32, #tpu.memory_space<hbm>>
      tpu.enqueue_dma source(%dma_start3A_61 : memref<64x128xf32, #tpu.memory_space<hbm>>) target(%dma_start3A_59 : memref<64x128xf32, #tpu.memory_space<vmem>>) target_semaphore(%arg15 : memref<!tpu.dma_semaphore, #tpu.memory_space<semaphore_mem>>)
      %dma_start3A_62 = arith.constant 0 : i32
      %dma_start3A_63 = arith.constant 0 : i32
      %dma_start3A_64 = arith.constant 0 : i32
      %dma_start3A_65 = tpu.memref_slice %arg13[%dma_start3A_62, %dma_start3A_63, %dma_start3A_64] : memref<4x64x128xf32, #tpu.memory_space<vmem>> -> memref<1x64x128xf32, #tpu.memory_space<vmem>>
      %dma_start3A_66 = tpu.memref_squeeze %dma_start3A_65 : memref<1x64x128xf32, #tpu.memory_space<vmem>> -> memref<64x128xf32, #tpu.memory_space<vmem>>
      %dma_start3A_67 = arith.constant 0 : i32
      %dma_start3A_68 = tpu.memref_slice %arg6[%dma_start3A_67, %multiple_of3A_36] : memref<64x1000000xf32, #tpu.memory_space<hbm>> -> memref<64x128xf32, #tpu.memory_space<hbm>>
      %dma_start3A_69 = arith.constant 0 : i32
      %dma_start3A_70 = arith.constant 0 : i32
      %dma_start3A_71 = tpu.memref_slice %arg13[%dma_start3A_62, %dma_start3A_69, %dma_start3A_70] : memref<4x64x128xf32, #tpu.memory_space<vmem>> -> memref<1x64x128xf32, #tpu.memory_space<vmem>>
      %dma_start3A_72 = tpu.memref_squeeze %dma_start3A_71 : memref<1x64x128xf32, #tpu.memory_space<vmem>> -> memref<64x128xf32, #tpu.memory_space<vmem>>
      %dma_start3A_73 = arith.constant 0 : i32
      %dma_start3A_74 = tpu.memref_slice %arg6[%dma_start3A_73, %multiple_of3A_36] : memref<64x1000000xf32, #tpu.memory_space<hbm>> -> memref<64x128xf32, #tpu.memory_space<hbm>>
      tpu.enqueue_dma source(%dma_start3A_74 : memref<64x128xf32, #tpu.memory_space<hbm>>) target(%dma_start3A_72 : memref<64x128xf32, #tpu.memory_space<vmem>>) target_semaphore(%arg15 : memref<!tpu.dma_semaphore, #tpu.memory_space<semaphore_mem>>)
      %and3A = arith.constant 127 : i32
      %and3A_75 = arith.andi %squeeze3A, %and3A : i32
      %and3A_76 = arith.constant 127 : i32
      %and3A_77 = arith.andi %squeeze3A_22, %and3A_76 : i32
      %and3A_78 = arith.constant 127 : i32
      %and3A_79 = arith.andi %squeeze3A_24, %and3A_78 : i32
      %slice3A_80 = vector.extract_strided_slice %get3A_11 {offsets = [1], sizes = [1], strides = [1]} : vector<16xi32> to vector<1xi32>
      %squeeze3A_81 = vector.extract %slice3A_80[0] : i32 from vector<1xi32>
      %slice3A_82 = vector.extract_strided_slice %get3A_15 {offsets = [1], sizes = [1], strides = [1]} : vector<16xi32> to vector<1xi32>
      %squeeze3A_83 = vector.extract %slice3A_82[0] : i32 from vector<1xi32>
      %slice3A_84 = vector.extract_strided_slice %get3A_19 {offsets = [1], sizes = [1], strides = [1]} : vector<16xi32> to vector<1xi32>
      %squeeze3A_85 = vector.extract %slice3A_84[0] : i32 from vector<1xi32>
      %shift_right_arithmetic3A_86 = arith.constant 7 : i32
      %shift_right_arithmetic3A_87 = arith.shrsi %squeeze3A_81, %shift_right_arithmetic3A_86 : i32
      %shift_left3A_88 = arith.constant 7 : i32
      %shift_left3A_89 = arith.shli %shift_right_arithmetic3A_87, %shift_left3A_88 : i32
      %multiple_of3A_90 = tpu.assume_multiple %shift_left3A_89, 128 : i32
      %shift_right_arithmetic3A_91 = arith.constant 7 : i32
      %shift_right_arithmetic3A_92 = arith.shrsi %squeeze3A_83, %shift_right_arithmetic3A_91 : i32
      %shift_left3A_93 = arith.constant 7 : i32
      %shift_left3A_94 = arith.shli %shift_right_arithmetic3A_92, %shift_left3A_93 : i32
      %multiple_of3A_95 = tpu.assume_multiple %shift_left3A_94, 128 : i32
      %shift_right_arithmetic3A_96 = arith.constant 7 : i32
      %shift_right_arithmetic3A_97 = arith.shrsi %squeeze3A_85, %shift_right_arithmetic3A_96 : i32
      %shift_left3A_98 = arith.constant 7 : i32
      %shift_left3A_99 = arith.shli %shift_right_arithmetic3A_97, %shift_left3A_98 : i32
      %multiple_of3A_100 = tpu.assume_multiple %shift_left3A_99, 128 : i32
      %dma_start3A_101 = arith.constant 1 : i32
      %dma_start3A_102 = arith.constant 0 : i32
      %dma_start3A_103 = arith.constant 0 : i32
      %dma_start3A_104 = tpu.memref_slice %arg11[%dma_start3A_101, %dma_start3A_102, %dma_start3A_103] : memref<4x64x128xf32, #tpu.memory_space<vmem>> -> memref<1x64x128xf32, #tpu.memory_space<vmem>>
      %dma_start3A_105 = tpu.memref_squeeze %dma_start3A_104 : memref<1x64x128xf32, #tpu.memory_space<vmem>> -> memref<64x128xf32, #tpu.memory_space<vmem>>
      %dma_start3A_106 = arith.constant 0 : i32
      %dma_start3A_107 = tpu.memref_slice %arg5[%dma_start3A_106, %multiple_of3A_90] : memref<64x1000000xf32, #tpu.memory_space<hbm>> -> memref<64x128xf32, #tpu.memory_space<hbm>>
      %dma_start3A_108 = arith.constant 0 : i32
      %dma_start3A_109 = arith.constant 0 : i32
      %dma_start3A_110 = tpu.memref_slice %arg11[%dma_start3A_101, %dma_start3A_108, %dma_start3A_109] : memref<4x64x128xf32, #tpu.memory_space<vmem>> -> memref<1x64x128xf32, #tpu.memory_space<vmem>>
      %dma_start3A_111 = tpu.memref_squeeze %dma_start3A_110 : memref<1x64x128xf32, #tpu.memory_space<vmem>> -> memref<64x128xf32, #tpu.memory_space<vmem>>
      %dma_start3A_112 = arith.constant 0 : i32
      %dma_start3A_113 = tpu.memref_slice %arg5[%dma_start3A_112, %multiple_of3A_90] : memref<64x1000000xf32, #tpu.memory_space<hbm>> -> memref<64x128xf32, #tpu.memory_space<hbm>>
      tpu.enqueue_dma source(%dma_start3A_113 : memref<64x128xf32, #tpu.memory_space<hbm>>) target(%dma_start3A_111 : memref<64x128xf32, #tpu.memory_space<vmem>>) target_semaphore(%arg15 : memref<!tpu.dma_semaphore, #tpu.memory_space<semaphore_mem>>)
      %dma_start3A_114 = arith.constant 1 : i32
      %dma_start3A_115 = arith.constant 0 : i32
      %dma_start3A_116 = arith.constant 0 : i32
      %dma_start3A_117 = tpu.memref_slice %arg12[%dma_start3A_114, %dma_start3A_115, %dma_start3A_116] : memref<4x64x128xf32, #tpu.memory_space<vmem>> -> memref<1x64x128xf32, #tpu.memory_space<vmem>>
      %dma_start3A_118 = tpu.memref_squeeze %dma_start3A_117 : memref<1x64x128xf32, #tpu.memory_space<vmem>> -> memref<64x128xf32, #tpu.memory_space<vmem>>
      %dma_start3A_119 = arith.constant 0 : i32
      %dma_start3A_120 = tpu.memref_slice %arg6[%dma_start3A_119, %multiple_of3A_95] : memref<64x1000000xf32, #tpu.memory_space<hbm>> -> memref<64x128xf32, #tpu.memory_space<hbm>>
      %dma_start3A_121 = arith.constant 0 : i32
      %dma_start3A_122 = arith.constant 0 : i32
      %dma_start3A_123 = tpu.memref_slice %arg12[%dma_start3A_114, %dma_start3A_121, %dma_start3A_122] : memref<4x64x128xf32, #tpu.memory_space<vmem>> -> memref<1x64x128xf32, #tpu.memory_space<vmem>>
      %dma_start3A_124 = tpu.memref_squeeze %dma_start3A_123 : memref<1x64x128xf32, #tpu.memory_space<vmem>> -> memref<64x128xf32, #tpu.memory_space<vmem>>
      %dma_start3A_125 = arith.constant 0 : i32
      %dma_start3A_126 = tpu.memref_slice %arg6[%dma_start3A_125, %multiple_of3A_95] : memref<64x1000000xf32, #tpu.memory_space<hbm>> -> memref<64x128xf32, #tpu.memory_space<hbm>>
      tpu.enqueue_dma source(%dma_start3A_126 : memref<64x128xf32, #tpu.memory_space<hbm>>) target(%dma_start3A_124 : memref<64x128xf32, #tpu.memory_space<vmem>>) target_semaphore(%arg15 : memref<!tpu.dma_semaphore, #tpu.memory_space<semaphore_mem>>)
      %dma_start3A_127 = arith.constant 1 : i32
      %dma_start3A_128 = arith.constant 0 : i32
      %dma_start3A_129 = arith.constant 0 : i32
      %dma_start3A_130 = tpu.memref_slice %arg13[%dma_start3A_127, %dma_start3A_128, %dma_start3A_129] : memref<4x64x128xf32, #tpu.memory_space<vmem>> -> memref<1x64x128xf32, #tpu.memory_space<vmem>>
      %dma_start3A_131 = tpu.memref_squeeze %dma_start3A_130 : memref<1x64x128xf32, #tpu.memory_space<vmem>> -> memref<64x128xf32, #tpu.memory_space<vmem>>
      %dma_start3A_132 = arith.constant 0 : i32
      %dma_start3A_133 = tpu.memref_slice %arg6[%dma_start3A_132, %multiple_of3A_100] : memref<64x1000000xf32, #tpu.memory_space<hbm>> -> memref<64x128xf32, #tpu.memory_space<hbm>>
      %dma_start3A_134 = arith.constant 0 : i32
      %dma_start3A_135 = arith.constant 0 : i32
      %dma_start3A_136 = tpu.memref_slice %arg13[%dma_start3A_127, %dma_start3A_134, %dma_start3A_135] : memref<4x64x128xf32, #tpu.memory_space<vmem>> -> memref<1x64x128xf32, #tpu.memory_space<vmem>>
      %dma_start3A_137 = tpu.memref_squeeze %dma_start3A_136 : memref<1x64x128xf32, #tpu.memory_space<vmem>> -> memref<64x128xf32, #tpu.memory_space<vmem>>
      %dma_start3A_138 = arith.constant 0 : i32
      %dma_start3A_139 = tpu.memref_slice %arg6[%dma_start3A_138, %multiple_of3A_100] : memref<64x1000000xf32, #tpu.memory_space<hbm>> -> memref<64x128xf32, #tpu.memory_space<hbm>>
      tpu.enqueue_dma source(%dma_start3A_139 : memref<64x128xf32, #tpu.memory_space<hbm>>) target(%dma_start3A_137 : memref<64x128xf32, #tpu.memory_space<vmem>>) target_semaphore(%arg15 : memref<!tpu.dma_semaphore, #tpu.memory_space<semaphore_mem>>)
      %and3A_140 = arith.constant 127 : i32
      %and3A_141 = arith.andi %squeeze3A_81, %and3A_140 : i32
      %and3A_142 = arith.constant 127 : i32
      %and3A_143 = arith.andi %squeeze3A_83, %and3A_142 : i32
      %and3A_144 = arith.constant 127 : i32
      %and3A_145 = arith.andi %squeeze3A_85, %and3A_144 : i32
      %slice3A_146 = vector.extract_strided_slice %get3A_11 {offsets = [2], sizes = [1], strides = [1]} : vector<16xi32> to vector<1xi32>
      %squeeze3A_147 = vector.extract %slice3A_146[0] : i32 from vector<1xi32>
      %slice3A_148 = vector.extract_strided_slice %get3A_15 {offsets = [2], sizes = [1], strides = [1]} : vector<16xi32> to vector<1xi32>
      %squeeze3A_149 = vector.extract %slice3A_148[0] : i32 from vector<1xi32>
      %slice3A_150 = vector.extract_strided_slice %get3A_19 {offsets = [2], sizes = [1], strides = [1]} : vector<16xi32> to vector<1xi32>
      %squeeze3A_151 = vector.extract %slice3A_150[0] : i32 from vector<1xi32>
      %shift_right_arithmetic3A_152 = arith.constant 7 : i32
      %shift_right_arithmetic3A_153 = arith.shrsi %squeeze3A_147, %shift_right_arithmetic3A_152 : i32
      %shift_left3A_154 = arith.constant 7 : i32
      %shift_left3A_155 = arith.shli %shift_right_arithmetic3A_153, %shift_left3A_154 : i32
      %multiple_of3A_156 = tpu.assume_multiple %shift_left3A_155, 128 : i32
      %shift_right_arithmetic3A_157 = arith.constant 7 : i32
      %shift_right_arithmetic3A_158 = arith.shrsi %squeeze3A_149, %shift_right_arithmetic3A_157 : i32
      %shift_left3A_159 = arith.constant 7 : i32
      %shift_left3A_160 = arith.shli %shift_right_arithmetic3A_158, %shift_left3A_159 : i32
      %multiple_of3A_161 = tpu.assume_multiple %shift_left3A_160, 128 : i32
      %shift_right_arithmetic3A_162 = arith.constant 7 : i32
      %shift_right_arithmetic3A_163 = arith.shrsi %squeeze3A_151, %shift_right_arithmetic3A_162 : i32
      %shift_left3A_164 = arith.constant 7 : i32
      %shift_left3A_165 = arith.shli %shift_right_arithmetic3A_163, %shift_left3A_164 : i32
      %multiple_of3A_166 = tpu.assume_multiple %shift_left3A_165, 128 : i32
      %dma_start3A_167 = arith.constant 2 : i32
      %dma_start3A_168 = arith.constant 0 : i32
      %dma_start3A_169 = arith.constant 0 : i32
      %dma_start3A_170 = tpu.memref_slice %arg11[%dma_start3A_167, %dma_start3A_168, %dma_start3A_169] : memref<4x64x128xf32, #tpu.memory_space<vmem>> -> memref<1x64x128xf32, #tpu.memory_space<vmem>>
      %dma_start3A_171 = tpu.memref_squeeze %dma_start3A_170 : memref<1x64x128xf32, #tpu.memory_space<vmem>> -> memref<64x128xf32, #tpu.memory_space<vmem>>
      %dma_start3A_172 = arith.constant 0 : i32
      %dma_start3A_173 = tpu.memref_slice %arg5[%dma_start3A_172, %multiple_of3A_156] : memref<64x1000000xf32, #tpu.memory_space<hbm>> -> memref<64x128xf32, #tpu.memory_space<hbm>>
      %dma_start3A_174 = arith.constant 0 : i32
      %dma_start3A_175 = arith.constant 0 : i32
      %dma_start3A_176 = tpu.memref_slice %arg11[%dma_start3A_167, %dma_start3A_174, %dma_start3A_175] : memref<4x64x128xf32, #tpu.memory_space<vmem>> -> memref<1x64x128xf32, #tpu.memory_space<vmem>>
      %dma_start3A_177 = tpu.memref_squeeze %dma_start3A_176 : memref<1x64x128xf32, #tpu.memory_space<vmem>> -> memref<64x128xf32, #tpu.memory_space<vmem>>
      %dma_start3A_178 = arith.constant 0 : i32
      %dma_start3A_179 = tpu.memref_slice %arg5[%dma_start3A_178, %multiple_of3A_156] : memref<64x1000000xf32, #tpu.memory_space<hbm>> -> memref<64x128xf32, #tpu.memory_space<hbm>>
      tpu.enqueue_dma source(%dma_start3A_179 : memref<64x128xf32, #tpu.memory_space<hbm>>) target(%dma_start3A_177 : memref<64x128xf32, #tpu.memory_space<vmem>>) target_semaphore(%arg15 : memref<!tpu.dma_semaphore, #tpu.memory_space<semaphore_mem>>)
      %dma_start3A_180 = arith.constant 2 : i32
      %dma_start3A_181 = arith.constant 0 : i32
      %dma_start3A_182 = arith.constant 0 : i32
      %dma_start3A_183 = tpu.memref_slice %arg12[%dma_start3A_180, %dma_start3A_181, %dma_start3A_182] : memref<4x64x128xf32, #tpu.memory_space<vmem>> -> memref<1x64x128xf32, #tpu.memory_space<vmem>>
      %dma_start3A_184 = tpu.memref_squeeze %dma_start3A_183 : memref<1x64x128xf32, #tpu.memory_space<vmem>> -> memref<64x128xf32, #tpu.memory_space<vmem>>
      %dma_start3A_185 = arith.constant 0 : i32
      %dma_start3A_186 = tpu.memref_slice %arg6[%dma_start3A_185, %multiple_of3A_161] : memref<64x1000000xf32, #tpu.memory_space<hbm>> -> memref<64x128xf32, #tpu.memory_space<hbm>>
      %dma_start3A_187 = arith.constant 0 : i32
      %dma_start3A_188 = arith.constant 0 : i32
      %dma_start3A_189 = tpu.memref_slice %arg12[%dma_start3A_180, %dma_start3A_187, %dma_start3A_188] : memref<4x64x128xf32, #tpu.memory_space<vmem>> -> memref<1x64x128xf32, #tpu.memory_space<vmem>>
      %dma_start3A_190 = tpu.memref_squeeze %dma_start3A_189 : memref<1x64x128xf32, #tpu.memory_space<vmem>> -> memref<64x128xf32, #tpu.memory_space<vmem>>
      %dma_start3A_191 = arith.constant 0 : i32
      %dma_start3A_192 = tpu.memref_slice %arg6[%dma_start3A_191, %multiple_of3A_161] : memref<64x1000000xf32, #tpu.memory_space<hbm>> -> memref<64x128xf32, #tpu.memory_space<hbm>>
      tpu.enqueue_dma source(%dma_start3A_192 : memref<64x128xf32, #tpu.memory_space<hbm>>) target(%dma_start3A_190 : memref<64x128xf32, #tpu.memory_space<vmem>>) target_semaphore(%arg15 : memref<!tpu.dma_semaphore, #tpu.memory_space<semaphore_mem>>)
      %dma_start3A_193 = arith.constant 2 : i32
      %dma_start3A_194 = arith.constant 0 : i32
      %dma_start3A_195 = arith.constant 0 : i32
      %dma_start3A_196 = tpu.memref_slice %arg13[%dma_start3A_193, %dma_start3A_194, %dma_start3A_195] : memref<4x64x128xf32, #tpu.memory_space<vmem>> -> memref<1x64x128xf32, #tpu.memory_space<vmem>>
      %dma_start3A_197 = tpu.memref_squeeze %dma_start3A_196 : memref<1x64x128xf32, #tpu.memory_space<vmem>> -> memref<64x128xf32, #tpu.memory_space<vmem>>
      %dma_start3A_198 = arith.constant 0 : i32
      %dma_start3A_199 = tpu.memref_slice %arg6[%dma_start3A_198, %multiple_of3A_166] : memref<64x1000000xf32, #tpu.memory_space<hbm>> -> memref<64x128xf32, #tpu.memory_space<hbm>>
      %dma_start3A_200 = arith.constant 0 : i32
      %dma_start3A_201 = arith.constant 0 : i32
      %dma_start3A_202 = tpu.memref_slice %arg13[%dma_start3A_193, %dma_start3A_200, %dma_start3A_201] : memref<4x64x128xf32, #tpu.memory_space<vmem>> -> memref<1x64x128xf32, #tpu.memory_space<vmem>>
      %dma_start3A_203 = tpu.memref_squeeze %dma_start3A_202 : memref<1x64x128xf32, #tpu.memory_space<vmem>> -> memref<64x128xf32, #tpu.memory_space<vmem>>
      %dma_start3A_204 = arith.constant 0 : i32
      %dma_start3A_205 = tpu.memref_slice %arg6[%dma_start3A_204, %multiple_of3A_166] : memref<64x1000000xf32, #tpu.memory_space<hbm>> -> memref<64x128xf32, #tpu.memory_space<hbm>>
      tpu.enqueue_dma source(%dma_start3A_205 : memref<64x128xf32, #tpu.memory_space<hbm>>) target(%dma_start3A_203 : memref<64x128xf32, #tpu.memory_space<vmem>>) target_semaphore(%arg15 : memref<!tpu.dma_semaphore, #tpu.memory_space<semaphore_mem>>)
      %and3A_206 = arith.constant 127 : i32
      %and3A_207 = arith.andi %squeeze3A_147, %and3A_206 : i32
      %and3A_208 = arith.constant 127 : i32
      %and3A_209 = arith.andi %squeeze3A_149, %and3A_208 : i32
      %and3A_210 = arith.constant 127 : i32
      %and3A_211 = arith.andi %squeeze3A_151, %and3A_210 : i32
      %slice3A_212 = vector.extract_strided_slice %get3A_11 {offsets = [3], sizes = [1], strides = [1]} : vector<16xi32> to vector<1xi32>
      %squeeze3A_213 = vector.extract %slice3A_212[0] : i32 from vector<1xi32>
      %slice3A_214 = vector.extract_strided_slice %get3A_15 {offsets = [3], sizes = [1], strides = [1]} : vector<16xi32> to vector<1xi32>
      %squeeze3A_215 = vector.extract %slice3A_214[0] : i32 from vector<1xi32>
      %slice3A_216 = vector.extract_strided_slice %get3A_19 {offsets = [3], sizes = [1], strides = [1]} : vector<16xi32> to vector<1xi32>
      %squeeze3A_217 = vector.extract %slice3A_216[0] : i32 from vector<1xi32>
      %shift_right_arithmetic3A_218 = arith.constant 7 : i32
      %shift_right_arithmetic3A_219 = arith.shrsi %squeeze3A_213, %shift_right_arithmetic3A_218 : i32
      %shift_left3A_220 = arith.constant 7 : i32
      %shift_left3A_221 = arith.shli %shift_right_arithmetic3A_219, %shift_left3A_220 : i32
      %multiple_of3A_222 = tpu.assume_multiple %shift_left3A_221, 128 : i32
      %shift_right_arithmetic3A_223 = arith.constant 7 : i32
      %shift_right_arithmetic3A_224 = arith.shrsi %squeeze3A_215, %shift_right_arithmetic3A_223 : i32
      %shift_left3A_225 = arith.constant 7 : i32
      %shift_left3A_226 = arith.shli %shift_right_arithmetic3A_224, %shift_left3A_225 : i32
      %multiple_of3A_227 = tpu.assume_multiple %shift_left3A_226, 128 : i32
      %shift_right_arithmetic3A_228 = arith.constant 7 : i32
      %shift_right_arithmetic3A_229 = arith.shrsi %squeeze3A_217, %shift_right_arithmetic3A_228 : i32
      %shift_left3A_230 = arith.constant 7 : i32
      %shift_left3A_231 = arith.shli %shift_right_arithmetic3A_229, %shift_left3A_230 : i32
      %multiple_of3A_232 = tpu.assume_multiple %shift_left3A_231, 128 : i32
      %dma_start3A_233 = arith.constant 3 : i32
      %dma_start3A_234 = arith.constant 0 : i32
      %dma_start3A_235 = arith.constant 0 : i32
      %dma_start3A_236 = tpu.memref_slice %arg11[%dma_start3A_233, %dma_start3A_234, %dma_start3A_235] : memref<4x64x128xf32, #tpu.memory_space<vmem>> -> memref<1x64x128xf32, #tpu.memory_space<vmem>>
      %dma_start3A_237 = tpu.memref_squeeze %dma_start3A_236 : memref<1x64x128xf32, #tpu.memory_space<vmem>> -> memref<64x128xf32, #tpu.memory_space<vmem>>
      %dma_start3A_238 = arith.constant 0 : i32
      %dma_start3A_239 = tpu.memref_slice %arg5[%dma_start3A_238, %multiple_of3A_222] : memref<64x1000000xf32, #tpu.memory_space<hbm>> -> memref<64x128xf32, #tpu.memory_space<hbm>>
      %dma_start3A_240 = arith.constant 0 : i32
      %dma_start3A_241 = arith.constant 0 : i32
      %dma_start3A_242 = tpu.memref_slice %arg11[%dma_start3A_233, %dma_start3A_240, %dma_start3A_241] : memref<4x64x128xf32, #tpu.memory_space<vmem>> -> memref<1x64x128xf32, #tpu.memory_space<vmem>>
      %dma_start3A_243 = tpu.memref_squeeze %dma_start3A_242 : memref<1x64x128xf32, #tpu.memory_space<vmem>> -> memref<64x128xf32, #tpu.memory_space<vmem>>
      %dma_start3A_244 = arith.constant 0 : i32
      %dma_start3A_245 = tpu.memref_slice %arg5[%dma_start3A_244, %multiple_of3A_222] : memref<64x1000000xf32, #tpu.memory_space<hbm>> -> memref<64x128xf32, #tpu.memory_space<hbm>>
      tpu.enqueue_dma source(%dma_start3A_245 : memref<64x128xf32, #tpu.memory_space<hbm>>) target(%dma_start3A_243 : memref<64x128xf32, #tpu.memory_space<vmem>>) target_semaphore(%arg15 : memref<!tpu.dma_semaphore, #tpu.memory_space<semaphore_mem>>)
      %dma_start3A_246 = arith.constant 3 : i32
      %dma_start3A_247 = arith.constant 0 : i32
      %dma_start3A_248 = arith.constant 0 : i32
      %dma_start3A_249 = tpu.memref_slice %arg12[%dma_start3A_246, %dma_start3A_247, %dma_start3A_248] : memref<4x64x128xf32, #tpu.memory_space<vmem>> -> memref<1x64x128xf32, #tpu.memory_space<vmem>>
      %dma_start3A_250 = tpu.memref_squeeze %dma_start3A_249 : memref<1x64x128xf32, #tpu.memory_space<vmem>> -> memref<64x128xf32, #tpu.memory_space<vmem>>
      %dma_start3A_251 = arith.constant 0 : i32
      %dma_start3A_252 = tpu.memref_slice %arg6[%dma_start3A_251, %multiple_of3A_227] : memref<64x1000000xf32, #tpu.memory_space<hbm>> -> memref<64x128xf32, #tpu.memory_space<hbm>>
      %dma_start3A_253 = arith.constant 0 : i32
      %dma_start3A_254 = arith.constant 0 : i32
      %dma_start3A_255 = tpu.memref_slice %arg12[%dma_start3A_246, %dma_start3A_253, %dma_start3A_254] : memref<4x64x128xf32, #tpu.memory_space<vmem>> -> memref<1x64x128xf32, #tpu.memory_space<vmem>>
      %dma_start3A_256 = tpu.memref_squeeze %dma_start3A_255 : memref<1x64x128xf32, #tpu.memory_space<vmem>> -> memref<64x128xf32, #tpu.memory_space<vmem>>
      %dma_start3A_257 = arith.constant 0 : i32
      %dma_start3A_258 = tpu.memref_slice %arg6[%dma_start3A_257, %multiple_of3A_227] : memref<64x1000000xf32, #tpu.memory_space<hbm>> -> memref<64x128xf32, #tpu.memory_space<hbm>>
      tpu.enqueue_dma source(%dma_start3A_258 : memref<64x128xf32, #tpu.memory_space<hbm>>) target(%dma_start3A_256 : memref<64x128xf32, #tpu.memory_space<vmem>>) target_semaphore(%arg15 : memref<!tpu.dma_semaphore, #tpu.memory_space<semaphore_mem>>)
      %dma_start3A_259 = arith.constant 3 : i32
      %dma_start3A_260 = arith.constant 0 : i32
      %dma_start3A_261 = arith.constant 0 : i32
      %dma_start3A_262 = tpu.memref_slice %arg13[%dma_start3A_259, %dma_start3A_260, %dma_start3A_261] : memref<4x64x128xf32, #tpu.memory_space<vmem>> -> memref<1x64x128xf32, #tpu.memory_space<vmem>>
      %dma_start3A_263 = tpu.memref_squeeze %dma_start3A_262 : memref<1x64x128xf32, #tpu.memory_space<vmem>> -> memref<64x128xf32, #tpu.memory_space<vmem>>
      %dma_start3A_264 = arith.constant 0 : i32
      %dma_start3A_265 = tpu.memref_slice %arg6[%dma_start3A_264, %multiple_of3A_232] : memref<64x1000000xf32, #tpu.memory_space<hbm>> -> memref<64x128xf32, #tpu.memory_space<hbm>>
      %dma_start3A_266 = arith.constant 0 : i32
      %dma_start3A_267 = arith.constant 0 : i32
      %dma_start3A_268 = tpu.memref_slice %arg13[%dma_start3A_259, %dma_start3A_266, %dma_start3A_267] : memref<4x64x128xf32, #tpu.memory_space<vmem>> -> memref<1x64x128xf32, #tpu.memory_space<vmem>>
      %dma_start3A_269 = tpu.memref_squeeze %dma_start3A_268 : memref<1x64x128xf32, #tpu.memory_space<vmem>> -> memref<64x128xf32, #tpu.memory_space<vmem>>
      %dma_start3A_270 = arith.constant 0 : i32
      %dma_start3A_271 = tpu.memref_slice %arg6[%dma_start3A_270, %multiple_of3A_232] : memref<64x1000000xf32, #tpu.memory_space<hbm>> -> memref<64x128xf32, #tpu.memory_space<hbm>>
      tpu.enqueue_dma source(%dma_start3A_271 : memref<64x128xf32, #tpu.memory_space<hbm>>) target(%dma_start3A_269 : memref<64x128xf32, #tpu.memory_space<vmem>>) target_semaphore(%arg15 : memref<!tpu.dma_semaphore, #tpu.memory_space<semaphore_mem>>)
      %and3A_272 = arith.constant 127 : i32
      %and3A_273 = arith.andi %squeeze3A_213, %and3A_272 : i32
      %and3A_274 = arith.constant 127 : i32
      %and3A_275 = arith.andi %squeeze3A_215, %and3A_274 : i32
      %and3A_276 = arith.constant 127 : i32
      %and3A_277 = arith.andi %squeeze3A_217, %and3A_276 : i32
      %dma_wait3A = arith.constant 0 : i32
      %dma_wait3A_278 = arith.constant 0 : i32
      %dma_wait3A_279 = arith.constant 0 : i32
      %dma_wait3A_280 = tpu.memref_slice %arg11[%dma_wait3A, %dma_wait3A_278, %dma_wait3A_279] : memref<4x64x128xf32, #tpu.memory_space<vmem>> -> memref<1x64x128xf32, #tpu.memory_space<vmem>>
      %dma_wait3A_281 = tpu.memref_squeeze %dma_wait3A_280 : memref<1x64x128xf32, #tpu.memory_space<vmem>> -> memref<64x128xf32, #tpu.memory_space<vmem>>
      %dma_wait3A_282 = arith.constant 0 : i32
      %dma_wait3A_283 = tpu.memref_slice %arg5[%dma_wait3A_282, %multiple_of3A] : memref<64x1000000xf32, #tpu.memory_space<hbm>> -> memref<64x128xf32, #tpu.memory_space<hbm>>
      %dma_wait3A_284 = arith.constant 0 : i32
      %dma_wait3A_285 = arith.constant 0 : i32
      %dma_wait3A_286 = tpu.memref_slice %arg11[%dma_wait3A, %dma_wait3A_284, %dma_wait3A_285] : memref<4x64x128xf32, #tpu.memory_space<vmem>> -> memref<1x64x128xf32, #tpu.memory_space<vmem>>
      %dma_wait3A_287 = tpu.memref_squeeze %dma_wait3A_286 : memref<1x64x128xf32, #tpu.memory_space<vmem>> -> memref<64x128xf32, #tpu.memory_space<vmem>>
      %dma_wait3A_288 = arith.constant 0 : i32
      %dma_wait3A_289 = tpu.memref_slice %arg5[%dma_wait3A_288, %multiple_of3A] : memref<64x1000000xf32, #tpu.memory_space<hbm>> -> memref<64x128xf32, #tpu.memory_space<hbm>>
      tpu.wait_dma2 semaphore(%arg15 : memref<!tpu.dma_semaphore, #tpu.memory_space<semaphore_mem>>) src(%dma_wait3A_289 : memref<64x128xf32, #tpu.memory_space<hbm>>) dst(%dma_wait3A_287 : memref<64x128xf32, #tpu.memory_space<vmem>>)
      %dma_wait3A_290 = arith.constant 0 : i32
      %dma_wait3A_291 = arith.constant 0 : i32
      %dma_wait3A_292 = arith.constant 0 : i32
      %dma_wait3A_293 = tpu.memref_slice %arg12[%dma_wait3A_290, %dma_wait3A_291, %dma_wait3A_292] : memref<4x64x128xf32, #tpu.memory_space<vmem>> -> memref<1x64x128xf32, #tpu.memory_space<vmem>>
      %dma_wait3A_294 = tpu.memref_squeeze %dma_wait3A_293 : memref<1x64x128xf32, #tpu.memory_space<vmem>> -> memref<64x128xf32, #tpu.memory_space<vmem>>
      %dma_wait3A_295 = arith.constant 0 : i32
      %dma_wait3A_296 = tpu.memref_slice %arg6[%dma_wait3A_295, %multiple_of3A_31] : memref<64x1000000xf32, #tpu.memory_space<hbm>> -> memref<64x128xf32, #tpu.memory_space<hbm>>
      %dma_wait3A_297 = arith.constant 0 : i32
      %dma_wait3A_298 = arith.constant 0 : i32
      %dma_wait3A_299 = tpu.memref_slice %arg12[%dma_wait3A_290, %dma_wait3A_297, %dma_wait3A_298] : memref<4x64x128xf32, #tpu.memory_space<vmem>> -> memref<1x64x128xf32, #tpu.memory_space<vmem>>
      %dma_wait3A_300 = tpu.memref_squeeze %dma_wait3A_299 : memref<1x64x128xf32, #tpu.memory_space<vmem>> -> memref<64x128xf32, #tpu.memory_space<vmem>>
      %dma_wait3A_301 = arith.constant 0 : i32
      %dma_wait3A_302 = tpu.memref_slice %arg6[%dma_wait3A_301, %multiple_of3A_31] : memref<64x1000000xf32, #tpu.memory_space<hbm>> -> memref<64x128xf32, #tpu.memory_space<hbm>>
      tpu.wait_dma2 semaphore(%arg15 : memref<!tpu.dma_semaphore, #tpu.memory_space<semaphore_mem>>) src(%dma_wait3A_302 : memref<64x128xf32, #tpu.memory_space<hbm>>) dst(%dma_wait3A_300 : memref<64x128xf32, #tpu.memory_space<vmem>>)
      %dma_wait3A_303 = arith.constant 0 : i32
      %dma_wait3A_304 = arith.constant 0 : i32
      %dma_wait3A_305 = arith.constant 0 : i32
      %dma_wait3A_306 = tpu.memref_slice %arg13[%dma_wait3A_303, %dma_wait3A_304, %dma_wait3A_305] : memref<4x64x128xf32, #tpu.memory_space<vmem>> -> memref<1x64x128xf32, #tpu.memory_space<vmem>>
      %dma_wait3A_307 = tpu.memref_squeeze %dma_wait3A_306 : memref<1x64x128xf32, #tpu.memory_space<vmem>> -> memref<64x128xf32, #tpu.memory_space<vmem>>
      %dma_wait3A_308 = arith.constant 0 : i32
      %dma_wait3A_309 = tpu.memref_slice %arg6[%dma_wait3A_308, %multiple_of3A_36] : memref<64x1000000xf32, #tpu.memory_space<hbm>> -> memref<64x128xf32, #tpu.memory_space<hbm>>
      %dma_wait3A_310 = arith.constant 0 : i32
      %dma_wait3A_311 = arith.constant 0 : i32
      %dma_wait3A_312 = tpu.memref_slice %arg13[%dma_wait3A_303, %dma_wait3A_310, %dma_wait3A_311] : memref<4x64x128xf32, #tpu.memory_space<vmem>> -> memref<1x64x128xf32, #tpu.memory_space<vmem>>
      %dma_wait3A_313 = tpu.memref_squeeze %dma_wait3A_312 : memref<1x64x128xf32, #tpu.memory_space<vmem>> -> memref<64x128xf32, #tpu.memory_space<vmem>>
      %dma_wait3A_314 = arith.constant 0 : i32
      %dma_wait3A_315 = tpu.memref_slice %arg6[%dma_wait3A_314, %multiple_of3A_36] : memref<64x1000000xf32, #tpu.memory_space<hbm>> -> memref<64x128xf32, #tpu.memory_space<hbm>>
      tpu.wait_dma2 semaphore(%arg15 : memref<!tpu.dma_semaphore, #tpu.memory_space<semaphore_mem>>) src(%dma_wait3A_315 : memref<64x128xf32, #tpu.memory_space<hbm>>) dst(%dma_wait3A_313 : memref<64x128xf32, #tpu.memory_space<vmem>>)
      %dma_wait3A_316 = arith.constant 1 : i32
      %dma_wait3A_317 = arith.constant 0 : i32
      %dma_wait3A_318 = arith.constant 0 : i32
      %dma_wait3A_319 = tpu.memref_slice %arg11[%dma_wait3A_316, %dma_wait3A_317, %dma_wait3A_318] : memref<4x64x128xf32, #tpu.memory_space<vmem>> -> memref<1x64x128xf32, #tpu.memory_space<vmem>>
      %dma_wait3A_320 = tpu.memref_squeeze %dma_wait3A_319 : memref<1x64x128xf32, #tpu.memory_space<vmem>> -> memref<64x128xf32, #tpu.memory_space<vmem>>
      %dma_wait3A_321 = arith.constant 0 : i32
      %dma_wait3A_322 = tpu.memref_slice %arg5[%dma_wait3A_321, %multiple_of3A_90] : memref<64x1000000xf32, #tpu.memory_space<hbm>> -> memref<64x128xf32, #tpu.memory_space<hbm>>
      %dma_wait3A_323 = arith.constant 0 : i32
      %dma_wait3A_324 = arith.constant 0 : i32
      %dma_wait3A_325 = tpu.memref_slice %arg11[%dma_wait3A_316, %dma_wait3A_323, %dma_wait3A_324] : memref<4x64x128xf32, #tpu.memory_space<vmem>> -> memref<1x64x128xf32, #tpu.memory_space<vmem>>
      %dma_wait3A_326 = tpu.memref_squeeze %dma_wait3A_325 : memref<1x64x128xf32, #tpu.memory_space<vmem>> -> memref<64x128xf32, #tpu.memory_space<vmem>>
      %dma_wait3A_327 = arith.constant 0 : i32
      %dma_wait3A_328 = tpu.memref_slice %arg5[%dma_wait3A_327, %multiple_of3A_90] : memref<64x1000000xf32, #tpu.memory_space<hbm>> -> memref<64x128xf32, #tpu.memory_space<hbm>>
      tpu.wait_dma2 semaphore(%arg15 : memref<!tpu.dma_semaphore, #tpu.memory_space<semaphore_mem>>) src(%dma_wait3A_328 : memref<64x128xf32, #tpu.memory_space<hbm>>) dst(%dma_wait3A_326 : memref<64x128xf32, #tpu.memory_space<vmem>>)
      %dma_wait3A_329 = arith.constant 1 : i32
      %dma_wait3A_330 = arith.constant 0 : i32
      %dma_wait3A_331 = arith.constant 0 : i32
      %dma_wait3A_332 = tpu.memref_slice %arg12[%dma_wait3A_329, %dma_wait3A_330, %dma_wait3A_331] : memref<4x64x128xf32, #tpu.memory_space<vmem>> -> memref<1x64x128xf32, #tpu.memory_space<vmem>>
      %dma_wait3A_333 = tpu.memref_squeeze %dma_wait3A_332 : memref<1x64x128xf32, #tpu.memory_space<vmem>> -> memref<64x128xf32, #tpu.memory_space<vmem>>
      %dma_wait3A_334 = arith.constant 0 : i32
      %dma_wait3A_335 = tpu.memref_slice %arg6[%dma_wait3A_334, %multiple_of3A_95] : memref<64x1000000xf32, #tpu.memory_space<hbm>> -> memref<64x128xf32, #tpu.memory_space<hbm>>
      %dma_wait3A_336 = arith.constant 0 : i32
      %dma_wait3A_337 = arith.constant 0 : i32
      %dma_wait3A_338 = tpu.memref_slice %arg12[%dma_wait3A_329, %dma_wait3A_336, %dma_wait3A_337] : memref<4x64x128xf32, #tpu.memory_space<vmem>> -> memref<1x64x128xf32, #tpu.memory_space<vmem>>
      %dma_wait3A_339 = tpu.memref_squeeze %dma_wait3A_338 : memref<1x64x128xf32, #tpu.memory_space<vmem>> -> memref<64x128xf32, #tpu.memory_space<vmem>>
      %dma_wait3A_340 = arith.constant 0 : i32
      %dma_wait3A_341 = tpu.memref_slice %arg6[%dma_wait3A_340, %multiple_of3A_95] : memref<64x1000000xf32, #tpu.memory_space<hbm>> -> memref<64x128xf32, #tpu.memory_space<hbm>>
      tpu.wait_dma2 semaphore(%arg15 : memref<!tpu.dma_semaphore, #tpu.memory_space<semaphore_mem>>) src(%dma_wait3A_341 : memref<64x128xf32, #tpu.memory_space<hbm>>) dst(%dma_wait3A_339 : memref<64x128xf32, #tpu.memory_space<vmem>>)
      %dma_wait3A_342 = arith.constant 1 : i32
      %dma_wait3A_343 = arith.constant 0 : i32
      %dma_wait3A_344 = arith.constant 0 : i32
      %dma_wait3A_345 = tpu.memref_slice %arg13[%dma_wait3A_342, %dma_wait3A_343, %dma_wait3A_344] : memref<4x64x128xf32, #tpu.memory_space<vmem>> -> memref<1x64x128xf32, #tpu.memory_space<vmem>>
      %dma_wait3A_346 = tpu.memref_squeeze %dma_wait3A_345 : memref<1x64x128xf32, #tpu.memory_space<vmem>> -> memref<64x128xf32, #tpu.memory_space<vmem>>
      %dma_wait3A_347 = arith.constant 0 : i32
      %dma_wait3A_348 = tpu.memref_slice %arg6[%dma_wait3A_347, %multiple_of3A_100] : memref<64x1000000xf32, #tpu.memory_space<hbm>> -> memref<64x128xf32, #tpu.memory_space<hbm>>
      %dma_wait3A_349 = arith.constant 0 : i32
      %dma_wait3A_350 = arith.constant 0 : i32
      %dma_wait3A_351 = tpu.memref_slice %arg13[%dma_wait3A_342, %dma_wait3A_349, %dma_wait3A_350] : memref<4x64x128xf32, #tpu.memory_space<vmem>> -> memref<1x64x128xf32, #tpu.memory_space<vmem>>
      %dma_wait3A_352 = tpu.memref_squeeze %dma_wait3A_351 : memref<1x64x128xf32, #tpu.memory_space<vmem>> -> memref<64x128xf32, #tpu.memory_space<vmem>>
      %dma_wait3A_353 = arith.constant 0 : i32
      %dma_wait3A_354 = tpu.memref_slice %arg6[%dma_wait3A_353, %multiple_of3A_100] : memref<64x1000000xf32, #tpu.memory_space<hbm>> -> memref<64x128xf32, #tpu.memory_space<hbm>>
      tpu.wait_dma2 semaphore(%arg15 : memref<!tpu.dma_semaphore, #tpu.memory_space<semaphore_mem>>) src(%dma_wait3A_354 : memref<64x128xf32, #tpu.memory_space<hbm>>) dst(%dma_wait3A_352 : memref<64x128xf32, #tpu.memory_space<vmem>>)
      %dma_wait3A_355 = arith.constant 2 : i32
      %dma_wait3A_356 = arith.constant 0 : i32
      %dma_wait3A_357 = arith.constant 0 : i32
      %dma_wait3A_358 = tpu.memref_slice %arg11[%dma_wait3A_355, %dma_wait3A_356, %dma_wait3A_357] : memref<4x64x128xf32, #tpu.memory_space<vmem>> -> memref<1x64x128xf32, #tpu.memory_space<vmem>>
      %dma_wait3A_359 = tpu.memref_squeeze %dma_wait3A_358 : memref<1x64x128xf32, #tpu.memory_space<vmem>> -> memref<64x128xf32, #tpu.memory_space<vmem>>
      %dma_wait3A_360 = arith.constant 0 : i32
      %dma_wait3A_361 = tpu.memref_slice %arg5[%dma_wait3A_360, %multiple_of3A_156] : memref<64x1000000xf32, #tpu.memory_space<hbm>> -> memref<64x128xf32, #tpu.memory_space<hbm>>
      %dma_wait3A_362 = arith.constant 0 : i32
      %dma_wait3A_363 = arith.constant 0 : i32
      %dma_wait3A_364 = tpu.memref_slice %arg11[%dma_wait3A_355, %dma_wait3A_362, %dma_wait3A_363] : memref<4x64x128xf32, #tpu.memory_space<vmem>> -> memref<1x64x128xf32, #tpu.memory_space<vmem>>
      %dma_wait3A_365 = tpu.memref_squeeze %dma_wait3A_364 : memref<1x64x128xf32, #tpu.memory_space<vmem>> -> memref<64x128xf32, #tpu.memory_space<vmem>>
      %dma_wait3A_366 = arith.constant 0 : i32
      %dma_wait3A_367 = tpu.memref_slice %arg5[%dma_wait3A_366, %multiple_of3A_156] : memref<64x1000000xf32, #tpu.memory_space<hbm>> -> memref<64x128xf32, #tpu.memory_space<hbm>>
      tpu.wait_dma2 semaphore(%arg15 : memref<!tpu.dma_semaphore, #tpu.memory_space<semaphore_mem>>) src(%dma_wait3A_367 : memref<64x128xf32, #tpu.memory_space<hbm>>) dst(%dma_wait3A_365 : memref<64x128xf32, #tpu.memory_space<vmem>>)
      %dma_wait3A_368 = arith.constant 2 : i32
      %dma_wait3A_369 = arith.constant 0 : i32
      %dma_wait3A_370 = arith.constant 0 : i32
      %dma_wait3A_371 = tpu.memref_slice %arg12[%dma_wait3A_368, %dma_wait3A_369, %dma_wait3A_370] : memref<4x64x128xf32, #tpu.memory_space<vmem>> -> memref<1x64x128xf32, #tpu.memory_space<vmem>>
      %dma_wait3A_372 = tpu.memref_squeeze %dma_wait3A_371 : memref<1x64x128xf32, #tpu.memory_space<vmem>> -> memref<64x128xf32, #tpu.memory_space<vmem>>
      %dma_wait3A_373 = arith.constant 0 : i32
      %dma_wait3A_374 = tpu.memref_slice %arg6[%dma_wait3A_373, %multiple_of3A_161] : memref<64x1000000xf32, #tpu.memory_space<hbm>> -> memref<64x128xf32, #tpu.memory_space<hbm>>
      %dma_wait3A_375 = arith.constant 0 : i32
      %dma_wait3A_376 = arith.constant 0 : i32
      %dma_wait3A_377 = tpu.memref_slice %arg12[%dma_wait3A_368, %dma_wait3A_375, %dma_wait3A_376] : memref<4x64x128xf32, #tpu.memory_space<vmem>> -> memref<1x64x128xf32, #tpu.memory_space<vmem>>
      %dma_wait3A_378 = tpu.memref_squeeze %dma_wait3A_377 : memref<1x64x128xf32, #tpu.memory_space<vmem>> -> memref<64x128xf32, #tpu.memory_space<vmem>>
      %dma_wait3A_379 = arith.constant 0 : i32
      %dma_wait3A_380 = tpu.memref_slice %arg6[%dma_wait3A_379, %multiple_of3A_161] : memref<64x1000000xf32, #tpu.memory_space<hbm>> -> memref<64x128xf32, #tpu.memory_space<hbm>>
      tpu.wait_dma2 semaphore(%arg15 : memref<!tpu.dma_semaphore, #tpu.memory_space<semaphore_mem>>) src(%dma_wait3A_380 : memref<64x128xf32, #tpu.memory_space<hbm>>) dst(%dma_wait3A_378 : memref<64x128xf32, #tpu.memory_space<vmem>>)
      %dma_wait3A_381 = arith.constant 2 : i32
      %dma_wait3A_382 = arith.constant 0 : i32
      %dma_wait3A_383 = arith.constant 0 : i32
      %dma_wait3A_384 = tpu.memref_slice %arg13[%dma_wait3A_381, %dma_wait3A_382, %dma_wait3A_383] : memref<4x64x128xf32, #tpu.memory_space<vmem>> -> memref<1x64x128xf32, #tpu.memory_space<vmem>>
      %dma_wait3A_385 = tpu.memref_squeeze %dma_wait3A_384 : memref<1x64x128xf32, #tpu.memory_space<vmem>> -> memref<64x128xf32, #tpu.memory_space<vmem>>
      %dma_wait3A_386 = arith.constant 0 : i32
      %dma_wait3A_387 = tpu.memref_slice %arg6[%dma_wait3A_386, %multiple_of3A_166] : memref<64x1000000xf32, #tpu.memory_space<hbm>> -> memref<64x128xf32, #tpu.memory_space<hbm>>
      %dma_wait3A_388 = arith.constant 0 : i32
      %dma_wait3A_389 = arith.constant 0 : i32
      %dma_wait3A_390 = tpu.memref_slice %arg13[%dma_wait3A_381, %dma_wait3A_388, %dma_wait3A_389] : memref<4x64x128xf32, #tpu.memory_space<vmem>> -> memref<1x64x128xf32, #tpu.memory_space<vmem>>
      %dma_wait3A_391 = tpu.memref_squeeze %dma_wait3A_390 : memref<1x64x128xf32, #tpu.memory_space<vmem>> -> memref<64x128xf32, #tpu.memory_space<vmem>>
      %dma_wait3A_392 = arith.constant 0 : i32
      %dma_wait3A_393 = tpu.memref_slice %arg6[%dma_wait3A_392, %multiple_of3A_166] : memref<64x1000000xf32, #tpu.memory_space<hbm>> -> memref<64x128xf32, #tpu.memory_space<hbm>>
      tpu.wait_dma2 semaphore(%arg15 : memref<!tpu.dma_semaphore, #tpu.memory_space<semaphore_mem>>) src(%dma_wait3A_393 : memref<64x128xf32, #tpu.memory_space<hbm>>) dst(%dma_wait3A_391 : memref<64x128xf32, #tpu.memory_space<vmem>>)
      %dma_wait3A_394 = arith.constant 3 : i32
      %dma_wait3A_395 = arith.constant 0 : i32
      %dma_wait3A_396 = arith.constant 0 : i32
      %dma_wait3A_397 = tpu.memref_slice %arg11[%dma_wait3A_394, %dma_wait3A_395, %dma_wait3A_396] : memref<4x64x128xf32, #tpu.memory_space<vmem>> -> memref<1x64x128xf32, #tpu.memory_space<vmem>>
      %dma_wait3A_398 = tpu.memref_squeeze %dma_wait3A_397 : memref<1x64x128xf32, #tpu.memory_space<vmem>> -> memref<64x128xf32, #tpu.memory_space<vmem>>
      %dma_wait3A_399 = arith.constant 0 : i32
      %dma_wait3A_400 = tpu.memref_slice %arg5[%dma_wait3A_399, %multiple_of3A_222] : memref<64x1000000xf32, #tpu.memory_space<hbm>> -> memref<64x128xf32, #tpu.memory_space<hbm>>
      %dma_wait3A_401 = arith.constant 0 : i32
      %dma_wait3A_402 = arith.constant 0 : i32
      %dma_wait3A_403 = tpu.memref_slice %arg11[%dma_wait3A_394, %dma_wait3A_401, %dma_wait3A_402] : memref<4x64x128xf32, #tpu.memory_space<vmem>> -> memref<1x64x128xf32, #tpu.memory_space<vmem>>
      %dma_wait3A_404 = tpu.memref_squeeze %dma_wait3A_403 : memref<1x64x128xf32, #tpu.memory_space<vmem>> -> memref<64x128xf32, #tpu.memory_space<vmem>>
      %dma_wait3A_405 = arith.constant 0 : i32
      %dma_wait3A_406 = tpu.memref_slice %arg5[%dma_wait3A_405, %multiple_of3A_222] : memref<64x1000000xf32, #tpu.memory_space<hbm>> -> memref<64x128xf32, #tpu.memory_space<hbm>>
      tpu.wait_dma2 semaphore(%arg15 : memref<!tpu.dma_semaphore, #tpu.memory_space<semaphore_mem>>) src(%dma_wait3A_406 : memref<64x128xf32, #tpu.memory_space<hbm>>) dst(%dma_wait3A_404 : memref<64x128xf32, #tpu.memory_space<vmem>>)
      %dma_wait3A_407 = arith.constant 3 : i32
      %dma_wait3A_408 = arith.constant 0 : i32
      %dma_wait3A_409 = arith.constant 0 : i32
      %dma_wait3A_410 = tpu.memref_slice %arg12[%dma_wait3A_407, %dma_wait3A_408, %dma_wait3A_409] : memref<4x64x128xf32, #tpu.memory_space<vmem>> -> memref<1x64x128xf32, #tpu.memory_space<vmem>>
      %dma_wait3A_411 = tpu.memref_squeeze %dma_wait3A_410 : memref<1x64x128xf32, #tpu.memory_space<vmem>> -> memref<64x128xf32, #tpu.memory_space<vmem>>
      %dma_wait3A_412 = arith.constant 0 : i32
      %dma_wait3A_413 = tpu.memref_slice %arg6[%dma_wait3A_412, %multiple_of3A_227] : memref<64x1000000xf32, #tpu.memory_space<hbm>> -> memref<64x128xf32, #tpu.memory_space<hbm>>
      %dma_wait3A_414 = arith.constant 0 : i32
      %dma_wait3A_415 = arith.constant 0 : i32
      %dma_wait3A_416 = tpu.memref_slice %arg12[%dma_wait3A_407, %dma_wait3A_414, %dma_wait3A_415] : memref<4x64x128xf32, #tpu.memory_space<vmem>> -> memref<1x64x128xf32, #tpu.memory_space<vmem>>
      %dma_wait3A_417 = tpu.memref_squeeze %dma_wait3A_416 : memref<1x64x128xf32, #tpu.memory_space<vmem>> -> memref<64x128xf32, #tpu.memory_space<vmem>>
      %dma_wait3A_418 = arith.constant 0 : i32
      %dma_wait3A_419 = tpu.memref_slice %arg6[%dma_wait3A_418, %multiple_of3A_227] : memref<64x1000000xf32, #tpu.memory_space<hbm>> -> memref<64x128xf32, #tpu.memory_space<hbm>>
      tpu.wait_dma2 semaphore(%arg15 : memref<!tpu.dma_semaphore, #tpu.memory_space<semaphore_mem>>) src(%dma_wait3A_419 : memref<64x128xf32, #tpu.memory_space<hbm>>) dst(%dma_wait3A_417 : memref<64x128xf32, #tpu.memory_space<vmem>>)
      %dma_wait3A_420 = arith.constant 3 : i32
      %dma_wait3A_421 = arith.constant 0 : i32
      %dma_wait3A_422 = arith.constant 0 : i32
      %dma_wait3A_423 = tpu.memref_slice %arg13[%dma_wait3A_420, %dma_wait3A_421, %dma_wait3A_422] : memref<4x64x128xf32, #tpu.memory_space<vmem>> -> memref<1x64x128xf32, #tpu.memory_space<vmem>>
      %dma_wait3A_424 = tpu.memref_squeeze %dma_wait3A_423 : memref<1x64x128xf32, #tpu.memory_space<vmem>> -> memref<64x128xf32, #tpu.memory_space<vmem>>
      %dma_wait3A_425 = arith.constant 0 : i32
      %dma_wait3A_426 = tpu.memref_slice %arg6[%dma_wait3A_425, %multiple_of3A_232] : memref<64x1000000xf32, #tpu.memory_space<hbm>> -> memref<64x128xf32, #tpu.memory_space<hbm>>
      %dma_wait3A_427 = arith.constant 0 : i32
      %dma_wait3A_428 = arith.constant 0 : i32
      %dma_wait3A_429 = tpu.memref_slice %arg13[%dma_wait3A_420, %dma_wait3A_427, %dma_wait3A_428] : memref<4x64x128xf32, #tpu.memory_space<vmem>> -> memref<1x64x128xf32, #tpu.memory_space<vmem>>
      %dma_wait3A_430 = tpu.memref_squeeze %dma_wait3A_429 : memref<1x64x128xf32, #tpu.memory_space<vmem>> -> memref<64x128xf32, #tpu.memory_space<vmem>>
      %dma_wait3A_431 = arith.constant 0 : i32
      %dma_wait3A_432 = tpu.memref_slice %arg6[%dma_wait3A_431, %multiple_of3A_232] : memref<64x1000000xf32, #tpu.memory_space<hbm>> -> memref<64x128xf32, #tpu.memory_space<hbm>>
      tpu.wait_dma2 semaphore(%arg15 : memref<!tpu.dma_semaphore, #tpu.memory_space<semaphore_mem>>) src(%dma_wait3A_432 : memref<64x128xf32, #tpu.memory_space<hbm>>) dst(%dma_wait3A_430 : memref<64x128xf32, #tpu.memory_space<vmem>>)
      %broadcast_in_dim3A_433 = arith.constant 0 : i32
      %broadcast_in_dim3A_434 = vector.broadcast %broadcast_in_dim3A_433 : i32 to vector<16xi32>
      %broadcast_in_dim3A_435 = vector.broadcast %and3A_75 : i32 to vector<16xi32>
      %broadcast_in_dim3A_436 = vector.broadcast %and3A_77 : i32 to vector<16xi32>
      %broadcast_in_dim3A_437 = vector.broadcast %and3A_79 : i32 to vector<16xi32>
      %broadcast_in_dim3A_438 = arith.constant 0.000000e+00 : f32
      %broadcast_in_dim3A_439 = vector.broadcast %broadcast_in_dim3A_438 : f32 to vector<16xf32>
      %add3A_440 = arith.constant 0 : i32
      %add3A_441 = vector.broadcast %add3A_440 : i32 to vector<16xi32>
      %add3A_442 = arith.addi %add3A_441, %iota3A : vector<16xi32>
      %gather3A = tpu.vector_load_idx %arg11[%broadcast_in_dim3A_434, %add3A_442, %broadcast_in_dim3A_435] : memref<4x64x128xf32, #tpu.memory_space<vmem>>[vector<16xi32>, vector<16xi32>, vector<16xi32>], vector<16xf32>,
      %gather3A_443 = tpu.vector_load_idx %arg12[%broadcast_in_dim3A_434, %add3A_442, %broadcast_in_dim3A_436] : memref<4x64x128xf32, #tpu.memory_space<vmem>>[vector<16xi32>, vector<16xi32>, vector<16xi32>], vector<16xf32>,
      %gather3A_444 = tpu.vector_load_idx %arg13[%broadcast_in_dim3A_434, %add3A_442, %broadcast_in_dim3A_437] : memref<4x64x128xf32, #tpu.memory_space<vmem>>[vector<16xi32>, vector<16xi32>, vector<16xi32>], vector<16xf32>,
      %sub3A = arith.subf %gather3A_443, %gather3A_444 : vector<16xf32>
      %mul3A_445 = arith.mulf %gather3A, %sub3A : vector<16xf32>
      %add3A_446 = arith.addf %broadcast_in_dim3A_439, %mul3A_445 : vector<16xf32>
      %add3A_447 = arith.constant 16 : i32
      %add3A_448 = vector.broadcast %add3A_447 : i32 to vector<16xi32>
      %add3A_449 = arith.addi %add3A_448, %iota3A : vector<16xi32>
      %gather3A_450 = tpu.vector_load_idx %arg11[%broadcast_in_dim3A_434, %add3A_449, %broadcast_in_dim3A_435] : memref<4x64x128xf32, #tpu.memory_space<vmem>>[vector<16xi32>, vector<16xi32>, vector<16xi32>], vector<16xf32>,
      %gather3A_451 = tpu.vector_load_idx %arg12[%broadcast_in_dim3A_434, %add3A_449, %broadcast_in_dim3A_436] : memref<4x64x128xf32, #tpu.memory_space<vmem>>[vector<16xi32>, vector<16xi32>, vector<16xi32>], vector<16xf32>,
      %gather3A_452 = tpu.vector_load_idx %arg13[%broadcast_in_dim3A_434, %add3A_449, %broadcast_in_dim3A_437] : memref<4x64x128xf32, #tpu.memory_space<vmem>>[vector<16xi32>, vector<16xi32>, vector<16xi32>], vector<16xf32>,
      %sub3A_453 = arith.subf %gather3A_451, %gather3A_452 : vector<16xf32>
      %mul3A_454 = arith.mulf %gather3A_450, %sub3A_453 : vector<16xf32>
      %add3A_455 = arith.addf %add3A_446, %mul3A_454 : vector<16xf32>
      %add3A_456 = arith.constant 32 : i32
      %add3A_457 = vector.broadcast %add3A_456 : i32 to vector<16xi32>
      %add3A_458 = arith.addi %add3A_457, %iota3A : vector<16xi32>
      %gather3A_459 = tpu.vector_load_idx %arg11[%broadcast_in_dim3A_434, %add3A_458, %broadcast_in_dim3A_435] : memref<4x64x128xf32, #tpu.memory_space<vmem>>[vector<16xi32>, vector<16xi32>, vector<16xi32>], vector<16xf32>,
      %gather3A_460 = tpu.vector_load_idx %arg12[%broadcast_in_dim3A_434, %add3A_458, %broadcast_in_dim3A_436] : memref<4x64x128xf32, #tpu.memory_space<vmem>>[vector<16xi32>, vector<16xi32>, vector<16xi32>], vector<16xf32>,
      %gather3A_461 = tpu.vector_load_idx %arg13[%broadcast_in_dim3A_434, %add3A_458, %broadcast_in_dim3A_437] : memref<4x64x128xf32, #tpu.memory_space<vmem>>[vector<16xi32>, vector<16xi32>, vector<16xi32>], vector<16xf32>,
      %sub3A_462 = arith.subf %gather3A_460, %gather3A_461 : vector<16xf32>
      %mul3A_463 = arith.mulf %gather3A_459, %sub3A_462 : vector<16xf32>
      %add3A_464 = arith.addf %add3A_455, %mul3A_463 : vector<16xf32>
      %add3A_465 = arith.constant 48 : i32
      %add3A_466 = vector.broadcast %add3A_465 : i32 to vector<16xi32>
      %add3A_467 = arith.addi %add3A_466, %iota3A : vector<16xi32>
      %gather3A_468 = tpu.vector_load_idx %arg11[%broadcast_in_dim3A_434, %add3A_467, %broadcast_in_dim3A_435] : memref<4x64x128xf32, #tpu.memory_space<vmem>>[vector<16xi32>, vector<16xi32>, vector<16xi32>], vector<16xf32>,
      %gather3A_469 = tpu.vector_load_idx %arg12[%broadcast_in_dim3A_434, %add3A_467, %broadcast_in_dim3A_436] : memref<4x64x128xf32, #tpu.memory_space<vmem>>[vector<16xi32>, vector<16xi32>, vector<16xi32>], vector<16xf32>,
      %gather3A_470 = tpu.vector_load_idx %arg13[%broadcast_in_dim3A_434, %add3A_467, %broadcast_in_dim3A_437] : memref<4x64x128xf32, #tpu.memory_space<vmem>>[vector<16xi32>, vector<16xi32>, vector<16xi32>], vector<16xf32>,
      %sub3A_471 = arith.subf %gather3A_469, %gather3A_470 : vector<16xf32>
      %mul3A_472 = arith.mulf %gather3A_468, %sub3A_471 : vector<16xf32>
      %add3A_473 = arith.addf %add3A_464, %mul3A_472 : vector<16xf32>
      %reduce_sum3A = arith.constant true
      %reduce_sum3A_474 = vector.broadcast %reduce_sum3A : i1 to vector<16xi1>
      %reduce_sum3A_475 = tpu.scan <sum>, %add3A_473 masked %reduce_sum3A_474 : vector<16xf32>, vector<16xi1> -> vector<16xf32>
      %reduce_sum3A_476 = vector.extract %reduce_sum3A_475[15] : f32 from vector<16xf32>
      %eq3A = arith.constant 0 : i32
      %eq3A_477 = vector.broadcast %eq3A : i32 to vector<16xi32>
      %eq3A_478 = arith.cmpi eq, %iota3A, %eq3A_477 : vector<16xi32>
      %broadcast_in_dim3A_479 = vector.broadcast %reduce_sum3A_476 : f32 to vector<16xf32>
      %select_n3A = arith.select %eq3A_478, %broadcast_in_dim3A_479, %broadcast_in_dim3A_20 : vector<16xi1>, vector<16xf32>
      %broadcast_in_dim3A_480 = arith.constant 1 : i32
      %broadcast_in_dim3A_481 = vector.broadcast %broadcast_in_dim3A_480 : i32 to vector<16xi32>
      %broadcast_in_dim3A_482 = vector.broadcast %and3A_141 : i32 to vector<16xi32>
      %broadcast_in_dim3A_483 = vector.broadcast %and3A_143 : i32 to vector<16xi32>
      %broadcast_in_dim3A_484 = vector.broadcast %and3A_145 : i32 to vector<16xi32>
      %broadcast_in_dim3A_485 = arith.constant 0.000000e+00 : f32
      %broadcast_in_dim3A_486 = vector.broadcast %broadcast_in_dim3A_485 : f32 to vector<16xf32>
      %add3A_487 = arith.constant 0 : i32
      %add3A_488 = vector.broadcast %add3A_487 : i32 to vector<16xi32>
      %add3A_489 = arith.addi %add3A_488, %iota3A : vector<16xi32>
      %gather3A_490 = tpu.vector_load_idx %arg11[%broadcast_in_dim3A_481, %add3A_489, %broadcast_in_dim3A_482] : memref<4x64x128xf32, #tpu.memory_space<vmem>>[vector<16xi32>, vector<16xi32>, vector<16xi32>], vector<16xf32>,
      %gather3A_491 = tpu.vector_load_idx %arg12[%broadcast_in_dim3A_481, %add3A_489, %broadcast_in_dim3A_483] : memref<4x64x128xf32, #tpu.memory_space<vmem>>[vector<16xi32>, vector<16xi32>, vector<16xi32>], vector<16xf32>,
      %gather3A_492 = tpu.vector_load_idx %arg13[%broadcast_in_dim3A_481, %add3A_489, %broadcast_in_dim3A_484] : memref<4x64x128xf32, #tpu.memory_space<vmem>>[vector<16xi32>, vector<16xi32>, vector<16xi32>], vector<16xf32>,
      %sub3A_493 = arith.subf %gather3A_491, %gather3A_492 : vector<16xf32>
      %mul3A_494 = arith.mulf %gather3A_490, %sub3A_493 : vector<16xf32>
      %add3A_495 = arith.addf %broadcast_in_dim3A_486, %mul3A_494 : vector<16xf32>
      %add3A_496 = arith.constant 16 : i32
      %add3A_497 = vector.broadcast %add3A_496 : i32 to vector<16xi32>
      %add3A_498 = arith.addi %add3A_497, %iota3A : vector<16xi32>
      %gather3A_499 = tpu.vector_load_idx %arg11[%broadcast_in_dim3A_481, %add3A_498, %broadcast_in_dim3A_482] : memref<4x64x128xf32, #tpu.memory_space<vmem>>[vector<16xi32>, vector<16xi32>, vector<16xi32>], vector<16xf32>,
      %gather3A_500 = tpu.vector_load_idx %arg12[%broadcast_in_dim3A_481, %add3A_498, %broadcast_in_dim3A_483] : memref<4x64x128xf32, #tpu.memory_space<vmem>>[vector<16xi32>, vector<16xi32>, vector<16xi32>], vector<16xf32>,
      %gather3A_501 = tpu.vector_load_idx %arg13[%broadcast_in_dim3A_481, %add3A_498, %broadcast_in_dim3A_484] : memref<4x64x128xf32, #tpu.memory_space<vmem>>[vector<16xi32>, vector<16xi32>, vector<16xi32>], vector<16xf32>,
      %sub3A_502 = arith.subf %gather3A_500, %gather3A_501 : vector<16xf32>
      %mul3A_503 = arith.mulf %gather3A_499, %sub3A_502 : vector<16xf32>
      %add3A_504 = arith.addf %add3A_495, %mul3A_503 : vector<16xf32>
      %add3A_505 = arith.constant 32 : i32
      %add3A_506 = vector.broadcast %add3A_505 : i32 to vector<16xi32>
      %add3A_507 = arith.addi %add3A_506, %iota3A : vector<16xi32>
      %gather3A_508 = tpu.vector_load_idx %arg11[%broadcast_in_dim3A_481, %add3A_507, %broadcast_in_dim3A_482] : memref<4x64x128xf32, #tpu.memory_space<vmem>>[vector<16xi32>, vector<16xi32>, vector<16xi32>], vector<16xf32>,
      %gather3A_509 = tpu.vector_load_idx %arg12[%broadcast_in_dim3A_481, %add3A_507, %broadcast_in_dim3A_483] : memref<4x64x128xf32, #tpu.memory_space<vmem>>[vector<16xi32>, vector<16xi32>, vector<16xi32>], vector<16xf32>,
      %gather3A_510 = tpu.vector_load_idx %arg13[%broadcast_in_dim3A_481, %add3A_507, %broadcast_in_dim3A_484] : memref<4x64x128xf32, #tpu.memory_space<vmem>>[vector<16xi32>, vector<16xi32>, vector<16xi32>], vector<16xf32>,
      %sub3A_511 = arith.subf %gather3A_509, %gather3A_510 : vector<16xf32>
      %mul3A_512 = arith.mulf %gather3A_508, %sub3A_511 : vector<16xf32>
      %add3A_513 = arith.addf %add3A_504, %mul3A_512 : vector<16xf32>
      %add3A_514 = arith.constant 48 : i32
      %add3A_515 = vector.broadcast %add3A_514 : i32 to vector<16xi32>
      %add3A_516 = arith.addi %add3A_515, %iota3A : vector<16xi32>
      %gather3A_517 = tpu.vector_load_idx %arg11[%broadcast_in_dim3A_481, %add3A_516, %broadcast_in_dim3A_482] : memref<4x64x128xf32, #tpu.memory_space<vmem>>[vector<16xi32>, vector<16xi32>, vector<16xi32>], vector<16xf32>,
      %gather3A_518 = tpu.vector_load_idx %arg12[%broadcast_in_dim3A_481, %add3A_516, %broadcast_in_dim3A_483] : memref<4x64x128xf32, #tpu.memory_space<vmem>>[vector<16xi32>, vector<16xi32>, vector<16xi32>], vector<16xf32>,
      %gather3A_519 = tpu.vector_load_idx %arg13[%broadcast_in_dim3A_481, %add3A_516, %broadcast_in_dim3A_484] : memref<4x64x128xf32, #tpu.memory_space<vmem>>[vector<16xi32>, vector<16xi32>, vector<16xi32>], vector<16xf32>,
      %sub3A_520 = arith.subf %gather3A_518, %gather3A_519 : vector<16xf32>
      %mul3A_521 = arith.mulf %gather3A_517, %sub3A_520 : vector<16xf32>
      %add3A_522 = arith.addf %add3A_513, %mul3A_521 : vector<16xf32>
      %reduce_sum3A_523 = arith.constant true
      %reduce_sum3A_524 = vector.broadcast %reduce_sum3A_523 : i1 to vector<16xi1>
      %reduce_sum3A_525 = tpu.scan <sum>, %add3A_522 masked %reduce_sum3A_524 : vector<16xf32>, vector<16xi1> -> vector<16xf32>
      %reduce_sum3A_526 = vector.extract %reduce_sum3A_525[15] : f32 from vector<16xf32>
      %eq3A_527 = arith.constant 1 : i32
      %eq3A_528 = vector.broadcast %eq3A_527 : i32 to vector<16xi32>
      %eq3A_529 = arith.cmpi eq, %iota3A, %eq3A_528 : vector<16xi32>
      %broadcast_in_dim3A_530 = vector.broadcast %reduce_sum3A_526 : f32 to vector<16xf32>
      %select_n3A_531 = arith.select %eq3A_529, %broadcast_in_dim3A_530, %select_n3A : vector<16xi1>, vector<16xf32>
      %broadcast_in_dim3A_532 = arith.constant 2 : i32
      %broadcast_in_dim3A_533 = vector.broadcast %broadcast_in_dim3A_532 : i32 to vector<16xi32>
      %broadcast_in_dim3A_534 = vector.broadcast %and3A_207 : i32 to vector<16xi32>
      %broadcast_in_dim3A_535 = vector.broadcast %and3A_209 : i32 to vector<16xi32>
      %broadcast_in_dim3A_536 = vector.broadcast %and3A_211 : i32 to vector<16xi32>
      %broadcast_in_dim3A_537 = arith.constant 0.000000e+00 : f32
      %broadcast_in_dim3A_538 = vector.broadcast %broadcast_in_dim3A_537 : f32 to vector<16xf32>
      %add3A_539 = arith.constant 0 : i32
      %add3A_540 = vector.broadcast %add3A_539 : i32 to vector<16xi32>
      %add3A_541 = arith.addi %add3A_540, %iota3A : vector<16xi32>
      %gather3A_542 = tpu.vector_load_idx %arg11[%broadcast_in_dim3A_533, %add3A_541, %broadcast_in_dim3A_534] : memref<4x64x128xf32, #tpu.memory_space<vmem>>[vector<16xi32>, vector<16xi32>, vector<16xi32>], vector<16xf32>,
      %gather3A_543 = tpu.vector_load_idx %arg12[%broadcast_in_dim3A_533, %add3A_541, %broadcast_in_dim3A_535] : memref<4x64x128xf32, #tpu.memory_space<vmem>>[vector<16xi32>, vector<16xi32>, vector<16xi32>], vector<16xf32>,
      %gather3A_544 = tpu.vector_load_idx %arg13[%broadcast_in_dim3A_533, %add3A_541, %broadcast_in_dim3A_536] : memref<4x64x128xf32, #tpu.memory_space<vmem>>[vector<16xi32>, vector<16xi32>, vector<16xi32>], vector<16xf32>,
      %sub3A_545 = arith.subf %gather3A_543, %gather3A_544 : vector<16xf32>
      %mul3A_546 = arith.mulf %gather3A_542, %sub3A_545 : vector<16xf32>
      %add3A_547 = arith.addf %broadcast_in_dim3A_538, %mul3A_546 : vector<16xf32>
      %add3A_548 = arith.constant 16 : i32
      %add3A_549 = vector.broadcast %add3A_548 : i32 to vector<16xi32>
      %add3A_550 = arith.addi %add3A_549, %iota3A : vector<16xi32>
      %gather3A_551 = tpu.vector_load_idx %arg11[%broadcast_in_dim3A_533, %add3A_550, %broadcast_in_dim3A_534] : memref<4x64x128xf32, #tpu.memory_space<vmem>>[vector<16xi32>, vector<16xi32>, vector<16xi32>], vector<16xf32>,
      %gather3A_552 = tpu.vector_load_idx %arg12[%broadcast_in_dim3A_533, %add3A_550, %broadcast_in_dim3A_535] : memref<4x64x128xf32, #tpu.memory_space<vmem>>[vector<16xi32>, vector<16xi32>, vector<16xi32>], vector<16xf32>,
      %gather3A_553 = tpu.vector_load_idx %arg13[%broadcast_in_dim3A_533, %add3A_550, %broadcast_in_dim3A_536] : memref<4x64x128xf32, #tpu.memory_space<vmem>>[vector<16xi32>, vector<16xi32>, vector<16xi32>], vector<16xf32>,
      %sub3A_554 = arith.subf %gather3A_552, %gather3A_553 : vector<16xf32>
      %mul3A_555 = arith.mulf %gather3A_551, %sub3A_554 : vector<16xf32>
      %add3A_556 = arith.addf %add3A_547, %mul3A_555 : vector<16xf32>
      %add3A_557 = arith.constant 32 : i32
      %add3A_558 = vector.broadcast %add3A_557 : i32 to vector<16xi32>
      %add3A_559 = arith.addi %add3A_558, %iota3A : vector<16xi32>
      %gather3A_560 = tpu.vector_load_idx %arg11[%broadcast_in_dim3A_533, %add3A_559, %broadcast_in_dim3A_534] : memref<4x64x128xf32, #tpu.memory_space<vmem>>[vector<16xi32>, vector<16xi32>, vector<16xi32>], vector<16xf32>,
      %gather3A_561 = tpu.vector_load_idx %arg12[%broadcast_in_dim3A_533, %add3A_559, %broadcast_in_dim3A_535] : memref<4x64x128xf32, #tpu.memory_space<vmem>>[vector<16xi32>, vector<16xi32>, vector<16xi32>], vector<16xf32>,
      %gather3A_562 = tpu.vector_load_idx %arg13[%broadcast_in_dim3A_533, %add3A_559, %broadcast_in_dim3A_536] : memref<4x64x128xf32, #tpu.memory_space<vmem>>[vector<16xi32>, vector<16xi32>, vector<16xi32>], vector<16xf32>,
      %sub3A_563 = arith.subf %gather3A_561, %gather3A_562 : vector<16xf32>
      %mul3A_564 = arith.mulf %gather3A_560, %sub3A_563 : vector<16xf32>
      %add3A_565 = arith.addf %add3A_556, %mul3A_564 : vector<16xf32>
      %add3A_566 = arith.constant 48 : i32
      %add3A_567 = vector.broadcast %add3A_566 : i32 to vector<16xi32>
      %add3A_568 = arith.addi %add3A_567, %iota3A : vector<16xi32>
      %gather3A_569 = tpu.vector_load_idx %arg11[%broadcast_in_dim3A_533, %add3A_568, %broadcast_in_dim3A_534] : memref<4x64x128xf32, #tpu.memory_space<vmem>>[vector<16xi32>, vector<16xi32>, vector<16xi32>], vector<16xf32>,
      %gather3A_570 = tpu.vector_load_idx %arg12[%broadcast_in_dim3A_533, %add3A_568, %broadcast_in_dim3A_535] : memref<4x64x128xf32, #tpu.memory_space<vmem>>[vector<16xi32>, vector<16xi32>, vector<16xi32>], vector<16xf32>,
      %gather3A_571 = tpu.vector_load_idx %arg13[%broadcast_in_dim3A_533, %add3A_568, %broadcast_in_dim3A_536] : memref<4x64x128xf32, #tpu.memory_space<vmem>>[vector<16xi32>, vector<16xi32>, vector<16xi32>], vector<16xf32>,
      %sub3A_572 = arith.subf %gather3A_570, %gather3A_571 : vector<16xf32>
      %mul3A_573 = arith.mulf %gather3A_569, %sub3A_572 : vector<16xf32>
      %add3A_574 = arith.addf %add3A_565, %mul3A_573 : vector<16xf32>
      %reduce_sum3A_575 = arith.constant true
      %reduce_sum3A_576 = vector.broadcast %reduce_sum3A_575 : i1 to vector<16xi1>
      %reduce_sum3A_577 = tpu.scan <sum>, %add3A_574 masked %reduce_sum3A_576 : vector<16xf32>, vector<16xi1> -> vector<16xf32>
      %reduce_sum3A_578 = vector.extract %reduce_sum3A_577[15] : f32 from vector<16xf32>
      %eq3A_579 = arith.constant 2 : i32
      %eq3A_580 = vector.broadcast %eq3A_579 : i32 to vector<16xi32>
      %eq3A_581 = arith.cmpi eq, %iota3A, %eq3A_580 : vector<16xi32>
      %broadcast_in_dim3A_582 = vector.broadcast %reduce_sum3A_578 : f32 to vector<16xf32>
      %select_n3A_583 = arith.select %eq3A_581, %broadcast_in_dim3A_582, %select_n3A_531 : vector<16xi1>, vector<16xf32>
      %broadcast_in_dim3A_584 = arith.constant 3 : i32
      %broadcast_in_dim3A_585 = vector.broadcast %broadcast_in_dim3A_584 : i32 to vector<16xi32>
      %broadcast_in_dim3A_586 = vector.broadcast %and3A_273 : i32 to vector<16xi32>
      %broadcast_in_dim3A_587 = vector.broadcast %and3A_275 : i32 to vector<16xi32>
      %broadcast_in_dim3A_588 = vector.broadcast %and3A_277 : i32 to vector<16xi32>
      %broadcast_in_dim3A_589 = arith.constant 0.000000e+00 : f32
      %broadcast_in_dim3A_590 = vector.broadcast %broadcast_in_dim3A_589 : f32 to vector<16xf32>
      %add3A_591 = arith.constant 0 : i32
      %add3A_592 = vector.broadcast %add3A_591 : i32 to vector<16xi32>
      %add3A_593 = arith.addi %add3A_592, %iota3A : vector<16xi32>
      %gather3A_594 = tpu.vector_load_idx %arg11[%broadcast_in_dim3A_585, %add3A_593, %broadcast_in_dim3A_586] : memref<4x64x128xf32, #tpu.memory_space<vmem>>[vector<16xi32>, vector<16xi32>, vector<16xi32>], vector<16xf32>,
      %gather3A_595 = tpu.vector_load_idx %arg12[%broadcast_in_dim3A_585, %add3A_593, %broadcast_in_dim3A_587] : memref<4x64x128xf32, #tpu.memory_space<vmem>>[vector<16xi32>, vector<16xi32>, vector<16xi32>], vector<16xf32>,
      %gather3A_596 = tpu.vector_load_idx %arg13[%broadcast_in_dim3A_585, %add3A_593, %broadcast_in_dim3A_588] : memref<4x64x128xf32, #tpu.memory_space<vmem>>[vector<16xi32>, vector<16xi32>, vector<16xi32>], vector<16xf32>,
      %sub3A_597 = arith.subf %gather3A_595, %gather3A_596 : vector<16xf32>
      %mul3A_598 = arith.mulf %gather3A_594, %sub3A_597 : vector<16xf32>
      %add3A_599 = arith.addf %broadcast_in_dim3A_590, %mul3A_598 : vector<16xf32>
      %add3A_600 = arith.constant 16 : i32
      %add3A_601 = vector.broadcast %add3A_600 : i32 to vector<16xi32>
      %add3A_602 = arith.addi %add3A_601, %iota3A : vector<16xi32>
      %gather3A_603 = tpu.vector_load_idx %arg11[%broadcast_in_dim3A_585, %add3A_602, %broadcast_in_dim3A_586] : memref<4x64x128xf32, #tpu.memory_space<vmem>>[vector<16xi32>, vector<16xi32>, vector<16xi32>], vector<16xf32>,
      %gather3A_604 = tpu.vector_load_idx %arg12[%broadcast_in_dim3A_585, %add3A_602, %broadcast_in_dim3A_587] : memref<4x64x128xf32, #tpu.memory_space<vmem>>[vector<16xi32>, vector<16xi32>, vector<16xi32>], vector<16xf32>,
      %gather3A_605 = tpu.vector_load_idx %arg13[%broadcast_in_dim3A_585, %add3A_602, %broadcast_in_dim3A_588] : memref<4x64x128xf32, #tpu.memory_space<vmem>>[vector<16xi32>, vector<16xi32>, vector<16xi32>], vector<16xf32>,
      %sub3A_606 = arith.subf %gather3A_604, %gather3A_605 : vector<16xf32>
      %mul3A_607 = arith.mulf %gather3A_603, %sub3A_606 : vector<16xf32>
      %add3A_608 = arith.addf %add3A_599, %mul3A_607 : vector<16xf32>
      %add3A_609 = arith.constant 32 : i32
      %add3A_610 = vector.broadcast %add3A_609 : i32 to vector<16xi32>
      %add3A_611 = arith.addi %add3A_610, %iota3A : vector<16xi32>
      %gather3A_612 = tpu.vector_load_idx %arg11[%broadcast_in_dim3A_585, %add3A_611, %broadcast_in_dim3A_586] : memref<4x64x128xf32, #tpu.memory_space<vmem>>[vector<16xi32>, vector<16xi32>, vector<16xi32>], vector<16xf32>,
      %gather3A_613 = tpu.vector_load_idx %arg12[%broadcast_in_dim3A_585, %add3A_611, %broadcast_in_dim3A_587] : memref<4x64x128xf32, #tpu.memory_space<vmem>>[vector<16xi32>, vector<16xi32>, vector<16xi32>], vector<16xf32>,
      %gather3A_614 = tpu.vector_load_idx %arg13[%broadcast_in_dim3A_585, %add3A_611, %broadcast_in_dim3A_588] : memref<4x64x128xf32, #tpu.memory_space<vmem>>[vector<16xi32>, vector<16xi32>, vector<16xi32>], vector<16xf32>,
      %sub3A_615 = arith.subf %gather3A_613, %gather3A_614 : vector<16xf32>
      %mul3A_616 = arith.mulf %gather3A_612, %sub3A_615 : vector<16xf32>
      %add3A_617 = arith.addf %add3A_608, %mul3A_616 : vector<16xf32>
      %add3A_618 = arith.constant 48 : i32
      %add3A_619 = vector.broadcast %add3A_618 : i32 to vector<16xi32>
      %add3A_620 = arith.addi %add3A_619, %iota3A : vector<16xi32>
      %gather3A_621 = tpu.vector_load_idx %arg11[%broadcast_in_dim3A_585, %add3A_620, %broadcast_in_dim3A_586] : memref<4x64x128xf32, #tpu.memory_space<vmem>>[vector<16xi32>, vector<16xi32>, vector<16xi32>], vector<16xf32>,
      %gather3A_622 = tpu.vector_load_idx %arg12[%broadcast_in_dim3A_585, %add3A_620, %broadcast_in_dim3A_587] : memref<4x64x128xf32, #tpu.memory_space<vmem>>[vector<16xi32>, vector<16xi32>, vector<16xi32>], vector<16xf32>,
      %gather3A_623 = tpu.vector_load_idx %arg13[%broadcast_in_dim3A_585, %add3A_620, %broadcast_in_dim3A_588] : memref<4x64x128xf32, #tpu.memory_space<vmem>>[vector<16xi32>, vector<16xi32>, vector<16xi32>], vector<16xf32>,
      %sub3A_624 = arith.subf %gather3A_622, %gather3A_623 : vector<16xf32>
      %mul3A_625 = arith.mulf %gather3A_621, %sub3A_624 : vector<16xf32>
      %add3A_626 = arith.addf %add3A_617, %mul3A_625 : vector<16xf32>
      %reduce_sum3A_627 = arith.constant true
      %reduce_sum3A_628 = vector.broadcast %reduce_sum3A_627 : i1 to vector<16xi1>
      %reduce_sum3A_629 = tpu.scan <sum>, %add3A_626 masked %reduce_sum3A_628 : vector<16xf32>, vector<16xi1> -> vector<16xf32>
      %reduce_sum3A_630 = vector.extract %reduce_sum3A_629[15] : f32 from vector<16xf32>
      %eq3A_631 = arith.constant 3 : i32
      %eq3A_632 = vector.broadcast %eq3A_631 : i32 to vector<16xi32>
      %eq3A_633 = arith.cmpi eq, %iota3A, %eq3A_632 : vector<16xi32>
      %broadcast_in_dim3A_634 = vector.broadcast %reduce_sum3A_630 : f32 to vector<16xf32>
      %select_n3A_635 = arith.select %eq3A_633, %broadcast_in_dim3A_634, %select_n3A_583 : vector<16xi1>, vector<16xf32>
      %slice3A_636 = vector.extract_strided_slice %get3A_11 {offsets = [4], sizes = [1], strides = [1]} : vector<16xi32> to vector<1xi32>
      %squeeze3A_637 = vector.extract %slice3A_636[0] : i32 from vector<1xi32>
      %slice3A_638 = vector.extract_strided_slice %get3A_15 {offsets = [4], sizes = [1], strides = [1]} : vector<16xi32> to vector<1xi32>
      %squeeze3A_639 = vector.extract %slice3A_638[0] : i32 from vector<1xi32>
      %slice3A_640 = vector.extract_strided_slice %get3A_19 {offsets = [4], sizes = [1], strides = [1]} : vector<16xi32> to vector<1xi32>
      %squeeze3A_641 = vector.extract %slice3A_640[0] : i32 from vector<1xi32>
      %shift_right_arithmetic3A_642 = arith.constant 7 : i32
      %shift_right_arithmetic3A_643 = arith.shrsi %squeeze3A_637, %shift_right_arithmetic3A_642 : i32
      %shift_left3A_644 = arith.constant 7 : i32
      %shift_left3A_645 = arith.shli %shift_right_arithmetic3A_643, %shift_left3A_644 : i32
      %multiple_of3A_646 = tpu.assume_multiple %shift_left3A_645, 128 : i32
      %shift_right_arithmetic3A_647 = arith.constant 7 : i32
      %shift_right_arithmetic3A_648 = arith.shrsi %squeeze3A_639, %shift_right_arithmetic3A_647 : i32
      %shift_left3A_649 = arith.constant 7 : i32
      %shift_left3A_650 = arith.shli %shift_right_arithmetic3A_648, %shift_left3A_649 : i32
      %multiple_of3A_651 = tpu.assume_multiple %shift_left3A_650, 128 : i32
      %shift_right_arithmetic3A_652 = arith.constant 7 : i32
      %shift_right_arithmetic3A_653 = arith.shrsi %squeeze3A_641, %shift_right_arithmetic3A_652 : i32
      %shift_left3A_654 = arith.constant 7 : i32
      %shift_left3A_655 = arith.shli %shift_right_arithmetic3A_653, %shift_left3A_654 : i32
      %multiple_of3A_656 = tpu.assume_multiple %shift_left3A_655, 128 : i32
      %dma_start3A_657 = arith.constant 0 : i32
      %dma_start3A_658 = arith.constant 0 : i32
      %dma_start3A_659 = arith.constant 0 : i32
      %dma_start3A_660 = tpu.memref_slice %arg11[%dma_start3A_657, %dma_start3A_658, %dma_start3A_659] : memref<4x64x128xf32, #tpu.memory_space<vmem>> -> memref<1x64x128xf32, #tpu.memory_space<vmem>>
      %dma_start3A_661 = tpu.memref_squeeze %dma_start3A_660 : memref<1x64x128xf32, #tpu.memory_space<vmem>> -> memref<64x128xf32, #tpu.memory_space<vmem>>
      %dma_start3A_662 = arith.constant 0 : i32
      %dma_start3A_663 = tpu.memref_slice %arg5[%dma_start3A_662, %multiple_of3A_646] : memref<64x1000000xf32, #tpu.memory_space<hbm>> -> memref<64x128xf32, #tpu.memory_space<hbm>>
      %dma_start3A_664 = arith.constant 0 : i32
      %dma_start3A_665 = arith.constant 0 : i32
      %dma_start3A_666 = tpu.memref_slice %arg11[%dma_start3A_657, %dma_start3A_664, %dma_start3A_665] : memref<4x64x128xf32, #tpu.memory_space<vmem>> -> memref<1x64x128xf32, #tpu.memory_space<vmem>>
      %dma_start3A_667 = tpu.memref_squeeze %dma_start3A_666 : memref<1x64x128xf32, #tpu.memory_space<vmem>> -> memref<64x128xf32, #tpu.memory_space<vmem>>
      %dma_start3A_668 = arith.constant 0 : i32
      %dma_start3A_669 = tpu.memref_slice %arg5[%dma_start3A_668, %multiple_of3A_646] : memref<64x1000000xf32, #tpu.memory_space<hbm>> -> memref<64x128xf32, #tpu.memory_space<hbm>>
      tpu.enqueue_dma source(%dma_start3A_669 : memref<64x128xf32, #tpu.memory_space<hbm>>) target(%dma_start3A_667 : memref<64x128xf32, #tpu.memory_space<vmem>>) target_semaphore(%arg15 : memref<!tpu.dma_semaphore, #tpu.memory_space<semaphore_mem>>)
      %dma_start3A_670 = arith.constant 0 : i32
      %dma_start3A_671 = arith.constant 0 : i32
      %dma_start3A_672 = arith.constant 0 : i32
      %dma_start3A_673 = tpu.memref_slice %arg12[%dma_start3A_670, %dma_start3A_671, %dma_start3A_672] : memref<4x64x128xf32, #tpu.memory_space<vmem>> -> memref<1x64x128xf32, #tpu.memory_space<vmem>>
      %dma_start3A_674 = tpu.memref_squeeze %dma_start3A_673 : memref<1x64x128xf32, #tpu.memory_space<vmem>> -> memref<64x128xf32, #tpu.memory_space<vmem>>
      %dma_start3A_675 = arith.constant 0 : i32
      %dma_start3A_676 = tpu.memref_slice %arg6[%dma_start3A_675, %multiple_of3A_651] : memref<64x1000000xf32, #tpu.memory_space<hbm>> -> memref<64x128xf32, #tpu.memory_space<hbm>>
      %dma_start3A_677 = arith.constant 0 : i32
      %dma_start3A_678 = arith.constant 0 : i32
      %dma_start3A_679 = tpu.memref_slice %arg12[%dma_start3A_670, %dma_start3A_677, %dma_start3A_678] : memref<4x64x128xf32, #tpu.memory_space<vmem>> -> memref<1x64x128xf32, #tpu.memory_space<vmem>>
      %dma_start3A_680 = tpu.memref_squeeze %dma_start3A_679 : memref<1x64x128xf32, #tpu.memory_space<vmem>> -> memref<64x128xf32, #tpu.memory_space<vmem>>
      %dma_start3A_681 = arith.constant 0 : i32
      %dma_start3A_682 = tpu.memref_slice %arg6[%dma_start3A_681, %multiple_of3A_651] : memref<64x1000000xf32, #tpu.memory_space<hbm>> -> memref<64x128xf32, #tpu.memory_space<hbm>>
      tpu.enqueue_dma source(%dma_start3A_682 : memref<64x128xf32, #tpu.memory_space<hbm>>) target(%dma_start3A_680 : memref<64x128xf32, #tpu.memory_space<vmem>>) target_semaphore(%arg15 : memref<!tpu.dma_semaphore, #tpu.memory_space<semaphore_mem>>)
      %dma_start3A_683 = arith.constant 0 : i32
      %dma_start3A_684 = arith.constant 0 : i32
      %dma_start3A_685 = arith.constant 0 : i32
      %dma_start3A_686 = tpu.memref_slice %arg13[%dma_start3A_683, %dma_start3A_684, %dma_start3A_685] : memref<4x64x128xf32, #tpu.memory_space<vmem>> -> memref<1x64x128xf32, #tpu.memory_space<vmem>>
      %dma_start3A_687 = tpu.memref_squeeze %dma_start3A_686 : memref<1x64x128xf32, #tpu.memory_space<vmem>> -> memref<64x128xf32, #tpu.memory_space<vmem>>
      %dma_start3A_688 = arith.constant 0 : i32
      %dma_start3A_689 = tpu.memref_slice %arg6[%dma_start3A_688, %multiple_of3A_656] : memref<64x1000000xf32, #tpu.memory_space<hbm>> -> memref<64x128xf32, #tpu.memory_space<hbm>>
      %dma_start3A_690 = arith.constant 0 : i32
      %dma_start3A_691 = arith.constant 0 : i32
      %dma_start3A_692 = tpu.memref_slice %arg13[%dma_start3A_683, %dma_start3A_690, %dma_start3A_691] : memref<4x64x128xf32, #tpu.memory_space<vmem>> -> memref<1x64x128xf32, #tpu.memory_space<vmem>>
      %dma_start3A_693 = tpu.memref_squeeze %dma_start3A_692 : memref<1x64x128xf32, #tpu.memory_space<vmem>> -> memref<64x128xf32, #tpu.memory_space<vmem>>
      %dma_start3A_694 = arith.constant 0 : i32
      %dma_start3A_695 = tpu.memref_slice %arg6[%dma_start3A_694, %multiple_of3A_656] : memref<64x1000000xf32, #tpu.memory_space<hbm>> -> memref<64x128xf32, #tpu.memory_space<hbm>>
      tpu.enqueue_dma source(%dma_start3A_695 : memref<64x128xf32, #tpu.memory_space<hbm>>) target(%dma_start3A_693 : memref<64x128xf32, #tpu.memory_space<vmem>>) target_semaphore(%arg15 : memref<!tpu.dma_semaphore, #tpu.memory_space<semaphore_mem>>)
      %and3A_696 = arith.constant 127 : i32
      %and3A_697 = arith.andi %squeeze3A_637, %and3A_696 : i32
      %and3A_698 = arith.constant 127 : i32
      %and3A_699 = arith.andi %squeeze3A_639, %and3A_698 : i32
      %and3A_700 = arith.constant 127 : i32
      %and3A_701 = arith.andi %squeeze3A_641, %and3A_700 : i32
      %slice3A_702 = vector.extract_strided_slice %get3A_11 {offsets = [5], sizes = [1], strides = [1]} : vector<16xi32> to vector<1xi32>
      %squeeze3A_703 = vector.extract %slice3A_702[0] : i32 from vector<1xi32>
      %slice3A_704 = vector.extract_strided_slice %get3A_15 {offsets = [5], sizes = [1], strides = [1]} : vector<16xi32> to vector<1xi32>
      %squeeze3A_705 = vector.extract %slice3A_704[0] : i32 from vector<1xi32>
      %slice3A_706 = vector.extract_strided_slice %get3A_19 {offsets = [5], sizes = [1], strides = [1]} : vector<16xi32> to vector<1xi32>
      %squeeze3A_707 = vector.extract %slice3A_706[0] : i32 from vector<1xi32>
      %shift_right_arithmetic3A_708 = arith.constant 7 : i32
      %shift_right_arithmetic3A_709 = arith.shrsi %squeeze3A_703, %shift_right_arithmetic3A_708 : i32
      %shift_left3A_710 = arith.constant 7 : i32
      %shift_left3A_711 = arith.shli %shift_right_arithmetic3A_709, %shift_left3A_710 : i32
      %multiple_of3A_712 = tpu.assume_multiple %shift_left3A_711, 128 : i32
      %shift_right_arithmetic3A_713 = arith.constant 7 : i32
      %shift_right_arithmetic3A_714 = arith.shrsi %squeeze3A_705, %shift_right_arithmetic3A_713 : i32
      %shift_left3A_715 = arith.constant 7 : i32
      %shift_left3A_716 = arith.shli %shift_right_arithmetic3A_714, %shift_left3A_715 : i32
      %multiple_of3A_717 = tpu.assume_multiple %shift_left3A_716, 128 : i32
      %shift_right_arithmetic3A_718 = arith.constant 7 : i32
      %shift_right_arithmetic3A_719 = arith.shrsi %squeeze3A_707, %shift_right_arithmetic3A_718 : i32
      %shift_left3A_720 = arith.constant 7 : i32
      %shift_left3A_721 = arith.shli %shift_right_arithmetic3A_719, %shift_left3A_720 : i32
      %multiple_of3A_722 = tpu.assume_multiple %shift_left3A_721, 128 : i32
      %dma_start3A_723 = arith.constant 1 : i32
      %dma_start3A_724 = arith.constant 0 : i32
      %dma_start3A_725 = arith.constant 0 : i32
      %dma_start3A_726 = tpu.memref_slice %arg11[%dma_start3A_723, %dma_start3A_724, %dma_start3A_725] : memref<4x64x128xf32, #tpu.memory_space<vmem>> -> memref<1x64x128xf32, #tpu.memory_space<vmem>>
      %dma_start3A_727 = tpu.memref_squeeze %dma_start3A_726 : memref<1x64x128xf32, #tpu.memory_space<vmem>> -> memref<64x128xf32, #tpu.memory_space<vmem>>
      %dma_start3A_728 = arith.constant 0 : i32
      %dma_start3A_729 = tpu.memref_slice %arg5[%dma_start3A_728, %multiple_of3A_712] : memref<64x1000000xf32, #tpu.memory_space<hbm>> -> memref<64x128xf32, #tpu.memory_space<hbm>>
      %dma_start3A_730 = arith.constant 0 : i32
      %dma_start3A_731 = arith.constant 0 : i32
      %dma_start3A_732 = tpu.memref_slice %arg11[%dma_start3A_723, %dma_start3A_730, %dma_start3A_731] : memref<4x64x128xf32, #tpu.memory_space<vmem>> -> memref<1x64x128xf32, #tpu.memory_space<vmem>>
      %dma_start3A_733 = tpu.memref_squeeze %dma_start3A_732 : memref<1x64x128xf32, #tpu.memory_space<vmem>> -> memref<64x128xf32, #tpu.memory_space<vmem>>
      %dma_start3A_734 = arith.constant 0 : i32
      %dma_start3A_735 = tpu.memref_slice %arg5[%dma_start3A_734, %multiple_of3A_712] : memref<64x1000000xf32, #tpu.memory_space<hbm>> -> memref<64x128xf32, #tpu.memory_space<hbm>>
      tpu.enqueue_dma source(%dma_start3A_735 : memref<64x128xf32, #tpu.memory_space<hbm>>) target(%dma_start3A_733 : memref<64x128xf32, #tpu.memory_space<vmem>>) target_semaphore(%arg15 : memref<!tpu.dma_semaphore, #tpu.memory_space<semaphore_mem>>)
      %dma_start3A_736 = arith.constant 1 : i32
      %dma_start3A_737 = arith.constant 0 : i32
      %dma_start3A_738 = arith.constant 0 : i32
      %dma_start3A_739 = tpu.memref_slice %arg12[%dma_start3A_736, %dma_start3A_737, %dma_start3A_738] : memref<4x64x128xf32, #tpu.memory_space<vmem>> -> memref<1x64x128xf32, #tpu.memory_space<vmem>>
      %dma_start3A_740 = tpu.memref_squeeze %dma_start3A_739 : memref<1x64x128xf32, #tpu.memory_space<vmem>> -> memref<64x128xf32, #tpu.memory_space<vmem>>
      %dma_start3A_741 = arith.constant 0 : i32
      %dma_start3A_742 = tpu.memref_slice %arg6[%dma_start3A_741, %multiple_of3A_717] : memref<64x1000000xf32, #tpu.memory_space<hbm>> -> memref<64x128xf32, #tpu.memory_space<hbm>>
      %dma_start3A_743 = arith.constant 0 : i32
      %dma_start3A_744 = arith.constant 0 : i32
      %dma_start3A_745 = tpu.memref_slice %arg12[%dma_start3A_736, %dma_start3A_743, %dma_start3A_744] : memref<4x64x128xf32, #tpu.memory_space<vmem>> -> memref<1x64x128xf32, #tpu.memory_space<vmem>>
      %dma_start3A_746 = tpu.memref_squeeze %dma_start3A_745 : memref<1x64x128xf32, #tpu.memory_space<vmem>> -> memref<64x128xf32, #tpu.memory_space<vmem>>
      %dma_start3A_747 = arith.constant 0 : i32
      %dma_start3A_748 = tpu.memref_slice %arg6[%dma_start3A_747, %multiple_of3A_717] : memref<64x1000000xf32, #tpu.memory_space<hbm>> -> memref<64x128xf32, #tpu.memory_space<hbm>>
      tpu.enqueue_dma source(%dma_start3A_748 : memref<64x128xf32, #tpu.memory_space<hbm>>) target(%dma_start3A_746 : memref<64x128xf32, #tpu.memory_space<vmem>>) target_semaphore(%arg15 : memref<!tpu.dma_semaphore, #tpu.memory_space<semaphore_mem>>)
      %dma_start3A_749 = arith.constant 1 : i32
      %dma_start3A_750 = arith.constant 0 : i32
      %dma_start3A_751 = arith.constant 0 : i32
      %dma_start3A_752 = tpu.memref_slice %arg13[%dma_start3A_749, %dma_start3A_750, %dma_start3A_751] : memref<4x64x128xf32, #tpu.memory_space<vmem>> -> memref<1x64x128xf32, #tpu.memory_space<vmem>>
      %dma_start3A_753 = tpu.memref_squeeze %dma_start3A_752 : memref<1x64x128xf32, #tpu.memory_space<vmem>> -> memref<64x128xf32, #tpu.memory_space<vmem>>
      %dma_start3A_754 = arith.constant 0 : i32
      %dma_start3A_755 = tpu.memref_slice %arg6[%dma_start3A_754, %multiple_of3A_722] : memref<64x1000000xf32, #tpu.memory_space<hbm>> -> memref<64x128xf32, #tpu.memory_space<hbm>>
      %dma_start3A_756 = arith.constant 0 : i32
      %dma_start3A_757 = arith.constant 0 : i32
      %dma_start3A_758 = tpu.memref_slice %arg13[%dma_start3A_749, %dma_start3A_756, %dma_start3A_757] : memref<4x64x128xf32, #tpu.memory_space<vmem>> -> memref<1x64x128xf32, #tpu.memory_space<vmem>>
      %dma_start3A_759 = tpu.memref_squeeze %dma_start3A_758 : memref<1x64x128xf32, #tpu.memory_space<vmem>> -> memref<64x128xf32, #tpu.memory_space<vmem>>
      %dma_start3A_760 = arith.constant 0 : i32
      %dma_start3A_761 = tpu.memref_slice %arg6[%dma_start3A_760, %multiple_of3A_722] : memref<64x1000000xf32, #tpu.memory_space<hbm>> -> memref<64x128xf32, #tpu.memory_space<hbm>>
      tpu.enqueue_dma source(%dma_start3A_761 : memref<64x128xf32, #tpu.memory_space<hbm>>) target(%dma_start3A_759 : memref<64x128xf32, #tpu.memory_space<vmem>>) target_semaphore(%arg15 : memref<!tpu.dma_semaphore, #tpu.memory_space<semaphore_mem>>)
      %and3A_762 = arith.constant 127 : i32
      %and3A_763 = arith.andi %squeeze3A_703, %and3A_762 : i32
      %and3A_764 = arith.constant 127 : i32
      %and3A_765 = arith.andi %squeeze3A_705, %and3A_764 : i32
      %and3A_766 = arith.constant 127 : i32
      %and3A_767 = arith.andi %squeeze3A_707, %and3A_766 : i32
      %slice3A_768 = vector.extract_strided_slice %get3A_11 {offsets = [6], sizes = [1], strides = [1]} : vector<16xi32> to vector<1xi32>
      %squeeze3A_769 = vector.extract %slice3A_768[0] : i32 from vector<1xi32>
      %slice3A_770 = vector.extract_strided_slice %get3A_15 {offsets = [6], sizes = [1], strides = [1]} : vector<16xi32> to vector<1xi32>
      %squeeze3A_771 = vector.extract %slice3A_770[0] : i32 from vector<1xi32>
      %slice3A_772 = vector.extract_strided_slice %get3A_19 {offsets = [6], sizes = [1], strides = [1]} : vector<16xi32> to vector<1xi32>
      %squeeze3A_773 = vector.extract %slice3A_772[0] : i32 from vector<1xi32>
      %shift_right_arithmetic3A_774 = arith.constant 7 : i32
      %shift_right_arithmetic3A_775 = arith.shrsi %squeeze3A_769, %shift_right_arithmetic3A_774 : i32
      %shift_left3A_776 = arith.constant 7 : i32
      %shift_left3A_777 = arith.shli %shift_right_arithmetic3A_775, %shift_left3A_776 : i32
      %multiple_of3A_778 = tpu.assume_multiple %shift_left3A_777, 128 : i32
      %shift_right_arithmetic3A_779 = arith.constant 7 : i32
      %shift_right_arithmetic3A_780 = arith.shrsi %squeeze3A_771, %shift_right_arithmetic3A_779 : i32
      %shift_left3A_781 = arith.constant 7 : i32
      %shift_left3A_782 = arith.shli %shift_right_arithmetic3A_780, %shift_left3A_781 : i32
      %multiple_of3A_783 = tpu.assume_multiple %shift_left3A_782, 128 : i32
      %shift_right_arithmetic3A_784 = arith.constant 7 : i32
      %shift_right_arithmetic3A_785 = arith.shrsi %squeeze3A_773, %shift_right_arithmetic3A_784 : i32
      %shift_left3A_786 = arith.constant 7 : i32
      %shift_left3A_787 = arith.shli %shift_right_arithmetic3A_785, %shift_left3A_786 : i32
      %multiple_of3A_788 = tpu.assume_multiple %shift_left3A_787, 128 : i32
      %dma_start3A_789 = arith.constant 2 : i32
      %dma_start3A_790 = arith.constant 0 : i32
      %dma_start3A_791 = arith.constant 0 : i32
      %dma_start3A_792 = tpu.memref_slice %arg11[%dma_start3A_789, %dma_start3A_790, %dma_start3A_791] : memref<4x64x128xf32, #tpu.memory_space<vmem>> -> memref<1x64x128xf32, #tpu.memory_space<vmem>>
      %dma_start3A_793 = tpu.memref_squeeze %dma_start3A_792 : memref<1x64x128xf32, #tpu.memory_space<vmem>> -> memref<64x128xf32, #tpu.memory_space<vmem>>
      %dma_start3A_794 = arith.constant 0 : i32
      %dma_start3A_795 = tpu.memref_slice %arg5[%dma_start3A_794, %multiple_of3A_778] : memref<64x1000000xf32, #tpu.memory_space<hbm>> -> memref<64x128xf32, #tpu.memory_space<hbm>>
      %dma_start3A_796 = arith.constant 0 : i32
      %dma_start3A_797 = arith.constant 0 : i32
      %dma_start3A_798 = tpu.memref_slice %arg11[%dma_start3A_789, %dma_start3A_796, %dma_start3A_797] : memref<4x64x128xf32, #tpu.memory_space<vmem>> -> memref<1x64x128xf32, #tpu.memory_space<vmem>>
      %dma_start3A_799 = tpu.memref_squeeze %dma_start3A_798 : memref<1x64x128xf32, #tpu.memory_space<vmem>> -> memref<64x128xf32, #tpu.memory_space<vmem>>
      %dma_start3A_800 = arith.constant 0 : i32
      %dma_start3A_801 = tpu.memref_slice %arg5[%dma_start3A_800, %multiple_of3A_778] : memref<64x1000000xf32, #tpu.memory_space<hbm>> -> memref<64x128xf32, #tpu.memory_space<hbm>>
      tpu.enqueue_dma source(%dma_start3A_801 : memref<64x128xf32, #tpu.memory_space<hbm>>) target(%dma_start3A_799 : memref<64x128xf32, #tpu.memory_space<vmem>>) target_semaphore(%arg15 : memref<!tpu.dma_semaphore, #tpu.memory_space<semaphore_mem>>)
      %dma_start3A_802 = arith.constant 2 : i32
      %dma_start3A_803 = arith.constant 0 : i32
      %dma_start3A_804 = arith.constant 0 : i32
      %dma_start3A_805 = tpu.memref_slice %arg12[%dma_start3A_802, %dma_start3A_803, %dma_start3A_804] : memref<4x64x128xf32, #tpu.memory_space<vmem>> -> memref<1x64x128xf32, #tpu.memory_space<vmem>>
      %dma_start3A_806 = tpu.memref_squeeze %dma_start3A_805 : memref<1x64x128xf32, #tpu.memory_space<vmem>> -> memref<64x128xf32, #tpu.memory_space<vmem>>
      %dma_start3A_807 = arith.constant 0 : i32
      %dma_start3A_808 = tpu.memref_slice %arg6[%dma_start3A_807, %multiple_of3A_783] : memref<64x1000000xf32, #tpu.memory_space<hbm>> -> memref<64x128xf32, #tpu.memory_space<hbm>>
      %dma_start3A_809 = arith.constant 0 : i32
      %dma_start3A_810 = arith.constant 0 : i32
      %dma_start3A_811 = tpu.memref_slice %arg12[%dma_start3A_802, %dma_start3A_809, %dma_start3A_810] : memref<4x64x128xf32, #tpu.memory_space<vmem>> -> memref<1x64x128xf32, #tpu.memory_space<vmem>>
      %dma_start3A_812 = tpu.memref_squeeze %dma_start3A_811 : memref<1x64x128xf32, #tpu.memory_space<vmem>> -> memref<64x128xf32, #tpu.memory_space<vmem>>
      %dma_start3A_813 = arith.constant 0 : i32
      %dma_start3A_814 = tpu.memref_slice %arg6[%dma_start3A_813, %multiple_of3A_783] : memref<64x1000000xf32, #tpu.memory_space<hbm>> -> memref<64x128xf32, #tpu.memory_space<hbm>>
      tpu.enqueue_dma source(%dma_start3A_814 : memref<64x128xf32, #tpu.memory_space<hbm>>) target(%dma_start3A_812 : memref<64x128xf32, #tpu.memory_space<vmem>>) target_semaphore(%arg15 : memref<!tpu.dma_semaphore, #tpu.memory_space<semaphore_mem>>)
      %dma_start3A_815 = arith.constant 2 : i32
      %dma_start3A_816 = arith.constant 0 : i32
      %dma_start3A_817 = arith.constant 0 : i32
      %dma_start3A_818 = tpu.memref_slice %arg13[%dma_start3A_815, %dma_start3A_816, %dma_start3A_817] : memref<4x64x128xf32, #tpu.memory_space<vmem>> -> memref<1x64x128xf32, #tpu.memory_space<vmem>>
      %dma_start3A_819 = tpu.memref_squeeze %dma_start3A_818 : memref<1x64x128xf32, #tpu.memory_space<vmem>> -> memref<64x128xf32, #tpu.memory_space<vmem>>
      %dma_start3A_820 = arith.constant 0 : i32
      %dma_start3A_821 = tpu.memref_slice %arg6[%dma_start3A_820, %multiple_of3A_788] : memref<64x1000000xf32, #tpu.memory_space<hbm>> -> memref<64x128xf32, #tpu.memory_space<hbm>>
      %dma_start3A_822 = arith.constant 0 : i32
      %dma_start3A_823 = arith.constant 0 : i32
      %dma_start3A_824 = tpu.memref_slice %arg13[%dma_start3A_815, %dma_start3A_822, %dma_start3A_823] : memref<4x64x128xf32, #tpu.memory_space<vmem>> -> memref<1x64x128xf32, #tpu.memory_space<vmem>>
      %dma_start3A_825 = tpu.memref_squeeze %dma_start3A_824 : memref<1x64x128xf32, #tpu.memory_space<vmem>> -> memref<64x128xf32, #tpu.memory_space<vmem>>
      %dma_start3A_826 = arith.constant 0 : i32
      %dma_start3A_827 = tpu.memref_slice %arg6[%dma_start3A_826, %multiple_of3A_788] : memref<64x1000000xf32, #tpu.memory_space<hbm>> -> memref<64x128xf32, #tpu.memory_space<hbm>>
      tpu.enqueue_dma source(%dma_start3A_827 : memref<64x128xf32, #tpu.memory_space<hbm>>) target(%dma_start3A_825 : memref<64x128xf32, #tpu.memory_space<vmem>>) target_semaphore(%arg15 : memref<!tpu.dma_semaphore, #tpu.memory_space<semaphore_mem>>)
      %and3A_828 = arith.constant 127 : i32
      %and3A_829 = arith.andi %squeeze3A_769, %and3A_828 : i32
      %and3A_830 = arith.constant 127 : i32
      %and3A_831 = arith.andi %squeeze3A_771, %and3A_830 : i32
      %and3A_832 = arith.constant 127 : i32
      %and3A_833 = arith.andi %squeeze3A_773, %and3A_832 : i32
      %slice3A_834 = vector.extract_strided_slice %get3A_11 {offsets = [7], sizes = [1], strides = [1]} : vector<16xi32> to vector<1xi32>
      %squeeze3A_835 = vector.extract %slice3A_834[0] : i32 from vector<1xi32>
      %slice3A_836 = vector.extract_strided_slice %get3A_15 {offsets = [7], sizes = [1], strides = [1]} : vector<16xi32> to vector<1xi32>
      %squeeze3A_837 = vector.extract %slice3A_836[0] : i32 from vector<1xi32>
      %slice3A_838 = vector.extract_strided_slice %get3A_19 {offsets = [7], sizes = [1], strides = [1]} : vector<16xi32> to vector<1xi32>
      %squeeze3A_839 = vector.extract %slice3A_838[0] : i32 from vector<1xi32>
      %shift_right_arithmetic3A_840 = arith.constant 7 : i32
      %shift_right_arithmetic3A_841 = arith.shrsi %squeeze3A_835, %shift_right_arithmetic3A_840 : i32
      %shift_left3A_842 = arith.constant 7 : i32
      %shift_left3A_843 = arith.shli %shift_right_arithmetic3A_841, %shift_left3A_842 : i32
      %multiple_of3A_844 = tpu.assume_multiple %shift_left3A_843, 128 : i32
      %shift_right_arithmetic3A_845 = arith.constant 7 : i32
      %shift_right_arithmetic3A_846 = arith.shrsi %squeeze3A_837, %shift_right_arithmetic3A_845 : i32
      %shift_left3A_847 = arith.constant 7 : i32
      %shift_left3A_848 = arith.shli %shift_right_arithmetic3A_846, %shift_left3A_847 : i32
      %multiple_of3A_849 = tpu.assume_multiple %shift_left3A_848, 128 : i32
      %shift_right_arithmetic3A_850 = arith.constant 7 : i32
      %shift_right_arithmetic3A_851 = arith.shrsi %squeeze3A_839, %shift_right_arithmetic3A_850 : i32
      %shift_left3A_852 = arith.constant 7 : i32
      %shift_left3A_853 = arith.shli %shift_right_arithmetic3A_851, %shift_left3A_852 : i32
      %multiple_of3A_854 = tpu.assume_multiple %shift_left3A_853, 128 : i32
      %dma_start3A_855 = arith.constant 3 : i32
      %dma_start3A_856 = arith.constant 0 : i32
      %dma_start3A_857 = arith.constant 0 : i32
      %dma_start3A_858 = tpu.memref_slice %arg11[%dma_start3A_855, %dma_start3A_856, %dma_start3A_857] : memref<4x64x128xf32, #tpu.memory_space<vmem>> -> memref<1x64x128xf32, #tpu.memory_space<vmem>>
      %dma_start3A_859 = tpu.memref_squeeze %dma_start3A_858 : memref<1x64x128xf32, #tpu.memory_space<vmem>> -> memref<64x128xf32, #tpu.memory_space<vmem>>
      %dma_start3A_860 = arith.constant 0 : i32
      %dma_start3A_861 = tpu.memref_slice %arg5[%dma_start3A_860, %multiple_of3A_844] : memref<64x1000000xf32, #tpu.memory_space<hbm>> -> memref<64x128xf32, #tpu.memory_space<hbm>>
      %dma_start3A_862 = arith.constant 0 : i32
      %dma_start3A_863 = arith.constant 0 : i32
      %dma_start3A_864 = tpu.memref_slice %arg11[%dma_start3A_855, %dma_start3A_862, %dma_start3A_863] : memref<4x64x128xf32, #tpu.memory_space<vmem>> -> memref<1x64x128xf32, #tpu.memory_space<vmem>>
      %dma_start3A_865 = tpu.memref_squeeze %dma_start3A_864 : memref<1x64x128xf32, #tpu.memory_space<vmem>> -> memref<64x128xf32, #tpu.memory_space<vmem>>
      %dma_start3A_866 = arith.constant 0 : i32
      %dma_start3A_867 = tpu.memref_slice %arg5[%dma_start3A_866, %multiple_of3A_844] : memref<64x1000000xf32, #tpu.memory_space<hbm>> -> memref<64x128xf32, #tpu.memory_space<hbm>>
      tpu.enqueue_dma source(%dma_start3A_867 : memref<64x128xf32, #tpu.memory_space<hbm>>) target(%dma_start3A_865 : memref<64x128xf32, #tpu.memory_space<vmem>>) target_semaphore(%arg15 : memref<!tpu.dma_semaphore, #tpu.memory_space<semaphore_mem>>)
      %dma_start3A_868 = arith.constant 3 : i32
      %dma_start3A_869 = arith.constant 0 : i32
      %dma_start3A_870 = arith.constant 0 : i32
      %dma_start3A_871 = tpu.memref_slice %arg12[%dma_start3A_868, %dma_start3A_869, %dma_start3A_870] : memref<4x64x128xf32, #tpu.memory_space<vmem>> -> memref<1x64x128xf32, #tpu.memory_space<vmem>>
      %dma_start3A_872 = tpu.memref_squeeze %dma_start3A_871 : memref<1x64x128xf32, #tpu.memory_space<vmem>> -> memref<64x128xf32, #tpu.memory_space<vmem>>
      %dma_start3A_873 = arith.constant 0 : i32
      %dma_start3A_874 = tpu.memref_slice %arg6[%dma_start3A_873, %multiple_of3A_849] : memref<64x1000000xf32, #tpu.memory_space<hbm>> -> memref<64x128xf32, #tpu.memory_space<hbm>>
      %dma_start3A_875 = arith.constant 0 : i32
      %dma_start3A_876 = arith.constant 0 : i32
      %dma_start3A_877 = tpu.memref_slice %arg12[%dma_start3A_868, %dma_start3A_875, %dma_start3A_876] : memref<4x64x128xf32, #tpu.memory_space<vmem>> -> memref<1x64x128xf32, #tpu.memory_space<vmem>>
      %dma_start3A_878 = tpu.memref_squeeze %dma_start3A_877 : memref<1x64x128xf32, #tpu.memory_space<vmem>> -> memref<64x128xf32, #tpu.memory_space<vmem>>
      %dma_start3A_879 = arith.constant 0 : i32
      %dma_start3A_880 = tpu.memref_slice %arg6[%dma_start3A_879, %multiple_of3A_849] : memref<64x1000000xf32, #tpu.memory_space<hbm>> -> memref<64x128xf32, #tpu.memory_space<hbm>>
      tpu.enqueue_dma source(%dma_start3A_880 : memref<64x128xf32, #tpu.memory_space<hbm>>) target(%dma_start3A_878 : memref<64x128xf32, #tpu.memory_space<vmem>>) target_semaphore(%arg15 : memref<!tpu.dma_semaphore, #tpu.memory_space<semaphore_mem>>)
      %dma_start3A_881 = arith.constant 3 : i32
      %dma_start3A_882 = arith.constant 0 : i32
      %dma_start3A_883 = arith.constant 0 : i32
      %dma_start3A_884 = tpu.memref_slice %arg13[%dma_start3A_881, %dma_start3A_882, %dma_start3A_883] : memref<4x64x128xf32, #tpu.memory_space<vmem>> -> memref<1x64x128xf32, #tpu.memory_space<vmem>>
      %dma_start3A_885 = tpu.memref_squeeze %dma_start3A_884 : memref<1x64x128xf32, #tpu.memory_space<vmem>> -> memref<64x128xf32, #tpu.memory_space<vmem>>
      %dma_start3A_886 = arith.constant 0 : i32
      %dma_start3A_887 = tpu.memref_slice %arg6[%dma_start3A_886, %multiple_of3A_854] : memref<64x1000000xf32, #tpu.memory_space<hbm>> -> memref<64x128xf32, #tpu.memory_space<hbm>>
      %dma_start3A_888 = arith.constant 0 : i32
      %dma_start3A_889 = arith.constant 0 : i32
      %dma_start3A_890 = tpu.memref_slice %arg13[%dma_start3A_881, %dma_start3A_888, %dma_start3A_889] : memref<4x64x128xf32, #tpu.memory_space<vmem>> -> memref<1x64x128xf32, #tpu.memory_space<vmem>>
      %dma_start3A_891 = tpu.memref_squeeze %dma_start3A_890 : memref<1x64x128xf32, #tpu.memory_space<vmem>> -> memref<64x128xf32, #tpu.memory_space<vmem>>
      %dma_start3A_892 = arith.constant 0 : i32
      %dma_start3A_893 = tpu.memref_slice %arg6[%dma_start3A_892, %multiple_of3A_854] : memref<64x1000000xf32, #tpu.memory_space<hbm>> -> memref<64x128xf32, #tpu.memory_space<hbm>>
      tpu.enqueue_dma source(%dma_start3A_893 : memref<64x128xf32, #tpu.memory_space<hbm>>) target(%dma_start3A_891 : memref<64x128xf32, #tpu.memory_space<vmem>>) target_semaphore(%arg15 : memref<!tpu.dma_semaphore, #tpu.memory_space<semaphore_mem>>)
      %and3A_894 = arith.constant 127 : i32
      %and3A_895 = arith.andi %squeeze3A_835, %and3A_894 : i32
      %and3A_896 = arith.constant 127 : i32
      %and3A_897 = arith.andi %squeeze3A_837, %and3A_896 : i32
      %and3A_898 = arith.constant 127 : i32
      %and3A_899 = arith.andi %squeeze3A_839, %and3A_898 : i32
      %dma_wait3A_900 = arith.constant 0 : i32
      %dma_wait3A_901 = arith.constant 0 : i32
      %dma_wait3A_902 = arith.constant 0 : i32
      %dma_wait3A_903 = tpu.memref_slice %arg11[%dma_wait3A_900, %dma_wait3A_901, %dma_wait3A_902] : memref<4x64x128xf32, #tpu.memory_space<vmem>> -> memref<1x64x128xf32, #tpu.memory_space<vmem>>
      %dma_wait3A_904 = tpu.memref_squeeze %dma_wait3A_903 : memref<1x64x128xf32, #tpu.memory_space<vmem>> -> memref<64x128xf32, #tpu.memory_space<vmem>>
      %dma_wait3A_905 = arith.constant 0 : i32
      %dma_wait3A_906 = tpu.memref_slice %arg5[%dma_wait3A_905, %multiple_of3A_646] : memref<64x1000000xf32, #tpu.memory_space<hbm>> -> memref<64x128xf32, #tpu.memory_space<hbm>>
      %dma_wait3A_907 = arith.constant 0 : i32
      %dma_wait3A_908 = arith.constant 0 : i32
      %dma_wait3A_909 = tpu.memref_slice %arg11[%dma_wait3A_900, %dma_wait3A_907, %dma_wait3A_908] : memref<4x64x128xf32, #tpu.memory_space<vmem>> -> memref<1x64x128xf32, #tpu.memory_space<vmem>>
      %dma_wait3A_910 = tpu.memref_squeeze %dma_wait3A_909 : memref<1x64x128xf32, #tpu.memory_space<vmem>> -> memref<64x128xf32, #tpu.memory_space<vmem>>
      %dma_wait3A_911 = arith.constant 0 : i32
      %dma_wait3A_912 = tpu.memref_slice %arg5[%dma_wait3A_911, %multiple_of3A_646] : memref<64x1000000xf32, #tpu.memory_space<hbm>> -> memref<64x128xf32, #tpu.memory_space<hbm>>
      tpu.wait_dma2 semaphore(%arg15 : memref<!tpu.dma_semaphore, #tpu.memory_space<semaphore_mem>>) src(%dma_wait3A_912 : memref<64x128xf32, #tpu.memory_space<hbm>>) dst(%dma_wait3A_910 : memref<64x128xf32, #tpu.memory_space<vmem>>)
      %dma_wait3A_913 = arith.constant 0 : i32
      %dma_wait3A_914 = arith.constant 0 : i32
      %dma_wait3A_915 = arith.constant 0 : i32
      %dma_wait3A_916 = tpu.memref_slice %arg12[%dma_wait3A_913, %dma_wait3A_914, %dma_wait3A_915] : memref<4x64x128xf32, #tpu.memory_space<vmem>> -> memref<1x64x128xf32, #tpu.memory_space<vmem>>
      %dma_wait3A_917 = tpu.memref_squeeze %dma_wait3A_916 : memref<1x64x128xf32, #tpu.memory_space<vmem>> -> memref<64x128xf32, #tpu.memory_space<vmem>>
      %dma_wait3A_918 = arith.constant 0 : i32
      %dma_wait3A_919 = tpu.memref_slice %arg6[%dma_wait3A_918, %multiple_of3A_651] : memref<64x1000000xf32, #tpu.memory_space<hbm>> -> memref<64x128xf32, #tpu.memory_space<hbm>>
      %dma_wait3A_920 = arith.constant 0 : i32
      %dma_wait3A_921 = arith.constant 0 : i32
      %dma_wait3A_922 = tpu.memref_slice %arg12[%dma_wait3A_913, %dma_wait3A_920, %dma_wait3A_921] : memref<4x64x128xf32, #tpu.memory_space<vmem>> -> memref<1x64x128xf32, #tpu.memory_space<vmem>>
      %dma_wait3A_923 = tpu.memref_squeeze %dma_wait3A_922 : memref<1x64x128xf32, #tpu.memory_space<vmem>> -> memref<64x128xf32, #tpu.memory_space<vmem>>
      %dma_wait3A_924 = arith.constant 0 : i32
      %dma_wait3A_925 = tpu.memref_slice %arg6[%dma_wait3A_924, %multiple_of3A_651] : memref<64x1000000xf32, #tpu.memory_space<hbm>> -> memref<64x128xf32, #tpu.memory_space<hbm>>
      tpu.wait_dma2 semaphore(%arg15 : memref<!tpu.dma_semaphore, #tpu.memory_space<semaphore_mem>>) src(%dma_wait3A_925 : memref<64x128xf32, #tpu.memory_space<hbm>>) dst(%dma_wait3A_923 : memref<64x128xf32, #tpu.memory_space<vmem>>)
      %dma_wait3A_926 = arith.constant 0 : i32
      %dma_wait3A_927 = arith.constant 0 : i32
      %dma_wait3A_928 = arith.constant 0 : i32
      %dma_wait3A_929 = tpu.memref_slice %arg13[%dma_wait3A_926, %dma_wait3A_927, %dma_wait3A_928] : memref<4x64x128xf32, #tpu.memory_space<vmem>> -> memref<1x64x128xf32, #tpu.memory_space<vmem>>
      %dma_wait3A_930 = tpu.memref_squeeze %dma_wait3A_929 : memref<1x64x128xf32, #tpu.memory_space<vmem>> -> memref<64x128xf32, #tpu.memory_space<vmem>>
      %dma_wait3A_931 = arith.constant 0 : i32
      %dma_wait3A_932 = tpu.memref_slice %arg6[%dma_wait3A_931, %multiple_of3A_656] : memref<64x1000000xf32, #tpu.memory_space<hbm>> -> memref<64x128xf32, #tpu.memory_space<hbm>>
      %dma_wait3A_933 = arith.constant 0 : i32
      %dma_wait3A_934 = arith.constant 0 : i32
      %dma_wait3A_935 = tpu.memref_slice %arg13[%dma_wait3A_926, %dma_wait3A_933, %dma_wait3A_934] : memref<4x64x128xf32, #tpu.memory_space<vmem>> -> memref<1x64x128xf32, #tpu.memory_space<vmem>>
      %dma_wait3A_936 = tpu.memref_squeeze %dma_wait3A_935 : memref<1x64x128xf32, #tpu.memory_space<vmem>> -> memref<64x128xf32, #tpu.memory_space<vmem>>
      %dma_wait3A_937 = arith.constant 0 : i32
      %dma_wait3A_938 = tpu.memref_slice %arg6[%dma_wait3A_937, %multiple_of3A_656] : memref<64x1000000xf32, #tpu.memory_space<hbm>> -> memref<64x128xf32, #tpu.memory_space<hbm>>
      tpu.wait_dma2 semaphore(%arg15 : memref<!tpu.dma_semaphore, #tpu.memory_space<semaphore_mem>>) src(%dma_wait3A_938 : memref<64x128xf32, #tpu.memory_space<hbm>>) dst(%dma_wait3A_936 : memref<64x128xf32, #tpu.memory_space<vmem>>)
      %dma_wait3A_939 = arith.constant 1 : i32
      %dma_wait3A_940 = arith.constant 0 : i32
      %dma_wait3A_941 = arith.constant 0 : i32
      %dma_wait3A_942 = tpu.memref_slice %arg11[%dma_wait3A_939, %dma_wait3A_940, %dma_wait3A_941] : memref<4x64x128xf32, #tpu.memory_space<vmem>> -> memref<1x64x128xf32, #tpu.memory_space<vmem>>
      %dma_wait3A_943 = tpu.memref_squeeze %dma_wait3A_942 : memref<1x64x128xf32, #tpu.memory_space<vmem>> -> memref<64x128xf32, #tpu.memory_space<vmem>>
      %dma_wait3A_944 = arith.constant 0 : i32
      %dma_wait3A_945 = tpu.memref_slice %arg5[%dma_wait3A_944, %multiple_of3A_712] : memref<64x1000000xf32, #tpu.memory_space<hbm>> -> memref<64x128xf32, #tpu.memory_space<hbm>>
      %dma_wait3A_946 = arith.constant 0 : i32
      %dma_wait3A_947 = arith.constant 0 : i32
      %dma_wait3A_948 = tpu.memref_slice %arg11[%dma_wait3A_939, %dma_wait3A_946, %dma_wait3A_947] : memref<4x64x128xf32, #tpu.memory_space<vmem>> -> memref<1x64x128xf32, #tpu.memory_space<vmem>>
      %dma_wait3A_949 = tpu.memref_squeeze %dma_wait3A_948 : memref<1x64x128xf32, #tpu.memory_space<vmem>> -> memref<64x128xf32, #tpu.memory_space<vmem>>
      %dma_wait3A_950 = arith.constant 0 : i32
      %dma_wait3A_951 = tpu.memref_slice %arg5[%dma_wait3A_950, %multiple_of3A_712] : memref<64x1000000xf32, #tpu.memory_space<hbm>> -> memref<64x128xf32, #tpu.memory_space<hbm>>
      tpu.wait_dma2 semaphore(%arg15 : memref<!tpu.dma_semaphore, #tpu.memory_space<semaphore_mem>>) src(%dma_wait3A_951 : memref<64x128xf32, #tpu.memory_space<hbm>>) dst(%dma_wait3A_949 : memref<64x128xf32, #tpu.memory_space<vmem>>)
      %dma_wait3A_952 = arith.constant 1 : i32
      %dma_wait3A_953 = arith.constant 0 : i32
      %dma_wait3A_954 = arith.constant 0 : i32
      %dma_wait3A_955 = tpu.memref_slice %arg12[%dma_wait3A_952, %dma_wait3A_953, %dma_wait3A_954] : memref<4x64x128xf32, #tpu.memory_space<vmem>> -> memref<1x64x128xf32, #tpu.memory_space<vmem>>
      %dma_wait3A_956 = tpu.memref_squeeze %dma_wait3A_955 : memref<1x64x128xf32, #tpu.memory_space<vmem>> -> memref<64x128xf32, #tpu.memory_space<vmem>>
      %dma_wait3A_957 = arith.constant 0 : i32
      %dma_wait3A_958 = tpu.memref_slice %arg6[%dma_wait3A_957, %multiple_of3A_717] : memref<64x1000000xf32, #tpu.memory_space<hbm>> -> memref<64x128xf32, #tpu.memory_space<hbm>>
      %dma_wait3A_959 = arith.constant 0 : i32
      %dma_wait3A_960 = arith.constant 0 : i32
      %dma_wait3A_961 = tpu.memref_slice %arg12[%dma_wait3A_952, %dma_wait3A_959, %dma_wait3A_960] : memref<4x64x128xf32, #tpu.memory_space<vmem>> -> memref<1x64x128xf32, #tpu.memory_space<vmem>>
      %dma_wait3A_962 = tpu.memref_squeeze %dma_wait3A_961 : memref<1x64x128xf32, #tpu.memory_space<vmem>> -> memref<64x128xf32, #tpu.memory_space<vmem>>
      %dma_wait3A_963 = arith.constant 0 : i32
      %dma_wait3A_964 = tpu.memref_slice %arg6[%dma_wait3A_963, %multiple_of3A_717] : memref<64x1000000xf32, #tpu.memory_space<hbm>> -> memref<64x128xf32, #tpu.memory_space<hbm>>
      tpu.wait_dma2 semaphore(%arg15 : memref<!tpu.dma_semaphore, #tpu.memory_space<semaphore_mem>>) src(%dma_wait3A_964 : memref<64x128xf32, #tpu.memory_space<hbm>>) dst(%dma_wait3A_962 : memref<64x128xf32, #tpu.memory_space<vmem>>)
      %dma_wait3A_965 = arith.constant 1 : i32
      %dma_wait3A_966 = arith.constant 0 : i32
      %dma_wait3A_967 = arith.constant 0 : i32
      %dma_wait3A_968 = tpu.memref_slice %arg13[%dma_wait3A_965, %dma_wait3A_966, %dma_wait3A_967] : memref<4x64x128xf32, #tpu.memory_space<vmem>> -> memref<1x64x128xf32, #tpu.memory_space<vmem>>
      %dma_wait3A_969 = tpu.memref_squeeze %dma_wait3A_968 : memref<1x64x128xf32, #tpu.memory_space<vmem>> -> memref<64x128xf32, #tpu.memory_space<vmem>>
      %dma_wait3A_970 = arith.constant 0 : i32
      %dma_wait3A_971 = tpu.memref_slice %arg6[%dma_wait3A_970, %multiple_of3A_722] : memref<64x1000000xf32, #tpu.memory_space<hbm>> -> memref<64x128xf32, #tpu.memory_space<hbm>>
      %dma_wait3A_972 = arith.constant 0 : i32
      %dma_wait3A_973 = arith.constant 0 : i32
      %dma_wait3A_974 = tpu.memref_slice %arg13[%dma_wait3A_965, %dma_wait3A_972, %dma_wait3A_973] : memref<4x64x128xf32, #tpu.memory_space<vmem>> -> memref<1x64x128xf32, #tpu.memory_space<vmem>>
      %dma_wait3A_975 = tpu.memref_squeeze %dma_wait3A_974 : memref<1x64x128xf32, #tpu.memory_space<vmem>> -> memref<64x128xf32, #tpu.memory_space<vmem>>
      %dma_wait3A_976 = arith.constant 0 : i32
      %dma_wait3A_977 = tpu.memref_slice %arg6[%dma_wait3A_976, %multiple_of3A_722] : memref<64x1000000xf32, #tpu.memory_space<hbm>> -> memref<64x128xf32, #tpu.memory_space<hbm>>
      tpu.wait_dma2 semaphore(%arg15 : memref<!tpu.dma_semaphore, #tpu.memory_space<semaphore_mem>>) src(%dma_wait3A_977 : memref<64x128xf32, #tpu.memory_space<hbm>>) dst(%dma_wait3A_975 : memref<64x128xf32, #tpu.memory_space<vmem>>)
      %dma_wait3A_978 = arith.constant 2 : i32
      %dma_wait3A_979 = arith.constant 0 : i32
      %dma_wait3A_980 = arith.constant 0 : i32
      %dma_wait3A_981 = tpu.memref_slice %arg11[%dma_wait3A_978, %dma_wait3A_979, %dma_wait3A_980] : memref<4x64x128xf32, #tpu.memory_space<vmem>> -> memref<1x64x128xf32, #tpu.memory_space<vmem>>
      %dma_wait3A_982 = tpu.memref_squeeze %dma_wait3A_981 : memref<1x64x128xf32, #tpu.memory_space<vmem>> -> memref<64x128xf32, #tpu.memory_space<vmem>>
      %dma_wait3A_983 = arith.constant 0 : i32
      %dma_wait3A_984 = tpu.memref_slice %arg5[%dma_wait3A_983, %multiple_of3A_778] : memref<64x1000000xf32, #tpu.memory_space<hbm>> -> memref<64x128xf32, #tpu.memory_space<hbm>>
      %dma_wait3A_985 = arith.constant 0 : i32
      %dma_wait3A_986 = arith.constant 0 : i32
      %dma_wait3A_987 = tpu.memref_slice %arg11[%dma_wait3A_978, %dma_wait3A_985, %dma_wait3A_986] : memref<4x64x128xf32, #tpu.memory_space<vmem>> -> memref<1x64x128xf32, #tpu.memory_space<vmem>>
      %dma_wait3A_988 = tpu.memref_squeeze %dma_wait3A_987 : memref<1x64x128xf32, #tpu.memory_space<vmem>> -> memref<64x128xf32, #tpu.memory_space<vmem>>
      %dma_wait3A_989 = arith.constant 0 : i32
      %dma_wait3A_990 = tpu.memref_slice %arg5[%dma_wait3A_989, %multiple_of3A_778] : memref<64x1000000xf32, #tpu.memory_space<hbm>> -> memref<64x128xf32, #tpu.memory_space<hbm>>
      tpu.wait_dma2 semaphore(%arg15 : memref<!tpu.dma_semaphore, #tpu.memory_space<semaphore_mem>>) src(%dma_wait3A_990 : memref<64x128xf32, #tpu.memory_space<hbm>>) dst(%dma_wait3A_988 : memref<64x128xf32, #tpu.memory_space<vmem>>)
      %dma_wait3A_991 = arith.constant 2 : i32
      %dma_wait3A_992 = arith.constant 0 : i32
      %dma_wait3A_993 = arith.constant 0 : i32
      %dma_wait3A_994 = tpu.memref_slice %arg12[%dma_wait3A_991, %dma_wait3A_992, %dma_wait3A_993] : memref<4x64x128xf32, #tpu.memory_space<vmem>> -> memref<1x64x128xf32, #tpu.memory_space<vmem>>
      %dma_wait3A_995 = tpu.memref_squeeze %dma_wait3A_994 : memref<1x64x128xf32, #tpu.memory_space<vmem>> -> memref<64x128xf32, #tpu.memory_space<vmem>>
      %dma_wait3A_996 = arith.constant 0 : i32
      %dma_wait3A_997 = tpu.memref_slice %arg6[%dma_wait3A_996, %multiple_of3A_783] : memref<64x1000000xf32, #tpu.memory_space<hbm>> -> memref<64x128xf32, #tpu.memory_space<hbm>>
      %dma_wait3A_998 = arith.constant 0 : i32
      %dma_wait3A_999 = arith.constant 0 : i32
      %dma_wait3A_1000 = tpu.memref_slice %arg12[%dma_wait3A_991, %dma_wait3A_998, %dma_wait3A_999] : memref<4x64x128xf32, #tpu.memory_space<vmem>> -> memref<1x64x128xf32, #tpu.memory_space<vmem>>
      %dma_wait3A_1001 = tpu.memref_squeeze %dma_wait3A_1000 : memref<1x64x128xf32, #tpu.memory_space<vmem>> -> memref<64x128xf32, #tpu.memory_space<vmem>>
      %dma_wait3A_1002 = arith.constant 0 : i32
      %dma_wait3A_1003 = tpu.memref_slice %arg6[%dma_wait3A_1002, %multiple_of3A_783] : memref<64x1000000xf32, #tpu.memory_space<hbm>> -> memref<64x128xf32, #tpu.memory_space<hbm>>
      tpu.wait_dma2 semaphore(%arg15 : memref<!tpu.dma_semaphore, #tpu.memory_space<semaphore_mem>>) src(%dma_wait3A_1003 : memref<64x128xf32, #tpu.memory_space<hbm>>) dst(%dma_wait3A_1001 : memref<64x128xf32, #tpu.memory_space<vmem>>)
      %dma_wait3A_1004 = arith.constant 2 : i32
      %dma_wait3A_1005 = arith.constant 0 : i32
      %dma_wait3A_1006 = arith.constant 0 : i32
      %dma_wait3A_1007 = tpu.memref_slice %arg13[%dma_wait3A_1004, %dma_wait3A_1005, %dma_wait3A_1006] : memref<4x64x128xf32, #tpu.memory_space<vmem>> -> memref<1x64x128xf32, #tpu.memory_space<vmem>>
      %dma_wait3A_1008 = tpu.memref_squeeze %dma_wait3A_1007 : memref<1x64x128xf32, #tpu.memory_space<vmem>> -> memref<64x128xf32, #tpu.memory_space<vmem>>
      %dma_wait3A_1009 = arith.constant 0 : i32
      %dma_wait3A_1010 = tpu.memref_slice %arg6[%dma_wait3A_1009, %multiple_of3A_788] : memref<64x1000000xf32, #tpu.memory_space<hbm>> -> memref<64x128xf32, #tpu.memory_space<hbm>>
      %dma_wait3A_1011 = arith.constant 0 : i32
      %dma_wait3A_1012 = arith.constant 0 : i32
      %dma_wait3A_1013 = tpu.memref_slice %arg13[%dma_wait3A_1004, %dma_wait3A_1011, %dma_wait3A_1012] : memref<4x64x128xf32, #tpu.memory_space<vmem>> -> memref<1x64x128xf32, #tpu.memory_space<vmem>>
      %dma_wait3A_1014 = tpu.memref_squeeze %dma_wait3A_1013 : memref<1x64x128xf32, #tpu.memory_space<vmem>> -> memref<64x128xf32, #tpu.memory_space<vmem>>
      %dma_wait3A_1015 = arith.constant 0 : i32
      %dma_wait3A_1016 = tpu.memref_slice %arg6[%dma_wait3A_1015, %multiple_of3A_788] : memref<64x1000000xf32, #tpu.memory_space<hbm>> -> memref<64x128xf32, #tpu.memory_space<hbm>>
      tpu.wait_dma2 semaphore(%arg15 : memref<!tpu.dma_semaphore, #tpu.memory_space<semaphore_mem>>) src(%dma_wait3A_1016 : memref<64x128xf32, #tpu.memory_space<hbm>>) dst(%dma_wait3A_1014 : memref<64x128xf32, #tpu.memory_space<vmem>>)
      %dma_wait3A_1017 = arith.constant 3 : i32
      %dma_wait3A_1018 = arith.constant 0 : i32
      %dma_wait3A_1019 = arith.constant 0 : i32
      %dma_wait3A_1020 = tpu.memref_slice %arg11[%dma_wait3A_1017, %dma_wait3A_1018, %dma_wait3A_1019] : memref<4x64x128xf32, #tpu.memory_space<vmem>> -> memref<1x64x128xf32, #tpu.memory_space<vmem>>
      %dma_wait3A_1021 = tpu.memref_squeeze %dma_wait3A_1020 : memref<1x64x128xf32, #tpu.memory_space<vmem>> -> memref<64x128xf32, #tpu.memory_space<vmem>>
      %dma_wait3A_1022 = arith.constant 0 : i32
      %dma_wait3A_1023 = tpu.memref_slice %arg5[%dma_wait3A_1022, %multiple_of3A_844] : memref<64x1000000xf32, #tpu.memory_space<hbm>> -> memref<64x128xf32, #tpu.memory_space<hbm>>
      %dma_wait3A_1024 = arith.constant 0 : i32
      %dma_wait3A_1025 = arith.constant 0 : i32
      %dma_wait3A_1026 = tpu.memref_slice %arg11[%dma_wait3A_1017, %dma_wait3A_1024, %dma_wait3A_1025] : memref<4x64x128xf32, #tpu.memory_space<vmem>> -> memref<1x64x128xf32, #tpu.memory_space<vmem>>
      %dma_wait3A_1027 = tpu.memref_squeeze %dma_wait3A_1026 : memref<1x64x128xf32, #tpu.memory_space<vmem>> -> memref<64x128xf32, #tpu.memory_space<vmem>>
      %dma_wait3A_1028 = arith.constant 0 : i32
      %dma_wait3A_1029 = tpu.memref_slice %arg5[%dma_wait3A_1028, %multiple_of3A_844] : memref<64x1000000xf32, #tpu.memory_space<hbm>> -> memref<64x128xf32, #tpu.memory_space<hbm>>
      tpu.wait_dma2 semaphore(%arg15 : memref<!tpu.dma_semaphore, #tpu.memory_space<semaphore_mem>>) src(%dma_wait3A_1029 : memref<64x128xf32, #tpu.memory_space<hbm>>) dst(%dma_wait3A_1027 : memref<64x128xf32, #tpu.memory_space<vmem>>)
      %dma_wait3A_1030 = arith.constant 3 : i32
      %dma_wait3A_1031 = arith.constant 0 : i32
      %dma_wait3A_1032 = arith.constant 0 : i32
      %dma_wait3A_1033 = tpu.memref_slice %arg12[%dma_wait3A_1030, %dma_wait3A_1031, %dma_wait3A_1032] : memref<4x64x128xf32, #tpu.memory_space<vmem>> -> memref<1x64x128xf32, #tpu.memory_space<vmem>>
      %dma_wait3A_1034 = tpu.memref_squeeze %dma_wait3A_1033 : memref<1x64x128xf32, #tpu.memory_space<vmem>> -> memref<64x128xf32, #tpu.memory_space<vmem>>
      %dma_wait3A_1035 = arith.constant 0 : i32
      %dma_wait3A_1036 = tpu.memref_slice %arg6[%dma_wait3A_1035, %multiple_of3A_849] : memref<64x1000000xf32, #tpu.memory_space<hbm>> -> memref<64x128xf32, #tpu.memory_space<hbm>>
      %dma_wait3A_1037 = arith.constant 0 : i32
      %dma_wait3A_1038 = arith.constant 0 : i32
      %dma_wait3A_1039 = tpu.memref_slice %arg12[%dma_wait3A_1030, %dma_wait3A_1037, %dma_wait3A_1038] : memref<4x64x128xf32, #tpu.memory_space<vmem>> -> memref<1x64x128xf32, #tpu.memory_space<vmem>>
      %dma_wait3A_1040 = tpu.memref_squeeze %dma_wait3A_1039 : memref<1x64x128xf32, #tpu.memory_space<vmem>> -> memref<64x128xf32, #tpu.memory_space<vmem>>
      %dma_wait3A_1041 = arith.constant 0 : i32
      %dma_wait3A_1042 = tpu.memref_slice %arg6[%dma_wait3A_1041, %multiple_of3A_849] : memref<64x1000000xf32, #tpu.memory_space<hbm>> -> memref<64x128xf32, #tpu.memory_space<hbm>>
      tpu.wait_dma2 semaphore(%arg15 : memref<!tpu.dma_semaphore, #tpu.memory_space<semaphore_mem>>) src(%dma_wait3A_1042 : memref<64x128xf32, #tpu.memory_space<hbm>>) dst(%dma_wait3A_1040 : memref<64x128xf32, #tpu.memory_space<vmem>>)
      %dma_wait3A_1043 = arith.constant 3 : i32
      %dma_wait3A_1044 = arith.constant 0 : i32
      %dma_wait3A_1045 = arith.constant 0 : i32
      %dma_wait3A_1046 = tpu.memref_slice %arg13[%dma_wait3A_1043, %dma_wait3A_1044, %dma_wait3A_1045] : memref<4x64x128xf32, #tpu.memory_space<vmem>> -> memref<1x64x128xf32, #tpu.memory_space<vmem>>
      %dma_wait3A_1047 = tpu.memref_squeeze %dma_wait3A_1046 : memref<1x64x128xf32, #tpu.memory_space<vmem>> -> memref<64x128xf32, #tpu.memory_space<vmem>>
      %dma_wait3A_1048 = arith.constant 0 : i32
      %dma_wait3A_1049 = tpu.memref_slice %arg6[%dma_wait3A_1048, %multiple_of3A_854] : memref<64x1000000xf32, #tpu.memory_space<hbm>> -> memref<64x128xf32, #tpu.memory_space<hbm>>
      %dma_wait3A_1050 = arith.constant 0 : i32
      %dma_wait3A_1051 = arith.constant 0 : i32
      %dma_wait3A_1052 = tpu.memref_slice %arg13[%dma_wait3A_1043, %dma_wait3A_1050, %dma_wait3A_1051] : memref<4x64x128xf32, #tpu.memory_space<vmem>> -> memref<1x64x128xf32, #tpu.memory_space<vmem>>
      %dma_wait3A_1053 = tpu.memref_squeeze %dma_wait3A_1052 : memref<1x64x128xf32, #tpu.memory_space<vmem>> -> memref<64x128xf32, #tpu.memory_space<vmem>>
      %dma_wait3A_1054 = arith.constant 0 : i32
      %dma_wait3A_1055 = tpu.memref_slice %arg6[%dma_wait3A_1054, %multiple_of3A_854] : memref<64x1000000xf32, #tpu.memory_space<hbm>> -> memref<64x128xf32, #tpu.memory_space<hbm>>
      tpu.wait_dma2 semaphore(%arg15 : memref<!tpu.dma_semaphore, #tpu.memory_space<semaphore_mem>>) src(%dma_wait3A_1055 : memref<64x128xf32, #tpu.memory_space<hbm>>) dst(%dma_wait3A_1053 : memref<64x128xf32, #tpu.memory_space<vmem>>)
      %broadcast_in_dim3A_1056 = arith.constant 0 : i32
      %broadcast_in_dim3A_1057 = vector.broadcast %broadcast_in_dim3A_1056 : i32 to vector<16xi32>
      %broadcast_in_dim3A_1058 = vector.broadcast %and3A_697 : i32 to vector<16xi32>
      %broadcast_in_dim3A_1059 = vector.broadcast %and3A_699 : i32 to vector<16xi32>
      %broadcast_in_dim3A_1060 = vector.broadcast %and3A_701 : i32 to vector<16xi32>
      %broadcast_in_dim3A_1061 = arith.constant 0.000000e+00 : f32
      %broadcast_in_dim3A_1062 = vector.broadcast %broadcast_in_dim3A_1061 : f32 to vector<16xf32>
      %add3A_1063 = arith.constant 0 : i32
      %add3A_1064 = vector.broadcast %add3A_1063 : i32 to vector<16xi32>
      %add3A_1065 = arith.addi %add3A_1064, %iota3A : vector<16xi32>
      %gather3A_1066 = tpu.vector_load_idx %arg11[%broadcast_in_dim3A_1057, %add3A_1065, %broadcast_in_dim3A_1058] : memref<4x64x128xf32, #tpu.memory_space<vmem>>[vector<16xi32>, vector<16xi32>, vector<16xi32>], vector<16xf32>,
      %gather3A_1067 = tpu.vector_load_idx %arg12[%broadcast_in_dim3A_1057, %add3A_1065, %broadcast_in_dim3A_1059] : memref<4x64x128xf32, #tpu.memory_space<vmem>>[vector<16xi32>, vector<16xi32>, vector<16xi32>], vector<16xf32>,
      %gather3A_1068 = tpu.vector_load_idx %arg13[%broadcast_in_dim3A_1057, %add3A_1065, %broadcast_in_dim3A_1060] : memref<4x64x128xf32, #tpu.memory_space<vmem>>[vector<16xi32>, vector<16xi32>, vector<16xi32>], vector<16xf32>,
      %sub3A_1069 = arith.subf %gather3A_1067, %gather3A_1068 : vector<16xf32>
      %mul3A_1070 = arith.mulf %gather3A_1066, %sub3A_1069 : vector<16xf32>
      %add3A_1071 = arith.addf %broadcast_in_dim3A_1062, %mul3A_1070 : vector<16xf32>
      %add3A_1072 = arith.constant 16 : i32
      %add3A_1073 = vector.broadcast %add3A_1072 : i32 to vector<16xi32>
      %add3A_1074 = arith.addi %add3A_1073, %iota3A : vector<16xi32>
      %gather3A_1075 = tpu.vector_load_idx %arg11[%broadcast_in_dim3A_1057, %add3A_1074, %broadcast_in_dim3A_1058] : memref<4x64x128xf32, #tpu.memory_space<vmem>>[vector<16xi32>, vector<16xi32>, vector<16xi32>], vector<16xf32>,
      %gather3A_1076 = tpu.vector_load_idx %arg12[%broadcast_in_dim3A_1057, %add3A_1074, %broadcast_in_dim3A_1059] : memref<4x64x128xf32, #tpu.memory_space<vmem>>[vector<16xi32>, vector<16xi32>, vector<16xi32>], vector<16xf32>,
      %gather3A_1077 = tpu.vector_load_idx %arg13[%broadcast_in_dim3A_1057, %add3A_1074, %broadcast_in_dim3A_1060] : memref<4x64x128xf32, #tpu.memory_space<vmem>>[vector<16xi32>, vector<16xi32>, vector<16xi32>], vector<16xf32>,
      %sub3A_1078 = arith.subf %gather3A_1076, %gather3A_1077 : vector<16xf32>
      %mul3A_1079 = arith.mulf %gather3A_1075, %sub3A_1078 : vector<16xf32>
      %add3A_1080 = arith.addf %add3A_1071, %mul3A_1079 : vector<16xf32>
      %add3A_1081 = arith.constant 32 : i32
      %add3A_1082 = vector.broadcast %add3A_1081 : i32 to vector<16xi32>
      %add3A_1083 = arith.addi %add3A_1082, %iota3A : vector<16xi32>
      %gather3A_1084 = tpu.vector_load_idx %arg11[%broadcast_in_dim3A_1057, %add3A_1083, %broadcast_in_dim3A_1058] : memref<4x64x128xf32, #tpu.memory_space<vmem>>[vector<16xi32>, vector<16xi32>, vector<16xi32>], vector<16xf32>,
      %gather3A_1085 = tpu.vector_load_idx %arg12[%broadcast_in_dim3A_1057, %add3A_1083, %broadcast_in_dim3A_1059] : memref<4x64x128xf32, #tpu.memory_space<vmem>>[vector<16xi32>, vector<16xi32>, vector<16xi32>], vector<16xf32>,
      %gather3A_1086 = tpu.vector_load_idx %arg13[%broadcast_in_dim3A_1057, %add3A_1083, %broadcast_in_dim3A_1060] : memref<4x64x128xf32, #tpu.memory_space<vmem>>[vector<16xi32>, vector<16xi32>, vector<16xi32>], vector<16xf32>,
      %sub3A_1087 = arith.subf %gather3A_1085, %gather3A_1086 : vector<16xf32>
      %mul3A_1088 = arith.mulf %gather3A_1084, %sub3A_1087 : vector<16xf32>
      %add3A_1089 = arith.addf %add3A_1080, %mul3A_1088 : vector<16xf32>
      %add3A_1090 = arith.constant 48 : i32
      %add3A_1091 = vector.broadcast %add3A_1090 : i32 to vector<16xi32>
      %add3A_1092 = arith.addi %add3A_1091, %iota3A : vector<16xi32>
      %gather3A_1093 = tpu.vector_load_idx %arg11[%broadcast_in_dim3A_1057, %add3A_1092, %broadcast_in_dim3A_1058] : memref<4x64x128xf32, #tpu.memory_space<vmem>>[vector<16xi32>, vector<16xi32>, vector<16xi32>], vector<16xf32>,
      %gather3A_1094 = tpu.vector_load_idx %arg12[%broadcast_in_dim3A_1057, %add3A_1092, %broadcast_in_dim3A_1059] : memref<4x64x128xf32, #tpu.memory_space<vmem>>[vector<16xi32>, vector<16xi32>, vector<16xi32>], vector<16xf32>,
      %gather3A_1095 = tpu.vector_load_idx %arg13[%broadcast_in_dim3A_1057, %add3A_1092, %broadcast_in_dim3A_1060] : memref<4x64x128xf32, #tpu.memory_space<vmem>>[vector<16xi32>, vector<16xi32>, vector<16xi32>], vector<16xf32>,
      %sub3A_1096 = arith.subf %gather3A_1094, %gather3A_1095 : vector<16xf32>
      %mul3A_1097 = arith.mulf %gather3A_1093, %sub3A_1096 : vector<16xf32>
      %add3A_1098 = arith.addf %add3A_1089, %mul3A_1097 : vector<16xf32>
      %reduce_sum3A_1099 = arith.constant true
      %reduce_sum3A_1100 = vector.broadcast %reduce_sum3A_1099 : i1 to vector<16xi1>
      %reduce_sum3A_1101 = tpu.scan <sum>, %add3A_1098 masked %reduce_sum3A_1100 : vector<16xf32>, vector<16xi1> -> vector<16xf32>
      %reduce_sum3A_1102 = vector.extract %reduce_sum3A_1101[15] : f32 from vector<16xf32>
      %eq3A_1103 = arith.constant 4 : i32
      %eq3A_1104 = vector.broadcast %eq3A_1103 : i32 to vector<16xi32>
      %eq3A_1105 = arith.cmpi eq, %iota3A, %eq3A_1104 : vector<16xi32>
      %broadcast_in_dim3A_1106 = vector.broadcast %reduce_sum3A_1102 : f32 to vector<16xf32>
      %select_n3A_1107 = arith.select %eq3A_1105, %broadcast_in_dim3A_1106, %select_n3A_635 : vector<16xi1>, vector<16xf32>
      %broadcast_in_dim3A_1108 = arith.constant 1 : i32
      %broadcast_in_dim3A_1109 = vector.broadcast %broadcast_in_dim3A_1108 : i32 to vector<16xi32>
      %broadcast_in_dim3A_1110 = vector.broadcast %and3A_763 : i32 to vector<16xi32>
      %broadcast_in_dim3A_1111 = vector.broadcast %and3A_765 : i32 to vector<16xi32>
      %broadcast_in_dim3A_1112 = vector.broadcast %and3A_767 : i32 to vector<16xi32>
      %broadcast_in_dim3A_1113 = arith.constant 0.000000e+00 : f32
      %broadcast_in_dim3A_1114 = vector.broadcast %broadcast_in_dim3A_1113 : f32 to vector<16xf32>
      %add3A_1115 = arith.constant 0 : i32
      %add3A_1116 = vector.broadcast %add3A_1115 : i32 to vector<16xi32>
      %add3A_1117 = arith.addi %add3A_1116, %iota3A : vector<16xi32>
      %gather3A_1118 = tpu.vector_load_idx %arg11[%broadcast_in_dim3A_1109, %add3A_1117, %broadcast_in_dim3A_1110] : memref<4x64x128xf32, #tpu.memory_space<vmem>>[vector<16xi32>, vector<16xi32>, vector<16xi32>], vector<16xf32>,
      %gather3A_1119 = tpu.vector_load_idx %arg12[%broadcast_in_dim3A_1109, %add3A_1117, %broadcast_in_dim3A_1111] : memref<4x64x128xf32, #tpu.memory_space<vmem>>[vector<16xi32>, vector<16xi32>, vector<16xi32>], vector<16xf32>,
      %gather3A_1120 = tpu.vector_load_idx %arg13[%broadcast_in_dim3A_1109, %add3A_1117, %broadcast_in_dim3A_1112] : memref<4x64x128xf32, #tpu.memory_space<vmem>>[vector<16xi32>, vector<16xi32>, vector<16xi32>], vector<16xf32>,
      %sub3A_1121 = arith.subf %gather3A_1119, %gather3A_1120 : vector<16xf32>
      %mul3A_1122 = arith.mulf %gather3A_1118, %sub3A_1121 : vector<16xf32>
      %add3A_1123 = arith.addf %broadcast_in_dim3A_1114, %mul3A_1122 : vector<16xf32>
      %add3A_1124 = arith.constant 16 : i32
      %add3A_1125 = vector.broadcast %add3A_1124 : i32 to vector<16xi32>
      %add3A_1126 = arith.addi %add3A_1125, %iota3A : vector<16xi32>
      %gather3A_1127 = tpu.vector_load_idx %arg11[%broadcast_in_dim3A_1109, %add3A_1126, %broadcast_in_dim3A_1110] : memref<4x64x128xf32, #tpu.memory_space<vmem>>[vector<16xi32>, vector<16xi32>, vector<16xi32>], vector<16xf32>,
      %gather3A_1128 = tpu.vector_load_idx %arg12[%broadcast_in_dim3A_1109, %add3A_1126, %broadcast_in_dim3A_1111] : memref<4x64x128xf32, #tpu.memory_space<vmem>>[vector<16xi32>, vector<16xi32>, vector<16xi32>], vector<16xf32>,
      %gather3A_1129 = tpu.vector_load_idx %arg13[%broadcast_in_dim3A_1109, %add3A_1126, %broadcast_in_dim3A_1112] : memref<4x64x128xf32, #tpu.memory_space<vmem>>[vector<16xi32>, vector<16xi32>, vector<16xi32>], vector<16xf32>,
      %sub3A_1130 = arith.subf %gather3A_1128, %gather3A_1129 : vector<16xf32>
      %mul3A_1131 = arith.mulf %gather3A_1127, %sub3A_1130 : vector<16xf32>
      %add3A_1132 = arith.addf %add3A_1123, %mul3A_1131 : vector<16xf32>
      %add3A_1133 = arith.constant 32 : i32
      %add3A_1134 = vector.broadcast %add3A_1133 : i32 to vector<16xi32>
      %add3A_1135 = arith.addi %add3A_1134, %iota3A : vector<16xi32>
      %gather3A_1136 = tpu.vector_load_idx %arg11[%broadcast_in_dim3A_1109, %add3A_1135, %broadcast_in_dim3A_1110] : memref<4x64x128xf32, #tpu.memory_space<vmem>>[vector<16xi32>, vector<16xi32>, vector<16xi32>], vector<16xf32>,
      %gather3A_1137 = tpu.vector_load_idx %arg12[%broadcast_in_dim3A_1109, %add3A_1135, %broadcast_in_dim3A_1111] : memref<4x64x128xf32, #tpu.memory_space<vmem>>[vector<16xi32>, vector<16xi32>, vector<16xi32>], vector<16xf32>,
      %gather3A_1138 = tpu.vector_load_idx %arg13[%broadcast_in_dim3A_1109, %add3A_1135, %broadcast_in_dim3A_1112] : memref<4x64x128xf32, #tpu.memory_space<vmem>>[vector<16xi32>, vector<16xi32>, vector<16xi32>], vector<16xf32>,
      %sub3A_1139 = arith.subf %gather3A_1137, %gather3A_1138 : vector<16xf32>
      %mul3A_1140 = arith.mulf %gather3A_1136, %sub3A_1139 : vector<16xf32>
      %add3A_1141 = arith.addf %add3A_1132, %mul3A_1140 : vector<16xf32>
      %add3A_1142 = arith.constant 48 : i32
      %add3A_1143 = vector.broadcast %add3A_1142 : i32 to vector<16xi32>
      %add3A_1144 = arith.addi %add3A_1143, %iota3A : vector<16xi32>
      %gather3A_1145 = tpu.vector_load_idx %arg11[%broadcast_in_dim3A_1109, %add3A_1144, %broadcast_in_dim3A_1110] : memref<4x64x128xf32, #tpu.memory_space<vmem>>[vector<16xi32>, vector<16xi32>, vector<16xi32>], vector<16xf32>,
      %gather3A_1146 = tpu.vector_load_idx %arg12[%broadcast_in_dim3A_1109, %add3A_1144, %broadcast_in_dim3A_1111] : memref<4x64x128xf32, #tpu.memory_space<vmem>>[vector<16xi32>, vector<16xi32>, vector<16xi32>], vector<16xf32>,
      %gather3A_1147 = tpu.vector_load_idx %arg13[%broadcast_in_dim3A_1109, %add3A_1144, %broadcast_in_dim3A_1112] : memref<4x64x128xf32, #tpu.memory_space<vmem>>[vector<16xi32>, vector<16xi32>, vector<16xi32>], vector<16xf32>,
      %sub3A_1148 = arith.subf %gather3A_1146, %gather3A_1147 : vector<16xf32>
      %mul3A_1149 = arith.mulf %gather3A_1145, %sub3A_1148 : vector<16xf32>
      %add3A_1150 = arith.addf %add3A_1141, %mul3A_1149 : vector<16xf32>
      %reduce_sum3A_1151 = arith.constant true
      %reduce_sum3A_1152 = vector.broadcast %reduce_sum3A_1151 : i1 to vector<16xi1>
      %reduce_sum3A_1153 = tpu.scan <sum>, %add3A_1150 masked %reduce_sum3A_1152 : vector<16xf32>, vector<16xi1> -> vector<16xf32>
      %reduce_sum3A_1154 = vector.extract %reduce_sum3A_1153[15] : f32 from vector<16xf32>
      %eq3A_1155 = arith.constant 5 : i32
      %eq3A_1156 = vector.broadcast %eq3A_1155 : i32 to vector<16xi32>
      %eq3A_1157 = arith.cmpi eq, %iota3A, %eq3A_1156 : vector<16xi32>
      %broadcast_in_dim3A_1158 = vector.broadcast %reduce_sum3A_1154 : f32 to vector<16xf32>
      %select_n3A_1159 = arith.select %eq3A_1157, %broadcast_in_dim3A_1158, %select_n3A_1107 : vector<16xi1>, vector<16xf32>
      %broadcast_in_dim3A_1160 = arith.constant 2 : i32
      %broadcast_in_dim3A_1161 = vector.broadcast %broadcast_in_dim3A_1160 : i32 to vector<16xi32>
      %broadcast_in_dim3A_1162 = vector.broadcast %and3A_829 : i32 to vector<16xi32>
      %broadcast_in_dim3A_1163 = vector.broadcast %and3A_831 : i32 to vector<16xi32>
      %broadcast_in_dim3A_1164 = vector.broadcast %and3A_833 : i32 to vector<16xi32>
      %broadcast_in_dim3A_1165 = arith.constant 0.000000e+00 : f32
      %broadcast_in_dim3A_1166 = vector.broadcast %broadcast_in_dim3A_1165 : f32 to vector<16xf32>
      %add3A_1167 = arith.constant 0 : i32
      %add3A_1168 = vector.broadcast %add3A_1167 : i32 to vector<16xi32>
      %add3A_1169 = arith.addi %add3A_1168, %iota3A : vector<16xi32>
      %gather3A_1170 = tpu.vector_load_idx %arg11[%broadcast_in_dim3A_1161, %add3A_1169, %broadcast_in_dim3A_1162] : memref<4x64x128xf32, #tpu.memory_space<vmem>>[vector<16xi32>, vector<16xi32>, vector<16xi32>], vector<16xf32>,
      %gather3A_1171 = tpu.vector_load_idx %arg12[%broadcast_in_dim3A_1161, %add3A_1169, %broadcast_in_dim3A_1163] : memref<4x64x128xf32, #tpu.memory_space<vmem>>[vector<16xi32>, vector<16xi32>, vector<16xi32>], vector<16xf32>,
      %gather3A_1172 = tpu.vector_load_idx %arg13[%broadcast_in_dim3A_1161, %add3A_1169, %broadcast_in_dim3A_1164] : memref<4x64x128xf32, #tpu.memory_space<vmem>>[vector<16xi32>, vector<16xi32>, vector<16xi32>], vector<16xf32>,
      %sub3A_1173 = arith.subf %gather3A_1171, %gather3A_1172 : vector<16xf32>
      %mul3A_1174 = arith.mulf %gather3A_1170, %sub3A_1173 : vector<16xf32>
      %add3A_1175 = arith.addf %broadcast_in_dim3A_1166, %mul3A_1174 : vector<16xf32>
      %add3A_1176 = arith.constant 16 : i32
      %add3A_1177 = vector.broadcast %add3A_1176 : i32 to vector<16xi32>
      %add3A_1178 = arith.addi %add3A_1177, %iota3A : vector<16xi32>
      %gather3A_1179 = tpu.vector_load_idx %arg11[%broadcast_in_dim3A_1161, %add3A_1178, %broadcast_in_dim3A_1162] : memref<4x64x128xf32, #tpu.memory_space<vmem>>[vector<16xi32>, vector<16xi32>, vector<16xi32>], vector<16xf32>,
      %gather3A_1180 = tpu.vector_load_idx %arg12[%broadcast_in_dim3A_1161, %add3A_1178, %broadcast_in_dim3A_1163] : memref<4x64x128xf32, #tpu.memory_space<vmem>>[vector<16xi32>, vector<16xi32>, vector<16xi32>], vector<16xf32>,
      %gather3A_1181 = tpu.vector_load_idx %arg13[%broadcast_in_dim3A_1161, %add3A_1178, %broadcast_in_dim3A_1164] : memref<4x64x128xf32, #tpu.memory_space<vmem>>[vector<16xi32>, vector<16xi32>, vector<16xi32>], vector<16xf32>,
      %sub3A_1182 = arith.subf %gather3A_1180, %gather3A_1181 : vector<16xf32>
      %mul3A_1183 = arith.mulf %gather3A_1179, %sub3A_1182 : vector<16xf32>
      %add3A_1184 = arith.addf %add3A_1175, %mul3A_1183 : vector<16xf32>
      %add3A_1185 = arith.constant 32 : i32
      %add3A_1186 = vector.broadcast %add3A_1185 : i32 to vector<16xi32>
      %add3A_1187 = arith.addi %add3A_1186, %iota3A : vector<16xi32>
      %gather3A_1188 = tpu.vector_load_idx %arg11[%broadcast_in_dim3A_1161, %add3A_1187, %broadcast_in_dim3A_1162] : memref<4x64x128xf32, #tpu.memory_space<vmem>>[vector<16xi32>, vector<16xi32>, vector<16xi32>], vector<16xf32>,
      %gather3A_1189 = tpu.vector_load_idx %arg12[%broadcast_in_dim3A_1161, %add3A_1187, %broadcast_in_dim3A_1163] : memref<4x64x128xf32, #tpu.memory_space<vmem>>[vector<16xi32>, vector<16xi32>, vector<16xi32>], vector<16xf32>,
      %gather3A_1190 = tpu.vector_load_idx %arg13[%broadcast_in_dim3A_1161, %add3A_1187, %broadcast_in_dim3A_1164] : memref<4x64x128xf32, #tpu.memory_space<vmem>>[vector<16xi32>, vector<16xi32>, vector<16xi32>], vector<16xf32>,
      %sub3A_1191 = arith.subf %gather3A_1189, %gather3A_1190 : vector<16xf32>
      %mul3A_1192 = arith.mulf %gather3A_1188, %sub3A_1191 : vector<16xf32>
      %add3A_1193 = arith.addf %add3A_1184, %mul3A_1192 : vector<16xf32>
      %add3A_1194 = arith.constant 48 : i32
      %add3A_1195 = vector.broadcast %add3A_1194 : i32 to vector<16xi32>
      %add3A_1196 = arith.addi %add3A_1195, %iota3A : vector<16xi32>
      %gather3A_1197 = tpu.vector_load_idx %arg11[%broadcast_in_dim3A_1161, %add3A_1196, %broadcast_in_dim3A_1162] : memref<4x64x128xf32, #tpu.memory_space<vmem>>[vector<16xi32>, vector<16xi32>, vector<16xi32>], vector<16xf32>,
      %gather3A_1198 = tpu.vector_load_idx %arg12[%broadcast_in_dim3A_1161, %add3A_1196, %broadcast_in_dim3A_1163] : memref<4x64x128xf32, #tpu.memory_space<vmem>>[vector<16xi32>, vector<16xi32>, vector<16xi32>], vector<16xf32>,
      %gather3A_1199 = tpu.vector_load_idx %arg13[%broadcast_in_dim3A_1161, %add3A_1196, %broadcast_in_dim3A_1164] : memref<4x64x128xf32, #tpu.memory_space<vmem>>[vector<16xi32>, vector<16xi32>, vector<16xi32>], vector<16xf32>,
      %sub3A_1200 = arith.subf %gather3A_1198, %gather3A_1199 : vector<16xf32>
      %mul3A_1201 = arith.mulf %gather3A_1197, %sub3A_1200 : vector<16xf32>
      %add3A_1202 = arith.addf %add3A_1193, %mul3A_1201 : vector<16xf32>
      %reduce_sum3A_1203 = arith.constant true
      %reduce_sum3A_1204 = vector.broadcast %reduce_sum3A_1203 : i1 to vector<16xi1>
      %reduce_sum3A_1205 = tpu.scan <sum>, %add3A_1202 masked %reduce_sum3A_1204 : vector<16xf32>, vector<16xi1> -> vector<16xf32>
      %reduce_sum3A_1206 = vector.extract %reduce_sum3A_1205[15] : f32 from vector<16xf32>
      %eq3A_1207 = arith.constant 6 : i32
      %eq3A_1208 = vector.broadcast %eq3A_1207 : i32 to vector<16xi32>
      %eq3A_1209 = arith.cmpi eq, %iota3A, %eq3A_1208 : vector<16xi32>
      %broadcast_in_dim3A_1210 = vector.broadcast %reduce_sum3A_1206 : f32 to vector<16xf32>
      %select_n3A_1211 = arith.select %eq3A_1209, %broadcast_in_dim3A_1210, %select_n3A_1159 : vector<16xi1>, vector<16xf32>
      %broadcast_in_dim3A_1212 = arith.constant 3 : i32
      %broadcast_in_dim3A_1213 = vector.broadcast %broadcast_in_dim3A_1212 : i32 to vector<16xi32>
      %broadcast_in_dim3A_1214 = vector.broadcast %and3A_895 : i32 to vector<16xi32>
      %broadcast_in_dim3A_1215 = vector.broadcast %and3A_897 : i32 to vector<16xi32>
      %broadcast_in_dim3A_1216 = vector.broadcast %and3A_899 : i32 to vector<16xi32>
      %broadcast_in_dim3A_1217 = arith.constant 0.000000e+00 : f32
      %broadcast_in_dim3A_1218 = vector.broadcast %broadcast_in_dim3A_1217 : f32 to vector<16xf32>
      %add3A_1219 = arith.constant 0 : i32
      %add3A_1220 = vector.broadcast %add3A_1219 : i32 to vector<16xi32>
      %add3A_1221 = arith.addi %add3A_1220, %iota3A : vector<16xi32>
      %gather3A_1222 = tpu.vector_load_idx %arg11[%broadcast_in_dim3A_1213, %add3A_1221, %broadcast_in_dim3A_1214] : memref<4x64x128xf32, #tpu.memory_space<vmem>>[vector<16xi32>, vector<16xi32>, vector<16xi32>], vector<16xf32>,
      %gather3A_1223 = tpu.vector_load_idx %arg12[%broadcast_in_dim3A_1213, %add3A_1221, %broadcast_in_dim3A_1215] : memref<4x64x128xf32, #tpu.memory_space<vmem>>[vector<16xi32>, vector<16xi32>, vector<16xi32>], vector<16xf32>,
      %gather3A_1224 = tpu.vector_load_idx %arg13[%broadcast_in_dim3A_1213, %add3A_1221, %broadcast_in_dim3A_1216] : memref<4x64x128xf32, #tpu.memory_space<vmem>>[vector<16xi32>, vector<16xi32>, vector<16xi32>], vector<16xf32>,
      %sub3A_1225 = arith.subf %gather3A_1223, %gather3A_1224 : vector<16xf32>
      %mul3A_1226 = arith.mulf %gather3A_1222, %sub3A_1225 : vector<16xf32>
      %add3A_1227 = arith.addf %broadcast_in_dim3A_1218, %mul3A_1226 : vector<16xf32>
      %add3A_1228 = arith.constant 16 : i32
      %add3A_1229 = vector.broadcast %add3A_1228 : i32 to vector<16xi32>
      %add3A_1230 = arith.addi %add3A_1229, %iota3A : vector<16xi32>
      %gather3A_1231 = tpu.vector_load_idx %arg11[%broadcast_in_dim3A_1213, %add3A_1230, %broadcast_in_dim3A_1214] : memref<4x64x128xf32, #tpu.memory_space<vmem>>[vector<16xi32>, vector<16xi32>, vector<16xi32>], vector<16xf32>,
      %gather3A_1232 = tpu.vector_load_idx %arg12[%broadcast_in_dim3A_1213, %add3A_1230, %broadcast_in_dim3A_1215] : memref<4x64x128xf32, #tpu.memory_space<vmem>>[vector<16xi32>, vector<16xi32>, vector<16xi32>], vector<16xf32>,
      %gather3A_1233 = tpu.vector_load_idx %arg13[%broadcast_in_dim3A_1213, %add3A_1230, %broadcast_in_dim3A_1216] : memref<4x64x128xf32, #tpu.memory_space<vmem>>[vector<16xi32>, vector<16xi32>, vector<16xi32>], vector<16xf32>,
      %sub3A_1234 = arith.subf %gather3A_1232, %gather3A_1233 : vector<16xf32>
      %mul3A_1235 = arith.mulf %gather3A_1231, %sub3A_1234 : vector<16xf32>
      %add3A_1236 = arith.addf %add3A_1227, %mul3A_1235 : vector<16xf32>
      %add3A_1237 = arith.constant 32 : i32
      %add3A_1238 = vector.broadcast %add3A_1237 : i32 to vector<16xi32>
      %add3A_1239 = arith.addi %add3A_1238, %iota3A : vector<16xi32>
      %gather3A_1240 = tpu.vector_load_idx %arg11[%broadcast_in_dim3A_1213, %add3A_1239, %broadcast_in_dim3A_1214] : memref<4x64x128xf32, #tpu.memory_space<vmem>>[vector<16xi32>, vector<16xi32>, vector<16xi32>], vector<16xf32>,
      %gather3A_1241 = tpu.vector_load_idx %arg12[%broadcast_in_dim3A_1213, %add3A_1239, %broadcast_in_dim3A_1215] : memref<4x64x128xf32, #tpu.memory_space<vmem>>[vector<16xi32>, vector<16xi32>, vector<16xi32>], vector<16xf32>,
      %gather3A_1242 = tpu.vector_load_idx %arg13[%broadcast_in_dim3A_1213, %add3A_1239, %broadcast_in_dim3A_1216] : memref<4x64x128xf32, #tpu.memory_space<vmem>>[vector<16xi32>, vector<16xi32>, vector<16xi32>], vector<16xf32>,
      %sub3A_1243 = arith.subf %gather3A_1241, %gather3A_1242 : vector<16xf32>
      %mul3A_1244 = arith.mulf %gather3A_1240, %sub3A_1243 : vector<16xf32>
      %add3A_1245 = arith.addf %add3A_1236, %mul3A_1244 : vector<16xf32>
      %add3A_1246 = arith.constant 48 : i32
      %add3A_1247 = vector.broadcast %add3A_1246 : i32 to vector<16xi32>
      %add3A_1248 = arith.addi %add3A_1247, %iota3A : vector<16xi32>
      %gather3A_1249 = tpu.vector_load_idx %arg11[%broadcast_in_dim3A_1213, %add3A_1248, %broadcast_in_dim3A_1214] : memref<4x64x128xf32, #tpu.memory_space<vmem>>[vector<16xi32>, vector<16xi32>, vector<16xi32>], vector<16xf32>,
      %gather3A_1250 = tpu.vector_load_idx %arg12[%broadcast_in_dim3A_1213, %add3A_1248, %broadcast_in_dim3A_1215] : memref<4x64x128xf32, #tpu.memory_space<vmem>>[vector<16xi32>, vector<16xi32>, vector<16xi32>], vector<16xf32>,
      %gather3A_1251 = tpu.vector_load_idx %arg13[%broadcast_in_dim3A_1213, %add3A_1248, %broadcast_in_dim3A_1216] : memref<4x64x128xf32, #tpu.memory_space<vmem>>[vector<16xi32>, vector<16xi32>, vector<16xi32>], vector<16xf32>,
      %sub3A_1252 = arith.subf %gather3A_1250, %gather3A_1251 : vector<16xf32>
      %mul3A_1253 = arith.mulf %gather3A_1249, %sub3A_1252 : vector<16xf32>
      %add3A_1254 = arith.addf %add3A_1245, %mul3A_1253 : vector<16xf32>
      %reduce_sum3A_1255 = arith.constant true
      %reduce_sum3A_1256 = vector.broadcast %reduce_sum3A_1255 : i1 to vector<16xi1>
      %reduce_sum3A_1257 = tpu.scan <sum>, %add3A_1254 masked %reduce_sum3A_1256 : vector<16xf32>, vector<16xi1> -> vector<16xf32>
      %reduce_sum3A_1258 = vector.extract %reduce_sum3A_1257[15] : f32 from vector<16xf32>
      %eq3A_1259 = arith.constant 7 : i32
      %eq3A_1260 = vector.broadcast %eq3A_1259 : i32 to vector<16xi32>
      %eq3A_1261 = arith.cmpi eq, %iota3A, %eq3A_1260 : vector<16xi32>
      %broadcast_in_dim3A_1262 = vector.broadcast %reduce_sum3A_1258 : f32 to vector<16xf32>
      %select_n3A_1263 = arith.select %eq3A_1261, %broadcast_in_dim3A_1262, %select_n3A_1211 : vector<16xi1>, vector<16xf32>
      %slice3A_1264 = vector.extract_strided_slice %get3A_11 {offsets = [8], sizes = [1], strides = [1]} : vector<16xi32> to vector<1xi32>
      %squeeze3A_1265 = vector.extract %slice3A_1264[0] : i32 from vector<1xi32>
      %slice3A_1266 = vector.extract_strided_slice %get3A_15 {offsets = [8], sizes = [1], strides = [1]} : vector<16xi32> to vector<1xi32>
      %squeeze3A_1267 = vector.extract %slice3A_1266[0] : i32 from vector<1xi32>
      %slice3A_1268 = vector.extract_strided_slice %get3A_19 {offsets = [8], sizes = [1], strides = [1]} : vector<16xi32> to vector<1xi32>
      %squeeze3A_1269 = vector.extract %slice3A_1268[0] : i32 from vector<1xi32>
      %shift_right_arithmetic3A_1270 = arith.constant 7 : i32
      %shift_right_arithmetic3A_1271 = arith.shrsi %squeeze3A_1265, %shift_right_arithmetic3A_1270 : i32
      %shift_left3A_1272 = arith.constant 7 : i32
      %shift_left3A_1273 = arith.shli %shift_right_arithmetic3A_1271, %shift_left3A_1272 : i32
      %multiple_of3A_1274 = tpu.assume_multiple %shift_left3A_1273, 128 : i32
      %shift_right_arithmetic3A_1275 = arith.constant 7 : i32
      %shift_right_arithmetic3A_1276 = arith.shrsi %squeeze3A_1267, %shift_right_arithmetic3A_1275 : i32
      %shift_left3A_1277 = arith.constant 7 : i32
      %shift_left3A_1278 = arith.shli %shift_right_arithmetic3A_1276, %shift_left3A_1277 : i32
      %multiple_of3A_1279 = tpu.assume_multiple %shift_left3A_1278, 128 : i32
      %shift_right_arithmetic3A_1280 = arith.constant 7 : i32
      %shift_right_arithmetic3A_1281 = arith.shrsi %squeeze3A_1269, %shift_right_arithmetic3A_1280 : i32
      %shift_left3A_1282 = arith.constant 7 : i32
      %shift_left3A_1283 = arith.shli %shift_right_arithmetic3A_1281, %shift_left3A_1282 : i32
      %multiple_of3A_1284 = tpu.assume_multiple %shift_left3A_1283, 128 : i32
      %dma_start3A_1285 = arith.constant 0 : i32
      %dma_start3A_1286 = arith.constant 0 : i32
      %dma_start3A_1287 = arith.constant 0 : i32
      %dma_start3A_1288 = tpu.memref_slice %arg11[%dma_start3A_1285, %dma_start3A_1286, %dma_start3A_1287] : memref<4x64x128xf32, #tpu.memory_space<vmem>> -> memref<1x64x128xf32, #tpu.memory_space<vmem>>
      %dma_start3A_1289 = tpu.memref_squeeze %dma_start3A_1288 : memref<1x64x128xf32, #tpu.memory_space<vmem>> -> memref<64x128xf32, #tpu.memory_space<vmem>>
      %dma_start3A_1290 = arith.constant 0 : i32
      %dma_start3A_1291 = tpu.memref_slice %arg5[%dma_start3A_1290, %multiple_of3A_1274] : memref<64x1000000xf32, #tpu.memory_space<hbm>> -> memref<64x128xf32, #tpu.memory_space<hbm>>
      %dma_start3A_1292 = arith.constant 0 : i32
      %dma_start3A_1293 = arith.constant 0 : i32
      %dma_start3A_1294 = tpu.memref_slice %arg11[%dma_start3A_1285, %dma_start3A_1292, %dma_start3A_1293] : memref<4x64x128xf32, #tpu.memory_space<vmem>> -> memref<1x64x128xf32, #tpu.memory_space<vmem>>
      %dma_start3A_1295 = tpu.memref_squeeze %dma_start3A_1294 : memref<1x64x128xf32, #tpu.memory_space<vmem>> -> memref<64x128xf32, #tpu.memory_space<vmem>>
      %dma_start3A_1296 = arith.constant 0 : i32
      %dma_start3A_1297 = tpu.memref_slice %arg5[%dma_start3A_1296, %multiple_of3A_1274] : memref<64x1000000xf32, #tpu.memory_space<hbm>> -> memref<64x128xf32, #tpu.memory_space<hbm>>
      tpu.enqueue_dma source(%dma_start3A_1297 : memref<64x128xf32, #tpu.memory_space<hbm>>) target(%dma_start3A_1295 : memref<64x128xf32, #tpu.memory_space<vmem>>) target_semaphore(%arg15 : memref<!tpu.dma_semaphore, #tpu.memory_space<semaphore_mem>>)
      %dma_start3A_1298 = arith.constant 0 : i32
      %dma_start3A_1299 = arith.constant 0 : i32
      %dma_start3A_1300 = arith.constant 0 : i32
      %dma_start3A_1301 = tpu.memref_slice %arg12[%dma_start3A_1298, %dma_start3A_1299, %dma_start3A_1300] : memref<4x64x128xf32, #tpu.memory_space<vmem>> -> memref<1x64x128xf32, #tpu.memory_space<vmem>>
      %dma_start3A_1302 = tpu.memref_squeeze %dma_start3A_1301 : memref<1x64x128xf32, #tpu.memory_space<vmem>> -> memref<64x128xf32, #tpu.memory_space<vmem>>
      %dma_start3A_1303 = arith.constant 0 : i32
      %dma_start3A_1304 = tpu.memref_slice %arg6[%dma_start3A_1303, %multiple_of3A_1279] : memref<64x1000000xf32, #tpu.memory_space<hbm>> -> memref<64x128xf32, #tpu.memory_space<hbm>>
      %dma_start3A_1305 = arith.constant 0 : i32
      %dma_start3A_1306 = arith.constant 0 : i32
      %dma_start3A_1307 = tpu.memref_slice %arg12[%dma_start3A_1298, %dma_start3A_1305, %dma_start3A_1306] : memref<4x64x128xf32, #tpu.memory_space<vmem>> -> memref<1x64x128xf32, #tpu.memory_space<vmem>>
      %dma_start3A_1308 = tpu.memref_squeeze %dma_start3A_1307 : memref<1x64x128xf32, #tpu.memory_space<vmem>> -> memref<64x128xf32, #tpu.memory_space<vmem>>
      %dma_start3A_1309 = arith.constant 0 : i32
      %dma_start3A_1310 = tpu.memref_slice %arg6[%dma_start3A_1309, %multiple_of3A_1279] : memref<64x1000000xf32, #tpu.memory_space<hbm>> -> memref<64x128xf32, #tpu.memory_space<hbm>>
      tpu.enqueue_dma source(%dma_start3A_1310 : memref<64x128xf32, #tpu.memory_space<hbm>>) target(%dma_start3A_1308 : memref<64x128xf32, #tpu.memory_space<vmem>>) target_semaphore(%arg15 : memref<!tpu.dma_semaphore, #tpu.memory_space<semaphore_mem>>)
      %dma_start3A_1311 = arith.constant 0 : i32
      %dma_start3A_1312 = arith.constant 0 : i32
      %dma_start3A_1313 = arith.constant 0 : i32
      %dma_start3A_1314 = tpu.memref_slice %arg13[%dma_start3A_1311, %dma_start3A_1312, %dma_start3A_1313] : memref<4x64x128xf32, #tpu.memory_space<vmem>> -> memref<1x64x128xf32, #tpu.memory_space<vmem>>
      %dma_start3A_1315 = tpu.memref_squeeze %dma_start3A_1314 : memref<1x64x128xf32, #tpu.memory_space<vmem>> -> memref<64x128xf32, #tpu.memory_space<vmem>>
      %dma_start3A_1316 = arith.constant 0 : i32
      %dma_start3A_1317 = tpu.memref_slice %arg6[%dma_start3A_1316, %multiple_of3A_1284] : memref<64x1000000xf32, #tpu.memory_space<hbm>> -> memref<64x128xf32, #tpu.memory_space<hbm>>
      %dma_start3A_1318 = arith.constant 0 : i32
      %dma_start3A_1319 = arith.constant 0 : i32
      %dma_start3A_1320 = tpu.memref_slice %arg13[%dma_start3A_1311, %dma_start3A_1318, %dma_start3A_1319] : memref<4x64x128xf32, #tpu.memory_space<vmem>> -> memref<1x64x128xf32, #tpu.memory_space<vmem>>
      %dma_start3A_1321 = tpu.memref_squeeze %dma_start3A_1320 : memref<1x64x128xf32, #tpu.memory_space<vmem>> -> memref<64x128xf32, #tpu.memory_space<vmem>>
      %dma_start3A_1322 = arith.constant 0 : i32
      %dma_start3A_1323 = tpu.memref_slice %arg6[%dma_start3A_1322, %multiple_of3A_1284] : memref<64x1000000xf32, #tpu.memory_space<hbm>> -> memref<64x128xf32, #tpu.memory_space<hbm>>
      tpu.enqueue_dma source(%dma_start3A_1323 : memref<64x128xf32, #tpu.memory_space<hbm>>) target(%dma_start3A_1321 : memref<64x128xf32, #tpu.memory_space<vmem>>) target_semaphore(%arg15 : memref<!tpu.dma_semaphore, #tpu.memory_space<semaphore_mem>>)
      %and3A_1324 = arith.constant 127 : i32
      %and3A_1325 = arith.andi %squeeze3A_1265, %and3A_1324 : i32
      %and3A_1326 = arith.constant 127 : i32
      %and3A_1327 = arith.andi %squeeze3A_1267, %and3A_1326 : i32
      %and3A_1328 = arith.constant 127 : i32
      %and3A_1329 = arith.andi %squeeze3A_1269, %and3A_1328 : i32
      %slice3A_1330 = vector.extract_strided_slice %get3A_11 {offsets = [9], sizes = [1], strides = [1]} : vector<16xi32> to vector<1xi32>
      %squeeze3A_1331 = vector.extract %slice3A_1330[0] : i32 from vector<1xi32>
      %slice3A_1332 = vector.extract_strided_slice %get3A_15 {offsets = [9], sizes = [1], strides = [1]} : vector<16xi32> to vector<1xi32>
      %squeeze3A_1333 = vector.extract %slice3A_1332[0] : i32 from vector<1xi32>
      %slice3A_1334 = vector.extract_strided_slice %get3A_19 {offsets = [9], sizes = [1], strides = [1]} : vector<16xi32> to vector<1xi32>
      %squeeze3A_1335 = vector.extract %slice3A_1334[0] : i32 from vector<1xi32>
      %shift_right_arithmetic3A_1336 = arith.constant 7 : i32
      %shift_right_arithmetic3A_1337 = arith.shrsi %squeeze3A_1331, %shift_right_arithmetic3A_1336 : i32
      %shift_left3A_1338 = arith.constant 7 : i32
      %shift_left3A_1339 = arith.shli %shift_right_arithmetic3A_1337, %shift_left3A_1338 : i32
      %multiple_of3A_1340 = tpu.assume_multiple %shift_left3A_1339, 128 : i32
      %shift_right_arithmetic3A_1341 = arith.constant 7 : i32
      %shift_right_arithmetic3A_1342 = arith.shrsi %squeeze3A_1333, %shift_right_arithmetic3A_1341 : i32
      %shift_left3A_1343 = arith.constant 7 : i32
      %shift_left3A_1344 = arith.shli %shift_right_arithmetic3A_1342, %shift_left3A_1343 : i32
      %multiple_of3A_1345 = tpu.assume_multiple %shift_left3A_1344, 128 : i32
      %shift_right_arithmetic3A_1346 = arith.constant 7 : i32
      %shift_right_arithmetic3A_1347 = arith.shrsi %squeeze3A_1335, %shift_right_arithmetic3A_1346 : i32
      %shift_left3A_1348 = arith.constant 7 : i32
      %shift_left3A_1349 = arith.shli %shift_right_arithmetic3A_1347, %shift_left3A_1348 : i32
      %multiple_of3A_1350 = tpu.assume_multiple %shift_left3A_1349, 128 : i32
      %dma_start3A_1351 = arith.constant 1 : i32
      %dma_start3A_1352 = arith.constant 0 : i32
      %dma_start3A_1353 = arith.constant 0 : i32
      %dma_start3A_1354 = tpu.memref_slice %arg11[%dma_start3A_1351, %dma_start3A_1352, %dma_start3A_1353] : memref<4x64x128xf32, #tpu.memory_space<vmem>> -> memref<1x64x128xf32, #tpu.memory_space<vmem>>
      %dma_start3A_1355 = tpu.memref_squeeze %dma_start3A_1354 : memref<1x64x128xf32, #tpu.memory_space<vmem>> -> memref<64x128xf32, #tpu.memory_space<vmem>>
      %dma_start3A_1356 = arith.constant 0 : i32
      %dma_start3A_1357 = tpu.memref_slice %arg5[%dma_start3A_1356, %multiple_of3A_1340] : memref<64x1000000xf32, #tpu.memory_space<hbm>> -> memref<64x128xf32, #tpu.memory_space<hbm>>
      %dma_start3A_1358 = arith.constant 0 : i32
      %dma_start3A_1359 = arith.constant 0 : i32
      %dma_start3A_1360 = tpu.memref_slice %arg11[%dma_start3A_1351, %dma_start3A_1358, %dma_start3A_1359] : memref<4x64x128xf32, #tpu.memory_space<vmem>> -> memref<1x64x128xf32, #tpu.memory_space<vmem>>
      %dma_start3A_1361 = tpu.memref_squeeze %dma_start3A_1360 : memref<1x64x128xf32, #tpu.memory_space<vmem>> -> memref<64x128xf32, #tpu.memory_space<vmem>>
      %dma_start3A_1362 = arith.constant 0 : i32
      %dma_start3A_1363 = tpu.memref_slice %arg5[%dma_start3A_1362, %multiple_of3A_1340] : memref<64x1000000xf32, #tpu.memory_space<hbm>> -> memref<64x128xf32, #tpu.memory_space<hbm>>
      tpu.enqueue_dma source(%dma_start3A_1363 : memref<64x128xf32, #tpu.memory_space<hbm>>) target(%dma_start3A_1361 : memref<64x128xf32, #tpu.memory_space<vmem>>) target_semaphore(%arg15 : memref<!tpu.dma_semaphore, #tpu.memory_space<semaphore_mem>>)
      %dma_start3A_1364 = arith.constant 1 : i32
      %dma_start3A_1365 = arith.constant 0 : i32
      %dma_start3A_1366 = arith.constant 0 : i32
      %dma_start3A_1367 = tpu.memref_slice %arg12[%dma_start3A_1364, %dma_start3A_1365, %dma_start3A_1366] : memref<4x64x128xf32, #tpu.memory_space<vmem>> -> memref<1x64x128xf32, #tpu.memory_space<vmem>>
      %dma_start3A_1368 = tpu.memref_squeeze %dma_start3A_1367 : memref<1x64x128xf32, #tpu.memory_space<vmem>> -> memref<64x128xf32, #tpu.memory_space<vmem>>
      %dma_start3A_1369 = arith.constant 0 : i32
      %dma_start3A_1370 = tpu.memref_slice %arg6[%dma_start3A_1369, %multiple_of3A_1345] : memref<64x1000000xf32, #tpu.memory_space<hbm>> -> memref<64x128xf32, #tpu.memory_space<hbm>>
      %dma_start3A_1371 = arith.constant 0 : i32
      %dma_start3A_1372 = arith.constant 0 : i32
      %dma_start3A_1373 = tpu.memref_slice %arg12[%dma_start3A_1364, %dma_start3A_1371, %dma_start3A_1372] : memref<4x64x128xf32, #tpu.memory_space<vmem>> -> memref<1x64x128xf32, #tpu.memory_space<vmem>>
      %dma_start3A_1374 = tpu.memref_squeeze %dma_start3A_1373 : memref<1x64x128xf32, #tpu.memory_space<vmem>> -> memref<64x128xf32, #tpu.memory_space<vmem>>
      %dma_start3A_1375 = arith.constant 0 : i32
      %dma_start3A_1376 = tpu.memref_slice %arg6[%dma_start3A_1375, %multiple_of3A_1345] : memref<64x1000000xf32, #tpu.memory_space<hbm>> -> memref<64x128xf32, #tpu.memory_space<hbm>>
      tpu.enqueue_dma source(%dma_start3A_1376 : memref<64x128xf32, #tpu.memory_space<hbm>>) target(%dma_start3A_1374 : memref<64x128xf32, #tpu.memory_space<vmem>>) target_semaphore(%arg15 : memref<!tpu.dma_semaphore, #tpu.memory_space<semaphore_mem>>)
      %dma_start3A_1377 = arith.constant 1 : i32
      %dma_start3A_1378 = arith.constant 0 : i32
      %dma_start3A_1379 = arith.constant 0 : i32
      %dma_start3A_1380 = tpu.memref_slice %arg13[%dma_start3A_1377, %dma_start3A_1378, %dma_start3A_1379] : memref<4x64x128xf32, #tpu.memory_space<vmem>> -> memref<1x64x128xf32, #tpu.memory_space<vmem>>
      %dma_start3A_1381 = tpu.memref_squeeze %dma_start3A_1380 : memref<1x64x128xf32, #tpu.memory_space<vmem>> -> memref<64x128xf32, #tpu.memory_space<vmem>>
      %dma_start3A_1382 = arith.constant 0 : i32
      %dma_start3A_1383 = tpu.memref_slice %arg6[%dma_start3A_1382, %multiple_of3A_1350] : memref<64x1000000xf32, #tpu.memory_space<hbm>> -> memref<64x128xf32, #tpu.memory_space<hbm>>
      %dma_start3A_1384 = arith.constant 0 : i32
      %dma_start3A_1385 = arith.constant 0 : i32
      %dma_start3A_1386 = tpu.memref_slice %arg13[%dma_start3A_1377, %dma_start3A_1384, %dma_start3A_1385] : memref<4x64x128xf32, #tpu.memory_space<vmem>> -> memref<1x64x128xf32, #tpu.memory_space<vmem>>
      %dma_start3A_1387 = tpu.memref_squeeze %dma_start3A_1386 : memref<1x64x128xf32, #tpu.memory_space<vmem>> -> memref<64x128xf32, #tpu.memory_space<vmem>>
      %dma_start3A_1388 = arith.constant 0 : i32
      %dma_start3A_1389 = tpu.memref_slice %arg6[%dma_start3A_1388, %multiple_of3A_1350] : memref<64x1000000xf32, #tpu.memory_space<hbm>> -> memref<64x128xf32, #tpu.memory_space<hbm>>
      tpu.enqueue_dma source(%dma_start3A_1389 : memref<64x128xf32, #tpu.memory_space<hbm>>) target(%dma_start3A_1387 : memref<64x128xf32, #tpu.memory_space<vmem>>) target_semaphore(%arg15 : memref<!tpu.dma_semaphore, #tpu.memory_space<semaphore_mem>>)
      %and3A_1390 = arith.constant 127 : i32
      %and3A_1391 = arith.andi %squeeze3A_1331, %and3A_1390 : i32
      %and3A_1392 = arith.constant 127 : i32
      %and3A_1393 = arith.andi %squeeze3A_1333, %and3A_1392 : i32
      %and3A_1394 = arith.constant 127 : i32
      %and3A_1395 = arith.andi %squeeze3A_1335, %and3A_1394 : i32
      %slice3A_1396 = vector.extract_strided_slice %get3A_11 {offsets = [10], sizes = [1], strides = [1]} : vector<16xi32> to vector<1xi32>
      %squeeze3A_1397 = vector.extract %slice3A_1396[0] : i32 from vector<1xi32>
      %slice3A_1398 = vector.extract_strided_slice %get3A_15 {offsets = [10], sizes = [1], strides = [1]} : vector<16xi32> to vector<1xi32>
      %squeeze3A_1399 = vector.extract %slice3A_1398[0] : i32 from vector<1xi32>
      %slice3A_1400 = vector.extract_strided_slice %get3A_19 {offsets = [10], sizes = [1], strides = [1]} : vector<16xi32> to vector<1xi32>
      %squeeze3A_1401 = vector.extract %slice3A_1400[0] : i32 from vector<1xi32>
      %shift_right_arithmetic3A_1402 = arith.constant 7 : i32
      %shift_right_arithmetic3A_1403 = arith.shrsi %squeeze3A_1397, %shift_right_arithmetic3A_1402 : i32
      %shift_left3A_1404 = arith.constant 7 : i32
      %shift_left3A_1405 = arith.shli %shift_right_arithmetic3A_1403, %shift_left3A_1404 : i32
      %multiple_of3A_1406 = tpu.assume_multiple %shift_left3A_1405, 128 : i32
      %shift_right_arithmetic3A_1407 = arith.constant 7 : i32
      %shift_right_arithmetic3A_1408 = arith.shrsi %squeeze3A_1399, %shift_right_arithmetic3A_1407 : i32
      %shift_left3A_1409 = arith.constant 7 : i32
      %shift_left3A_1410 = arith.shli %shift_right_arithmetic3A_1408, %shift_left3A_1409 : i32
      %multiple_of3A_1411 = tpu.assume_multiple %shift_left3A_1410, 128 : i32
      %shift_right_arithmetic3A_1412 = arith.constant 7 : i32
      %shift_right_arithmetic3A_1413 = arith.shrsi %squeeze3A_1401, %shift_right_arithmetic3A_1412 : i32
      %shift_left3A_1414 = arith.constant 7 : i32
      %shift_left3A_1415 = arith.shli %shift_right_arithmetic3A_1413, %shift_left3A_1414 : i32
      %multiple_of3A_1416 = tpu.assume_multiple %shift_left3A_1415, 128 : i32
      %dma_start3A_1417 = arith.constant 2 : i32
      %dma_start3A_1418 = arith.constant 0 : i32
      %dma_start3A_1419 = arith.constant 0 : i32
      %dma_start3A_1420 = tpu.memref_slice %arg11[%dma_start3A_1417, %dma_start3A_1418, %dma_start3A_1419] : memref<4x64x128xf32, #tpu.memory_space<vmem>> -> memref<1x64x128xf32, #tpu.memory_space<vmem>>
      %dma_start3A_1421 = tpu.memref_squeeze %dma_start3A_1420 : memref<1x64x128xf32, #tpu.memory_space<vmem>> -> memref<64x128xf32, #tpu.memory_space<vmem>>
      %dma_start3A_1422 = arith.constant 0 : i32
      %dma_start3A_1423 = tpu.memref_slice %arg5[%dma_start3A_1422, %multiple_of3A_1406] : memref<64x1000000xf32, #tpu.memory_space<hbm>> -> memref<64x128xf32, #tpu.memory_space<hbm>>
      %dma_start3A_1424 = arith.constant 0 : i32
      %dma_start3A_1425 = arith.constant 0 : i32
      %dma_start3A_1426 = tpu.memref_slice %arg11[%dma_start3A_1417, %dma_start3A_1424, %dma_start3A_1425] : memref<4x64x128xf32, #tpu.memory_space<vmem>> -> memref<1x64x128xf32, #tpu.memory_space<vmem>>
      %dma_start3A_1427 = tpu.memref_squeeze %dma_start3A_1426 : memref<1x64x128xf32, #tpu.memory_space<vmem>> -> memref<64x128xf32, #tpu.memory_space<vmem>>
      %dma_start3A_1428 = arith.constant 0 : i32
      %dma_start3A_1429 = tpu.memref_slice %arg5[%dma_start3A_1428, %multiple_of3A_1406] : memref<64x1000000xf32, #tpu.memory_space<hbm>> -> memref<64x128xf32, #tpu.memory_space<hbm>>
      tpu.enqueue_dma source(%dma_start3A_1429 : memref<64x128xf32, #tpu.memory_space<hbm>>) target(%dma_start3A_1427 : memref<64x128xf32, #tpu.memory_space<vmem>>) target_semaphore(%arg15 : memref<!tpu.dma_semaphore, #tpu.memory_space<semaphore_mem>>)
      %dma_start3A_1430 = arith.constant 2 : i32
      %dma_start3A_1431 = arith.constant 0 : i32
      %dma_start3A_1432 = arith.constant 0 : i32
      %dma_start3A_1433 = tpu.memref_slice %arg12[%dma_start3A_1430, %dma_start3A_1431, %dma_start3A_1432] : memref<4x64x128xf32, #tpu.memory_space<vmem>> -> memref<1x64x128xf32, #tpu.memory_space<vmem>>
      %dma_start3A_1434 = tpu.memref_squeeze %dma_start3A_1433 : memref<1x64x128xf32, #tpu.memory_space<vmem>> -> memref<64x128xf32, #tpu.memory_space<vmem>>
      %dma_start3A_1435 = arith.constant 0 : i32
      %dma_start3A_1436 = tpu.memref_slice %arg6[%dma_start3A_1435, %multiple_of3A_1411] : memref<64x1000000xf32, #tpu.memory_space<hbm>> -> memref<64x128xf32, #tpu.memory_space<hbm>>
      %dma_start3A_1437 = arith.constant 0 : i32
      %dma_start3A_1438 = arith.constant 0 : i32
      %dma_start3A_1439 = tpu.memref_slice %arg12[%dma_start3A_1430, %dma_start3A_1437, %dma_start3A_1438] : memref<4x64x128xf32, #tpu.memory_space<vmem>> -> memref<1x64x128xf32, #tpu.memory_space<vmem>>
      %dma_start3A_1440 = tpu.memref_squeeze %dma_start3A_1439 : memref<1x64x128xf32, #tpu.memory_space<vmem>> -> memref<64x128xf32, #tpu.memory_space<vmem>>
      %dma_start3A_1441 = arith.constant 0 : i32
      %dma_start3A_1442 = tpu.memref_slice %arg6[%dma_start3A_1441, %multiple_of3A_1411] : memref<64x1000000xf32, #tpu.memory_space<hbm>> -> memref<64x128xf32, #tpu.memory_space<hbm>>
      tpu.enqueue_dma source(%dma_start3A_1442 : memref<64x128xf32, #tpu.memory_space<hbm>>) target(%dma_start3A_1440 : memref<64x128xf32, #tpu.memory_space<vmem>>) target_semaphore(%arg15 : memref<!tpu.dma_semaphore, #tpu.memory_space<semaphore_mem>>)
      %dma_start3A_1443 = arith.constant 2 : i32
      %dma_start3A_1444 = arith.constant 0 : i32
      %dma_start3A_1445 = arith.constant 0 : i32
      %dma_start3A_1446 = tpu.memref_slice %arg13[%dma_start3A_1443, %dma_start3A_1444, %dma_start3A_1445] : memref<4x64x128xf32, #tpu.memory_space<vmem>> -> memref<1x64x128xf32, #tpu.memory_space<vmem>>
      %dma_start3A_1447 = tpu.memref_squeeze %dma_start3A_1446 : memref<1x64x128xf32, #tpu.memory_space<vmem>> -> memref<64x128xf32, #tpu.memory_space<vmem>>
      %dma_start3A_1448 = arith.constant 0 : i32
      %dma_start3A_1449 = tpu.memref_slice %arg6[%dma_start3A_1448, %multiple_of3A_1416] : memref<64x1000000xf32, #tpu.memory_space<hbm>> -> memref<64x128xf32, #tpu.memory_space<hbm>>
      %dma_start3A_1450 = arith.constant 0 : i32
      %dma_start3A_1451 = arith.constant 0 : i32
      %dma_start3A_1452 = tpu.memref_slice %arg13[%dma_start3A_1443, %dma_start3A_1450, %dma_start3A_1451] : memref<4x64x128xf32, #tpu.memory_space<vmem>> -> memref<1x64x128xf32, #tpu.memory_space<vmem>>
      %dma_start3A_1453 = tpu.memref_squeeze %dma_start3A_1452 : memref<1x64x128xf32, #tpu.memory_space<vmem>> -> memref<64x128xf32, #tpu.memory_space<vmem>>
      %dma_start3A_1454 = arith.constant 0 : i32
      %dma_start3A_1455 = tpu.memref_slice %arg6[%dma_start3A_1454, %multiple_of3A_1416] : memref<64x1000000xf32, #tpu.memory_space<hbm>> -> memref<64x128xf32, #tpu.memory_space<hbm>>
      tpu.enqueue_dma source(%dma_start3A_1455 : memref<64x128xf32, #tpu.memory_space<hbm>>) target(%dma_start3A_1453 : memref<64x128xf32, #tpu.memory_space<vmem>>) target_semaphore(%arg15 : memref<!tpu.dma_semaphore, #tpu.memory_space<semaphore_mem>>)
      %and3A_1456 = arith.constant 127 : i32
      %and3A_1457 = arith.andi %squeeze3A_1397, %and3A_1456 : i32
      %and3A_1458 = arith.constant 127 : i32
      %and3A_1459 = arith.andi %squeeze3A_1399, %and3A_1458 : i32
      %and3A_1460 = arith.constant 127 : i32
      %and3A_1461 = arith.andi %squeeze3A_1401, %and3A_1460 : i32
      %slice3A_1462 = vector.extract_strided_slice %get3A_11 {offsets = [11], sizes = [1], strides = [1]} : vector<16xi32> to vector<1xi32>
      %squeeze3A_1463 = vector.extract %slice3A_1462[0] : i32 from vector<1xi32>
      %slice3A_1464 = vector.extract_strided_slice %get3A_15 {offsets = [11], sizes = [1], strides = [1]} : vector<16xi32> to vector<1xi32>
      %squeeze3A_1465 = vector.extract %slice3A_1464[0] : i32 from vector<1xi32>
      %slice3A_1466 = vector.extract_strided_slice %get3A_19 {offsets = [11], sizes = [1], strides = [1]} : vector<16xi32> to vector<1xi32>
      %squeeze3A_1467 = vector.extract %slice3A_1466[0] : i32 from vector<1xi32>
      %shift_right_arithmetic3A_1468 = arith.constant 7 : i32
      %shift_right_arithmetic3A_1469 = arith.shrsi %squeeze3A_1463, %shift_right_arithmetic3A_1468 : i32
      %shift_left3A_1470 = arith.constant 7 : i32
      %shift_left3A_1471 = arith.shli %shift_right_arithmetic3A_1469, %shift_left3A_1470 : i32
      %multiple_of3A_1472 = tpu.assume_multiple %shift_left3A_1471, 128 : i32
      %shift_right_arithmetic3A_1473 = arith.constant 7 : i32
      %shift_right_arithmetic3A_1474 = arith.shrsi %squeeze3A_1465, %shift_right_arithmetic3A_1473 : i32
      %shift_left3A_1475 = arith.constant 7 : i32
      %shift_left3A_1476 = arith.shli %shift_right_arithmetic3A_1474, %shift_left3A_1475 : i32
      %multiple_of3A_1477 = tpu.assume_multiple %shift_left3A_1476, 128 : i32
      %shift_right_arithmetic3A_1478 = arith.constant 7 : i32
      %shift_right_arithmetic3A_1479 = arith.shrsi %squeeze3A_1467, %shift_right_arithmetic3A_1478 : i32
      %shift_left3A_1480 = arith.constant 7 : i32
      %shift_left3A_1481 = arith.shli %shift_right_arithmetic3A_1479, %shift_left3A_1480 : i32
      %multiple_of3A_1482 = tpu.assume_multiple %shift_left3A_1481, 128 : i32
      %dma_start3A_1483 = arith.constant 3 : i32
      %dma_start3A_1484 = arith.constant 0 : i32
      %dma_start3A_1485 = arith.constant 0 : i32
      %dma_start3A_1486 = tpu.memref_slice %arg11[%dma_start3A_1483, %dma_start3A_1484, %dma_start3A_1485] : memref<4x64x128xf32, #tpu.memory_space<vmem>> -> memref<1x64x128xf32, #tpu.memory_space<vmem>>
      %dma_start3A_1487 = tpu.memref_squeeze %dma_start3A_1486 : memref<1x64x128xf32, #tpu.memory_space<vmem>> -> memref<64x128xf32, #tpu.memory_space<vmem>>
      %dma_start3A_1488 = arith.constant 0 : i32
      %dma_start3A_1489 = tpu.memref_slice %arg5[%dma_start3A_1488, %multiple_of3A_1472] : memref<64x1000000xf32, #tpu.memory_space<hbm>> -> memref<64x128xf32, #tpu.memory_space<hbm>>
      %dma_start3A_1490 = arith.constant 0 : i32
      %dma_start3A_1491 = arith.constant 0 : i32
      %dma_start3A_1492 = tpu.memref_slice %arg11[%dma_start3A_1483, %dma_start3A_1490, %dma_start3A_1491] : memref<4x64x128xf32, #tpu.memory_space<vmem>> -> memref<1x64x128xf32, #tpu.memory_space<vmem>>
      %dma_start3A_1493 = tpu.memref_squeeze %dma_start3A_1492 : memref<1x64x128xf32, #tpu.memory_space<vmem>> -> memref<64x128xf32, #tpu.memory_space<vmem>>
      %dma_start3A_1494 = arith.constant 0 : i32
      %dma_start3A_1495 = tpu.memref_slice %arg5[%dma_start3A_1494, %multiple_of3A_1472] : memref<64x1000000xf32, #tpu.memory_space<hbm>> -> memref<64x128xf32, #tpu.memory_space<hbm>>
      tpu.enqueue_dma source(%dma_start3A_1495 : memref<64x128xf32, #tpu.memory_space<hbm>>) target(%dma_start3A_1493 : memref<64x128xf32, #tpu.memory_space<vmem>>) target_semaphore(%arg15 : memref<!tpu.dma_semaphore, #tpu.memory_space<semaphore_mem>>)
      %dma_start3A_1496 = arith.constant 3 : i32
      %dma_start3A_1497 = arith.constant 0 : i32
      %dma_start3A_1498 = arith.constant 0 : i32
      %dma_start3A_1499 = tpu.memref_slice %arg12[%dma_start3A_1496, %dma_start3A_1497, %dma_start3A_1498] : memref<4x64x128xf32, #tpu.memory_space<vmem>> -> memref<1x64x128xf32, #tpu.memory_space<vmem>>
      %dma_start3A_1500 = tpu.memref_squeeze %dma_start3A_1499 : memref<1x64x128xf32, #tpu.memory_space<vmem>> -> memref<64x128xf32, #tpu.memory_space<vmem>>
      %dma_start3A_1501 = arith.constant 0 : i32
      %dma_start3A_1502 = tpu.memref_slice %arg6[%dma_start3A_1501, %multiple_of3A_1477] : memref<64x1000000xf32, #tpu.memory_space<hbm>> -> memref<64x128xf32, #tpu.memory_space<hbm>>
      %dma_start3A_1503 = arith.constant 0 : i32
      %dma_start3A_1504 = arith.constant 0 : i32
      %dma_start3A_1505 = tpu.memref_slice %arg12[%dma_start3A_1496, %dma_start3A_1503, %dma_start3A_1504] : memref<4x64x128xf32, #tpu.memory_space<vmem>> -> memref<1x64x128xf32, #tpu.memory_space<vmem>>
      %dma_start3A_1506 = tpu.memref_squeeze %dma_start3A_1505 : memref<1x64x128xf32, #tpu.memory_space<vmem>> -> memref<64x128xf32, #tpu.memory_space<vmem>>
      %dma_start3A_1507 = arith.constant 0 : i32
      %dma_start3A_1508 = tpu.memref_slice %arg6[%dma_start3A_1507, %multiple_of3A_1477] : memref<64x1000000xf32, #tpu.memory_space<hbm>> -> memref<64x128xf32, #tpu.memory_space<hbm>>
      tpu.enqueue_dma source(%dma_start3A_1508 : memref<64x128xf32, #tpu.memory_space<hbm>>) target(%dma_start3A_1506 : memref<64x128xf32, #tpu.memory_space<vmem>>) target_semaphore(%arg15 : memref<!tpu.dma_semaphore, #tpu.memory_space<semaphore_mem>>)
      %dma_start3A_1509 = arith.constant 3 : i32
      %dma_start3A_1510 = arith.constant 0 : i32
      %dma_start3A_1511 = arith.constant 0 : i32
      %dma_start3A_1512 = tpu.memref_slice %arg13[%dma_start3A_1509, %dma_start3A_1510, %dma_start3A_1511] : memref<4x64x128xf32, #tpu.memory_space<vmem>> -> memref<1x64x128xf32, #tpu.memory_space<vmem>>
      %dma_start3A_1513 = tpu.memref_squeeze %dma_start3A_1512 : memref<1x64x128xf32, #tpu.memory_space<vmem>> -> memref<64x128xf32, #tpu.memory_space<vmem>>
      %dma_start3A_1514 = arith.constant 0 : i32
      %dma_start3A_1515 = tpu.memref_slice %arg6[%dma_start3A_1514, %multiple_of3A_1482] : memref<64x1000000xf32, #tpu.memory_space<hbm>> -> memref<64x128xf32, #tpu.memory_space<hbm>>
      %dma_start3A_1516 = arith.constant 0 : i32
      %dma_start3A_1517 = arith.constant 0 : i32
      %dma_start3A_1518 = tpu.memref_slice %arg13[%dma_start3A_1509, %dma_start3A_1516, %dma_start3A_1517] : memref<4x64x128xf32, #tpu.memory_space<vmem>> -> memref<1x64x128xf32, #tpu.memory_space<vmem>>
      %dma_start3A_1519 = tpu.memref_squeeze %dma_start3A_1518 : memref<1x64x128xf32, #tpu.memory_space<vmem>> -> memref<64x128xf32, #tpu.memory_space<vmem>>
      %dma_start3A_1520 = arith.constant 0 : i32
      %dma_start3A_1521 = tpu.memref_slice %arg6[%dma_start3A_1520, %multiple_of3A_1482] : memref<64x1000000xf32, #tpu.memory_space<hbm>> -> memref<64x128xf32, #tpu.memory_space<hbm>>
      tpu.enqueue_dma source(%dma_start3A_1521 : memref<64x128xf32, #tpu.memory_space<hbm>>) target(%dma_start3A_1519 : memref<64x128xf32, #tpu.memory_space<vmem>>) target_semaphore(%arg15 : memref<!tpu.dma_semaphore, #tpu.memory_space<semaphore_mem>>)
      %and3A_1522 = arith.constant 127 : i32
      %and3A_1523 = arith.andi %squeeze3A_1463, %and3A_1522 : i32
      %and3A_1524 = arith.constant 127 : i32
      %and3A_1525 = arith.andi %squeeze3A_1465, %and3A_1524 : i32
      %and3A_1526 = arith.constant 127 : i32
      %and3A_1527 = arith.andi %squeeze3A_1467, %and3A_1526 : i32
      %dma_wait3A_1528 = arith.constant 0 : i32
      %dma_wait3A_1529 = arith.constant 0 : i32
      %dma_wait3A_1530 = arith.constant 0 : i32
      %dma_wait3A_1531 = tpu.memref_slice %arg11[%dma_wait3A_1528, %dma_wait3A_1529, %dma_wait3A_1530] : memref<4x64x128xf32, #tpu.memory_space<vmem>> -> memref<1x64x128xf32, #tpu.memory_space<vmem>>
      %dma_wait3A_1532 = tpu.memref_squeeze %dma_wait3A_1531 : memref<1x64x128xf32, #tpu.memory_space<vmem>> -> memref<64x128xf32, #tpu.memory_space<vmem>>
      %dma_wait3A_1533 = arith.constant 0 : i32
      %dma_wait3A_1534 = tpu.memref_slice %arg5[%dma_wait3A_1533, %multiple_of3A_1274] : memref<64x1000000xf32, #tpu.memory_space<hbm>> -> memref<64x128xf32, #tpu.memory_space<hbm>>
      %dma_wait3A_1535 = arith.constant 0 : i32
      %dma_wait3A_1536 = arith.constant 0 : i32
      %dma_wait3A_1537 = tpu.memref_slice %arg11[%dma_wait3A_1528, %dma_wait3A_1535, %dma_wait3A_1536] : memref<4x64x128xf32, #tpu.memory_space<vmem>> -> memref<1x64x128xf32, #tpu.memory_space<vmem>>
      %dma_wait3A_1538 = tpu.memref_squeeze %dma_wait3A_1537 : memref<1x64x128xf32, #tpu.memory_space<vmem>> -> memref<64x128xf32, #tpu.memory_space<vmem>>
      %dma_wait3A_1539 = arith.constant 0 : i32
      %dma_wait3A_1540 = tpu.memref_slice %arg5[%dma_wait3A_1539, %multiple_of3A_1274] : memref<64x1000000xf32, #tpu.memory_space<hbm>> -> memref<64x128xf32, #tpu.memory_space<hbm>>
      tpu.wait_dma2 semaphore(%arg15 : memref<!tpu.dma_semaphore, #tpu.memory_space<semaphore_mem>>) src(%dma_wait3A_1540 : memref<64x128xf32, #tpu.memory_space<hbm>>) dst(%dma_wait3A_1538 : memref<64x128xf32, #tpu.memory_space<vmem>>)
      %dma_wait3A_1541 = arith.constant 0 : i32
      %dma_wait3A_1542 = arith.constant 0 : i32
      %dma_wait3A_1543 = arith.constant 0 : i32
      %dma_wait3A_1544 = tpu.memref_slice %arg12[%dma_wait3A_1541, %dma_wait3A_1542, %dma_wait3A_1543] : memref<4x64x128xf32, #tpu.memory_space<vmem>> -> memref<1x64x128xf32, #tpu.memory_space<vmem>>
      %dma_wait3A_1545 = tpu.memref_squeeze %dma_wait3A_1544 : memref<1x64x128xf32, #tpu.memory_space<vmem>> -> memref<64x128xf32, #tpu.memory_space<vmem>>
      %dma_wait3A_1546 = arith.constant 0 : i32
      %dma_wait3A_1547 = tpu.memref_slice %arg6[%dma_wait3A_1546, %multiple_of3A_1279] : memref<64x1000000xf32, #tpu.memory_space<hbm>> -> memref<64x128xf32, #tpu.memory_space<hbm>>
      %dma_wait3A_1548 = arith.constant 0 : i32
      %dma_wait3A_1549 = arith.constant 0 : i32
      %dma_wait3A_1550 = tpu.memref_slice %arg12[%dma_wait3A_1541, %dma_wait3A_1548, %dma_wait3A_1549] : memref<4x64x128xf32, #tpu.memory_space<vmem>> -> memref<1x64x128xf32, #tpu.memory_space<vmem>>
      %dma_wait3A_1551 = tpu.memref_squeeze %dma_wait3A_1550 : memref<1x64x128xf32, #tpu.memory_space<vmem>> -> memref<64x128xf32, #tpu.memory_space<vmem>>
      %dma_wait3A_1552 = arith.constant 0 : i32
      %dma_wait3A_1553 = tpu.memref_slice %arg6[%dma_wait3A_1552, %multiple_of3A_1279] : memref<64x1000000xf32, #tpu.memory_space<hbm>> -> memref<64x128xf32, #tpu.memory_space<hbm>>
      tpu.wait_dma2 semaphore(%arg15 : memref<!tpu.dma_semaphore, #tpu.memory_space<semaphore_mem>>) src(%dma_wait3A_1553 : memref<64x128xf32, #tpu.memory_space<hbm>>) dst(%dma_wait3A_1551 : memref<64x128xf32, #tpu.memory_space<vmem>>)
      %dma_wait3A_1554 = arith.constant 0 : i32
      %dma_wait3A_1555 = arith.constant 0 : i32
      %dma_wait3A_1556 = arith.constant 0 : i32
      %dma_wait3A_1557 = tpu.memref_slice %arg13[%dma_wait3A_1554, %dma_wait3A_1555, %dma_wait3A_1556] : memref<4x64x128xf32, #tpu.memory_space<vmem>> -> memref<1x64x128xf32, #tpu.memory_space<vmem>>
      %dma_wait3A_1558 = tpu.memref_squeeze %dma_wait3A_1557 : memref<1x64x128xf32, #tpu.memory_space<vmem>> -> memref<64x128xf32, #tpu.memory_space<vmem>>
      %dma_wait3A_1559 = arith.constant 0 : i32
      %dma_wait3A_1560 = tpu.memref_slice %arg6[%dma_wait3A_1559, %multiple_of3A_1284] : memref<64x1000000xf32, #tpu.memory_space<hbm>> -> memref<64x128xf32, #tpu.memory_space<hbm>>
      %dma_wait3A_1561 = arith.constant 0 : i32
      %dma_wait3A_1562 = arith.constant 0 : i32
      %dma_wait3A_1563 = tpu.memref_slice %arg13[%dma_wait3A_1554, %dma_wait3A_1561, %dma_wait3A_1562] : memref<4x64x128xf32, #tpu.memory_space<vmem>> -> memref<1x64x128xf32, #tpu.memory_space<vmem>>
      %dma_wait3A_1564 = tpu.memref_squeeze %dma_wait3A_1563 : memref<1x64x128xf32, #tpu.memory_space<vmem>> -> memref<64x128xf32, #tpu.memory_space<vmem>>
      %dma_wait3A_1565 = arith.constant 0 : i32
      %dma_wait3A_1566 = tpu.memref_slice %arg6[%dma_wait3A_1565, %multiple_of3A_1284] : memref<64x1000000xf32, #tpu.memory_space<hbm>> -> memref<64x128xf32, #tpu.memory_space<hbm>>
      tpu.wait_dma2 semaphore(%arg15 : memref<!tpu.dma_semaphore, #tpu.memory_space<semaphore_mem>>) src(%dma_wait3A_1566 : memref<64x128xf32, #tpu.memory_space<hbm>>) dst(%dma_wait3A_1564 : memref<64x128xf32, #tpu.memory_space<vmem>>)
      %dma_wait3A_1567 = arith.constant 1 : i32
      %dma_wait3A_1568 = arith.constant 0 : i32
      %dma_wait3A_1569 = arith.constant 0 : i32
      %dma_wait3A_1570 = tpu.memref_slice %arg11[%dma_wait3A_1567, %dma_wait3A_1568, %dma_wait3A_1569] : memref<4x64x128xf32, #tpu.memory_space<vmem>> -> memref<1x64x128xf32, #tpu.memory_space<vmem>>
      %dma_wait3A_1571 = tpu.memref_squeeze %dma_wait3A_1570 : memref<1x64x128xf32, #tpu.memory_space<vmem>> -> memref<64x128xf32, #tpu.memory_space<vmem>>
      %dma_wait3A_1572 = arith.constant 0 : i32
      %dma_wait3A_1573 = tpu.memref_slice %arg5[%dma_wait3A_1572, %multiple_of3A_1340] : memref<64x1000000xf32, #tpu.memory_space<hbm>> -> memref<64x128xf32, #tpu.memory_space<hbm>>
      %dma_wait3A_1574 = arith.constant 0 : i32
      %dma_wait3A_1575 = arith.constant 0 : i32
      %dma_wait3A_1576 = tpu.memref_slice %arg11[%dma_wait3A_1567, %dma_wait3A_1574, %dma_wait3A_1575] : memref<4x64x128xf32, #tpu.memory_space<vmem>> -> memref<1x64x128xf32, #tpu.memory_space<vmem>>
      %dma_wait3A_1577 = tpu.memref_squeeze %dma_wait3A_1576 : memref<1x64x128xf32, #tpu.memory_space<vmem>> -> memref<64x128xf32, #tpu.memory_space<vmem>>
      %dma_wait3A_1578 = arith.constant 0 : i32
      %dma_wait3A_1579 = tpu.memref_slice %arg5[%dma_wait3A_1578, %multiple_of3A_1340] : memref<64x1000000xf32, #tpu.memory_space<hbm>> -> memref<64x128xf32, #tpu.memory_space<hbm>>
      tpu.wait_dma2 semaphore(%arg15 : memref<!tpu.dma_semaphore, #tpu.memory_space<semaphore_mem>>) src(%dma_wait3A_1579 : memref<64x128xf32, #tpu.memory_space<hbm>>) dst(%dma_wait3A_1577 : memref<64x128xf32, #tpu.memory_space<vmem>>)
      %dma_wait3A_1580 = arith.constant 1 : i32
      %dma_wait3A_1581 = arith.constant 0 : i32
      %dma_wait3A_1582 = arith.constant 0 : i32
      %dma_wait3A_1583 = tpu.memref_slice %arg12[%dma_wait3A_1580, %dma_wait3A_1581, %dma_wait3A_1582] : memref<4x64x128xf32, #tpu.memory_space<vmem>> -> memref<1x64x128xf32, #tpu.memory_space<vmem>>
      %dma_wait3A_1584 = tpu.memref_squeeze %dma_wait3A_1583 : memref<1x64x128xf32, #tpu.memory_space<vmem>> -> memref<64x128xf32, #tpu.memory_space<vmem>>
      %dma_wait3A_1585 = arith.constant 0 : i32
      %dma_wait3A_1586 = tpu.memref_slice %arg6[%dma_wait3A_1585, %multiple_of3A_1345] : memref<64x1000000xf32, #tpu.memory_space<hbm>> -> memref<64x128xf32, #tpu.memory_space<hbm>>
      %dma_wait3A_1587 = arith.constant 0 : i32
      %dma_wait3A_1588 = arith.constant 0 : i32
      %dma_wait3A_1589 = tpu.memref_slice %arg12[%dma_wait3A_1580, %dma_wait3A_1587, %dma_wait3A_1588] : memref<4x64x128xf32, #tpu.memory_space<vmem>> -> memref<1x64x128xf32, #tpu.memory_space<vmem>>
      %dma_wait3A_1590 = tpu.memref_squeeze %dma_wait3A_1589 : memref<1x64x128xf32, #tpu.memory_space<vmem>> -> memref<64x128xf32, #tpu.memory_space<vmem>>
      %dma_wait3A_1591 = arith.constant 0 : i32
      %dma_wait3A_1592 = tpu.memref_slice %arg6[%dma_wait3A_1591, %multiple_of3A_1345] : memref<64x1000000xf32, #tpu.memory_space<hbm>> -> memref<64x128xf32, #tpu.memory_space<hbm>>
      tpu.wait_dma2 semaphore(%arg15 : memref<!tpu.dma_semaphore, #tpu.memory_space<semaphore_mem>>) src(%dma_wait3A_1592 : memref<64x128xf32, #tpu.memory_space<hbm>>) dst(%dma_wait3A_1590 : memref<64x128xf32, #tpu.memory_space<vmem>>)
      %dma_wait3A_1593 = arith.constant 1 : i32
      %dma_wait3A_1594 = arith.constant 0 : i32
      %dma_wait3A_1595 = arith.constant 0 : i32
      %dma_wait3A_1596 = tpu.memref_slice %arg13[%dma_wait3A_1593, %dma_wait3A_1594, %dma_wait3A_1595] : memref<4x64x128xf32, #tpu.memory_space<vmem>> -> memref<1x64x128xf32, #tpu.memory_space<vmem>>
      %dma_wait3A_1597 = tpu.memref_squeeze %dma_wait3A_1596 : memref<1x64x128xf32, #tpu.memory_space<vmem>> -> memref<64x128xf32, #tpu.memory_space<vmem>>
      %dma_wait3A_1598 = arith.constant 0 : i32
      %dma_wait3A_1599 = tpu.memref_slice %arg6[%dma_wait3A_1598, %multiple_of3A_1350] : memref<64x1000000xf32, #tpu.memory_space<hbm>> -> memref<64x128xf32, #tpu.memory_space<hbm>>
      %dma_wait3A_1600 = arith.constant 0 : i32
      %dma_wait3A_1601 = arith.constant 0 : i32
      %dma_wait3A_1602 = tpu.memref_slice %arg13[%dma_wait3A_1593, %dma_wait3A_1600, %dma_wait3A_1601] : memref<4x64x128xf32, #tpu.memory_space<vmem>> -> memref<1x64x128xf32, #tpu.memory_space<vmem>>
      %dma_wait3A_1603 = tpu.memref_squeeze %dma_wait3A_1602 : memref<1x64x128xf32, #tpu.memory_space<vmem>> -> memref<64x128xf32, #tpu.memory_space<vmem>>
      %dma_wait3A_1604 = arith.constant 0 : i32
      %dma_wait3A_1605 = tpu.memref_slice %arg6[%dma_wait3A_1604, %multiple_of3A_1350] : memref<64x1000000xf32, #tpu.memory_space<hbm>> -> memref<64x128xf32, #tpu.memory_space<hbm>>
      tpu.wait_dma2 semaphore(%arg15 : memref<!tpu.dma_semaphore, #tpu.memory_space<semaphore_mem>>) src(%dma_wait3A_1605 : memref<64x128xf32, #tpu.memory_space<hbm>>) dst(%dma_wait3A_1603 : memref<64x128xf32, #tpu.memory_space<vmem>>)
      %dma_wait3A_1606 = arith.constant 2 : i32
      %dma_wait3A_1607 = arith.constant 0 : i32
      %dma_wait3A_1608 = arith.constant 0 : i32
      %dma_wait3A_1609 = tpu.memref_slice %arg11[%dma_wait3A_1606, %dma_wait3A_1607, %dma_wait3A_1608] : memref<4x64x128xf32, #tpu.memory_space<vmem>> -> memref<1x64x128xf32, #tpu.memory_space<vmem>>
      %dma_wait3A_1610 = tpu.memref_squeeze %dma_wait3A_1609 : memref<1x64x128xf32, #tpu.memory_space<vmem>> -> memref<64x128xf32, #tpu.memory_space<vmem>>
      %dma_wait3A_1611 = arith.constant 0 : i32
      %dma_wait3A_1612 = tpu.memref_slice %arg5[%dma_wait3A_1611, %multiple_of3A_1406] : memref<64x1000000xf32, #tpu.memory_space<hbm>> -> memref<64x128xf32, #tpu.memory_space<hbm>>
      %dma_wait3A_1613 = arith.constant 0 : i32
      %dma_wait3A_1614 = arith.constant 0 : i32
      %dma_wait3A_1615 = tpu.memref_slice %arg11[%dma_wait3A_1606, %dma_wait3A_1613, %dma_wait3A_1614] : memref<4x64x128xf32, #tpu.memory_space<vmem>> -> memref<1x64x128xf32, #tpu.memory_space<vmem>>
      %dma_wait3A_1616 = tpu.memref_squeeze %dma_wait3A_1615 : memref<1x64x128xf32, #tpu.memory_space<vmem>> -> memref<64x128xf32, #tpu.memory_space<vmem>>
      %dma_wait3A_1617 = arith.constant 0 : i32
      %dma_wait3A_1618 = tpu.memref_slice %arg5[%dma_wait3A_1617, %multiple_of3A_1406] : memref<64x1000000xf32, #tpu.memory_space<hbm>> -> memref<64x128xf32, #tpu.memory_space<hbm>>
      tpu.wait_dma2 semaphore(%arg15 : memref<!tpu.dma_semaphore, #tpu.memory_space<semaphore_mem>>) src(%dma_wait3A_1618 : memref<64x128xf32, #tpu.memory_space<hbm>>) dst(%dma_wait3A_1616 : memref<64x128xf32, #tpu.memory_space<vmem>>)
      %dma_wait3A_1619 = arith.constant 2 : i32
      %dma_wait3A_1620 = arith.constant 0 : i32
      %dma_wait3A_1621 = arith.constant 0 : i32
      %dma_wait3A_1622 = tpu.memref_slice %arg12[%dma_wait3A_1619, %dma_wait3A_1620, %dma_wait3A_1621] : memref<4x64x128xf32, #tpu.memory_space<vmem>> -> memref<1x64x128xf32, #tpu.memory_space<vmem>>
      %dma_wait3A_1623 = tpu.memref_squeeze %dma_wait3A_1622 : memref<1x64x128xf32, #tpu.memory_space<vmem>> -> memref<64x128xf32, #tpu.memory_space<vmem>>
      %dma_wait3A_1624 = arith.constant 0 : i32
      %dma_wait3A_1625 = tpu.memref_slice %arg6[%dma_wait3A_1624, %multiple_of3A_1411] : memref<64x1000000xf32, #tpu.memory_space<hbm>> -> memref<64x128xf32, #tpu.memory_space<hbm>>
      %dma_wait3A_1626 = arith.constant 0 : i32
      %dma_wait3A_1627 = arith.constant 0 : i32
      %dma_wait3A_1628 = tpu.memref_slice %arg12[%dma_wait3A_1619, %dma_wait3A_1626, %dma_wait3A_1627] : memref<4x64x128xf32, #tpu.memory_space<vmem>> -> memref<1x64x128xf32, #tpu.memory_space<vmem>>
      %dma_wait3A_1629 = tpu.memref_squeeze %dma_wait3A_1628 : memref<1x64x128xf32, #tpu.memory_space<vmem>> -> memref<64x128xf32, #tpu.memory_space<vmem>>
      %dma_wait3A_1630 = arith.constant 0 : i32
      %dma_wait3A_1631 = tpu.memref_slice %arg6[%dma_wait3A_1630, %multiple_of3A_1411] : memref<64x1000000xf32, #tpu.memory_space<hbm>> -> memref<64x128xf32, #tpu.memory_space<hbm>>
      tpu.wait_dma2 semaphore(%arg15 : memref<!tpu.dma_semaphore, #tpu.memory_space<semaphore_mem>>) src(%dma_wait3A_1631 : memref<64x128xf32, #tpu.memory_space<hbm>>) dst(%dma_wait3A_1629 : memref<64x128xf32, #tpu.memory_space<vmem>>)
      %dma_wait3A_1632 = arith.constant 2 : i32
      %dma_wait3A_1633 = arith.constant 0 : i32
      %dma_wait3A_1634 = arith.constant 0 : i32
      %dma_wait3A_1635 = tpu.memref_slice %arg13[%dma_wait3A_1632, %dma_wait3A_1633, %dma_wait3A_1634] : memref<4x64x128xf32, #tpu.memory_space<vmem>> -> memref<1x64x128xf32, #tpu.memory_space<vmem>>
      %dma_wait3A_1636 = tpu.memref_squeeze %dma_wait3A_1635 : memref<1x64x128xf32, #tpu.memory_space<vmem>> -> memref<64x128xf32, #tpu.memory_space<vmem>>
      %dma_wait3A_1637 = arith.constant 0 : i32
      %dma_wait3A_1638 = tpu.memref_slice %arg6[%dma_wait3A_1637, %multiple_of3A_1416] : memref<64x1000000xf32, #tpu.memory_space<hbm>> -> memref<64x128xf32, #tpu.memory_space<hbm>>
      %dma_wait3A_1639 = arith.constant 0 : i32
      %dma_wait3A_1640 = arith.constant 0 : i32
      %dma_wait3A_1641 = tpu.memref_slice %arg13[%dma_wait3A_1632, %dma_wait3A_1639, %dma_wait3A_1640] : memref<4x64x128xf32, #tpu.memory_space<vmem>> -> memref<1x64x128xf32, #tpu.memory_space<vmem>>
      %dma_wait3A_1642 = tpu.memref_squeeze %dma_wait3A_1641 : memref<1x64x128xf32, #tpu.memory_space<vmem>> -> memref<64x128xf32, #tpu.memory_space<vmem>>
      %dma_wait3A_1643 = arith.constant 0 : i32
      %dma_wait3A_1644 = tpu.memref_slice %arg6[%dma_wait3A_1643, %multiple_of3A_1416] : memref<64x1000000xf32, #tpu.memory_space<hbm>> -> memref<64x128xf32, #tpu.memory_space<hbm>>
      tpu.wait_dma2 semaphore(%arg15 : memref<!tpu.dma_semaphore, #tpu.memory_space<semaphore_mem>>) src(%dma_wait3A_1644 : memref<64x128xf32, #tpu.memory_space<hbm>>) dst(%dma_wait3A_1642 : memref<64x128xf32, #tpu.memory_space<vmem>>)
      %dma_wait3A_1645 = arith.constant 3 : i32
      %dma_wait3A_1646 = arith.constant 0 : i32
      %dma_wait3A_1647 = arith.constant 0 : i32
      %dma_wait3A_1648 = tpu.memref_slice %arg11[%dma_wait3A_1645, %dma_wait3A_1646, %dma_wait3A_1647] : memref<4x64x128xf32, #tpu.memory_space<vmem>> -> memref<1x64x128xf32, #tpu.memory_space<vmem>>
      %dma_wait3A_1649 = tpu.memref_squeeze %dma_wait3A_1648 : memref<1x64x128xf32, #tpu.memory_space<vmem>> -> memref<64x128xf32, #tpu.memory_space<vmem>>
      %dma_wait3A_1650 = arith.constant 0 : i32
      %dma_wait3A_1651 = tpu.memref_slice %arg5[%dma_wait3A_1650, %multiple_of3A_1472] : memref<64x1000000xf32, #tpu.memory_space<hbm>> -> memref<64x128xf32, #tpu.memory_space<hbm>>
      %dma_wait3A_1652 = arith.constant 0 : i32
      %dma_wait3A_1653 = arith.constant 0 : i32
      %dma_wait3A_1654 = tpu.memref_slice %arg11[%dma_wait3A_1645, %dma_wait3A_1652, %dma_wait3A_1653] : memref<4x64x128xf32, #tpu.memory_space<vmem>> -> memref<1x64x128xf32, #tpu.memory_space<vmem>>
      %dma_wait3A_1655 = tpu.memref_squeeze %dma_wait3A_1654 : memref<1x64x128xf32, #tpu.memory_space<vmem>> -> memref<64x128xf32, #tpu.memory_space<vmem>>
      %dma_wait3A_1656 = arith.constant 0 : i32
      %dma_wait3A_1657 = tpu.memref_slice %arg5[%dma_wait3A_1656, %multiple_of3A_1472] : memref<64x1000000xf32, #tpu.memory_space<hbm>> -> memref<64x128xf32, #tpu.memory_space<hbm>>
      tpu.wait_dma2 semaphore(%arg15 : memref<!tpu.dma_semaphore, #tpu.memory_space<semaphore_mem>>) src(%dma_wait3A_1657 : memref<64x128xf32, #tpu.memory_space<hbm>>) dst(%dma_wait3A_1655 : memref<64x128xf32, #tpu.memory_space<vmem>>)
      %dma_wait3A_1658 = arith.constant 3 : i32
      %dma_wait3A_1659 = arith.constant 0 : i32
      %dma_wait3A_1660 = arith.constant 0 : i32
      %dma_wait3A_1661 = tpu.memref_slice %arg12[%dma_wait3A_1658, %dma_wait3A_1659, %dma_wait3A_1660] : memref<4x64x128xf32, #tpu.memory_space<vmem>> -> memref<1x64x128xf32, #tpu.memory_space<vmem>>
      %dma_wait3A_1662 = tpu.memref_squeeze %dma_wait3A_1661 : memref<1x64x128xf32, #tpu.memory_space<vmem>> -> memref<64x128xf32, #tpu.memory_space<vmem>>
      %dma_wait3A_1663 = arith.constant 0 : i32
      %dma_wait3A_1664 = tpu.memref_slice %arg6[%dma_wait3A_1663, %multiple_of3A_1477] : memref<64x1000000xf32, #tpu.memory_space<hbm>> -> memref<64x128xf32, #tpu.memory_space<hbm>>
      %dma_wait3A_1665 = arith.constant 0 : i32
      %dma_wait3A_1666 = arith.constant 0 : i32
      %dma_wait3A_1667 = tpu.memref_slice %arg12[%dma_wait3A_1658, %dma_wait3A_1665, %dma_wait3A_1666] : memref<4x64x128xf32, #tpu.memory_space<vmem>> -> memref<1x64x128xf32, #tpu.memory_space<vmem>>
      %dma_wait3A_1668 = tpu.memref_squeeze %dma_wait3A_1667 : memref<1x64x128xf32, #tpu.memory_space<vmem>> -> memref<64x128xf32, #tpu.memory_space<vmem>>
      %dma_wait3A_1669 = arith.constant 0 : i32
      %dma_wait3A_1670 = tpu.memref_slice %arg6[%dma_wait3A_1669, %multiple_of3A_1477] : memref<64x1000000xf32, #tpu.memory_space<hbm>> -> memref<64x128xf32, #tpu.memory_space<hbm>>
      tpu.wait_dma2 semaphore(%arg15 : memref<!tpu.dma_semaphore, #tpu.memory_space<semaphore_mem>>) src(%dma_wait3A_1670 : memref<64x128xf32, #tpu.memory_space<hbm>>) dst(%dma_wait3A_1668 : memref<64x128xf32, #tpu.memory_space<vmem>>)
      %dma_wait3A_1671 = arith.constant 3 : i32
      %dma_wait3A_1672 = arith.constant 0 : i32
      %dma_wait3A_1673 = arith.constant 0 : i32
      %dma_wait3A_1674 = tpu.memref_slice %arg13[%dma_wait3A_1671, %dma_wait3A_1672, %dma_wait3A_1673] : memref<4x64x128xf32, #tpu.memory_space<vmem>> -> memref<1x64x128xf32, #tpu.memory_space<vmem>>
      %dma_wait3A_1675 = tpu.memref_squeeze %dma_wait3A_1674 : memref<1x64x128xf32, #tpu.memory_space<vmem>> -> memref<64x128xf32, #tpu.memory_space<vmem>>
      %dma_wait3A_1676 = arith.constant 0 : i32
      %dma_wait3A_1677 = tpu.memref_slice %arg6[%dma_wait3A_1676, %multiple_of3A_1482] : memref<64x1000000xf32, #tpu.memory_space<hbm>> -> memref<64x128xf32, #tpu.memory_space<hbm>>
      %dma_wait3A_1678 = arith.constant 0 : i32
      %dma_wait3A_1679 = arith.constant 0 : i32
      %dma_wait3A_1680 = tpu.memref_slice %arg13[%dma_wait3A_1671, %dma_wait3A_1678, %dma_wait3A_1679] : memref<4x64x128xf32, #tpu.memory_space<vmem>> -> memref<1x64x128xf32, #tpu.memory_space<vmem>>
      %dma_wait3A_1681 = tpu.memref_squeeze %dma_wait3A_1680 : memref<1x64x128xf32, #tpu.memory_space<vmem>> -> memref<64x128xf32, #tpu.memory_space<vmem>>
      %dma_wait3A_1682 = arith.constant 0 : i32
      %dma_wait3A_1683 = tpu.memref_slice %arg6[%dma_wait3A_1682, %multiple_of3A_1482] : memref<64x1000000xf32, #tpu.memory_space<hbm>> -> memref<64x128xf32, #tpu.memory_space<hbm>>
      tpu.wait_dma2 semaphore(%arg15 : memref<!tpu.dma_semaphore, #tpu.memory_space<semaphore_mem>>) src(%dma_wait3A_1683 : memref<64x128xf32, #tpu.memory_space<hbm>>) dst(%dma_wait3A_1681 : memref<64x128xf32, #tpu.memory_space<vmem>>)
      %broadcast_in_dim3A_1684 = arith.constant 0 : i32
      %broadcast_in_dim3A_1685 = vector.broadcast %broadcast_in_dim3A_1684 : i32 to vector<16xi32>
      %broadcast_in_dim3A_1686 = vector.broadcast %and3A_1325 : i32 to vector<16xi32>
      %broadcast_in_dim3A_1687 = vector.broadcast %and3A_1327 : i32 to vector<16xi32>
      %broadcast_in_dim3A_1688 = vector.broadcast %and3A_1329 : i32 to vector<16xi32>
      %broadcast_in_dim3A_1689 = arith.constant 0.000000e+00 : f32
      %broadcast_in_dim3A_1690 = vector.broadcast %broadcast_in_dim3A_1689 : f32 to vector<16xf32>
      %add3A_1691 = arith.constant 0 : i32
      %add3A_1692 = vector.broadcast %add3A_1691 : i32 to vector<16xi32>
      %add3A_1693 = arith.addi %add3A_1692, %iota3A : vector<16xi32>
      %gather3A_1694 = tpu.vector_load_idx %arg11[%broadcast_in_dim3A_1685, %add3A_1693, %broadcast_in_dim3A_1686] : memref<4x64x128xf32, #tpu.memory_space<vmem>>[vector<16xi32>, vector<16xi32>, vector<16xi32>], vector<16xf32>,
      %gather3A_1695 = tpu.vector_load_idx %arg12[%broadcast_in_dim3A_1685, %add3A_1693, %broadcast_in_dim3A_1687] : memref<4x64x128xf32, #tpu.memory_space<vmem>>[vector<16xi32>, vector<16xi32>, vector<16xi32>], vector<16xf32>,
      %gather3A_1696 = tpu.vector_load_idx %arg13[%broadcast_in_dim3A_1685, %add3A_1693, %broadcast_in_dim3A_1688] : memref<4x64x128xf32, #tpu.memory_space<vmem>>[vector<16xi32>, vector<16xi32>, vector<16xi32>], vector<16xf32>,
      %sub3A_1697 = arith.subf %gather3A_1695, %gather3A_1696 : vector<16xf32>
      %mul3A_1698 = arith.mulf %gather3A_1694, %sub3A_1697 : vector<16xf32>
      %add3A_1699 = arith.addf %broadcast_in_dim3A_1690, %mul3A_1698 : vector<16xf32>
      %add3A_1700 = arith.constant 16 : i32
      %add3A_1701 = vector.broadcast %add3A_1700 : i32 to vector<16xi32>
      %add3A_1702 = arith.addi %add3A_1701, %iota3A : vector<16xi32>
      %gather3A_1703 = tpu.vector_load_idx %arg11[%broadcast_in_dim3A_1685, %add3A_1702, %broadcast_in_dim3A_1686] : memref<4x64x128xf32, #tpu.memory_space<vmem>>[vector<16xi32>, vector<16xi32>, vector<16xi32>], vector<16xf32>,
      %gather3A_1704 = tpu.vector_load_idx %arg12[%broadcast_in_dim3A_1685, %add3A_1702, %broadcast_in_dim3A_1687] : memref<4x64x128xf32, #tpu.memory_space<vmem>>[vector<16xi32>, vector<16xi32>, vector<16xi32>], vector<16xf32>,
      %gather3A_1705 = tpu.vector_load_idx %arg13[%broadcast_in_dim3A_1685, %add3A_1702, %broadcast_in_dim3A_1688] : memref<4x64x128xf32, #tpu.memory_space<vmem>>[vector<16xi32>, vector<16xi32>, vector<16xi32>], vector<16xf32>,
      %sub3A_1706 = arith.subf %gather3A_1704, %gather3A_1705 : vector<16xf32>
      %mul3A_1707 = arith.mulf %gather3A_1703, %sub3A_1706 : vector<16xf32>
      %add3A_1708 = arith.addf %add3A_1699, %mul3A_1707 : vector<16xf32>
      %add3A_1709 = arith.constant 32 : i32
      %add3A_1710 = vector.broadcast %add3A_1709 : i32 to vector<16xi32>
      %add3A_1711 = arith.addi %add3A_1710, %iota3A : vector<16xi32>
      %gather3A_1712 = tpu.vector_load_idx %arg11[%broadcast_in_dim3A_1685, %add3A_1711, %broadcast_in_dim3A_1686] : memref<4x64x128xf32, #tpu.memory_space<vmem>>[vector<16xi32>, vector<16xi32>, vector<16xi32>], vector<16xf32>,
      %gather3A_1713 = tpu.vector_load_idx %arg12[%broadcast_in_dim3A_1685, %add3A_1711, %broadcast_in_dim3A_1687] : memref<4x64x128xf32, #tpu.memory_space<vmem>>[vector<16xi32>, vector<16xi32>, vector<16xi32>], vector<16xf32>,
      %gather3A_1714 = tpu.vector_load_idx %arg13[%broadcast_in_dim3A_1685, %add3A_1711, %broadcast_in_dim3A_1688] : memref<4x64x128xf32, #tpu.memory_space<vmem>>[vector<16xi32>, vector<16xi32>, vector<16xi32>], vector<16xf32>,
      %sub3A_1715 = arith.subf %gather3A_1713, %gather3A_1714 : vector<16xf32>
      %mul3A_1716 = arith.mulf %gather3A_1712, %sub3A_1715 : vector<16xf32>
      %add3A_1717 = arith.addf %add3A_1708, %mul3A_1716 : vector<16xf32>
      %add3A_1718 = arith.constant 48 : i32
      %add3A_1719 = vector.broadcast %add3A_1718 : i32 to vector<16xi32>
      %add3A_1720 = arith.addi %add3A_1719, %iota3A : vector<16xi32>
      %gather3A_1721 = tpu.vector_load_idx %arg11[%broadcast_in_dim3A_1685, %add3A_1720, %broadcast_in_dim3A_1686] : memref<4x64x128xf32, #tpu.memory_space<vmem>>[vector<16xi32>, vector<16xi32>, vector<16xi32>], vector<16xf32>,
      %gather3A_1722 = tpu.vector_load_idx %arg12[%broadcast_in_dim3A_1685, %add3A_1720, %broadcast_in_dim3A_1687] : memref<4x64x128xf32, #tpu.memory_space<vmem>>[vector<16xi32>, vector<16xi32>, vector<16xi32>], vector<16xf32>,
      %gather3A_1723 = tpu.vector_load_idx %arg13[%broadcast_in_dim3A_1685, %add3A_1720, %broadcast_in_dim3A_1688] : memref<4x64x128xf32, #tpu.memory_space<vmem>>[vector<16xi32>, vector<16xi32>, vector<16xi32>], vector<16xf32>,
      %sub3A_1724 = arith.subf %gather3A_1722, %gather3A_1723 : vector<16xf32>
      %mul3A_1725 = arith.mulf %gather3A_1721, %sub3A_1724 : vector<16xf32>
      %add3A_1726 = arith.addf %add3A_1717, %mul3A_1725 : vector<16xf32>
      %reduce_sum3A_1727 = arith.constant true
      %reduce_sum3A_1728 = vector.broadcast %reduce_sum3A_1727 : i1 to vector<16xi1>
      %reduce_sum3A_1729 = tpu.scan <sum>, %add3A_1726 masked %reduce_sum3A_1728 : vector<16xf32>, vector<16xi1> -> vector<16xf32>
      %reduce_sum3A_1730 = vector.extract %reduce_sum3A_1729[15] : f32 from vector<16xf32>
      %eq3A_1731 = arith.constant 8 : i32
      %eq3A_1732 = vector.broadcast %eq3A_1731 : i32 to vector<16xi32>
      %eq3A_1733 = arith.cmpi eq, %iota3A, %eq3A_1732 : vector<16xi32>
      %broadcast_in_dim3A_1734 = vector.broadcast %reduce_sum3A_1730 : f32 to vector<16xf32>
      %select_n3A_1735 = arith.select %eq3A_1733, %broadcast_in_dim3A_1734, %select_n3A_1263 : vector<16xi1>, vector<16xf32>
      %broadcast_in_dim3A_1736 = arith.constant 1 : i32
      %broadcast_in_dim3A_1737 = vector.broadcast %broadcast_in_dim3A_1736 : i32 to vector<16xi32>
      %broadcast_in_dim3A_1738 = vector.broadcast %and3A_1391 : i32 to vector<16xi32>
      %broadcast_in_dim3A_1739 = vector.broadcast %and3A_1393 : i32 to vector<16xi32>
      %broadcast_in_dim3A_1740 = vector.broadcast %and3A_1395 : i32 to vector<16xi32>
      %broadcast_in_dim3A_1741 = arith.constant 0.000000e+00 : f32
      %broadcast_in_dim3A_1742 = vector.broadcast %broadcast_in_dim3A_1741 : f32 to vector<16xf32>
      %add3A_1743 = arith.constant 0 : i32
      %add3A_1744 = vector.broadcast %add3A_1743 : i32 to vector<16xi32>
      %add3A_1745 = arith.addi %add3A_1744, %iota3A : vector<16xi32>
      %gather3A_1746 = tpu.vector_load_idx %arg11[%broadcast_in_dim3A_1737, %add3A_1745, %broadcast_in_dim3A_1738] : memref<4x64x128xf32, #tpu.memory_space<vmem>>[vector<16xi32>, vector<16xi32>, vector<16xi32>], vector<16xf32>,
      %gather3A_1747 = tpu.vector_load_idx %arg12[%broadcast_in_dim3A_1737, %add3A_1745, %broadcast_in_dim3A_1739] : memref<4x64x128xf32, #tpu.memory_space<vmem>>[vector<16xi32>, vector<16xi32>, vector<16xi32>], vector<16xf32>,
      %gather3A_1748 = tpu.vector_load_idx %arg13[%broadcast_in_dim3A_1737, %add3A_1745, %broadcast_in_dim3A_1740] : memref<4x64x128xf32, #tpu.memory_space<vmem>>[vector<16xi32>, vector<16xi32>, vector<16xi32>], vector<16xf32>,
      %sub3A_1749 = arith.subf %gather3A_1747, %gather3A_1748 : vector<16xf32>
      %mul3A_1750 = arith.mulf %gather3A_1746, %sub3A_1749 : vector<16xf32>
      %add3A_1751 = arith.addf %broadcast_in_dim3A_1742, %mul3A_1750 : vector<16xf32>
      %add3A_1752 = arith.constant 16 : i32
      %add3A_1753 = vector.broadcast %add3A_1752 : i32 to vector<16xi32>
      %add3A_1754 = arith.addi %add3A_1753, %iota3A : vector<16xi32>
      %gather3A_1755 = tpu.vector_load_idx %arg11[%broadcast_in_dim3A_1737, %add3A_1754, %broadcast_in_dim3A_1738] : memref<4x64x128xf32, #tpu.memory_space<vmem>>[vector<16xi32>, vector<16xi32>, vector<16xi32>], vector<16xf32>,
      %gather3A_1756 = tpu.vector_load_idx %arg12[%broadcast_in_dim3A_1737, %add3A_1754, %broadcast_in_dim3A_1739] : memref<4x64x128xf32, #tpu.memory_space<vmem>>[vector<16xi32>, vector<16xi32>, vector<16xi32>], vector<16xf32>,
      %gather3A_1757 = tpu.vector_load_idx %arg13[%broadcast_in_dim3A_1737, %add3A_1754, %broadcast_in_dim3A_1740] : memref<4x64x128xf32, #tpu.memory_space<vmem>>[vector<16xi32>, vector<16xi32>, vector<16xi32>], vector<16xf32>,
      %sub3A_1758 = arith.subf %gather3A_1756, %gather3A_1757 : vector<16xf32>
      %mul3A_1759 = arith.mulf %gather3A_1755, %sub3A_1758 : vector<16xf32>
      %add3A_1760 = arith.addf %add3A_1751, %mul3A_1759 : vector<16xf32>
      %add3A_1761 = arith.constant 32 : i32
      %add3A_1762 = vector.broadcast %add3A_1761 : i32 to vector<16xi32>
      %add3A_1763 = arith.addi %add3A_1762, %iota3A : vector<16xi32>
      %gather3A_1764 = tpu.vector_load_idx %arg11[%broadcast_in_dim3A_1737, %add3A_1763, %broadcast_in_dim3A_1738] : memref<4x64x128xf32, #tpu.memory_space<vmem>>[vector<16xi32>, vector<16xi32>, vector<16xi32>], vector<16xf32>,
      %gather3A_1765 = tpu.vector_load_idx %arg12[%broadcast_in_dim3A_1737, %add3A_1763, %broadcast_in_dim3A_1739] : memref<4x64x128xf32, #tpu.memory_space<vmem>>[vector<16xi32>, vector<16xi32>, vector<16xi32>], vector<16xf32>,
      %gather3A_1766 = tpu.vector_load_idx %arg13[%broadcast_in_dim3A_1737, %add3A_1763, %broadcast_in_dim3A_1740] : memref<4x64x128xf32, #tpu.memory_space<vmem>>[vector<16xi32>, vector<16xi32>, vector<16xi32>], vector<16xf32>,
      %sub3A_1767 = arith.subf %gather3A_1765, %gather3A_1766 : vector<16xf32>
      %mul3A_1768 = arith.mulf %gather3A_1764, %sub3A_1767 : vector<16xf32>
      %add3A_1769 = arith.addf %add3A_1760, %mul3A_1768 : vector<16xf32>
      %add3A_1770 = arith.constant 48 : i32
      %add3A_1771 = vector.broadcast %add3A_1770 : i32 to vector<16xi32>
      %add3A_1772 = arith.addi %add3A_1771, %iota3A : vector<16xi32>
      %gather3A_1773 = tpu.vector_load_idx %arg11[%broadcast_in_dim3A_1737, %add3A_1772, %broadcast_in_dim3A_1738] : memref<4x64x128xf32, #tpu.memory_space<vmem>>[vector<16xi32>, vector<16xi32>, vector<16xi32>], vector<16xf32>,
      %gather3A_1774 = tpu.vector_load_idx %arg12[%broadcast_in_dim3A_1737, %add3A_1772, %broadcast_in_dim3A_1739] : memref<4x64x128xf32, #tpu.memory_space<vmem>>[vector<16xi32>, vector<16xi32>, vector<16xi32>], vector<16xf32>,
      %gather3A_1775 = tpu.vector_load_idx %arg13[%broadcast_in_dim3A_1737, %add3A_1772, %broadcast_in_dim3A_1740] : memref<4x64x128xf32, #tpu.memory_space<vmem>>[vector<16xi32>, vector<16xi32>, vector<16xi32>], vector<16xf32>,
      %sub3A_1776 = arith.subf %gather3A_1774, %gather3A_1775 : vector<16xf32>
      %mul3A_1777 = arith.mulf %gather3A_1773, %sub3A_1776 : vector<16xf32>
      %add3A_1778 = arith.addf %add3A_1769, %mul3A_1777 : vector<16xf32>
      %reduce_sum3A_1779 = arith.constant true
      %reduce_sum3A_1780 = vector.broadcast %reduce_sum3A_1779 : i1 to vector<16xi1>
      %reduce_sum3A_1781 = tpu.scan <sum>, %add3A_1778 masked %reduce_sum3A_1780 : vector<16xf32>, vector<16xi1> -> vector<16xf32>
      %reduce_sum3A_1782 = vector.extract %reduce_sum3A_1781[15] : f32 from vector<16xf32>
      %eq3A_1783 = arith.constant 9 : i32
      %eq3A_1784 = vector.broadcast %eq3A_1783 : i32 to vector<16xi32>
      %eq3A_1785 = arith.cmpi eq, %iota3A, %eq3A_1784 : vector<16xi32>
      %broadcast_in_dim3A_1786 = vector.broadcast %reduce_sum3A_1782 : f32 to vector<16xf32>
      %select_n3A_1787 = arith.select %eq3A_1785, %broadcast_in_dim3A_1786, %select_n3A_1735 : vector<16xi1>, vector<16xf32>
      %broadcast_in_dim3A_1788 = arith.constant 2 : i32
      %broadcast_in_dim3A_1789 = vector.broadcast %broadcast_in_dim3A_1788 : i32 to vector<16xi32>
      %broadcast_in_dim3A_1790 = vector.broadcast %and3A_1457 : i32 to vector<16xi32>
      %broadcast_in_dim3A_1791 = vector.broadcast %and3A_1459 : i32 to vector<16xi32>
      %broadcast_in_dim3A_1792 = vector.broadcast %and3A_1461 : i32 to vector<16xi32>
      %broadcast_in_dim3A_1793 = arith.constant 0.000000e+00 : f32
      %broadcast_in_dim3A_1794 = vector.broadcast %broadcast_in_dim3A_1793 : f32 to vector<16xf32>
      %add3A_1795 = arith.constant 0 : i32
      %add3A_1796 = vector.broadcast %add3A_1795 : i32 to vector<16xi32>
      %add3A_1797 = arith.addi %add3A_1796, %iota3A : vector<16xi32>
      %gather3A_1798 = tpu.vector_load_idx %arg11[%broadcast_in_dim3A_1789, %add3A_1797, %broadcast_in_dim3A_1790] : memref<4x64x128xf32, #tpu.memory_space<vmem>>[vector<16xi32>, vector<16xi32>, vector<16xi32>], vector<16xf32>,
      %gather3A_1799 = tpu.vector_load_idx %arg12[%broadcast_in_dim3A_1789, %add3A_1797, %broadcast_in_dim3A_1791] : memref<4x64x128xf32, #tpu.memory_space<vmem>>[vector<16xi32>, vector<16xi32>, vector<16xi32>], vector<16xf32>,
      %gather3A_1800 = tpu.vector_load_idx %arg13[%broadcast_in_dim3A_1789, %add3A_1797, %broadcast_in_dim3A_1792] : memref<4x64x128xf32, #tpu.memory_space<vmem>>[vector<16xi32>, vector<16xi32>, vector<16xi32>], vector<16xf32>,
      %sub3A_1801 = arith.subf %gather3A_1799, %gather3A_1800 : vector<16xf32>
      %mul3A_1802 = arith.mulf %gather3A_1798, %sub3A_1801 : vector<16xf32>
      %add3A_1803 = arith.addf %broadcast_in_dim3A_1794, %mul3A_1802 : vector<16xf32>
      %add3A_1804 = arith.constant 16 : i32
      %add3A_1805 = vector.broadcast %add3A_1804 : i32 to vector<16xi32>
      %add3A_1806 = arith.addi %add3A_1805, %iota3A : vector<16xi32>
      %gather3A_1807 = tpu.vector_load_idx %arg11[%broadcast_in_dim3A_1789, %add3A_1806, %broadcast_in_dim3A_1790] : memref<4x64x128xf32, #tpu.memory_space<vmem>>[vector<16xi32>, vector<16xi32>, vector<16xi32>], vector<16xf32>,
      %gather3A_1808 = tpu.vector_load_idx %arg12[%broadcast_in_dim3A_1789, %add3A_1806, %broadcast_in_dim3A_1791] : memref<4x64x128xf32, #tpu.memory_space<vmem>>[vector<16xi32>, vector<16xi32>, vector<16xi32>], vector<16xf32>,
      %gather3A_1809 = tpu.vector_load_idx %arg13[%broadcast_in_dim3A_1789, %add3A_1806, %broadcast_in_dim3A_1792] : memref<4x64x128xf32, #tpu.memory_space<vmem>>[vector<16xi32>, vector<16xi32>, vector<16xi32>], vector<16xf32>,
      %sub3A_1810 = arith.subf %gather3A_1808, %gather3A_1809 : vector<16xf32>
      %mul3A_1811 = arith.mulf %gather3A_1807, %sub3A_1810 : vector<16xf32>
      %add3A_1812 = arith.addf %add3A_1803, %mul3A_1811 : vector<16xf32>
      %add3A_1813 = arith.constant 32 : i32
      %add3A_1814 = vector.broadcast %add3A_1813 : i32 to vector<16xi32>
      %add3A_1815 = arith.addi %add3A_1814, %iota3A : vector<16xi32>
      %gather3A_1816 = tpu.vector_load_idx %arg11[%broadcast_in_dim3A_1789, %add3A_1815, %broadcast_in_dim3A_1790] : memref<4x64x128xf32, #tpu.memory_space<vmem>>[vector<16xi32>, vector<16xi32>, vector<16xi32>], vector<16xf32>,
      %gather3A_1817 = tpu.vector_load_idx %arg12[%broadcast_in_dim3A_1789, %add3A_1815, %broadcast_in_dim3A_1791] : memref<4x64x128xf32, #tpu.memory_space<vmem>>[vector<16xi32>, vector<16xi32>, vector<16xi32>], vector<16xf32>,
      %gather3A_1818 = tpu.vector_load_idx %arg13[%broadcast_in_dim3A_1789, %add3A_1815, %broadcast_in_dim3A_1792] : memref<4x64x128xf32, #tpu.memory_space<vmem>>[vector<16xi32>, vector<16xi32>, vector<16xi32>], vector<16xf32>,
      %sub3A_1819 = arith.subf %gather3A_1817, %gather3A_1818 : vector<16xf32>
      %mul3A_1820 = arith.mulf %gather3A_1816, %sub3A_1819 : vector<16xf32>
      %add3A_1821 = arith.addf %add3A_1812, %mul3A_1820 : vector<16xf32>
      %add3A_1822 = arith.constant 48 : i32
      %add3A_1823 = vector.broadcast %add3A_1822 : i32 to vector<16xi32>
      %add3A_1824 = arith.addi %add3A_1823, %iota3A : vector<16xi32>
      %gather3A_1825 = tpu.vector_load_idx %arg11[%broadcast_in_dim3A_1789, %add3A_1824, %broadcast_in_dim3A_1790] : memref<4x64x128xf32, #tpu.memory_space<vmem>>[vector<16xi32>, vector<16xi32>, vector<16xi32>], vector<16xf32>,
      %gather3A_1826 = tpu.vector_load_idx %arg12[%broadcast_in_dim3A_1789, %add3A_1824, %broadcast_in_dim3A_1791] : memref<4x64x128xf32, #tpu.memory_space<vmem>>[vector<16xi32>, vector<16xi32>, vector<16xi32>], vector<16xf32>,
      %gather3A_1827 = tpu.vector_load_idx %arg13[%broadcast_in_dim3A_1789, %add3A_1824, %broadcast_in_dim3A_1792] : memref<4x64x128xf32, #tpu.memory_space<vmem>>[vector<16xi32>, vector<16xi32>, vector<16xi32>], vector<16xf32>,
      %sub3A_1828 = arith.subf %gather3A_1826, %gather3A_1827 : vector<16xf32>
      %mul3A_1829 = arith.mulf %gather3A_1825, %sub3A_1828 : vector<16xf32>
      %add3A_1830 = arith.addf %add3A_1821, %mul3A_1829 : vector<16xf32>
      %reduce_sum3A_1831 = arith.constant true
      %reduce_sum3A_1832 = vector.broadcast %reduce_sum3A_1831 : i1 to vector<16xi1>
      %reduce_sum3A_1833 = tpu.scan <sum>, %add3A_1830 masked %reduce_sum3A_1832 : vector<16xf32>, vector<16xi1> -> vector<16xf32>
      %reduce_sum3A_1834 = vector.extract %reduce_sum3A_1833[15] : f32 from vector<16xf32>
      %eq3A_1835 = arith.constant 10 : i32
      %eq3A_1836 = vector.broadcast %eq3A_1835 : i32 to vector<16xi32>
      %eq3A_1837 = arith.cmpi eq, %iota3A, %eq3A_1836 : vector<16xi32>
      %broadcast_in_dim3A_1838 = vector.broadcast %reduce_sum3A_1834 : f32 to vector<16xf32>
      %select_n3A_1839 = arith.select %eq3A_1837, %broadcast_in_dim3A_1838, %select_n3A_1787 : vector<16xi1>, vector<16xf32>
      %broadcast_in_dim3A_1840 = arith.constant 3 : i32
      %broadcast_in_dim3A_1841 = vector.broadcast %broadcast_in_dim3A_1840 : i32 to vector<16xi32>
      %broadcast_in_dim3A_1842 = vector.broadcast %and3A_1523 : i32 to vector<16xi32>
      %broadcast_in_dim3A_1843 = vector.broadcast %and3A_1525 : i32 to vector<16xi32>
      %broadcast_in_dim3A_1844 = vector.broadcast %and3A_1527 : i32 to vector<16xi32>
      %broadcast_in_dim3A_1845 = arith.constant 0.000000e+00 : f32
      %broadcast_in_dim3A_1846 = vector.broadcast %broadcast_in_dim3A_1845 : f32 to vector<16xf32>
      %add3A_1847 = arith.constant 0 : i32
      %add3A_1848 = vector.broadcast %add3A_1847 : i32 to vector<16xi32>
      %add3A_1849 = arith.addi %add3A_1848, %iota3A : vector<16xi32>
      %gather3A_1850 = tpu.vector_load_idx %arg11[%broadcast_in_dim3A_1841, %add3A_1849, %broadcast_in_dim3A_1842] : memref<4x64x128xf32, #tpu.memory_space<vmem>>[vector<16xi32>, vector<16xi32>, vector<16xi32>], vector<16xf32>,
      %gather3A_1851 = tpu.vector_load_idx %arg12[%broadcast_in_dim3A_1841, %add3A_1849, %broadcast_in_dim3A_1843] : memref<4x64x128xf32, #tpu.memory_space<vmem>>[vector<16xi32>, vector<16xi32>, vector<16xi32>], vector<16xf32>,
      %gather3A_1852 = tpu.vector_load_idx %arg13[%broadcast_in_dim3A_1841, %add3A_1849, %broadcast_in_dim3A_1844] : memref<4x64x128xf32, #tpu.memory_space<vmem>>[vector<16xi32>, vector<16xi32>, vector<16xi32>], vector<16xf32>,
      %sub3A_1853 = arith.subf %gather3A_1851, %gather3A_1852 : vector<16xf32>
      %mul3A_1854 = arith.mulf %gather3A_1850, %sub3A_1853 : vector<16xf32>
      %add3A_1855 = arith.addf %broadcast_in_dim3A_1846, %mul3A_1854 : vector<16xf32>
      %add3A_1856 = arith.constant 16 : i32
      %add3A_1857 = vector.broadcast %add3A_1856 : i32 to vector<16xi32>
      %add3A_1858 = arith.addi %add3A_1857, %iota3A : vector<16xi32>
      %gather3A_1859 = tpu.vector_load_idx %arg11[%broadcast_in_dim3A_1841, %add3A_1858, %broadcast_in_dim3A_1842] : memref<4x64x128xf32, #tpu.memory_space<vmem>>[vector<16xi32>, vector<16xi32>, vector<16xi32>], vector<16xf32>,
      %gather3A_1860 = tpu.vector_load_idx %arg12[%broadcast_in_dim3A_1841, %add3A_1858, %broadcast_in_dim3A_1843] : memref<4x64x128xf32, #tpu.memory_space<vmem>>[vector<16xi32>, vector<16xi32>, vector<16xi32>], vector<16xf32>,
      %gather3A_1861 = tpu.vector_load_idx %arg13[%broadcast_in_dim3A_1841, %add3A_1858, %broadcast_in_dim3A_1844] : memref<4x64x128xf32, #tpu.memory_space<vmem>>[vector<16xi32>, vector<16xi32>, vector<16xi32>], vector<16xf32>,
      %sub3A_1862 = arith.subf %gather3A_1860, %gather3A_1861 : vector<16xf32>
      %mul3A_1863 = arith.mulf %gather3A_1859, %sub3A_1862 : vector<16xf32>
      %add3A_1864 = arith.addf %add3A_1855, %mul3A_1863 : vector<16xf32>
      %add3A_1865 = arith.constant 32 : i32
      %add3A_1866 = vector.broadcast %add3A_1865 : i32 to vector<16xi32>
      %add3A_1867 = arith.addi %add3A_1866, %iota3A : vector<16xi32>
      %gather3A_1868 = tpu.vector_load_idx %arg11[%broadcast_in_dim3A_1841, %add3A_1867, %broadcast_in_dim3A_1842] : memref<4x64x128xf32, #tpu.memory_space<vmem>>[vector<16xi32>, vector<16xi32>, vector<16xi32>], vector<16xf32>,
      %gather3A_1869 = tpu.vector_load_idx %arg12[%broadcast_in_dim3A_1841, %add3A_1867, %broadcast_in_dim3A_1843] : memref<4x64x128xf32, #tpu.memory_space<vmem>>[vector<16xi32>, vector<16xi32>, vector<16xi32>], vector<16xf32>,
      %gather3A_1870 = tpu.vector_load_idx %arg13[%broadcast_in_dim3A_1841, %add3A_1867, %broadcast_in_dim3A_1844] : memref<4x64x128xf32, #tpu.memory_space<vmem>>[vector<16xi32>, vector<16xi32>, vector<16xi32>], vector<16xf32>,
      %sub3A_1871 = arith.subf %gather3A_1869, %gather3A_1870 : vector<16xf32>
      %mul3A_1872 = arith.mulf %gather3A_1868, %sub3A_1871 : vector<16xf32>
      %add3A_1873 = arith.addf %add3A_1864, %mul3A_1872 : vector<16xf32>
      %add3A_1874 = arith.constant 48 : i32
      %add3A_1875 = vector.broadcast %add3A_1874 : i32 to vector<16xi32>
      %add3A_1876 = arith.addi %add3A_1875, %iota3A : vector<16xi32>
      %gather3A_1877 = tpu.vector_load_idx %arg11[%broadcast_in_dim3A_1841, %add3A_1876, %broadcast_in_dim3A_1842] : memref<4x64x128xf32, #tpu.memory_space<vmem>>[vector<16xi32>, vector<16xi32>, vector<16xi32>], vector<16xf32>,
      %gather3A_1878 = tpu.vector_load_idx %arg12[%broadcast_in_dim3A_1841, %add3A_1876, %broadcast_in_dim3A_1843] : memref<4x64x128xf32, #tpu.memory_space<vmem>>[vector<16xi32>, vector<16xi32>, vector<16xi32>], vector<16xf32>,
      %gather3A_1879 = tpu.vector_load_idx %arg13[%broadcast_in_dim3A_1841, %add3A_1876, %broadcast_in_dim3A_1844] : memref<4x64x128xf32, #tpu.memory_space<vmem>>[vector<16xi32>, vector<16xi32>, vector<16xi32>], vector<16xf32>,
      %sub3A_1880 = arith.subf %gather3A_1878, %gather3A_1879 : vector<16xf32>
      %mul3A_1881 = arith.mulf %gather3A_1877, %sub3A_1880 : vector<16xf32>
      %add3A_1882 = arith.addf %add3A_1873, %mul3A_1881 : vector<16xf32>
      %reduce_sum3A_1883 = arith.constant true
      %reduce_sum3A_1884 = vector.broadcast %reduce_sum3A_1883 : i1 to vector<16xi1>
      %reduce_sum3A_1885 = tpu.scan <sum>, %add3A_1882 masked %reduce_sum3A_1884 : vector<16xf32>, vector<16xi1> -> vector<16xf32>
      %reduce_sum3A_1886 = vector.extract %reduce_sum3A_1885[15] : f32 from vector<16xf32>
      %eq3A_1887 = arith.constant 11 : i32
      %eq3A_1888 = vector.broadcast %eq3A_1887 : i32 to vector<16xi32>
      %eq3A_1889 = arith.cmpi eq, %iota3A, %eq3A_1888 : vector<16xi32>
      %broadcast_in_dim3A_1890 = vector.broadcast %reduce_sum3A_1886 : f32 to vector<16xf32>
      %select_n3A_1891 = arith.select %eq3A_1889, %broadcast_in_dim3A_1890, %select_n3A_1839 : vector<16xi1>, vector<16xf32>
      %slice3A_1892 = vector.extract_strided_slice %get3A_11 {offsets = [12], sizes = [1], strides = [1]} : vector<16xi32> to vector<1xi32>
      %squeeze3A_1893 = vector.extract %slice3A_1892[0] : i32 from vector<1xi32>
      %slice3A_1894 = vector.extract_strided_slice %get3A_15 {offsets = [12], sizes = [1], strides = [1]} : vector<16xi32> to vector<1xi32>
      %squeeze3A_1895 = vector.extract %slice3A_1894[0] : i32 from vector<1xi32>
      %slice3A_1896 = vector.extract_strided_slice %get3A_19 {offsets = [12], sizes = [1], strides = [1]} : vector<16xi32> to vector<1xi32>
      %squeeze3A_1897 = vector.extract %slice3A_1896[0] : i32 from vector<1xi32>
      %shift_right_arithmetic3A_1898 = arith.constant 7 : i32
      %shift_right_arithmetic3A_1899 = arith.shrsi %squeeze3A_1893, %shift_right_arithmetic3A_1898 : i32
      %shift_left3A_1900 = arith.constant 7 : i32
      %shift_left3A_1901 = arith.shli %shift_right_arithmetic3A_1899, %shift_left3A_1900 : i32
      %multiple_of3A_1902 = tpu.assume_multiple %shift_left3A_1901, 128 : i32
      %shift_right_arithmetic3A_1903 = arith.constant 7 : i32
      %shift_right_arithmetic3A_1904 = arith.shrsi %squeeze3A_1895, %shift_right_arithmetic3A_1903 : i32
      %shift_left3A_1905 = arith.constant 7 : i32
      %shift_left3A_1906 = arith.shli %shift_right_arithmetic3A_1904, %shift_left3A_1905 : i32
      %multiple_of3A_1907 = tpu.assume_multiple %shift_left3A_1906, 128 : i32
      %shift_right_arithmetic3A_1908 = arith.constant 7 : i32
      %shift_right_arithmetic3A_1909 = arith.shrsi %squeeze3A_1897, %shift_right_arithmetic3A_1908 : i32
      %shift_left3A_1910 = arith.constant 7 : i32
      %shift_left3A_1911 = arith.shli %shift_right_arithmetic3A_1909, %shift_left3A_1910 : i32
      %multiple_of3A_1912 = tpu.assume_multiple %shift_left3A_1911, 128 : i32
      %dma_start3A_1913 = arith.constant 0 : i32
      %dma_start3A_1914 = arith.constant 0 : i32
      %dma_start3A_1915 = arith.constant 0 : i32
      %dma_start3A_1916 = tpu.memref_slice %arg11[%dma_start3A_1913, %dma_start3A_1914, %dma_start3A_1915] : memref<4x64x128xf32, #tpu.memory_space<vmem>> -> memref<1x64x128xf32, #tpu.memory_space<vmem>>
      %dma_start3A_1917 = tpu.memref_squeeze %dma_start3A_1916 : memref<1x64x128xf32, #tpu.memory_space<vmem>> -> memref<64x128xf32, #tpu.memory_space<vmem>>
      %dma_start3A_1918 = arith.constant 0 : i32
      %dma_start3A_1919 = tpu.memref_slice %arg5[%dma_start3A_1918, %multiple_of3A_1902] : memref<64x1000000xf32, #tpu.memory_space<hbm>> -> memref<64x128xf32, #tpu.memory_space<hbm>>
      %dma_start3A_1920 = arith.constant 0 : i32
      %dma_start3A_1921 = arith.constant 0 : i32
      %dma_start3A_1922 = tpu.memref_slice %arg11[%dma_start3A_1913, %dma_start3A_1920, %dma_start3A_1921] : memref<4x64x128xf32, #tpu.memory_space<vmem>> -> memref<1x64x128xf32, #tpu.memory_space<vmem>>
      %dma_start3A_1923 = tpu.memref_squeeze %dma_start3A_1922 : memref<1x64x128xf32, #tpu.memory_space<vmem>> -> memref<64x128xf32, #tpu.memory_space<vmem>>
      %dma_start3A_1924 = arith.constant 0 : i32
      %dma_start3A_1925 = tpu.memref_slice %arg5[%dma_start3A_1924, %multiple_of3A_1902] : memref<64x1000000xf32, #tpu.memory_space<hbm>> -> memref<64x128xf32, #tpu.memory_space<hbm>>
      tpu.enqueue_dma source(%dma_start3A_1925 : memref<64x128xf32, #tpu.memory_space<hbm>>) target(%dma_start3A_1923 : memref<64x128xf32, #tpu.memory_space<vmem>>) target_semaphore(%arg15 : memref<!tpu.dma_semaphore, #tpu.memory_space<semaphore_mem>>)
      %dma_start3A_1926 = arith.constant 0 : i32
      %dma_start3A_1927 = arith.constant 0 : i32
      %dma_start3A_1928 = arith.constant 0 : i32
      %dma_start3A_1929 = tpu.memref_slice %arg12[%dma_start3A_1926, %dma_start3A_1927, %dma_start3A_1928] : memref<4x64x128xf32, #tpu.memory_space<vmem>> -> memref<1x64x128xf32, #tpu.memory_space<vmem>>
      %dma_start3A_1930 = tpu.memref_squeeze %dma_start3A_1929 : memref<1x64x128xf32, #tpu.memory_space<vmem>> -> memref<64x128xf32, #tpu.memory_space<vmem>>
      %dma_start3A_1931 = arith.constant 0 : i32
      %dma_start3A_1932 = tpu.memref_slice %arg6[%dma_start3A_1931, %multiple_of3A_1907] : memref<64x1000000xf32, #tpu.memory_space<hbm>> -> memref<64x128xf32, #tpu.memory_space<hbm>>
      %dma_start3A_1933 = arith.constant 0 : i32
      %dma_start3A_1934 = arith.constant 0 : i32
      %dma_start3A_1935 = tpu.memref_slice %arg12[%dma_start3A_1926, %dma_start3A_1933, %dma_start3A_1934] : memref<4x64x128xf32, #tpu.memory_space<vmem>> -> memref<1x64x128xf32, #tpu.memory_space<vmem>>
      %dma_start3A_1936 = tpu.memref_squeeze %dma_start3A_1935 : memref<1x64x128xf32, #tpu.memory_space<vmem>> -> memref<64x128xf32, #tpu.memory_space<vmem>>
      %dma_start3A_1937 = arith.constant 0 : i32
      %dma_start3A_1938 = tpu.memref_slice %arg6[%dma_start3A_1937, %multiple_of3A_1907] : memref<64x1000000xf32, #tpu.memory_space<hbm>> -> memref<64x128xf32, #tpu.memory_space<hbm>>
      tpu.enqueue_dma source(%dma_start3A_1938 : memref<64x128xf32, #tpu.memory_space<hbm>>) target(%dma_start3A_1936 : memref<64x128xf32, #tpu.memory_space<vmem>>) target_semaphore(%arg15 : memref<!tpu.dma_semaphore, #tpu.memory_space<semaphore_mem>>)
      %dma_start3A_1939 = arith.constant 0 : i32
      %dma_start3A_1940 = arith.constant 0 : i32
      %dma_start3A_1941 = arith.constant 0 : i32
      %dma_start3A_1942 = tpu.memref_slice %arg13[%dma_start3A_1939, %dma_start3A_1940, %dma_start3A_1941] : memref<4x64x128xf32, #tpu.memory_space<vmem>> -> memref<1x64x128xf32, #tpu.memory_space<vmem>>
      %dma_start3A_1943 = tpu.memref_squeeze %dma_start3A_1942 : memref<1x64x128xf32, #tpu.memory_space<vmem>> -> memref<64x128xf32, #tpu.memory_space<vmem>>
      %dma_start3A_1944 = arith.constant 0 : i32
      %dma_start3A_1945 = tpu.memref_slice %arg6[%dma_start3A_1944, %multiple_of3A_1912] : memref<64x1000000xf32, #tpu.memory_space<hbm>> -> memref<64x128xf32, #tpu.memory_space<hbm>>
      %dma_start3A_1946 = arith.constant 0 : i32
      %dma_start3A_1947 = arith.constant 0 : i32
      %dma_start3A_1948 = tpu.memref_slice %arg13[%dma_start3A_1939, %dma_start3A_1946, %dma_start3A_1947] : memref<4x64x128xf32, #tpu.memory_space<vmem>> -> memref<1x64x128xf32, #tpu.memory_space<vmem>>
      %dma_start3A_1949 = tpu.memref_squeeze %dma_start3A_1948 : memref<1x64x128xf32, #tpu.memory_space<vmem>> -> memref<64x128xf32, #tpu.memory_space<vmem>>
      %dma_start3A_1950 = arith.constant 0 : i32
      %dma_start3A_1951 = tpu.memref_slice %arg6[%dma_start3A_1950, %multiple_of3A_1912] : memref<64x1000000xf32, #tpu.memory_space<hbm>> -> memref<64x128xf32, #tpu.memory_space<hbm>>
      tpu.enqueue_dma source(%dma_start3A_1951 : memref<64x128xf32, #tpu.memory_space<hbm>>) target(%dma_start3A_1949 : memref<64x128xf32, #tpu.memory_space<vmem>>) target_semaphore(%arg15 : memref<!tpu.dma_semaphore, #tpu.memory_space<semaphore_mem>>)
      %and3A_1952 = arith.constant 127 : i32
      %and3A_1953 = arith.andi %squeeze3A_1893, %and3A_1952 : i32
      %and3A_1954 = arith.constant 127 : i32
      %and3A_1955 = arith.andi %squeeze3A_1895, %and3A_1954 : i32
      %and3A_1956 = arith.constant 127 : i32
      %and3A_1957 = arith.andi %squeeze3A_1897, %and3A_1956 : i32
      %slice3A_1958 = vector.extract_strided_slice %get3A_11 {offsets = [13], sizes = [1], strides = [1]} : vector<16xi32> to vector<1xi32>
      %squeeze3A_1959 = vector.extract %slice3A_1958[0] : i32 from vector<1xi32>
      %slice3A_1960 = vector.extract_strided_slice %get3A_15 {offsets = [13], sizes = [1], strides = [1]} : vector<16xi32> to vector<1xi32>
      %squeeze3A_1961 = vector.extract %slice3A_1960[0] : i32 from vector<1xi32>
      %slice3A_1962 = vector.extract_strided_slice %get3A_19 {offsets = [13], sizes = [1], strides = [1]} : vector<16xi32> to vector<1xi32>
      %squeeze3A_1963 = vector.extract %slice3A_1962[0] : i32 from vector<1xi32>
      %shift_right_arithmetic3A_1964 = arith.constant 7 : i32
      %shift_right_arithmetic3A_1965 = arith.shrsi %squeeze3A_1959, %shift_right_arithmetic3A_1964 : i32
      %shift_left3A_1966 = arith.constant 7 : i32
      %shift_left3A_1967 = arith.shli %shift_right_arithmetic3A_1965, %shift_left3A_1966 : i32
      %multiple_of3A_1968 = tpu.assume_multiple %shift_left3A_1967, 128 : i32
      %shift_right_arithmetic3A_1969 = arith.constant 7 : i32
      %shift_right_arithmetic3A_1970 = arith.shrsi %squeeze3A_1961, %shift_right_arithmetic3A_1969 : i32
      %shift_left3A_1971 = arith.constant 7 : i32
      %shift_left3A_1972 = arith.shli %shift_right_arithmetic3A_1970, %shift_left3A_1971 : i32
      %multiple_of3A_1973 = tpu.assume_multiple %shift_left3A_1972, 128 : i32
      %shift_right_arithmetic3A_1974 = arith.constant 7 : i32
      %shift_right_arithmetic3A_1975 = arith.shrsi %squeeze3A_1963, %shift_right_arithmetic3A_1974 : i32
      %shift_left3A_1976 = arith.constant 7 : i32
      %shift_left3A_1977 = arith.shli %shift_right_arithmetic3A_1975, %shift_left3A_1976 : i32
      %multiple_of3A_1978 = tpu.assume_multiple %shift_left3A_1977, 128 : i32
      %dma_start3A_1979 = arith.constant 1 : i32
      %dma_start3A_1980 = arith.constant 0 : i32
      %dma_start3A_1981 = arith.constant 0 : i32
      %dma_start3A_1982 = tpu.memref_slice %arg11[%dma_start3A_1979, %dma_start3A_1980, %dma_start3A_1981] : memref<4x64x128xf32, #tpu.memory_space<vmem>> -> memref<1x64x128xf32, #tpu.memory_space<vmem>>
      %dma_start3A_1983 = tpu.memref_squeeze %dma_start3A_1982 : memref<1x64x128xf32, #tpu.memory_space<vmem>> -> memref<64x128xf32, #tpu.memory_space<vmem>>
      %dma_start3A_1984 = arith.constant 0 : i32
      %dma_start3A_1985 = tpu.memref_slice %arg5[%dma_start3A_1984, %multiple_of3A_1968] : memref<64x1000000xf32, #tpu.memory_space<hbm>> -> memref<64x128xf32, #tpu.memory_space<hbm>>
      %dma_start3A_1986 = arith.constant 0 : i32
      %dma_start3A_1987 = arith.constant 0 : i32
      %dma_start3A_1988 = tpu.memref_slice %arg11[%dma_start3A_1979, %dma_start3A_1986, %dma_start3A_1987] : memref<4x64x128xf32, #tpu.memory_space<vmem>> -> memref<1x64x128xf32, #tpu.memory_space<vmem>>
      %dma_start3A_1989 = tpu.memref_squeeze %dma_start3A_1988 : memref<1x64x128xf32, #tpu.memory_space<vmem>> -> memref<64x128xf32, #tpu.memory_space<vmem>>
      %dma_start3A_1990 = arith.constant 0 : i32
      %dma_start3A_1991 = tpu.memref_slice %arg5[%dma_start3A_1990, %multiple_of3A_1968] : memref<64x1000000xf32, #tpu.memory_space<hbm>> -> memref<64x128xf32, #tpu.memory_space<hbm>>
      tpu.enqueue_dma source(%dma_start3A_1991 : memref<64x128xf32, #tpu.memory_space<hbm>>) target(%dma_start3A_1989 : memref<64x128xf32, #tpu.memory_space<vmem>>) target_semaphore(%arg15 : memref<!tpu.dma_semaphore, #tpu.memory_space<semaphore_mem>>)
      %dma_start3A_1992 = arith.constant 1 : i32
      %dma_start3A_1993 = arith.constant 0 : i32
      %dma_start3A_1994 = arith.constant 0 : i32
      %dma_start3A_1995 = tpu.memref_slice %arg12[%dma_start3A_1992, %dma_start3A_1993, %dma_start3A_1994] : memref<4x64x128xf32, #tpu.memory_space<vmem>> -> memref<1x64x128xf32, #tpu.memory_space<vmem>>
      %dma_start3A_1996 = tpu.memref_squeeze %dma_start3A_1995 : memref<1x64x128xf32, #tpu.memory_space<vmem>> -> memref<64x128xf32, #tpu.memory_space<vmem>>
      %dma_start3A_1997 = arith.constant 0 : i32
      %dma_start3A_1998 = tpu.memref_slice %arg6[%dma_start3A_1997, %multiple_of3A_1973] : memref<64x1000000xf32, #tpu.memory_space<hbm>> -> memref<64x128xf32, #tpu.memory_space<hbm>>
      %dma_start3A_1999 = arith.constant 0 : i32
      %dma_start3A_2000 = arith.constant 0 : i32
      %dma_start3A_2001 = tpu.memref_slice %arg12[%dma_start3A_1992, %dma_start3A_1999, %dma_start3A_2000] : memref<4x64x128xf32, #tpu.memory_space<vmem>> -> memref<1x64x128xf32, #tpu.memory_space<vmem>>
      %dma_start3A_2002 = tpu.memref_squeeze %dma_start3A_2001 : memref<1x64x128xf32, #tpu.memory_space<vmem>> -> memref<64x128xf32, #tpu.memory_space<vmem>>
      %dma_start3A_2003 = arith.constant 0 : i32
      %dma_start3A_2004 = tpu.memref_slice %arg6[%dma_start3A_2003, %multiple_of3A_1973] : memref<64x1000000xf32, #tpu.memory_space<hbm>> -> memref<64x128xf32, #tpu.memory_space<hbm>>
      tpu.enqueue_dma source(%dma_start3A_2004 : memref<64x128xf32, #tpu.memory_space<hbm>>) target(%dma_start3A_2002 : memref<64x128xf32, #tpu.memory_space<vmem>>) target_semaphore(%arg15 : memref<!tpu.dma_semaphore, #tpu.memory_space<semaphore_mem>>)
      %dma_start3A_2005 = arith.constant 1 : i32
      %dma_start3A_2006 = arith.constant 0 : i32
      %dma_start3A_2007 = arith.constant 0 : i32
      %dma_start3A_2008 = tpu.memref_slice %arg13[%dma_start3A_2005, %dma_start3A_2006, %dma_start3A_2007] : memref<4x64x128xf32, #tpu.memory_space<vmem>> -> memref<1x64x128xf32, #tpu.memory_space<vmem>>
      %dma_start3A_2009 = tpu.memref_squeeze %dma_start3A_2008 : memref<1x64x128xf32, #tpu.memory_space<vmem>> -> memref<64x128xf32, #tpu.memory_space<vmem>>
      %dma_start3A_2010 = arith.constant 0 : i32
      %dma_start3A_2011 = tpu.memref_slice %arg6[%dma_start3A_2010, %multiple_of3A_1978] : memref<64x1000000xf32, #tpu.memory_space<hbm>> -> memref<64x128xf32, #tpu.memory_space<hbm>>
      %dma_start3A_2012 = arith.constant 0 : i32
      %dma_start3A_2013 = arith.constant 0 : i32
      %dma_start3A_2014 = tpu.memref_slice %arg13[%dma_start3A_2005, %dma_start3A_2012, %dma_start3A_2013] : memref<4x64x128xf32, #tpu.memory_space<vmem>> -> memref<1x64x128xf32, #tpu.memory_space<vmem>>
      %dma_start3A_2015 = tpu.memref_squeeze %dma_start3A_2014 : memref<1x64x128xf32, #tpu.memory_space<vmem>> -> memref<64x128xf32, #tpu.memory_space<vmem>>
      %dma_start3A_2016 = arith.constant 0 : i32
      %dma_start3A_2017 = tpu.memref_slice %arg6[%dma_start3A_2016, %multiple_of3A_1978] : memref<64x1000000xf32, #tpu.memory_space<hbm>> -> memref<64x128xf32, #tpu.memory_space<hbm>>
      tpu.enqueue_dma source(%dma_start3A_2017 : memref<64x128xf32, #tpu.memory_space<hbm>>) target(%dma_start3A_2015 : memref<64x128xf32, #tpu.memory_space<vmem>>) target_semaphore(%arg15 : memref<!tpu.dma_semaphore, #tpu.memory_space<semaphore_mem>>)
      %and3A_2018 = arith.constant 127 : i32
      %and3A_2019 = arith.andi %squeeze3A_1959, %and3A_2018 : i32
      %and3A_2020 = arith.constant 127 : i32
      %and3A_2021 = arith.andi %squeeze3A_1961, %and3A_2020 : i32
      %and3A_2022 = arith.constant 127 : i32
      %and3A_2023 = arith.andi %squeeze3A_1963, %and3A_2022 : i32
      %slice3A_2024 = vector.extract_strided_slice %get3A_11 {offsets = [14], sizes = [1], strides = [1]} : vector<16xi32> to vector<1xi32>
      %squeeze3A_2025 = vector.extract %slice3A_2024[0] : i32 from vector<1xi32>
      %slice3A_2026 = vector.extract_strided_slice %get3A_15 {offsets = [14], sizes = [1], strides = [1]} : vector<16xi32> to vector<1xi32>
      %squeeze3A_2027 = vector.extract %slice3A_2026[0] : i32 from vector<1xi32>
      %slice3A_2028 = vector.extract_strided_slice %get3A_19 {offsets = [14], sizes = [1], strides = [1]} : vector<16xi32> to vector<1xi32>
      %squeeze3A_2029 = vector.extract %slice3A_2028[0] : i32 from vector<1xi32>
      %shift_right_arithmetic3A_2030 = arith.constant 7 : i32
      %shift_right_arithmetic3A_2031 = arith.shrsi %squeeze3A_2025, %shift_right_arithmetic3A_2030 : i32
      %shift_left3A_2032 = arith.constant 7 : i32
      %shift_left3A_2033 = arith.shli %shift_right_arithmetic3A_2031, %shift_left3A_2032 : i32
      %multiple_of3A_2034 = tpu.assume_multiple %shift_left3A_2033, 128 : i32
      %shift_right_arithmetic3A_2035 = arith.constant 7 : i32
      %shift_right_arithmetic3A_2036 = arith.shrsi %squeeze3A_2027, %shift_right_arithmetic3A_2035 : i32
      %shift_left3A_2037 = arith.constant 7 : i32
      %shift_left3A_2038 = arith.shli %shift_right_arithmetic3A_2036, %shift_left3A_2037 : i32
      %multiple_of3A_2039 = tpu.assume_multiple %shift_left3A_2038, 128 : i32
      %shift_right_arithmetic3A_2040 = arith.constant 7 : i32
      %shift_right_arithmetic3A_2041 = arith.shrsi %squeeze3A_2029, %shift_right_arithmetic3A_2040 : i32
      %shift_left3A_2042 = arith.constant 7 : i32
      %shift_left3A_2043 = arith.shli %shift_right_arithmetic3A_2041, %shift_left3A_2042 : i32
      %multiple_of3A_2044 = tpu.assume_multiple %shift_left3A_2043, 128 : i32
      %dma_start3A_2045 = arith.constant 2 : i32
      %dma_start3A_2046 = arith.constant 0 : i32
      %dma_start3A_2047 = arith.constant 0 : i32
      %dma_start3A_2048 = tpu.memref_slice %arg11[%dma_start3A_2045, %dma_start3A_2046, %dma_start3A_2047] : memref<4x64x128xf32, #tpu.memory_space<vmem>> -> memref<1x64x128xf32, #tpu.memory_space<vmem>>
      %dma_start3A_2049 = tpu.memref_squeeze %dma_start3A_2048 : memref<1x64x128xf32, #tpu.memory_space<vmem>> -> memref<64x128xf32, #tpu.memory_space<vmem>>
      %dma_start3A_2050 = arith.constant 0 : i32
      %dma_start3A_2051 = tpu.memref_slice %arg5[%dma_start3A_2050, %multiple_of3A_2034] : memref<64x1000000xf32, #tpu.memory_space<hbm>> -> memref<64x128xf32, #tpu.memory_space<hbm>>
      %dma_start3A_2052 = arith.constant 0 : i32
      %dma_start3A_2053 = arith.constant 0 : i32
      %dma_start3A_2054 = tpu.memref_slice %arg11[%dma_start3A_2045, %dma_start3A_2052, %dma_start3A_2053] : memref<4x64x128xf32, #tpu.memory_space<vmem>> -> memref<1x64x128xf32, #tpu.memory_space<vmem>>
      %dma_start3A_2055 = tpu.memref_squeeze %dma_start3A_2054 : memref<1x64x128xf32, #tpu.memory_space<vmem>> -> memref<64x128xf32, #tpu.memory_space<vmem>>
      %dma_start3A_2056 = arith.constant 0 : i32
      %dma_start3A_2057 = tpu.memref_slice %arg5[%dma_start3A_2056, %multiple_of3A_2034] : memref<64x1000000xf32, #tpu.memory_space<hbm>> -> memref<64x128xf32, #tpu.memory_space<hbm>>
      tpu.enqueue_dma source(%dma_start3A_2057 : memref<64x128xf32, #tpu.memory_space<hbm>>) target(%dma_start3A_2055 : memref<64x128xf32, #tpu.memory_space<vmem>>) target_semaphore(%arg15 : memref<!tpu.dma_semaphore, #tpu.memory_space<semaphore_mem>>)
      %dma_start3A_2058 = arith.constant 2 : i32
      %dma_start3A_2059 = arith.constant 0 : i32
      %dma_start3A_2060 = arith.constant 0 : i32
      %dma_start3A_2061 = tpu.memref_slice %arg12[%dma_start3A_2058, %dma_start3A_2059, %dma_start3A_2060] : memref<4x64x128xf32, #tpu.memory_space<vmem>> -> memref<1x64x128xf32, #tpu.memory_space<vmem>>
      %dma_start3A_2062 = tpu.memref_squeeze %dma_start3A_2061 : memref<1x64x128xf32, #tpu.memory_space<vmem>> -> memref<64x128xf32, #tpu.memory_space<vmem>>
      %dma_start3A_2063 = arith.constant 0 : i32
      %dma_start3A_2064 = tpu.memref_slice %arg6[%dma_start3A_2063, %multiple_of3A_2039] : memref<64x1000000xf32, #tpu.memory_space<hbm>> -> memref<64x128xf32, #tpu.memory_space<hbm>>
      %dma_start3A_2065 = arith.constant 0 : i32
      %dma_start3A_2066 = arith.constant 0 : i32
      %dma_start3A_2067 = tpu.memref_slice %arg12[%dma_start3A_2058, %dma_start3A_2065, %dma_start3A_2066] : memref<4x64x128xf32, #tpu.memory_space<vmem>> -> memref<1x64x128xf32, #tpu.memory_space<vmem>>
      %dma_start3A_2068 = tpu.memref_squeeze %dma_start3A_2067 : memref<1x64x128xf32, #tpu.memory_space<vmem>> -> memref<64x128xf32, #tpu.memory_space<vmem>>
      %dma_start3A_2069 = arith.constant 0 : i32
      %dma_start3A_2070 = tpu.memref_slice %arg6[%dma_start3A_2069, %multiple_of3A_2039] : memref<64x1000000xf32, #tpu.memory_space<hbm>> -> memref<64x128xf32, #tpu.memory_space<hbm>>
      tpu.enqueue_dma source(%dma_start3A_2070 : memref<64x128xf32, #tpu.memory_space<hbm>>) target(%dma_start3A_2068 : memref<64x128xf32, #tpu.memory_space<vmem>>) target_semaphore(%arg15 : memref<!tpu.dma_semaphore, #tpu.memory_space<semaphore_mem>>)
      %dma_start3A_2071 = arith.constant 2 : i32
      %dma_start3A_2072 = arith.constant 0 : i32
      %dma_start3A_2073 = arith.constant 0 : i32
      %dma_start3A_2074 = tpu.memref_slice %arg13[%dma_start3A_2071, %dma_start3A_2072, %dma_start3A_2073] : memref<4x64x128xf32, #tpu.memory_space<vmem>> -> memref<1x64x128xf32, #tpu.memory_space<vmem>>
      %dma_start3A_2075 = tpu.memref_squeeze %dma_start3A_2074 : memref<1x64x128xf32, #tpu.memory_space<vmem>> -> memref<64x128xf32, #tpu.memory_space<vmem>>
      %dma_start3A_2076 = arith.constant 0 : i32
      %dma_start3A_2077 = tpu.memref_slice %arg6[%dma_start3A_2076, %multiple_of3A_2044] : memref<64x1000000xf32, #tpu.memory_space<hbm>> -> memref<64x128xf32, #tpu.memory_space<hbm>>
      %dma_start3A_2078 = arith.constant 0 : i32
      %dma_start3A_2079 = arith.constant 0 : i32
      %dma_start3A_2080 = tpu.memref_slice %arg13[%dma_start3A_2071, %dma_start3A_2078, %dma_start3A_2079] : memref<4x64x128xf32, #tpu.memory_space<vmem>> -> memref<1x64x128xf32, #tpu.memory_space<vmem>>
      %dma_start3A_2081 = tpu.memref_squeeze %dma_start3A_2080 : memref<1x64x128xf32, #tpu.memory_space<vmem>> -> memref<64x128xf32, #tpu.memory_space<vmem>>
      %dma_start3A_2082 = arith.constant 0 : i32
      %dma_start3A_2083 = tpu.memref_slice %arg6[%dma_start3A_2082, %multiple_of3A_2044] : memref<64x1000000xf32, #tpu.memory_space<hbm>> -> memref<64x128xf32, #tpu.memory_space<hbm>>
      tpu.enqueue_dma source(%dma_start3A_2083 : memref<64x128xf32, #tpu.memory_space<hbm>>) target(%dma_start3A_2081 : memref<64x128xf32, #tpu.memory_space<vmem>>) target_semaphore(%arg15 : memref<!tpu.dma_semaphore, #tpu.memory_space<semaphore_mem>>)
      %and3A_2084 = arith.constant 127 : i32
      %and3A_2085 = arith.andi %squeeze3A_2025, %and3A_2084 : i32
      %and3A_2086 = arith.constant 127 : i32
      %and3A_2087 = arith.andi %squeeze3A_2027, %and3A_2086 : i32
      %and3A_2088 = arith.constant 127 : i32
      %and3A_2089 = arith.andi %squeeze3A_2029, %and3A_2088 : i32
      %slice3A_2090 = vector.extract_strided_slice %get3A_11 {offsets = [15], sizes = [1], strides = [1]} : vector<16xi32> to vector<1xi32>
      %squeeze3A_2091 = vector.extract %slice3A_2090[0] : i32 from vector<1xi32>
      %slice3A_2092 = vector.extract_strided_slice %get3A_15 {offsets = [15], sizes = [1], strides = [1]} : vector<16xi32> to vector<1xi32>
      %squeeze3A_2093 = vector.extract %slice3A_2092[0] : i32 from vector<1xi32>
      %slice3A_2094 = vector.extract_strided_slice %get3A_19 {offsets = [15], sizes = [1], strides = [1]} : vector<16xi32> to vector<1xi32>
      %squeeze3A_2095 = vector.extract %slice3A_2094[0] : i32 from vector<1xi32>
      %shift_right_arithmetic3A_2096 = arith.constant 7 : i32
      %shift_right_arithmetic3A_2097 = arith.shrsi %squeeze3A_2091, %shift_right_arithmetic3A_2096 : i32
      %shift_left3A_2098 = arith.constant 7 : i32
      %shift_left3A_2099 = arith.shli %shift_right_arithmetic3A_2097, %shift_left3A_2098 : i32
      %multiple_of3A_2100 = tpu.assume_multiple %shift_left3A_2099, 128 : i32
      %shift_right_arithmetic3A_2101 = arith.constant 7 : i32
      %shift_right_arithmetic3A_2102 = arith.shrsi %squeeze3A_2093, %shift_right_arithmetic3A_2101 : i32
      %shift_left3A_2103 = arith.constant 7 : i32
      %shift_left3A_2104 = arith.shli %shift_right_arithmetic3A_2102, %shift_left3A_2103 : i32
      %multiple_of3A_2105 = tpu.assume_multiple %shift_left3A_2104, 128 : i32
      %shift_right_arithmetic3A_2106 = arith.constant 7 : i32
      %shift_right_arithmetic3A_2107 = arith.shrsi %squeeze3A_2095, %shift_right_arithmetic3A_2106 : i32
      %shift_left3A_2108 = arith.constant 7 : i32
      %shift_left3A_2109 = arith.shli %shift_right_arithmetic3A_2107, %shift_left3A_2108 : i32
      %multiple_of3A_2110 = tpu.assume_multiple %shift_left3A_2109, 128 : i32
      %dma_start3A_2111 = arith.constant 3 : i32
      %dma_start3A_2112 = arith.constant 0 : i32
      %dma_start3A_2113 = arith.constant 0 : i32
      %dma_start3A_2114 = tpu.memref_slice %arg11[%dma_start3A_2111, %dma_start3A_2112, %dma_start3A_2113] : memref<4x64x128xf32, #tpu.memory_space<vmem>> -> memref<1x64x128xf32, #tpu.memory_space<vmem>>
      %dma_start3A_2115 = tpu.memref_squeeze %dma_start3A_2114 : memref<1x64x128xf32, #tpu.memory_space<vmem>> -> memref<64x128xf32, #tpu.memory_space<vmem>>
      %dma_start3A_2116 = arith.constant 0 : i32
      %dma_start3A_2117 = tpu.memref_slice %arg5[%dma_start3A_2116, %multiple_of3A_2100] : memref<64x1000000xf32, #tpu.memory_space<hbm>> -> memref<64x128xf32, #tpu.memory_space<hbm>>
      %dma_start3A_2118 = arith.constant 0 : i32
      %dma_start3A_2119 = arith.constant 0 : i32
      %dma_start3A_2120 = tpu.memref_slice %arg11[%dma_start3A_2111, %dma_start3A_2118, %dma_start3A_2119] : memref<4x64x128xf32, #tpu.memory_space<vmem>> -> memref<1x64x128xf32, #tpu.memory_space<vmem>>
      %dma_start3A_2121 = tpu.memref_squeeze %dma_start3A_2120 : memref<1x64x128xf32, #tpu.memory_space<vmem>> -> memref<64x128xf32, #tpu.memory_space<vmem>>
      %dma_start3A_2122 = arith.constant 0 : i32
      %dma_start3A_2123 = tpu.memref_slice %arg5[%dma_start3A_2122, %multiple_of3A_2100] : memref<64x1000000xf32, #tpu.memory_space<hbm>> -> memref<64x128xf32, #tpu.memory_space<hbm>>
      tpu.enqueue_dma source(%dma_start3A_2123 : memref<64x128xf32, #tpu.memory_space<hbm>>) target(%dma_start3A_2121 : memref<64x128xf32, #tpu.memory_space<vmem>>) target_semaphore(%arg15 : memref<!tpu.dma_semaphore, #tpu.memory_space<semaphore_mem>>)
      %dma_start3A_2124 = arith.constant 3 : i32
      %dma_start3A_2125 = arith.constant 0 : i32
      %dma_start3A_2126 = arith.constant 0 : i32
      %dma_start3A_2127 = tpu.memref_slice %arg12[%dma_start3A_2124, %dma_start3A_2125, %dma_start3A_2126] : memref<4x64x128xf32, #tpu.memory_space<vmem>> -> memref<1x64x128xf32, #tpu.memory_space<vmem>>
      %dma_start3A_2128 = tpu.memref_squeeze %dma_start3A_2127 : memref<1x64x128xf32, #tpu.memory_space<vmem>> -> memref<64x128xf32, #tpu.memory_space<vmem>>
      %dma_start3A_2129 = arith.constant 0 : i32
      %dma_start3A_2130 = tpu.memref_slice %arg6[%dma_start3A_2129, %multiple_of3A_2105] : memref<64x1000000xf32, #tpu.memory_space<hbm>> -> memref<64x128xf32, #tpu.memory_space<hbm>>
      %dma_start3A_2131 = arith.constant 0 : i32
      %dma_start3A_2132 = arith.constant 0 : i32
      %dma_start3A_2133 = tpu.memref_slice %arg12[%dma_start3A_2124, %dma_start3A_2131, %dma_start3A_2132] : memref<4x64x128xf32, #tpu.memory_space<vmem>> -> memref<1x64x128xf32, #tpu.memory_space<vmem>>
      %dma_start3A_2134 = tpu.memref_squeeze %dma_start3A_2133 : memref<1x64x128xf32, #tpu.memory_space<vmem>> -> memref<64x128xf32, #tpu.memory_space<vmem>>
      %dma_start3A_2135 = arith.constant 0 : i32
      %dma_start3A_2136 = tpu.memref_slice %arg6[%dma_start3A_2135, %multiple_of3A_2105] : memref<64x1000000xf32, #tpu.memory_space<hbm>> -> memref<64x128xf32, #tpu.memory_space<hbm>>
      tpu.enqueue_dma source(%dma_start3A_2136 : memref<64x128xf32, #tpu.memory_space<hbm>>) target(%dma_start3A_2134 : memref<64x128xf32, #tpu.memory_space<vmem>>) target_semaphore(%arg15 : memref<!tpu.dma_semaphore, #tpu.memory_space<semaphore_mem>>)
      %dma_start3A_2137 = arith.constant 3 : i32
      %dma_start3A_2138 = arith.constant 0 : i32
      %dma_start3A_2139 = arith.constant 0 : i32
      %dma_start3A_2140 = tpu.memref_slice %arg13[%dma_start3A_2137, %dma_start3A_2138, %dma_start3A_2139] : memref<4x64x128xf32, #tpu.memory_space<vmem>> -> memref<1x64x128xf32, #tpu.memory_space<vmem>>
      %dma_start3A_2141 = tpu.memref_squeeze %dma_start3A_2140 : memref<1x64x128xf32, #tpu.memory_space<vmem>> -> memref<64x128xf32, #tpu.memory_space<vmem>>
      %dma_start3A_2142 = arith.constant 0 : i32
      %dma_start3A_2143 = tpu.memref_slice %arg6[%dma_start3A_2142, %multiple_of3A_2110] : memref<64x1000000xf32, #tpu.memory_space<hbm>> -> memref<64x128xf32, #tpu.memory_space<hbm>>
      %dma_start3A_2144 = arith.constant 0 : i32
      %dma_start3A_2145 = arith.constant 0 : i32
      %dma_start3A_2146 = tpu.memref_slice %arg13[%dma_start3A_2137, %dma_start3A_2144, %dma_start3A_2145] : memref<4x64x128xf32, #tpu.memory_space<vmem>> -> memref<1x64x128xf32, #tpu.memory_space<vmem>>
      %dma_start3A_2147 = tpu.memref_squeeze %dma_start3A_2146 : memref<1x64x128xf32, #tpu.memory_space<vmem>> -> memref<64x128xf32, #tpu.memory_space<vmem>>
      %dma_start3A_2148 = arith.constant 0 : i32
      %dma_start3A_2149 = tpu.memref_slice %arg6[%dma_start3A_2148, %multiple_of3A_2110] : memref<64x1000000xf32, #tpu.memory_space<hbm>> -> memref<64x128xf32, #tpu.memory_space<hbm>>
      tpu.enqueue_dma source(%dma_start3A_2149 : memref<64x128xf32, #tpu.memory_space<hbm>>) target(%dma_start3A_2147 : memref<64x128xf32, #tpu.memory_space<vmem>>) target_semaphore(%arg15 : memref<!tpu.dma_semaphore, #tpu.memory_space<semaphore_mem>>)
      %and3A_2150 = arith.constant 127 : i32
      %and3A_2151 = arith.andi %squeeze3A_2091, %and3A_2150 : i32
      %and3A_2152 = arith.constant 127 : i32
      %and3A_2153 = arith.andi %squeeze3A_2093, %and3A_2152 : i32
      %and3A_2154 = arith.constant 127 : i32
      %and3A_2155 = arith.andi %squeeze3A_2095, %and3A_2154 : i32
      %dma_wait3A_2156 = arith.constant 0 : i32
      %dma_wait3A_2157 = arith.constant 0 : i32
      %dma_wait3A_2158 = arith.constant 0 : i32
      %dma_wait3A_2159 = tpu.memref_slice %arg11[%dma_wait3A_2156, %dma_wait3A_2157, %dma_wait3A_2158] : memref<4x64x128xf32, #tpu.memory_space<vmem>> -> memref<1x64x128xf32, #tpu.memory_space<vmem>>
      %dma_wait3A_2160 = tpu.memref_squeeze %dma_wait3A_2159 : memref<1x64x128xf32, #tpu.memory_space<vmem>> -> memref<64x128xf32, #tpu.memory_space<vmem>>
      %dma_wait3A_2161 = arith.constant 0 : i32
      %dma_wait3A_2162 = tpu.memref_slice %arg5[%dma_wait3A_2161, %multiple_of3A_1902] : memref<64x1000000xf32, #tpu.memory_space<hbm>> -> memref<64x128xf32, #tpu.memory_space<hbm>>
      %dma_wait3A_2163 = arith.constant 0 : i32
      %dma_wait3A_2164 = arith.constant 0 : i32
      %dma_wait3A_2165 = tpu.memref_slice %arg11[%dma_wait3A_2156, %dma_wait3A_2163, %dma_wait3A_2164] : memref<4x64x128xf32, #tpu.memory_space<vmem>> -> memref<1x64x128xf32, #tpu.memory_space<vmem>>
      %dma_wait3A_2166 = tpu.memref_squeeze %dma_wait3A_2165 : memref<1x64x128xf32, #tpu.memory_space<vmem>> -> memref<64x128xf32, #tpu.memory_space<vmem>>
      %dma_wait3A_2167 = arith.constant 0 : i32
      %dma_wait3A_2168 = tpu.memref_slice %arg5[%dma_wait3A_2167, %multiple_of3A_1902] : memref<64x1000000xf32, #tpu.memory_space<hbm>> -> memref<64x128xf32, #tpu.memory_space<hbm>>
      tpu.wait_dma2 semaphore(%arg15 : memref<!tpu.dma_semaphore, #tpu.memory_space<semaphore_mem>>) src(%dma_wait3A_2168 : memref<64x128xf32, #tpu.memory_space<hbm>>) dst(%dma_wait3A_2166 : memref<64x128xf32, #tpu.memory_space<vmem>>)
      %dma_wait3A_2169 = arith.constant 0 : i32
      %dma_wait3A_2170 = arith.constant 0 : i32
      %dma_wait3A_2171 = arith.constant 0 : i32
      %dma_wait3A_2172 = tpu.memref_slice %arg12[%dma_wait3A_2169, %dma_wait3A_2170, %dma_wait3A_2171] : memref<4x64x128xf32, #tpu.memory_space<vmem>> -> memref<1x64x128xf32, #tpu.memory_space<vmem>>
      %dma_wait3A_2173 = tpu.memref_squeeze %dma_wait3A_2172 : memref<1x64x128xf32, #tpu.memory_space<vmem>> -> memref<64x128xf32, #tpu.memory_space<vmem>>
      %dma_wait3A_2174 = arith.constant 0 : i32
      %dma_wait3A_2175 = tpu.memref_slice %arg6[%dma_wait3A_2174, %multiple_of3A_1907] : memref<64x1000000xf32, #tpu.memory_space<hbm>> -> memref<64x128xf32, #tpu.memory_space<hbm>>
      %dma_wait3A_2176 = arith.constant 0 : i32
      %dma_wait3A_2177 = arith.constant 0 : i32
      %dma_wait3A_2178 = tpu.memref_slice %arg12[%dma_wait3A_2169, %dma_wait3A_2176, %dma_wait3A_2177] : memref<4x64x128xf32, #tpu.memory_space<vmem>> -> memref<1x64x128xf32, #tpu.memory_space<vmem>>
      %dma_wait3A_2179 = tpu.memref_squeeze %dma_wait3A_2178 : memref<1x64x128xf32, #tpu.memory_space<vmem>> -> memref<64x128xf32, #tpu.memory_space<vmem>>
      %dma_wait3A_2180 = arith.constant 0 : i32
      %dma_wait3A_2181 = tpu.memref_slice %arg6[%dma_wait3A_2180, %multiple_of3A_1907] : memref<64x1000000xf32, #tpu.memory_space<hbm>> -> memref<64x128xf32, #tpu.memory_space<hbm>>
      tpu.wait_dma2 semaphore(%arg15 : memref<!tpu.dma_semaphore, #tpu.memory_space<semaphore_mem>>) src(%dma_wait3A_2181 : memref<64x128xf32, #tpu.memory_space<hbm>>) dst(%dma_wait3A_2179 : memref<64x128xf32, #tpu.memory_space<vmem>>)
      %dma_wait3A_2182 = arith.constant 0 : i32
      %dma_wait3A_2183 = arith.constant 0 : i32
      %dma_wait3A_2184 = arith.constant 0 : i32
      %dma_wait3A_2185 = tpu.memref_slice %arg13[%dma_wait3A_2182, %dma_wait3A_2183, %dma_wait3A_2184] : memref<4x64x128xf32, #tpu.memory_space<vmem>> -> memref<1x64x128xf32, #tpu.memory_space<vmem>>
      %dma_wait3A_2186 = tpu.memref_squeeze %dma_wait3A_2185 : memref<1x64x128xf32, #tpu.memory_space<vmem>> -> memref<64x128xf32, #tpu.memory_space<vmem>>
      %dma_wait3A_2187 = arith.constant 0 : i32
      %dma_wait3A_2188 = tpu.memref_slice %arg6[%dma_wait3A_2187, %multiple_of3A_1912] : memref<64x1000000xf32, #tpu.memory_space<hbm>> -> memref<64x128xf32, #tpu.memory_space<hbm>>
      %dma_wait3A_2189 = arith.constant 0 : i32
      %dma_wait3A_2190 = arith.constant 0 : i32
      %dma_wait3A_2191 = tpu.memref_slice %arg13[%dma_wait3A_2182, %dma_wait3A_2189, %dma_wait3A_2190] : memref<4x64x128xf32, #tpu.memory_space<vmem>> -> memref<1x64x128xf32, #tpu.memory_space<vmem>>
      %dma_wait3A_2192 = tpu.memref_squeeze %dma_wait3A_2191 : memref<1x64x128xf32, #tpu.memory_space<vmem>> -> memref<64x128xf32, #tpu.memory_space<vmem>>
      %dma_wait3A_2193 = arith.constant 0 : i32
      %dma_wait3A_2194 = tpu.memref_slice %arg6[%dma_wait3A_2193, %multiple_of3A_1912] : memref<64x1000000xf32, #tpu.memory_space<hbm>> -> memref<64x128xf32, #tpu.memory_space<hbm>>
      tpu.wait_dma2 semaphore(%arg15 : memref<!tpu.dma_semaphore, #tpu.memory_space<semaphore_mem>>) src(%dma_wait3A_2194 : memref<64x128xf32, #tpu.memory_space<hbm>>) dst(%dma_wait3A_2192 : memref<64x128xf32, #tpu.memory_space<vmem>>)
      %dma_wait3A_2195 = arith.constant 1 : i32
      %dma_wait3A_2196 = arith.constant 0 : i32
      %dma_wait3A_2197 = arith.constant 0 : i32
      %dma_wait3A_2198 = tpu.memref_slice %arg11[%dma_wait3A_2195, %dma_wait3A_2196, %dma_wait3A_2197] : memref<4x64x128xf32, #tpu.memory_space<vmem>> -> memref<1x64x128xf32, #tpu.memory_space<vmem>>
      %dma_wait3A_2199 = tpu.memref_squeeze %dma_wait3A_2198 : memref<1x64x128xf32, #tpu.memory_space<vmem>> -> memref<64x128xf32, #tpu.memory_space<vmem>>
      %dma_wait3A_2200 = arith.constant 0 : i32
      %dma_wait3A_2201 = tpu.memref_slice %arg5[%dma_wait3A_2200, %multiple_of3A_1968] : memref<64x1000000xf32, #tpu.memory_space<hbm>> -> memref<64x128xf32, #tpu.memory_space<hbm>>
      %dma_wait3A_2202 = arith.constant 0 : i32
      %dma_wait3A_2203 = arith.constant 0 : i32
      %dma_wait3A_2204 = tpu.memref_slice %arg11[%dma_wait3A_2195, %dma_wait3A_2202, %dma_wait3A_2203] : memref<4x64x128xf32, #tpu.memory_space<vmem>> -> memref<1x64x128xf32, #tpu.memory_space<vmem>>
      %dma_wait3A_2205 = tpu.memref_squeeze %dma_wait3A_2204 : memref<1x64x128xf32, #tpu.memory_space<vmem>> -> memref<64x128xf32, #tpu.memory_space<vmem>>
      %dma_wait3A_2206 = arith.constant 0 : i32
      %dma_wait3A_2207 = tpu.memref_slice %arg5[%dma_wait3A_2206, %multiple_of3A_1968] : memref<64x1000000xf32, #tpu.memory_space<hbm>> -> memref<64x128xf32, #tpu.memory_space<hbm>>
      tpu.wait_dma2 semaphore(%arg15 : memref<!tpu.dma_semaphore, #tpu.memory_space<semaphore_mem>>) src(%dma_wait3A_2207 : memref<64x128xf32, #tpu.memory_space<hbm>>) dst(%dma_wait3A_2205 : memref<64x128xf32, #tpu.memory_space<vmem>>)
      %dma_wait3A_2208 = arith.constant 1 : i32
      %dma_wait3A_2209 = arith.constant 0 : i32
      %dma_wait3A_2210 = arith.constant 0 : i32
      %dma_wait3A_2211 = tpu.memref_slice %arg12[%dma_wait3A_2208, %dma_wait3A_2209, %dma_wait3A_2210] : memref<4x64x128xf32, #tpu.memory_space<vmem>> -> memref<1x64x128xf32, #tpu.memory_space<vmem>>
      %dma_wait3A_2212 = tpu.memref_squeeze %dma_wait3A_2211 : memref<1x64x128xf32, #tpu.memory_space<vmem>> -> memref<64x128xf32, #tpu.memory_space<vmem>>
      %dma_wait3A_2213 = arith.constant 0 : i32
      %dma_wait3A_2214 = tpu.memref_slice %arg6[%dma_wait3A_2213, %multiple_of3A_1973] : memref<64x1000000xf32, #tpu.memory_space<hbm>> -> memref<64x128xf32, #tpu.memory_space<hbm>>
      %dma_wait3A_2215 = arith.constant 0 : i32
      %dma_wait3A_2216 = arith.constant 0 : i32
      %dma_wait3A_2217 = tpu.memref_slice %arg12[%dma_wait3A_2208, %dma_wait3A_2215, %dma_wait3A_2216] : memref<4x64x128xf32, #tpu.memory_space<vmem>> -> memref<1x64x128xf32, #tpu.memory_space<vmem>>
      %dma_wait3A_2218 = tpu.memref_squeeze %dma_wait3A_2217 : memref<1x64x128xf32, #tpu.memory_space<vmem>> -> memref<64x128xf32, #tpu.memory_space<vmem>>
      %dma_wait3A_2219 = arith.constant 0 : i32
      %dma_wait3A_2220 = tpu.memref_slice %arg6[%dma_wait3A_2219, %multiple_of3A_1973] : memref<64x1000000xf32, #tpu.memory_space<hbm>> -> memref<64x128xf32, #tpu.memory_space<hbm>>
      tpu.wait_dma2 semaphore(%arg15 : memref<!tpu.dma_semaphore, #tpu.memory_space<semaphore_mem>>) src(%dma_wait3A_2220 : memref<64x128xf32, #tpu.memory_space<hbm>>) dst(%dma_wait3A_2218 : memref<64x128xf32, #tpu.memory_space<vmem>>)
      %dma_wait3A_2221 = arith.constant 1 : i32
      %dma_wait3A_2222 = arith.constant 0 : i32
      %dma_wait3A_2223 = arith.constant 0 : i32
      %dma_wait3A_2224 = tpu.memref_slice %arg13[%dma_wait3A_2221, %dma_wait3A_2222, %dma_wait3A_2223] : memref<4x64x128xf32, #tpu.memory_space<vmem>> -> memref<1x64x128xf32, #tpu.memory_space<vmem>>
      %dma_wait3A_2225 = tpu.memref_squeeze %dma_wait3A_2224 : memref<1x64x128xf32, #tpu.memory_space<vmem>> -> memref<64x128xf32, #tpu.memory_space<vmem>>
      %dma_wait3A_2226 = arith.constant 0 : i32
      %dma_wait3A_2227 = tpu.memref_slice %arg6[%dma_wait3A_2226, %multiple_of3A_1978] : memref<64x1000000xf32, #tpu.memory_space<hbm>> -> memref<64x128xf32, #tpu.memory_space<hbm>>
      %dma_wait3A_2228 = arith.constant 0 : i32
      %dma_wait3A_2229 = arith.constant 0 : i32
      %dma_wait3A_2230 = tpu.memref_slice %arg13[%dma_wait3A_2221, %dma_wait3A_2228, %dma_wait3A_2229] : memref<4x64x128xf32, #tpu.memory_space<vmem>> -> memref<1x64x128xf32, #tpu.memory_space<vmem>>
      %dma_wait3A_2231 = tpu.memref_squeeze %dma_wait3A_2230 : memref<1x64x128xf32, #tpu.memory_space<vmem>> -> memref<64x128xf32, #tpu.memory_space<vmem>>
      %dma_wait3A_2232 = arith.constant 0 : i32
      %dma_wait3A_2233 = tpu.memref_slice %arg6[%dma_wait3A_2232, %multiple_of3A_1978] : memref<64x1000000xf32, #tpu.memory_space<hbm>> -> memref<64x128xf32, #tpu.memory_space<hbm>>
      tpu.wait_dma2 semaphore(%arg15 : memref<!tpu.dma_semaphore, #tpu.memory_space<semaphore_mem>>) src(%dma_wait3A_2233 : memref<64x128xf32, #tpu.memory_space<hbm>>) dst(%dma_wait3A_2231 : memref<64x128xf32, #tpu.memory_space<vmem>>)
      %dma_wait3A_2234 = arith.constant 2 : i32
      %dma_wait3A_2235 = arith.constant 0 : i32
      %dma_wait3A_2236 = arith.constant 0 : i32
      %dma_wait3A_2237 = tpu.memref_slice %arg11[%dma_wait3A_2234, %dma_wait3A_2235, %dma_wait3A_2236] : memref<4x64x128xf32, #tpu.memory_space<vmem>> -> memref<1x64x128xf32, #tpu.memory_space<vmem>>
      %dma_wait3A_2238 = tpu.memref_squeeze %dma_wait3A_2237 : memref<1x64x128xf32, #tpu.memory_space<vmem>> -> memref<64x128xf32, #tpu.memory_space<vmem>>
      %dma_wait3A_2239 = arith.constant 0 : i32
      %dma_wait3A_2240 = tpu.memref_slice %arg5[%dma_wait3A_2239, %multiple_of3A_2034] : memref<64x1000000xf32, #tpu.memory_space<hbm>> -> memref<64x128xf32, #tpu.memory_space<hbm>>
      %dma_wait3A_2241 = arith.constant 0 : i32
      %dma_wait3A_2242 = arith.constant 0 : i32
      %dma_wait3A_2243 = tpu.memref_slice %arg11[%dma_wait3A_2234, %dma_wait3A_2241, %dma_wait3A_2242] : memref<4x64x128xf32, #tpu.memory_space<vmem>> -> memref<1x64x128xf32, #tpu.memory_space<vmem>>
      %dma_wait3A_2244 = tpu.memref_squeeze %dma_wait3A_2243 : memref<1x64x128xf32, #tpu.memory_space<vmem>> -> memref<64x128xf32, #tpu.memory_space<vmem>>
      %dma_wait3A_2245 = arith.constant 0 : i32
      %dma_wait3A_2246 = tpu.memref_slice %arg5[%dma_wait3A_2245, %multiple_of3A_2034] : memref<64x1000000xf32, #tpu.memory_space<hbm>> -> memref<64x128xf32, #tpu.memory_space<hbm>>
      tpu.wait_dma2 semaphore(%arg15 : memref<!tpu.dma_semaphore, #tpu.memory_space<semaphore_mem>>) src(%dma_wait3A_2246 : memref<64x128xf32, #tpu.memory_space<hbm>>) dst(%dma_wait3A_2244 : memref<64x128xf32, #tpu.memory_space<vmem>>)
      %dma_wait3A_2247 = arith.constant 2 : i32
      %dma_wait3A_2248 = arith.constant 0 : i32
      %dma_wait3A_2249 = arith.constant 0 : i32
      %dma_wait3A_2250 = tpu.memref_slice %arg12[%dma_wait3A_2247, %dma_wait3A_2248, %dma_wait3A_2249] : memref<4x64x128xf32, #tpu.memory_space<vmem>> -> memref<1x64x128xf32, #tpu.memory_space<vmem>>
      %dma_wait3A_2251 = tpu.memref_squeeze %dma_wait3A_2250 : memref<1x64x128xf32, #tpu.memory_space<vmem>> -> memref<64x128xf32, #tpu.memory_space<vmem>>
      %dma_wait3A_2252 = arith.constant 0 : i32
      %dma_wait3A_2253 = tpu.memref_slice %arg6[%dma_wait3A_2252, %multiple_of3A_2039] : memref<64x1000000xf32, #tpu.memory_space<hbm>> -> memref<64x128xf32, #tpu.memory_space<hbm>>
      %dma_wait3A_2254 = arith.constant 0 : i32
      %dma_wait3A_2255 = arith.constant 0 : i32
      %dma_wait3A_2256 = tpu.memref_slice %arg12[%dma_wait3A_2247, %dma_wait3A_2254, %dma_wait3A_2255] : memref<4x64x128xf32, #tpu.memory_space<vmem>> -> memref<1x64x128xf32, #tpu.memory_space<vmem>>
      %dma_wait3A_2257 = tpu.memref_squeeze %dma_wait3A_2256 : memref<1x64x128xf32, #tpu.memory_space<vmem>> -> memref<64x128xf32, #tpu.memory_space<vmem>>
      %dma_wait3A_2258 = arith.constant 0 : i32
      %dma_wait3A_2259 = tpu.memref_slice %arg6[%dma_wait3A_2258, %multiple_of3A_2039] : memref<64x1000000xf32, #tpu.memory_space<hbm>> -> memref<64x128xf32, #tpu.memory_space<hbm>>
      tpu.wait_dma2 semaphore(%arg15 : memref<!tpu.dma_semaphore, #tpu.memory_space<semaphore_mem>>) src(%dma_wait3A_2259 : memref<64x128xf32, #tpu.memory_space<hbm>>) dst(%dma_wait3A_2257 : memref<64x128xf32, #tpu.memory_space<vmem>>)
      %dma_wait3A_2260 = arith.constant 2 : i32
      %dma_wait3A_2261 = arith.constant 0 : i32
      %dma_wait3A_2262 = arith.constant 0 : i32
      %dma_wait3A_2263 = tpu.memref_slice %arg13[%dma_wait3A_2260, %dma_wait3A_2261, %dma_wait3A_2262] : memref<4x64x128xf32, #tpu.memory_space<vmem>> -> memref<1x64x128xf32, #tpu.memory_space<vmem>>
      %dma_wait3A_2264 = tpu.memref_squeeze %dma_wait3A_2263 : memref<1x64x128xf32, #tpu.memory_space<vmem>> -> memref<64x128xf32, #tpu.memory_space<vmem>>
      %dma_wait3A_2265 = arith.constant 0 : i32
      %dma_wait3A_2266 = tpu.memref_slice %arg6[%dma_wait3A_2265, %multiple_of3A_2044] : memref<64x1000000xf32, #tpu.memory_space<hbm>> -> memref<64x128xf32, #tpu.memory_space<hbm>>
      %dma_wait3A_2267 = arith.constant 0 : i32
      %dma_wait3A_2268 = arith.constant 0 : i32
      %dma_wait3A_2269 = tpu.memref_slice %arg13[%dma_wait3A_2260, %dma_wait3A_2267, %dma_wait3A_2268] : memref<4x64x128xf32, #tpu.memory_space<vmem>> -> memref<1x64x128xf32, #tpu.memory_space<vmem>>
      %dma_wait3A_2270 = tpu.memref_squeeze %dma_wait3A_2269 : memref<1x64x128xf32, #tpu.memory_space<vmem>> -> memref<64x128xf32, #tpu.memory_space<vmem>>
      %dma_wait3A_2271 = arith.constant 0 : i32
      %dma_wait3A_2272 = tpu.memref_slice %arg6[%dma_wait3A_2271, %multiple_of3A_2044] : memref<64x1000000xf32, #tpu.memory_space<hbm>> -> memref<64x128xf32, #tpu.memory_space<hbm>>
      tpu.wait_dma2 semaphore(%arg15 : memref<!tpu.dma_semaphore, #tpu.memory_space<semaphore_mem>>) src(%dma_wait3A_2272 : memref<64x128xf32, #tpu.memory_space<hbm>>) dst(%dma_wait3A_2270 : memref<64x128xf32, #tpu.memory_space<vmem>>)
      %dma_wait3A_2273 = arith.constant 3 : i32
      %dma_wait3A_2274 = arith.constant 0 : i32
      %dma_wait3A_2275 = arith.constant 0 : i32
      %dma_wait3A_2276 = tpu.memref_slice %arg11[%dma_wait3A_2273, %dma_wait3A_2274, %dma_wait3A_2275] : memref<4x64x128xf32, #tpu.memory_space<vmem>> -> memref<1x64x128xf32, #tpu.memory_space<vmem>>
      %dma_wait3A_2277 = tpu.memref_squeeze %dma_wait3A_2276 : memref<1x64x128xf32, #tpu.memory_space<vmem>> -> memref<64x128xf32, #tpu.memory_space<vmem>>
      %dma_wait3A_2278 = arith.constant 0 : i32
      %dma_wait3A_2279 = tpu.memref_slice %arg5[%dma_wait3A_2278, %multiple_of3A_2100] : memref<64x1000000xf32, #tpu.memory_space<hbm>> -> memref<64x128xf32, #tpu.memory_space<hbm>>
      %dma_wait3A_2280 = arith.constant 0 : i32
      %dma_wait3A_2281 = arith.constant 0 : i32
      %dma_wait3A_2282 = tpu.memref_slice %arg11[%dma_wait3A_2273, %dma_wait3A_2280, %dma_wait3A_2281] : memref<4x64x128xf32, #tpu.memory_space<vmem>> -> memref<1x64x128xf32, #tpu.memory_space<vmem>>
      %dma_wait3A_2283 = tpu.memref_squeeze %dma_wait3A_2282 : memref<1x64x128xf32, #tpu.memory_space<vmem>> -> memref<64x128xf32, #tpu.memory_space<vmem>>
      %dma_wait3A_2284 = arith.constant 0 : i32
      %dma_wait3A_2285 = tpu.memref_slice %arg5[%dma_wait3A_2284, %multiple_of3A_2100] : memref<64x1000000xf32, #tpu.memory_space<hbm>> -> memref<64x128xf32, #tpu.memory_space<hbm>>
      tpu.wait_dma2 semaphore(%arg15 : memref<!tpu.dma_semaphore, #tpu.memory_space<semaphore_mem>>) src(%dma_wait3A_2285 : memref<64x128xf32, #tpu.memory_space<hbm>>) dst(%dma_wait3A_2283 : memref<64x128xf32, #tpu.memory_space<vmem>>)
      %dma_wait3A_2286 = arith.constant 3 : i32
      %dma_wait3A_2287 = arith.constant 0 : i32
      %dma_wait3A_2288 = arith.constant 0 : i32
      %dma_wait3A_2289 = tpu.memref_slice %arg12[%dma_wait3A_2286, %dma_wait3A_2287, %dma_wait3A_2288] : memref<4x64x128xf32, #tpu.memory_space<vmem>> -> memref<1x64x128xf32, #tpu.memory_space<vmem>>
      %dma_wait3A_2290 = tpu.memref_squeeze %dma_wait3A_2289 : memref<1x64x128xf32, #tpu.memory_space<vmem>> -> memref<64x128xf32, #tpu.memory_space<vmem>>
      %dma_wait3A_2291 = arith.constant 0 : i32
      %dma_wait3A_2292 = tpu.memref_slice %arg6[%dma_wait3A_2291, %multiple_of3A_2105] : memref<64x1000000xf32, #tpu.memory_space<hbm>> -> memref<64x128xf32, #tpu.memory_space<hbm>>
      %dma_wait3A_2293 = arith.constant 0 : i32
      %dma_wait3A_2294 = arith.constant 0 : i32
      %dma_wait3A_2295 = tpu.memref_slice %arg12[%dma_wait3A_2286, %dma_wait3A_2293, %dma_wait3A_2294] : memref<4x64x128xf32, #tpu.memory_space<vmem>> -> memref<1x64x128xf32, #tpu.memory_space<vmem>>
      %dma_wait3A_2296 = tpu.memref_squeeze %dma_wait3A_2295 : memref<1x64x128xf32, #tpu.memory_space<vmem>> -> memref<64x128xf32, #tpu.memory_space<vmem>>
      %dma_wait3A_2297 = arith.constant 0 : i32
      %dma_wait3A_2298 = tpu.memref_slice %arg6[%dma_wait3A_2297, %multiple_of3A_2105] : memref<64x1000000xf32, #tpu.memory_space<hbm>> -> memref<64x128xf32, #tpu.memory_space<hbm>>
      tpu.wait_dma2 semaphore(%arg15 : memref<!tpu.dma_semaphore, #tpu.memory_space<semaphore_mem>>) src(%dma_wait3A_2298 : memref<64x128xf32, #tpu.memory_space<hbm>>) dst(%dma_wait3A_2296 : memref<64x128xf32, #tpu.memory_space<vmem>>)
      %dma_wait3A_2299 = arith.constant 3 : i32
      %dma_wait3A_2300 = arith.constant 0 : i32
      %dma_wait3A_2301 = arith.constant 0 : i32
      %dma_wait3A_2302 = tpu.memref_slice %arg13[%dma_wait3A_2299, %dma_wait3A_2300, %dma_wait3A_2301] : memref<4x64x128xf32, #tpu.memory_space<vmem>> -> memref<1x64x128xf32, #tpu.memory_space<vmem>>
      %dma_wait3A_2303 = tpu.memref_squeeze %dma_wait3A_2302 : memref<1x64x128xf32, #tpu.memory_space<vmem>> -> memref<64x128xf32, #tpu.memory_space<vmem>>
      %dma_wait3A_2304 = arith.constant 0 : i32
      %dma_wait3A_2305 = tpu.memref_slice %arg6[%dma_wait3A_2304, %multiple_of3A_2110] : memref<64x1000000xf32, #tpu.memory_space<hbm>> -> memref<64x128xf32, #tpu.memory_space<hbm>>
      %dma_wait3A_2306 = arith.constant 0 : i32
      %dma_wait3A_2307 = arith.constant 0 : i32
      %dma_wait3A_2308 = tpu.memref_slice %arg13[%dma_wait3A_2299, %dma_wait3A_2306, %dma_wait3A_2307] : memref<4x64x128xf32, #tpu.memory_space<vmem>> -> memref<1x64x128xf32, #tpu.memory_space<vmem>>
      %dma_wait3A_2309 = tpu.memref_squeeze %dma_wait3A_2308 : memref<1x64x128xf32, #tpu.memory_space<vmem>> -> memref<64x128xf32, #tpu.memory_space<vmem>>
      %dma_wait3A_2310 = arith.constant 0 : i32
      %dma_wait3A_2311 = tpu.memref_slice %arg6[%dma_wait3A_2310, %multiple_of3A_2110] : memref<64x1000000xf32, #tpu.memory_space<hbm>> -> memref<64x128xf32, #tpu.memory_space<hbm>>
      tpu.wait_dma2 semaphore(%arg15 : memref<!tpu.dma_semaphore, #tpu.memory_space<semaphore_mem>>) src(%dma_wait3A_2311 : memref<64x128xf32, #tpu.memory_space<hbm>>) dst(%dma_wait3A_2309 : memref<64x128xf32, #tpu.memory_space<vmem>>)
      %broadcast_in_dim3A_2312 = arith.constant 0 : i32
      %broadcast_in_dim3A_2313 = vector.broadcast %broadcast_in_dim3A_2312 : i32 to vector<16xi32>
      %broadcast_in_dim3A_2314 = vector.broadcast %and3A_1953 : i32 to vector<16xi32>
      %broadcast_in_dim3A_2315 = vector.broadcast %and3A_1955 : i32 to vector<16xi32>
      %broadcast_in_dim3A_2316 = vector.broadcast %and3A_1957 : i32 to vector<16xi32>
      %broadcast_in_dim3A_2317 = arith.constant 0.000000e+00 : f32
      %broadcast_in_dim3A_2318 = vector.broadcast %broadcast_in_dim3A_2317 : f32 to vector<16xf32>
      %add3A_2319 = arith.constant 0 : i32
      %add3A_2320 = vector.broadcast %add3A_2319 : i32 to vector<16xi32>
      %add3A_2321 = arith.addi %add3A_2320, %iota3A : vector<16xi32>
      %gather3A_2322 = tpu.vector_load_idx %arg11[%broadcast_in_dim3A_2313, %add3A_2321, %broadcast_in_dim3A_2314] : memref<4x64x128xf32, #tpu.memory_space<vmem>>[vector<16xi32>, vector<16xi32>, vector<16xi32>], vector<16xf32>,
      %gather3A_2323 = tpu.vector_load_idx %arg12[%broadcast_in_dim3A_2313, %add3A_2321, %broadcast_in_dim3A_2315] : memref<4x64x128xf32, #tpu.memory_space<vmem>>[vector<16xi32>, vector<16xi32>, vector<16xi32>], vector<16xf32>,
      %gather3A_2324 = tpu.vector_load_idx %arg13[%broadcast_in_dim3A_2313, %add3A_2321, %broadcast_in_dim3A_2316] : memref<4x64x128xf32, #tpu.memory_space<vmem>>[vector<16xi32>, vector<16xi32>, vector<16xi32>], vector<16xf32>,
      %sub3A_2325 = arith.subf %gather3A_2323, %gather3A_2324 : vector<16xf32>
      %mul3A_2326 = arith.mulf %gather3A_2322, %sub3A_2325 : vector<16xf32>
      %add3A_2327 = arith.addf %broadcast_in_dim3A_2318, %mul3A_2326 : vector<16xf32>
      %add3A_2328 = arith.constant 16 : i32
      %add3A_2329 = vector.broadcast %add3A_2328 : i32 to vector<16xi32>
      %add3A_2330 = arith.addi %add3A_2329, %iota3A : vector<16xi32>
      %gather3A_2331 = tpu.vector_load_idx %arg11[%broadcast_in_dim3A_2313, %add3A_2330, %broadcast_in_dim3A_2314] : memref<4x64x128xf32, #tpu.memory_space<vmem>>[vector<16xi32>, vector<16xi32>, vector<16xi32>], vector<16xf32>,
      %gather3A_2332 = tpu.vector_load_idx %arg12[%broadcast_in_dim3A_2313, %add3A_2330, %broadcast_in_dim3A_2315] : memref<4x64x128xf32, #tpu.memory_space<vmem>>[vector<16xi32>, vector<16xi32>, vector<16xi32>], vector<16xf32>,
      %gather3A_2333 = tpu.vector_load_idx %arg13[%broadcast_in_dim3A_2313, %add3A_2330, %broadcast_in_dim3A_2316] : memref<4x64x128xf32, #tpu.memory_space<vmem>>[vector<16xi32>, vector<16xi32>, vector<16xi32>], vector<16xf32>,
      %sub3A_2334 = arith.subf %gather3A_2332, %gather3A_2333 : vector<16xf32>
      %mul3A_2335 = arith.mulf %gather3A_2331, %sub3A_2334 : vector<16xf32>
      %add3A_2336 = arith.addf %add3A_2327, %mul3A_2335 : vector<16xf32>
      %add3A_2337 = arith.constant 32 : i32
      %add3A_2338 = vector.broadcast %add3A_2337 : i32 to vector<16xi32>
      %add3A_2339 = arith.addi %add3A_2338, %iota3A : vector<16xi32>
      %gather3A_2340 = tpu.vector_load_idx %arg11[%broadcast_in_dim3A_2313, %add3A_2339, %broadcast_in_dim3A_2314] : memref<4x64x128xf32, #tpu.memory_space<vmem>>[vector<16xi32>, vector<16xi32>, vector<16xi32>], vector<16xf32>,
      %gather3A_2341 = tpu.vector_load_idx %arg12[%broadcast_in_dim3A_2313, %add3A_2339, %broadcast_in_dim3A_2315] : memref<4x64x128xf32, #tpu.memory_space<vmem>>[vector<16xi32>, vector<16xi32>, vector<16xi32>], vector<16xf32>,
      %gather3A_2342 = tpu.vector_load_idx %arg13[%broadcast_in_dim3A_2313, %add3A_2339, %broadcast_in_dim3A_2316] : memref<4x64x128xf32, #tpu.memory_space<vmem>>[vector<16xi32>, vector<16xi32>, vector<16xi32>], vector<16xf32>,
      %sub3A_2343 = arith.subf %gather3A_2341, %gather3A_2342 : vector<16xf32>
      %mul3A_2344 = arith.mulf %gather3A_2340, %sub3A_2343 : vector<16xf32>
      %add3A_2345 = arith.addf %add3A_2336, %mul3A_2344 : vector<16xf32>
      %add3A_2346 = arith.constant 48 : i32
      %add3A_2347 = vector.broadcast %add3A_2346 : i32 to vector<16xi32>
      %add3A_2348 = arith.addi %add3A_2347, %iota3A : vector<16xi32>
      %gather3A_2349 = tpu.vector_load_idx %arg11[%broadcast_in_dim3A_2313, %add3A_2348, %broadcast_in_dim3A_2314] : memref<4x64x128xf32, #tpu.memory_space<vmem>>[vector<16xi32>, vector<16xi32>, vector<16xi32>], vector<16xf32>,
      %gather3A_2350 = tpu.vector_load_idx %arg12[%broadcast_in_dim3A_2313, %add3A_2348, %broadcast_in_dim3A_2315] : memref<4x64x128xf32, #tpu.memory_space<vmem>>[vector<16xi32>, vector<16xi32>, vector<16xi32>], vector<16xf32>,
      %gather3A_2351 = tpu.vector_load_idx %arg13[%broadcast_in_dim3A_2313, %add3A_2348, %broadcast_in_dim3A_2316] : memref<4x64x128xf32, #tpu.memory_space<vmem>>[vector<16xi32>, vector<16xi32>, vector<16xi32>], vector<16xf32>,
      %sub3A_2352 = arith.subf %gather3A_2350, %gather3A_2351 : vector<16xf32>
      %mul3A_2353 = arith.mulf %gather3A_2349, %sub3A_2352 : vector<16xf32>
      %add3A_2354 = arith.addf %add3A_2345, %mul3A_2353 : vector<16xf32>
      %reduce_sum3A_2355 = arith.constant true
      %reduce_sum3A_2356 = vector.broadcast %reduce_sum3A_2355 : i1 to vector<16xi1>
      %reduce_sum3A_2357 = tpu.scan <sum>, %add3A_2354 masked %reduce_sum3A_2356 : vector<16xf32>, vector<16xi1> -> vector<16xf32>
      %reduce_sum3A_2358 = vector.extract %reduce_sum3A_2357[15] : f32 from vector<16xf32>
      %eq3A_2359 = arith.constant 12 : i32
      %eq3A_2360 = vector.broadcast %eq3A_2359 : i32 to vector<16xi32>
      %eq3A_2361 = arith.cmpi eq, %iota3A, %eq3A_2360 : vector<16xi32>
      %broadcast_in_dim3A_2362 = vector.broadcast %reduce_sum3A_2358 : f32 to vector<16xf32>
      %select_n3A_2363 = arith.select %eq3A_2361, %broadcast_in_dim3A_2362, %select_n3A_1891 : vector<16xi1>, vector<16xf32>
      %broadcast_in_dim3A_2364 = arith.constant 1 : i32
      %broadcast_in_dim3A_2365 = vector.broadcast %broadcast_in_dim3A_2364 : i32 to vector<16xi32>
      %broadcast_in_dim3A_2366 = vector.broadcast %and3A_2019 : i32 to vector<16xi32>
      %broadcast_in_dim3A_2367 = vector.broadcast %and3A_2021 : i32 to vector<16xi32>
      %broadcast_in_dim3A_2368 = vector.broadcast %and3A_2023 : i32 to vector<16xi32>
      %broadcast_in_dim3A_2369 = arith.constant 0.000000e+00 : f32
      %broadcast_in_dim3A_2370 = vector.broadcast %broadcast_in_dim3A_2369 : f32 to vector<16xf32>
      %add3A_2371 = arith.constant 0 : i32
      %add3A_2372 = vector.broadcast %add3A_2371 : i32 to vector<16xi32>
      %add3A_2373 = arith.addi %add3A_2372, %iota3A : vector<16xi32>
      %gather3A_2374 = tpu.vector_load_idx %arg11[%broadcast_in_dim3A_2365, %add3A_2373, %broadcast_in_dim3A_2366] : memref<4x64x128xf32, #tpu.memory_space<vmem>>[vector<16xi32>, vector<16xi32>, vector<16xi32>], vector<16xf32>,
      %gather3A_2375 = tpu.vector_load_idx %arg12[%broadcast_in_dim3A_2365, %add3A_2373, %broadcast_in_dim3A_2367] : memref<4x64x128xf32, #tpu.memory_space<vmem>>[vector<16xi32>, vector<16xi32>, vector<16xi32>], vector<16xf32>,
      %gather3A_2376 = tpu.vector_load_idx %arg13[%broadcast_in_dim3A_2365, %add3A_2373, %broadcast_in_dim3A_2368] : memref<4x64x128xf32, #tpu.memory_space<vmem>>[vector<16xi32>, vector<16xi32>, vector<16xi32>], vector<16xf32>,
      %sub3A_2377 = arith.subf %gather3A_2375, %gather3A_2376 : vector<16xf32>
      %mul3A_2378 = arith.mulf %gather3A_2374, %sub3A_2377 : vector<16xf32>
      %add3A_2379 = arith.addf %broadcast_in_dim3A_2370, %mul3A_2378 : vector<16xf32>
      %add3A_2380 = arith.constant 16 : i32
      %add3A_2381 = vector.broadcast %add3A_2380 : i32 to vector<16xi32>
      %add3A_2382 = arith.addi %add3A_2381, %iota3A : vector<16xi32>
      %gather3A_2383 = tpu.vector_load_idx %arg11[%broadcast_in_dim3A_2365, %add3A_2382, %broadcast_in_dim3A_2366] : memref<4x64x128xf32, #tpu.memory_space<vmem>>[vector<16xi32>, vector<16xi32>, vector<16xi32>], vector<16xf32>,
      %gather3A_2384 = tpu.vector_load_idx %arg12[%broadcast_in_dim3A_2365, %add3A_2382, %broadcast_in_dim3A_2367] : memref<4x64x128xf32, #tpu.memory_space<vmem>>[vector<16xi32>, vector<16xi32>, vector<16xi32>], vector<16xf32>,
      %gather3A_2385 = tpu.vector_load_idx %arg13[%broadcast_in_dim3A_2365, %add3A_2382, %broadcast_in_dim3A_2368] : memref<4x64x128xf32, #tpu.memory_space<vmem>>[vector<16xi32>, vector<16xi32>, vector<16xi32>], vector<16xf32>,
      %sub3A_2386 = arith.subf %gather3A_2384, %gather3A_2385 : vector<16xf32>
      %mul3A_2387 = arith.mulf %gather3A_2383, %sub3A_2386 : vector<16xf32>
      %add3A_2388 = arith.addf %add3A_2379, %mul3A_2387 : vector<16xf32>
      %add3A_2389 = arith.constant 32 : i32
      %add3A_2390 = vector.broadcast %add3A_2389 : i32 to vector<16xi32>
      %add3A_2391 = arith.addi %add3A_2390, %iota3A : vector<16xi32>
      %gather3A_2392 = tpu.vector_load_idx %arg11[%broadcast_in_dim3A_2365, %add3A_2391, %broadcast_in_dim3A_2366] : memref<4x64x128xf32, #tpu.memory_space<vmem>>[vector<16xi32>, vector<16xi32>, vector<16xi32>], vector<16xf32>,
      %gather3A_2393 = tpu.vector_load_idx %arg12[%broadcast_in_dim3A_2365, %add3A_2391, %broadcast_in_dim3A_2367] : memref<4x64x128xf32, #tpu.memory_space<vmem>>[vector<16xi32>, vector<16xi32>, vector<16xi32>], vector<16xf32>,
      %gather3A_2394 = tpu.vector_load_idx %arg13[%broadcast_in_dim3A_2365, %add3A_2391, %broadcast_in_dim3A_2368] : memref<4x64x128xf32, #tpu.memory_space<vmem>>[vector<16xi32>, vector<16xi32>, vector<16xi32>], vector<16xf32>,
      %sub3A_2395 = arith.subf %gather3A_2393, %gather3A_2394 : vector<16xf32>
      %mul3A_2396 = arith.mulf %gather3A_2392, %sub3A_2395 : vector<16xf32>
      %add3A_2397 = arith.addf %add3A_2388, %mul3A_2396 : vector<16xf32>
      %add3A_2398 = arith.constant 48 : i32
      %add3A_2399 = vector.broadcast %add3A_2398 : i32 to vector<16xi32>
      %add3A_2400 = arith.addi %add3A_2399, %iota3A : vector<16xi32>
      %gather3A_2401 = tpu.vector_load_idx %arg11[%broadcast_in_dim3A_2365, %add3A_2400, %broadcast_in_dim3A_2366] : memref<4x64x128xf32, #tpu.memory_space<vmem>>[vector<16xi32>, vector<16xi32>, vector<16xi32>], vector<16xf32>,
      %gather3A_2402 = tpu.vector_load_idx %arg12[%broadcast_in_dim3A_2365, %add3A_2400, %broadcast_in_dim3A_2367] : memref<4x64x128xf32, #tpu.memory_space<vmem>>[vector<16xi32>, vector<16xi32>, vector<16xi32>], vector<16xf32>,
      %gather3A_2403 = tpu.vector_load_idx %arg13[%broadcast_in_dim3A_2365, %add3A_2400, %broadcast_in_dim3A_2368] : memref<4x64x128xf32, #tpu.memory_space<vmem>>[vector<16xi32>, vector<16xi32>, vector<16xi32>], vector<16xf32>,
      %sub3A_2404 = arith.subf %gather3A_2402, %gather3A_2403 : vector<16xf32>
      %mul3A_2405 = arith.mulf %gather3A_2401, %sub3A_2404 : vector<16xf32>
      %add3A_2406 = arith.addf %add3A_2397, %mul3A_2405 : vector<16xf32>
      %reduce_sum3A_2407 = arith.constant true
      %reduce_sum3A_2408 = vector.broadcast %reduce_sum3A_2407 : i1 to vector<16xi1>
      %reduce_sum3A_2409 = tpu.scan <sum>, %add3A_2406 masked %reduce_sum3A_2408 : vector<16xf32>, vector<16xi1> -> vector<16xf32>
      %reduce_sum3A_2410 = vector.extract %reduce_sum3A_2409[15] : f32 from vector<16xf32>
      %eq3A_2411 = arith.constant 13 : i32
      %eq3A_2412 = vector.broadcast %eq3A_2411 : i32 to vector<16xi32>
      %eq3A_2413 = arith.cmpi eq, %iota3A, %eq3A_2412 : vector<16xi32>
      %broadcast_in_dim3A_2414 = vector.broadcast %reduce_sum3A_2410 : f32 to vector<16xf32>
      %select_n3A_2415 = arith.select %eq3A_2413, %broadcast_in_dim3A_2414, %select_n3A_2363 : vector<16xi1>, vector<16xf32>
      %broadcast_in_dim3A_2416 = arith.constant 2 : i32
      %broadcast_in_dim3A_2417 = vector.broadcast %broadcast_in_dim3A_2416 : i32 to vector<16xi32>
      %broadcast_in_dim3A_2418 = vector.broadcast %and3A_2085 : i32 to vector<16xi32>
      %broadcast_in_dim3A_2419 = vector.broadcast %and3A_2087 : i32 to vector<16xi32>
      %broadcast_in_dim3A_2420 = vector.broadcast %and3A_2089 : i32 to vector<16xi32>
      %broadcast_in_dim3A_2421 = arith.constant 0.000000e+00 : f32
      %broadcast_in_dim3A_2422 = vector.broadcast %broadcast_in_dim3A_2421 : f32 to vector<16xf32>
      %add3A_2423 = arith.constant 0 : i32
      %add3A_2424 = vector.broadcast %add3A_2423 : i32 to vector<16xi32>
      %add3A_2425 = arith.addi %add3A_2424, %iota3A : vector<16xi32>
      %gather3A_2426 = tpu.vector_load_idx %arg11[%broadcast_in_dim3A_2417, %add3A_2425, %broadcast_in_dim3A_2418] : memref<4x64x128xf32, #tpu.memory_space<vmem>>[vector<16xi32>, vector<16xi32>, vector<16xi32>], vector<16xf32>,
      %gather3A_2427 = tpu.vector_load_idx %arg12[%broadcast_in_dim3A_2417, %add3A_2425, %broadcast_in_dim3A_2419] : memref<4x64x128xf32, #tpu.memory_space<vmem>>[vector<16xi32>, vector<16xi32>, vector<16xi32>], vector<16xf32>,
      %gather3A_2428 = tpu.vector_load_idx %arg13[%broadcast_in_dim3A_2417, %add3A_2425, %broadcast_in_dim3A_2420] : memref<4x64x128xf32, #tpu.memory_space<vmem>>[vector<16xi32>, vector<16xi32>, vector<16xi32>], vector<16xf32>,
      %sub3A_2429 = arith.subf %gather3A_2427, %gather3A_2428 : vector<16xf32>
      %mul3A_2430 = arith.mulf %gather3A_2426, %sub3A_2429 : vector<16xf32>
      %add3A_2431 = arith.addf %broadcast_in_dim3A_2422, %mul3A_2430 : vector<16xf32>
      %add3A_2432 = arith.constant 16 : i32
      %add3A_2433 = vector.broadcast %add3A_2432 : i32 to vector<16xi32>
      %add3A_2434 = arith.addi %add3A_2433, %iota3A : vector<16xi32>
      %gather3A_2435 = tpu.vector_load_idx %arg11[%broadcast_in_dim3A_2417, %add3A_2434, %broadcast_in_dim3A_2418] : memref<4x64x128xf32, #tpu.memory_space<vmem>>[vector<16xi32>, vector<16xi32>, vector<16xi32>], vector<16xf32>,
      %gather3A_2436 = tpu.vector_load_idx %arg12[%broadcast_in_dim3A_2417, %add3A_2434, %broadcast_in_dim3A_2419] : memref<4x64x128xf32, #tpu.memory_space<vmem>>[vector<16xi32>, vector<16xi32>, vector<16xi32>], vector<16xf32>,
      %gather3A_2437 = tpu.vector_load_idx %arg13[%broadcast_in_dim3A_2417, %add3A_2434, %broadcast_in_dim3A_2420] : memref<4x64x128xf32, #tpu.memory_space<vmem>>[vector<16xi32>, vector<16xi32>, vector<16xi32>], vector<16xf32>,
      %sub3A_2438 = arith.subf %gather3A_2436, %gather3A_2437 : vector<16xf32>
      %mul3A_2439 = arith.mulf %gather3A_2435, %sub3A_2438 : vector<16xf32>
      %add3A_2440 = arith.addf %add3A_2431, %mul3A_2439 : vector<16xf32>
      %add3A_2441 = arith.constant 32 : i32
      %add3A_2442 = vector.broadcast %add3A_2441 : i32 to vector<16xi32>
      %add3A_2443 = arith.addi %add3A_2442, %iota3A : vector<16xi32>
      %gather3A_2444 = tpu.vector_load_idx %arg11[%broadcast_in_dim3A_2417, %add3A_2443, %broadcast_in_dim3A_2418] : memref<4x64x128xf32, #tpu.memory_space<vmem>>[vector<16xi32>, vector<16xi32>, vector<16xi32>], vector<16xf32>,
      %gather3A_2445 = tpu.vector_load_idx %arg12[%broadcast_in_dim3A_2417, %add3A_2443, %broadcast_in_dim3A_2419] : memref<4x64x128xf32, #tpu.memory_space<vmem>>[vector<16xi32>, vector<16xi32>, vector<16xi32>], vector<16xf32>,
      %gather3A_2446 = tpu.vector_load_idx %arg13[%broadcast_in_dim3A_2417, %add3A_2443, %broadcast_in_dim3A_2420] : memref<4x64x128xf32, #tpu.memory_space<vmem>>[vector<16xi32>, vector<16xi32>, vector<16xi32>], vector<16xf32>,
      %sub3A_2447 = arith.subf %gather3A_2445, %gather3A_2446 : vector<16xf32>
      %mul3A_2448 = arith.mulf %gather3A_2444, %sub3A_2447 : vector<16xf32>
      %add3A_2449 = arith.addf %add3A_2440, %mul3A_2448 : vector<16xf32>
      %add3A_2450 = arith.constant 48 : i32
      %add3A_2451 = vector.broadcast %add3A_2450 : i32 to vector<16xi32>
      %add3A_2452 = arith.addi %add3A_2451, %iota3A : vector<16xi32>
      %gather3A_2453 = tpu.vector_load_idx %arg11[%broadcast_in_dim3A_2417, %add3A_2452, %broadcast_in_dim3A_2418] : memref<4x64x128xf32, #tpu.memory_space<vmem>>[vector<16xi32>, vector<16xi32>, vector<16xi32>], vector<16xf32>,
      %gather3A_2454 = tpu.vector_load_idx %arg12[%broadcast_in_dim3A_2417, %add3A_2452, %broadcast_in_dim3A_2419] : memref<4x64x128xf32, #tpu.memory_space<vmem>>[vector<16xi32>, vector<16xi32>, vector<16xi32>], vector<16xf32>,
      %gather3A_2455 = tpu.vector_load_idx %arg13[%broadcast_in_dim3A_2417, %add3A_2452, %broadcast_in_dim3A_2420] : memref<4x64x128xf32, #tpu.memory_space<vmem>>[vector<16xi32>, vector<16xi32>, vector<16xi32>], vector<16xf32>,
      %sub3A_2456 = arith.subf %gather3A_2454, %gather3A_2455 : vector<16xf32>
      %mul3A_2457 = arith.mulf %gather3A_2453, %sub3A_2456 : vector<16xf32>
      %add3A_2458 = arith.addf %add3A_2449, %mul3A_2457 : vector<16xf32>
      %reduce_sum3A_2459 = arith.constant true
      %reduce_sum3A_2460 = vector.broadcast %reduce_sum3A_2459 : i1 to vector<16xi1>
      %reduce_sum3A_2461 = tpu.scan <sum>, %add3A_2458 masked %reduce_sum3A_2460 : vector<16xf32>, vector<16xi1> -> vector<16xf32>
      %reduce_sum3A_2462 = vector.extract %reduce_sum3A_2461[15] : f32 from vector<16xf32>
      %eq3A_2463 = arith.constant 14 : i32
      %eq3A_2464 = vector.broadcast %eq3A_2463 : i32 to vector<16xi32>
      %eq3A_2465 = arith.cmpi eq, %iota3A, %eq3A_2464 : vector<16xi32>
      %broadcast_in_dim3A_2466 = vector.broadcast %reduce_sum3A_2462 : f32 to vector<16xf32>
      %select_n3A_2467 = arith.select %eq3A_2465, %broadcast_in_dim3A_2466, %select_n3A_2415 : vector<16xi1>, vector<16xf32>
      %broadcast_in_dim3A_2468 = arith.constant 3 : i32
      %broadcast_in_dim3A_2469 = vector.broadcast %broadcast_in_dim3A_2468 : i32 to vector<16xi32>
      %broadcast_in_dim3A_2470 = vector.broadcast %and3A_2151 : i32 to vector<16xi32>
      %broadcast_in_dim3A_2471 = vector.broadcast %and3A_2153 : i32 to vector<16xi32>
      %broadcast_in_dim3A_2472 = vector.broadcast %and3A_2155 : i32 to vector<16xi32>
      %broadcast_in_dim3A_2473 = arith.constant 0.000000e+00 : f32
      %broadcast_in_dim3A_2474 = vector.broadcast %broadcast_in_dim3A_2473 : f32 to vector<16xf32>
      %add3A_2475 = arith.constant 0 : i32
      %add3A_2476 = vector.broadcast %add3A_2475 : i32 to vector<16xi32>
      %add3A_2477 = arith.addi %add3A_2476, %iota3A : vector<16xi32>
      %gather3A_2478 = tpu.vector_load_idx %arg11[%broadcast_in_dim3A_2469, %add3A_2477, %broadcast_in_dim3A_2470] : memref<4x64x128xf32, #tpu.memory_space<vmem>>[vector<16xi32>, vector<16xi32>, vector<16xi32>], vector<16xf32>,
      %gather3A_2479 = tpu.vector_load_idx %arg12[%broadcast_in_dim3A_2469, %add3A_2477, %broadcast_in_dim3A_2471] : memref<4x64x128xf32, #tpu.memory_space<vmem>>[vector<16xi32>, vector<16xi32>, vector<16xi32>], vector<16xf32>,
      %gather3A_2480 = tpu.vector_load_idx %arg13[%broadcast_in_dim3A_2469, %add3A_2477, %broadcast_in_dim3A_2472] : memref<4x64x128xf32, #tpu.memory_space<vmem>>[vector<16xi32>, vector<16xi32>, vector<16xi32>], vector<16xf32>,
      %sub3A_2481 = arith.subf %gather3A_2479, %gather3A_2480 : vector<16xf32>
      %mul3A_2482 = arith.mulf %gather3A_2478, %sub3A_2481 : vector<16xf32>
      %add3A_2483 = arith.addf %broadcast_in_dim3A_2474, %mul3A_2482 : vector<16xf32>
      %add3A_2484 = arith.constant 16 : i32
      %add3A_2485 = vector.broadcast %add3A_2484 : i32 to vector<16xi32>
      %add3A_2486 = arith.addi %add3A_2485, %iota3A : vector<16xi32>
      %gather3A_2487 = tpu.vector_load_idx %arg11[%broadcast_in_dim3A_2469, %add3A_2486, %broadcast_in_dim3A_2470] : memref<4x64x128xf32, #tpu.memory_space<vmem>>[vector<16xi32>, vector<16xi32>, vector<16xi32>], vector<16xf32>,
      %gather3A_2488 = tpu.vector_load_idx %arg12[%broadcast_in_dim3A_2469, %add3A_2486, %broadcast_in_dim3A_2471] : memref<4x64x128xf32, #tpu.memory_space<vmem>>[vector<16xi32>, vector<16xi32>, vector<16xi32>], vector<16xf32>,
      %gather3A_2489 = tpu.vector_load_idx %arg13[%broadcast_in_dim3A_2469, %add3A_2486, %broadcast_in_dim3A_2472] : memref<4x64x128xf32, #tpu.memory_space<vmem>>[vector<16xi32>, vector<16xi32>, vector<16xi32>], vector<16xf32>,
      %sub3A_2490 = arith.subf %gather3A_2488, %gather3A_2489 : vector<16xf32>
      %mul3A_2491 = arith.mulf %gather3A_2487, %sub3A_2490 : vector<16xf32>
      %add3A_2492 = arith.addf %add3A_2483, %mul3A_2491 : vector<16xf32>
      %add3A_2493 = arith.constant 32 : i32
      %add3A_2494 = vector.broadcast %add3A_2493 : i32 to vector<16xi32>
      %add3A_2495 = arith.addi %add3A_2494, %iota3A : vector<16xi32>
      %gather3A_2496 = tpu.vector_load_idx %arg11[%broadcast_in_dim3A_2469, %add3A_2495, %broadcast_in_dim3A_2470] : memref<4x64x128xf32, #tpu.memory_space<vmem>>[vector<16xi32>, vector<16xi32>, vector<16xi32>], vector<16xf32>,
      %gather3A_2497 = tpu.vector_load_idx %arg12[%broadcast_in_dim3A_2469, %add3A_2495, %broadcast_in_dim3A_2471] : memref<4x64x128xf32, #tpu.memory_space<vmem>>[vector<16xi32>, vector<16xi32>, vector<16xi32>], vector<16xf32>,
      %gather3A_2498 = tpu.vector_load_idx %arg13[%broadcast_in_dim3A_2469, %add3A_2495, %broadcast_in_dim3A_2472] : memref<4x64x128xf32, #tpu.memory_space<vmem>>[vector<16xi32>, vector<16xi32>, vector<16xi32>], vector<16xf32>,
      %sub3A_2499 = arith.subf %gather3A_2497, %gather3A_2498 : vector<16xf32>
      %mul3A_2500 = arith.mulf %gather3A_2496, %sub3A_2499 : vector<16xf32>
      %add3A_2501 = arith.addf %add3A_2492, %mul3A_2500 : vector<16xf32>
      %add3A_2502 = arith.constant 48 : i32
      %add3A_2503 = vector.broadcast %add3A_2502 : i32 to vector<16xi32>
      %add3A_2504 = arith.addi %add3A_2503, %iota3A : vector<16xi32>
      %gather3A_2505 = tpu.vector_load_idx %arg11[%broadcast_in_dim3A_2469, %add3A_2504, %broadcast_in_dim3A_2470] : memref<4x64x128xf32, #tpu.memory_space<vmem>>[vector<16xi32>, vector<16xi32>, vector<16xi32>], vector<16xf32>,
      %gather3A_2506 = tpu.vector_load_idx %arg12[%broadcast_in_dim3A_2469, %add3A_2504, %broadcast_in_dim3A_2471] : memref<4x64x128xf32, #tpu.memory_space<vmem>>[vector<16xi32>, vector<16xi32>, vector<16xi32>], vector<16xf32>,
      %gather3A_2507 = tpu.vector_load_idx %arg13[%broadcast_in_dim3A_2469, %add3A_2504, %broadcast_in_dim3A_2472] : memref<4x64x128xf32, #tpu.memory_space<vmem>>[vector<16xi32>, vector<16xi32>, vector<16xi32>], vector<16xf32>,
      %sub3A_2508 = arith.subf %gather3A_2506, %gather3A_2507 : vector<16xf32>
      %mul3A_2509 = arith.mulf %gather3A_2505, %sub3A_2508 : vector<16xf32>
      %add3A_2510 = arith.addf %add3A_2501, %mul3A_2509 : vector<16xf32>
      %reduce_sum3A_2511 = arith.constant true
      %reduce_sum3A_2512 = vector.broadcast %reduce_sum3A_2511 : i1 to vector<16xi1>
      %reduce_sum3A_2513 = tpu.scan <sum>, %add3A_2510 masked %reduce_sum3A_2512 : vector<16xf32>, vector<16xi1> -> vector<16xf32>
      %reduce_sum3A_2514 = vector.extract %reduce_sum3A_2513[15] : f32 from vector<16xf32>
      %eq3A_2515 = arith.constant 15 : i32
      %eq3A_2516 = vector.broadcast %eq3A_2515 : i32 to vector<16xi32>
      %eq3A_2517 = arith.cmpi eq, %iota3A, %eq3A_2516 : vector<16xi32>
      %broadcast_in_dim3A_2518 = vector.broadcast %reduce_sum3A_2514 : f32 to vector<16xf32>
      %select_n3A_2519 = arith.select %eq3A_2517, %broadcast_in_dim3A_2518, %select_n3A_2467 : vector<16xi1>, vector<16xf32>
      %mul3A_2520 = arith.constant 16 : i32
      %mul3A_2521 = arith.muli %scan3A_8, %mul3A_2520 : i32
      %swap3A = arith.index_cast %mul3A_2521 : i32 to index
      %swap3A_2522 = tpu.vector_load %arg14[%swap3A] {strides = array<i32>} : memref<512xf32, #tpu.memory_space<vmem>>, vector<16xf32>,
      tpu.vector_store %arg14[%swap3A], %select_n3A_2519 {strides = array<i32>} : memref<512xf32, #tpu.memory_space<vmem>>, vector<16xf32>,
    }
    %scan3A_7 = arith.constant 32 : i32
    "tpu.region"() ({
      %run_scoped3A = tpu.sem_alloc : memref<!tpu.dma_semaphore, #tpu.memory_space<semaphore_mem>>
      %dma_start3A = tpu.memref_slice %arg7[%mul3A_2] : memref<16384xf32, #tpu.memory_space<hbm>> -> memref<512xf32, #tpu.memory_space<hbm>>
      %dma_start3A_8 = tpu.memref_slice %arg7[%mul3A_2] : memref<16384xf32, #tpu.memory_space<hbm>> -> memref<512xf32, #tpu.memory_space<hbm>>
      tpu.enqueue_dma source(%arg14 : memref<512xf32, #tpu.memory_space<vmem>>) target(%dma_start3A_8 : memref<512xf32, #tpu.memory_space<hbm>>) target_semaphore(%run_scoped3A : memref<!tpu.dma_semaphore, #tpu.memory_space<semaphore_mem>>)
      %dma_wait3A = tpu.memref_slice %arg7[%mul3A_2] : memref<16384xf32, #tpu.memory_space<hbm>> -> memref<512xf32, #tpu.memory_space<hbm>>
      %dma_wait3A_9 = tpu.memref_slice %arg7[%mul3A_2] : memref<16384xf32, #tpu.memory_space<hbm>> -> memref<512xf32, #tpu.memory_space<hbm>>
      tpu.wait_dma2 semaphore(%run_scoped3A : memref<!tpu.dma_semaphore, #tpu.memory_space<semaphore_mem>>) src(%arg14 : memref<512xf32, #tpu.memory_space<vmem>>) dst(%dma_wait3A_9 : memref<512xf32, #tpu.memory_space<hbm>>)
      tpu.yield
    }) : () -> ()
    return
  }
}

#map = affine_map<(d0, d1) -> (0)>
module attributes {stable_mosaic.version = 14 : i64} {
  func.func @_bias_body(%arg0: i32, %arg1: i32, %arg2: memref<16384xi32, #tpu.memory_space<hbm>>, %arg3: memref<16384xi32, #tpu.memory_space<hbm>>, %arg4: memref<1000000xf32, #tpu.memory_space<hbm>>, %arg5: memref<16384xf32, #tpu.memory_space<hbm>>, %arg6: memref<512xi32, #tpu.memory_space<vmem>>, %arg7: memref<512xi32, #tpu.memory_space<vmem>>, %arg8: memref<512xf32, #tpu.memory_space<vmem>>, %arg9: memref<512xf32, #tpu.memory_space<vmem>>, %arg10: memref<512xf32, #tpu.memory_space<vmem>>, %arg11: memref<!tpu.dma_semaphore, #tpu.memory_space<semaphore_mem>>) attributes {dimension_semantics = [#tpu.dimension_semantics<core_parallel>, #tpu.dimension_semantics<subcore_parallel>], iteration_bounds = array<i64: 2, 16>, scalar_prefetch = 0 : i64, scratch_operands = 6 : i64, tpu.core_type = #tpu.core_type<sc_vector_subcore>, window_params = [{transform_indices = #map}, {transform_indices = #map}, {transform_indices = #map}, {transform_indices = #map}]} {
    %mul3A = arith.constant 2 : i32
    %mul3A_0 = arith.muli %arg1, %mul3A : i32
    %add3A = arith.addi %mul3A_0, %arg0 : i32
    %mul3A_1 = arith.constant 512 : i32
    %mul3A_2 = arith.muli %add3A, %mul3A_1 : i32
    "tpu.region"() ({
      %run_scoped3A = tpu.sem_alloc : memref<!tpu.dma_semaphore, #tpu.memory_space<semaphore_mem>>
      %dma_start3A_102 = tpu.memref_slice %arg2[%mul3A_2] : memref<16384xi32, #tpu.memory_space<hbm>> -> memref<512xi32, #tpu.memory_space<hbm>>
      %dma_start3A_103 = tpu.memref_slice %arg2[%mul3A_2] : memref<16384xi32, #tpu.memory_space<hbm>> -> memref<512xi32, #tpu.memory_space<hbm>>
      tpu.enqueue_dma source(%dma_start3A_103 : memref<512xi32, #tpu.memory_space<hbm>>) target(%arg6 : memref<512xi32, #tpu.memory_space<vmem>>) target_semaphore(%run_scoped3A : memref<!tpu.dma_semaphore, #tpu.memory_space<semaphore_mem>>)
      %dma_wait3A_104 = tpu.memref_slice %arg2[%mul3A_2] : memref<16384xi32, #tpu.memory_space<hbm>> -> memref<512xi32, #tpu.memory_space<hbm>>
      %dma_wait3A_105 = tpu.memref_slice %arg2[%mul3A_2] : memref<16384xi32, #tpu.memory_space<hbm>> -> memref<512xi32, #tpu.memory_space<hbm>>
      tpu.wait_dma2 semaphore(%run_scoped3A : memref<!tpu.dma_semaphore, #tpu.memory_space<semaphore_mem>>) src(%dma_wait3A_105 : memref<512xi32, #tpu.memory_space<hbm>>) dst(%arg6 : memref<512xi32, #tpu.memory_space<vmem>>)
      tpu.yield
    }) : () -> ()
    "tpu.region"() ({
      %run_scoped3A = tpu.sem_alloc : memref<!tpu.dma_semaphore, #tpu.memory_space<semaphore_mem>>
      %dma_start3A_102 = tpu.memref_slice %arg3[%mul3A_2] : memref<16384xi32, #tpu.memory_space<hbm>> -> memref<512xi32, #tpu.memory_space<hbm>>
      %dma_start3A_103 = tpu.memref_slice %arg3[%mul3A_2] : memref<16384xi32, #tpu.memory_space<hbm>> -> memref<512xi32, #tpu.memory_space<hbm>>
      tpu.enqueue_dma source(%dma_start3A_103 : memref<512xi32, #tpu.memory_space<hbm>>) target(%arg7 : memref<512xi32, #tpu.memory_space<vmem>>) target_semaphore(%run_scoped3A : memref<!tpu.dma_semaphore, #tpu.memory_space<semaphore_mem>>)
      %dma_wait3A_104 = tpu.memref_slice %arg3[%mul3A_2] : memref<16384xi32, #tpu.memory_space<hbm>> -> memref<512xi32, #tpu.memory_space<hbm>>
      %dma_wait3A_105 = tpu.memref_slice %arg3[%mul3A_2] : memref<16384xi32, #tpu.memory_space<hbm>> -> memref<512xi32, #tpu.memory_space<hbm>>
      tpu.wait_dma2 semaphore(%run_scoped3A : memref<!tpu.dma_semaphore, #tpu.memory_space<semaphore_mem>>) src(%dma_wait3A_105 : memref<512xi32, #tpu.memory_space<hbm>>) dst(%arg7 : memref<512xi32, #tpu.memory_space<vmem>>)
      tpu.yield
    }) : () -> ()
    %dma_start3A = arith.constant 0 : i32
    %dma_start3A_3 = tpu.memref_slice %arg8[%dma_start3A] : memref<512xf32, #tpu.memory_space<vmem>> -> memref<128xf32, #tpu.memory_space<vmem>>
    %dma_start3A_4 = arith.constant 0 : i32
    %dma_start3A_5 = tpu.memref_slice %arg6[%dma_start3A_4] : memref<512xi32, #tpu.memory_space<vmem>> -> memref<128xi32, #tpu.memory_space<vmem>>
    %dma_start3A_6 = arith.constant 0 : i32
    %dma_start3A_7 = tpu.memref_slice %arg4[%dma_start3A_6] : memref<1000000xf32, #tpu.memory_space<hbm>> -> memref<1000000xf32, #tpu.memory_space<hbm>>
    tpu.enqueue_indirect_dma source(%dma_start3A_7 : memref<1000000xf32, #tpu.memory_space<hbm>>) target(%dma_start3A_3 : memref<128xf32, #tpu.memory_space<vmem>>) offsets(%dma_start3A_5 : memref<128xi32, #tpu.memory_space<vmem>>) semaphore(%arg11 : memref<!tpu.dma_semaphore, #tpu.memory_space<semaphore_mem>>)
    %dma_start3A_8 = arith.constant 0 : i32
    %dma_start3A_9 = tpu.memref_slice %arg9[%dma_start3A_8] : memref<512xf32, #tpu.memory_space<vmem>> -> memref<128xf32, #tpu.memory_space<vmem>>
    %dma_start3A_10 = arith.constant 0 : i32
    %dma_start3A_11 = tpu.memref_slice %arg7[%dma_start3A_10] : memref<512xi32, #tpu.memory_space<vmem>> -> memref<128xi32, #tpu.memory_space<vmem>>
    %dma_start3A_12 = arith.constant 0 : i32
    %dma_start3A_13 = tpu.memref_slice %arg4[%dma_start3A_12] : memref<1000000xf32, #tpu.memory_space<hbm>> -> memref<1000000xf32, #tpu.memory_space<hbm>>
    tpu.enqueue_indirect_dma source(%dma_start3A_13 : memref<1000000xf32, #tpu.memory_space<hbm>>) target(%dma_start3A_9 : memref<128xf32, #tpu.memory_space<vmem>>) offsets(%dma_start3A_11 : memref<128xi32, #tpu.memory_space<vmem>>) semaphore(%arg11 : memref<!tpu.dma_semaphore, #tpu.memory_space<semaphore_mem>>)
    %dma_start3A_14 = arith.constant 128 : i32
    %dma_start3A_15 = tpu.memref_slice %arg8[%dma_start3A_14] : memref<512xf32, #tpu.memory_space<vmem>> -> memref<128xf32, #tpu.memory_space<vmem>>
    %dma_start3A_16 = arith.constant 128 : i32
    %dma_start3A_17 = tpu.memref_slice %arg6[%dma_start3A_16] : memref<512xi32, #tpu.memory_space<vmem>> -> memref<128xi32, #tpu.memory_space<vmem>>
    %dma_start3A_18 = arith.constant 0 : i32
    %dma_start3A_19 = tpu.memref_slice %arg4[%dma_start3A_18] : memref<1000000xf32, #tpu.memory_space<hbm>> -> memref<1000000xf32, #tpu.memory_space<hbm>>
    tpu.enqueue_indirect_dma source(%dma_start3A_19 : memref<1000000xf32, #tpu.memory_space<hbm>>) target(%dma_start3A_15 : memref<128xf32, #tpu.memory_space<vmem>>) offsets(%dma_start3A_17 : memref<128xi32, #tpu.memory_space<vmem>>) semaphore(%arg11 : memref<!tpu.dma_semaphore, #tpu.memory_space<semaphore_mem>>)
    %dma_start3A_20 = arith.constant 128 : i32
    %dma_start3A_21 = tpu.memref_slice %arg9[%dma_start3A_20] : memref<512xf32, #tpu.memory_space<vmem>> -> memref<128xf32, #tpu.memory_space<vmem>>
    %dma_start3A_22 = arith.constant 128 : i32
    %dma_start3A_23 = tpu.memref_slice %arg7[%dma_start3A_22] : memref<512xi32, #tpu.memory_space<vmem>> -> memref<128xi32, #tpu.memory_space<vmem>>
    %dma_start3A_24 = arith.constant 0 : i32
    %dma_start3A_25 = tpu.memref_slice %arg4[%dma_start3A_24] : memref<1000000xf32, #tpu.memory_space<hbm>> -> memref<1000000xf32, #tpu.memory_space<hbm>>
    tpu.enqueue_indirect_dma source(%dma_start3A_25 : memref<1000000xf32, #tpu.memory_space<hbm>>) target(%dma_start3A_21 : memref<128xf32, #tpu.memory_space<vmem>>) offsets(%dma_start3A_23 : memref<128xi32, #tpu.memory_space<vmem>>) semaphore(%arg11 : memref<!tpu.dma_semaphore, #tpu.memory_space<semaphore_mem>>)
    %dma_start3A_26 = arith.constant 256 : i32
    %dma_start3A_27 = tpu.memref_slice %arg8[%dma_start3A_26] : memref<512xf32, #tpu.memory_space<vmem>> -> memref<128xf32, #tpu.memory_space<vmem>>
    %dma_start3A_28 = arith.constant 256 : i32
    %dma_start3A_29 = tpu.memref_slice %arg6[%dma_start3A_28] : memref<512xi32, #tpu.memory_space<vmem>> -> memref<128xi32, #tpu.memory_space<vmem>>
    %dma_start3A_30 = arith.constant 0 : i32
    %dma_start3A_31 = tpu.memref_slice %arg4[%dma_start3A_30] : memref<1000000xf32, #tpu.memory_space<hbm>> -> memref<1000000xf32, #tpu.memory_space<hbm>>
    tpu.enqueue_indirect_dma source(%dma_start3A_31 : memref<1000000xf32, #tpu.memory_space<hbm>>) target(%dma_start3A_27 : memref<128xf32, #tpu.memory_space<vmem>>) offsets(%dma_start3A_29 : memref<128xi32, #tpu.memory_space<vmem>>) semaphore(%arg11 : memref<!tpu.dma_semaphore, #tpu.memory_space<semaphore_mem>>)
    %dma_start3A_32 = arith.constant 256 : i32
    %dma_start3A_33 = tpu.memref_slice %arg9[%dma_start3A_32] : memref<512xf32, #tpu.memory_space<vmem>> -> memref<128xf32, #tpu.memory_space<vmem>>
    %dma_start3A_34 = arith.constant 256 : i32
    %dma_start3A_35 = tpu.memref_slice %arg7[%dma_start3A_34] : memref<512xi32, #tpu.memory_space<vmem>> -> memref<128xi32, #tpu.memory_space<vmem>>
    %dma_start3A_36 = arith.constant 0 : i32
    %dma_start3A_37 = tpu.memref_slice %arg4[%dma_start3A_36] : memref<1000000xf32, #tpu.memory_space<hbm>> -> memref<1000000xf32, #tpu.memory_space<hbm>>
    tpu.enqueue_indirect_dma source(%dma_start3A_37 : memref<1000000xf32, #tpu.memory_space<hbm>>) target(%dma_start3A_33 : memref<128xf32, #tpu.memory_space<vmem>>) offsets(%dma_start3A_35 : memref<128xi32, #tpu.memory_space<vmem>>) semaphore(%arg11 : memref<!tpu.dma_semaphore, #tpu.memory_space<semaphore_mem>>)
    %dma_start3A_38 = arith.constant 384 : i32
    %dma_start3A_39 = tpu.memref_slice %arg8[%dma_start3A_38] : memref<512xf32, #tpu.memory_space<vmem>> -> memref<128xf32, #tpu.memory_space<vmem>>
    %dma_start3A_40 = arith.constant 384 : i32
    %dma_start3A_41 = tpu.memref_slice %arg6[%dma_start3A_40] : memref<512xi32, #tpu.memory_space<vmem>> -> memref<128xi32, #tpu.memory_space<vmem>>
    %dma_start3A_42 = arith.constant 0 : i32
    %dma_start3A_43 = tpu.memref_slice %arg4[%dma_start3A_42] : memref<1000000xf32, #tpu.memory_space<hbm>> -> memref<1000000xf32, #tpu.memory_space<hbm>>
    tpu.enqueue_indirect_dma source(%dma_start3A_43 : memref<1000000xf32, #tpu.memory_space<hbm>>) target(%dma_start3A_39 : memref<128xf32, #tpu.memory_space<vmem>>) offsets(%dma_start3A_41 : memref<128xi32, #tpu.memory_space<vmem>>) semaphore(%arg11 : memref<!tpu.dma_semaphore, #tpu.memory_space<semaphore_mem>>)
    %dma_start3A_44 = arith.constant 384 : i32
    %dma_start3A_45 = tpu.memref_slice %arg9[%dma_start3A_44] : memref<512xf32, #tpu.memory_space<vmem>> -> memref<128xf32, #tpu.memory_space<vmem>>
    %dma_start3A_46 = arith.constant 384 : i32
    %dma_start3A_47 = tpu.memref_slice %arg7[%dma_start3A_46] : memref<512xi32, #tpu.memory_space<vmem>> -> memref<128xi32, #tpu.memory_space<vmem>>
    %dma_start3A_48 = arith.constant 0 : i32
    %dma_start3A_49 = tpu.memref_slice %arg4[%dma_start3A_48] : memref<1000000xf32, #tpu.memory_space<hbm>> -> memref<1000000xf32, #tpu.memory_space<hbm>>
    tpu.enqueue_indirect_dma source(%dma_start3A_49 : memref<1000000xf32, #tpu.memory_space<hbm>>) target(%dma_start3A_45 : memref<128xf32, #tpu.memory_space<vmem>>) offsets(%dma_start3A_47 : memref<128xi32, #tpu.memory_space<vmem>>) semaphore(%arg11 : memref<!tpu.dma_semaphore, #tpu.memory_space<semaphore_mem>>)
    %dma_wait3A = arith.constant 0 : i32
    %dma_wait3A_50 = tpu.memref_slice %arg8[%dma_wait3A] : memref<512xf32, #tpu.memory_space<vmem>> -> memref<128xf32, #tpu.memory_space<vmem>>
    %dma_wait3A_51 = arith.constant 0 : i32
    %dma_wait3A_52 = tpu.memref_slice %arg6[%dma_wait3A_51] : memref<512xi32, #tpu.memory_space<vmem>> -> memref<128xi32, #tpu.memory_space<vmem>>
    %dma_wait3A_53 = arith.constant 0 : i32
    %dma_wait3A_54 = tpu.memref_slice %arg4[%dma_wait3A_53] : memref<1000000xf32, #tpu.memory_space<hbm>> -> memref<1000000xf32, #tpu.memory_space<hbm>>
    tpu.wait_indirect_dma semaphore(%arg11 : memref<!tpu.dma_semaphore, #tpu.memory_space<semaphore_mem>>) src(%dma_wait3A_54 : memref<1000000xf32, #tpu.memory_space<hbm>>) dst(%dma_wait3A_50 : memref<128xf32, #tpu.memory_space<vmem>>)
    %dma_wait3A_55 = arith.constant 0 : i32
    %dma_wait3A_56 = tpu.memref_slice %arg9[%dma_wait3A_55] : memref<512xf32, #tpu.memory_space<vmem>> -> memref<128xf32, #tpu.memory_space<vmem>>
    %dma_wait3A_57 = arith.constant 0 : i32
    %dma_wait3A_58 = tpu.memref_slice %arg7[%dma_wait3A_57] : memref<512xi32, #tpu.memory_space<vmem>> -> memref<128xi32, #tpu.memory_space<vmem>>
    %dma_wait3A_59 = arith.constant 0 : i32
    %dma_wait3A_60 = tpu.memref_slice %arg4[%dma_wait3A_59] : memref<1000000xf32, #tpu.memory_space<hbm>> -> memref<1000000xf32, #tpu.memory_space<hbm>>
    tpu.wait_indirect_dma semaphore(%arg11 : memref<!tpu.dma_semaphore, #tpu.memory_space<semaphore_mem>>) src(%dma_wait3A_60 : memref<1000000xf32, #tpu.memory_space<hbm>>) dst(%dma_wait3A_56 : memref<128xf32, #tpu.memory_space<vmem>>)
    %dma_wait3A_61 = arith.constant 128 : i32
    %dma_wait3A_62 = tpu.memref_slice %arg8[%dma_wait3A_61] : memref<512xf32, #tpu.memory_space<vmem>> -> memref<128xf32, #tpu.memory_space<vmem>>
    %dma_wait3A_63 = arith.constant 128 : i32
    %dma_wait3A_64 = tpu.memref_slice %arg6[%dma_wait3A_63] : memref<512xi32, #tpu.memory_space<vmem>> -> memref<128xi32, #tpu.memory_space<vmem>>
    %dma_wait3A_65 = arith.constant 0 : i32
    %dma_wait3A_66 = tpu.memref_slice %arg4[%dma_wait3A_65] : memref<1000000xf32, #tpu.memory_space<hbm>> -> memref<1000000xf32, #tpu.memory_space<hbm>>
    tpu.wait_indirect_dma semaphore(%arg11 : memref<!tpu.dma_semaphore, #tpu.memory_space<semaphore_mem>>) src(%dma_wait3A_66 : memref<1000000xf32, #tpu.memory_space<hbm>>) dst(%dma_wait3A_62 : memref<128xf32, #tpu.memory_space<vmem>>)
    %dma_wait3A_67 = arith.constant 128 : i32
    %dma_wait3A_68 = tpu.memref_slice %arg9[%dma_wait3A_67] : memref<512xf32, #tpu.memory_space<vmem>> -> memref<128xf32, #tpu.memory_space<vmem>>
    %dma_wait3A_69 = arith.constant 128 : i32
    %dma_wait3A_70 = tpu.memref_slice %arg7[%dma_wait3A_69] : memref<512xi32, #tpu.memory_space<vmem>> -> memref<128xi32, #tpu.memory_space<vmem>>
    %dma_wait3A_71 = arith.constant 0 : i32
    %dma_wait3A_72 = tpu.memref_slice %arg4[%dma_wait3A_71] : memref<1000000xf32, #tpu.memory_space<hbm>> -> memref<1000000xf32, #tpu.memory_space<hbm>>
    tpu.wait_indirect_dma semaphore(%arg11 : memref<!tpu.dma_semaphore, #tpu.memory_space<semaphore_mem>>) src(%dma_wait3A_72 : memref<1000000xf32, #tpu.memory_space<hbm>>) dst(%dma_wait3A_68 : memref<128xf32, #tpu.memory_space<vmem>>)
    %dma_wait3A_73 = arith.constant 256 : i32
    %dma_wait3A_74 = tpu.memref_slice %arg8[%dma_wait3A_73] : memref<512xf32, #tpu.memory_space<vmem>> -> memref<128xf32, #tpu.memory_space<vmem>>
    %dma_wait3A_75 = arith.constant 256 : i32
    %dma_wait3A_76 = tpu.memref_slice %arg6[%dma_wait3A_75] : memref<512xi32, #tpu.memory_space<vmem>> -> memref<128xi32, #tpu.memory_space<vmem>>
    %dma_wait3A_77 = arith.constant 0 : i32
    %dma_wait3A_78 = tpu.memref_slice %arg4[%dma_wait3A_77] : memref<1000000xf32, #tpu.memory_space<hbm>> -> memref<1000000xf32, #tpu.memory_space<hbm>>
    tpu.wait_indirect_dma semaphore(%arg11 : memref<!tpu.dma_semaphore, #tpu.memory_space<semaphore_mem>>) src(%dma_wait3A_78 : memref<1000000xf32, #tpu.memory_space<hbm>>) dst(%dma_wait3A_74 : memref<128xf32, #tpu.memory_space<vmem>>)
    %dma_wait3A_79 = arith.constant 256 : i32
    %dma_wait3A_80 = tpu.memref_slice %arg9[%dma_wait3A_79] : memref<512xf32, #tpu.memory_space<vmem>> -> memref<128xf32, #tpu.memory_space<vmem>>
    %dma_wait3A_81 = arith.constant 256 : i32
    %dma_wait3A_82 = tpu.memref_slice %arg7[%dma_wait3A_81] : memref<512xi32, #tpu.memory_space<vmem>> -> memref<128xi32, #tpu.memory_space<vmem>>
    %dma_wait3A_83 = arith.constant 0 : i32
    %dma_wait3A_84 = tpu.memref_slice %arg4[%dma_wait3A_83] : memref<1000000xf32, #tpu.memory_space<hbm>> -> memref<1000000xf32, #tpu.memory_space<hbm>>
    tpu.wait_indirect_dma semaphore(%arg11 : memref<!tpu.dma_semaphore, #tpu.memory_space<semaphore_mem>>) src(%dma_wait3A_84 : memref<1000000xf32, #tpu.memory_space<hbm>>) dst(%dma_wait3A_80 : memref<128xf32, #tpu.memory_space<vmem>>)
    %dma_wait3A_85 = arith.constant 384 : i32
    %dma_wait3A_86 = tpu.memref_slice %arg8[%dma_wait3A_85] : memref<512xf32, #tpu.memory_space<vmem>> -> memref<128xf32, #tpu.memory_space<vmem>>
    %dma_wait3A_87 = arith.constant 384 : i32
    %dma_wait3A_88 = tpu.memref_slice %arg6[%dma_wait3A_87] : memref<512xi32, #tpu.memory_space<vmem>> -> memref<128xi32, #tpu.memory_space<vmem>>
    %dma_wait3A_89 = arith.constant 0 : i32
    %dma_wait3A_90 = tpu.memref_slice %arg4[%dma_wait3A_89] : memref<1000000xf32, #tpu.memory_space<hbm>> -> memref<1000000xf32, #tpu.memory_space<hbm>>
    tpu.wait_indirect_dma semaphore(%arg11 : memref<!tpu.dma_semaphore, #tpu.memory_space<semaphore_mem>>) src(%dma_wait3A_90 : memref<1000000xf32, #tpu.memory_space<hbm>>) dst(%dma_wait3A_86 : memref<128xf32, #tpu.memory_space<vmem>>)
    %dma_wait3A_91 = arith.constant 384 : i32
    %dma_wait3A_92 = tpu.memref_slice %arg9[%dma_wait3A_91] : memref<512xf32, #tpu.memory_space<vmem>> -> memref<128xf32, #tpu.memory_space<vmem>>
    %dma_wait3A_93 = arith.constant 384 : i32
    %dma_wait3A_94 = tpu.memref_slice %arg7[%dma_wait3A_93] : memref<512xi32, #tpu.memory_space<vmem>> -> memref<128xi32, #tpu.memory_space<vmem>>
    %dma_wait3A_95 = arith.constant 0 : i32
    %dma_wait3A_96 = tpu.memref_slice %arg4[%dma_wait3A_95] : memref<1000000xf32, #tpu.memory_space<hbm>> -> memref<1000000xf32, #tpu.memory_space<hbm>>
    tpu.wait_indirect_dma semaphore(%arg11 : memref<!tpu.dma_semaphore, #tpu.memory_space<semaphore_mem>>) src(%dma_wait3A_96 : memref<1000000xf32, #tpu.memory_space<hbm>>) dst(%dma_wait3A_92 : memref<128xf32, #tpu.memory_space<vmem>>)
    %scan3A = arith.constant 0 : i32
    %scan3A_97 = arith.constant 0 : i32
    %scan3A_98 = arith.constant 32 : i32
    %scan3A_99 = arith.addi %scan3A_97, %scan3A_98 : i32
    %scan3A_100 = arith.constant 1 : i32
    scf.for %scan3A_102 = %scan3A_97 to %scan3A_99 step %scan3A_100  : i32 {
      %mul3A_103 = arith.constant 16 : i32
      %mul3A_104 = arith.muli %scan3A_102, %mul3A_103 : i32
      %get3A = arith.index_cast %mul3A_104 : i32 to index
      %get3A_105 = tpu.vector_load %arg8[%get3A] {strides = array<i32>} : memref<512xf32, #tpu.memory_space<vmem>>, vector<16xf32>,
      %get3A_106 = arith.index_cast %mul3A_104 : i32 to index
      %get3A_107 = tpu.vector_load %arg9[%get3A_106] {strides = array<i32>} : memref<512xf32, #tpu.memory_space<vmem>>, vector<16xf32>,
      %sub3A = arith.subf %get3A_105, %get3A_107 : vector<16xf32>
      %swap3A = arith.index_cast %mul3A_104 : i32 to index
      %swap3A_108 = tpu.vector_load %arg10[%swap3A] {strides = array<i32>} : memref<512xf32, #tpu.memory_space<vmem>>, vector<16xf32>,
      tpu.vector_store %arg10[%swap3A], %sub3A {strides = array<i32>} : memref<512xf32, #tpu.memory_space<vmem>>, vector<16xf32>,
    }
    %scan3A_101 = arith.constant 32 : i32
    "tpu.region"() ({
      %run_scoped3A = tpu.sem_alloc : memref<!tpu.dma_semaphore, #tpu.memory_space<semaphore_mem>>
      %dma_start3A_102 = tpu.memref_slice %arg5[%mul3A_2] : memref<16384xf32, #tpu.memory_space<hbm>> -> memref<512xf32, #tpu.memory_space<hbm>>
      %dma_start3A_103 = tpu.memref_slice %arg5[%mul3A_2] : memref<16384xf32, #tpu.memory_space<hbm>> -> memref<512xf32, #tpu.memory_space<hbm>>
      tpu.enqueue_dma source(%arg10 : memref<512xf32, #tpu.memory_space<vmem>>) target(%dma_start3A_103 : memref<512xf32, #tpu.memory_space<hbm>>) target_semaphore(%run_scoped3A : memref<!tpu.dma_semaphore, #tpu.memory_space<semaphore_mem>>)
      %dma_wait3A_104 = tpu.memref_slice %arg5[%mul3A_2] : memref<16384xf32, #tpu.memory_space<hbm>> -> memref<512xf32, #tpu.memory_space<hbm>>
      %dma_wait3A_105 = tpu.memref_slice %arg5[%mul3A_2] : memref<16384xf32, #tpu.memory_space<hbm>> -> memref<512xf32, #tpu.memory_space<hbm>>
      tpu.wait_dma2 semaphore(%run_scoped3A : memref<!tpu.dma_semaphore, #tpu.memory_space<semaphore_mem>>) src(%arg10 : memref<512xf32, #tpu.memory_space<vmem>>) dst(%dma_wait3A_105 : memref<512xf32, #tpu.memory_space<hbm>>)
      tpu.yield
    }) : () -> ()
    return
  }
}

module attributes {stable_mosaic.version = 14 : i64} {
  func.func @_loss_body(%arg0: memref<128x128xf32, #tpu.memory_space<vmem>>, %arg1: memref<128x128xf32, #tpu.memory_space<vmem>>, %arg2: memref<1x1xf32, #tpu.memory_space<vmem>>) attributes {dimension_semantics = [], scalar_prefetch = 0 : i64, scratch_operands = 0 : i64, tpu.core_type = #tpu.core_type<tc>} {
    %get3A = arith.constant 0 : index
    %get3A_0 = arith.constant 0 : index
    %get3A_1 = vector.load %arg0[%get3A, %get3A_0] : memref<128x128xf32, #tpu.memory_space<vmem>>, vector<128x128xf32>
    %get3A_2 = arith.constant 0 : index
    %get3A_3 = arith.constant 0 : index
    %get3A_4 = vector.load %arg1[%get3A_2, %get3A_3] : memref<128x128xf32, #tpu.memory_space<vmem>>, vector<128x128xf32>
    %add3A = arith.addf %get3A_1, %get3A_4 : vector<128x128xf32>
    %neg3A = arith.constant 0.000000e+00 : f32
    %neg3A_5 = vector.broadcast %neg3A : f32 to vector<128x128xf32>
    %neg3A_6 = arith.subf %neg3A_5, %add3A : vector<128x128xf32>
    %max3A = arith.constant 0.000000e+00 : f32
    %max3A_7 = vector.broadcast %max3A : f32 to vector<128x128xf32>
    %max3A_8 = arith.maximumf %neg3A_6, %max3A_7 : vector<128x128xf32>
    %abs3A = math.absf %add3A : vector<128x128xf32>
    %neg3A_9 = arith.constant 0.000000e+00 : f32
    %neg3A_10 = vector.broadcast %neg3A_9 : f32 to vector<128x128xf32>
    %neg3A_11 = arith.subf %neg3A_10, %abs3A : vector<128x128xf32>
    %exp3A = math.exp %neg3A_11 : vector<128x128xf32>
    %log1p3A = math.log1p %exp3A : vector<128x128xf32>
    %add3A_12 = arith.addf %max3A_8, %log1p3A : vector<128x128xf32>
    %reduce_sum3A = vector.shape_cast %add3A_12 : vector<128x128xf32> to vector<1x128x128xf32>
    %reduce_sum3A_13 = arith.constant dense<0.000000e+00> : vector<1xf32>
    %reduce_sum3A_14 = vector.multi_reduction <add>, %reduce_sum3A, %reduce_sum3A_13 [1, 2] : vector<1x128x128xf32> to vector<1xf32>
    %reduce_sum3A_15 = vector.shape_cast %reduce_sum3A_14 : vector<1xf32> to vector<1x1x1xf32>
    %reduce_sum3A_16 = vector.extract %reduce_sum3A_15[0, 0, 0] : f32 from vector<1x1x1xf32>
    %reshape3A = vector.broadcast %reduce_sum3A_16 : f32 to vector<1x1xf32>
    %swap3A = arith.constant 0 : index
    %swap3A_17 = arith.constant 0 : index
    %swap3A_18 = vector.load %arg2[%swap3A, %swap3A_17] : memref<1x1xf32, #tpu.memory_space<vmem>>, vector<1x1xf32>
    tpu.vector_store %arg2[%swap3A, %swap3A_17], %reshape3A {strides = array<i32>} : memref<1x1xf32, #tpu.memory_space<vmem>>, vector<1x1xf32>,
    return
  }
}

</mosaic_0001>

<sc_bundles>
// kernel: kernel.5.cloned.1.call-start
scs
__scs_entry_jumppad:
0x0: {  	(pc) =	sbr.rel $0x88, $3  }
0x1: {  	(tag) =	ssettag $0x0;
	lr =	simm.s32 $0x1  }
0x2: {  	[smem:$0x3F9B] =	sst lr;
	_ =	strace $0xD0000000  }
0x3: {  	_ = 	snop  }
0x4: {  	_ = 	snop  }
0x5: {  	_ = 	snop  }
0x6: {  	_ = 	snop  }
0x7: {  	_ = 	snop  }
__scs_overlays_trampoline_lowered:
0x8: {  	[smem:$0x3FAA] =	sst s0  }
0x9: {  	[smem:$0x3FAB] =	sst s1  }
0xa: {  	[smem:$0x3FAC] =	sst s2  }
0xb: {  	[smem:$0x3FAD] =	sst s3  }
0xc: {  	[smem:$0x3FAE] =	sst s4  }
0xd: {  	[smem:$0x3FAF] =	sst s5  }
0xe: {  	[smem:$0x3FB0] =	sst s6  }
0xf: {  	[smem:$0x3FB1] =	sst s7  }
0x10: {  	[smem:$0x3FB2] =	sst s8  }
0x11: {  	[smem:$0x3FB3] =	sst s9;
	s0 =	simm.s32 @!p0 $0x0  }
0x12: {  	s1 =	sld [smem:$0x3F99];
	s0 =	simm.s32 @p0 $0x1  }
0x13: {  	[smem:$0x3FB4] =	sst s0;
	s0 =	simm.s32 @!p1 $0x0  }
0x14: {  	s2 =	sld [smem:$0x3F98];
	s0 =	simm.s32 @p1 $0x1  }
0x15: {  	[smem:$0x3FB5] =	sst s0;
	s0 =	simm.s32 @!p2 $0x0  }
0x16: {  	s3 =	sld [smem:$0x3FDB];
	s0 =	simm.s32 @p2 $0x1  }
0x17: {  	s4 =	simm.s32 $0x1BF5;
	[smem:$0x3FB7] =	sst s0  }
0x18: {  	s0 =	sld [smem:$0x3F9A];
	_ =	swait.ge [sflag:s4], $0x0  }
0x19: {  	s7 =	sld [smem:$0x3F9B]  }
0x1a: {  	s8 =	sadd.s32 $0xFFFFE003, lr  }
0x1b: {  	s9 =	sadd.s32 $0xFFFFFEF7, lr;
	s5 =	simm.s32 $0xFFFFFFFF;
	p2 =	slt.u32 s8, $0xFFFFF086  }
0x1c: {  	p1 =	slt.u32 s9, $0xF7A;
	s5 =	simm.s32 @!p2 $0x0  }
0x1d: {  	s5 =	simm.s32 @p1 $0x1;
	p0 =	seq.s32 s7, s2  }
0x1e: {  	s7 =	smul.u32 @!p0 $0xF7A, s2;
	p2 =	seq.s32 @!p0 s5, $0x0  }
0x1f: {  	s9 =	smul.u32 $0xF7A, s1;
	s8 =	simm.s32 @!p0 $0x1BF5;
	p2 =	por !p2, p0  }
0x20: {  	[sflag:s8] =	ssyncset.s32 @!p0 $0xFFFFF086;
	s6 =	sadd.s32 @!p0 s3, s7;
	s7 =	simm.s32 @!p0 $0x108  }
0x21: {  	s3 =	sadd.s32 s3, s9;
	s6 =	sadd.s32 @!p0 $0x88, s6;
	s7 =	simm.s32 @p2 $0x1082  }
0x22: {  	[simem:s7], [sflag:s8] =	dma.local @!p0 [hbm:s6], $0xF7A  }
0x23: {  	s9 =	sor.u32 $0xD0000000, s2;
	s6 =	simm.s32 $0x108;
	_ =	swait.ge @!p0 [sflag:s8], $0x0  }
0x24: {  	s3 =	sadd.s32 $0x88, s3;
	s6 =	simm.s32 @!p1 $0x1082;
	[sflag:s4] =	ssyncset.s32 $0xFFFFF086  }
0x25: {  	[simem:s6], [sflag:s4] =	dma.local [hbm:s3], $0xF7A  }
0x26: {  	[smem:$0x3F9B] =	sst s1;
	(tag) =	ssettag s2;
	_ =	strace s9  }
0x27: {  	s1 =	sld [smem:$0x3FAB]  }
0x28: {  	s2 =	sld [smem:$0x3FAC]  }
0x29: {  	s4 =	sld [smem:$0x3FAE]  }
0x2a: {  	p0 =	seq.s32 s5, $0x0;
	s5 =	sld [smem:$0x3FAF]  }
0x2b: {  	s6 =	sld [smem:$0x3FB0]  }
0x2c: {  	s7 =	sld [smem:$0x3FB1]  }
0x2d: {  	s3 =	simm.s32 $0x108;
	s8 =	sld [smem:$0x3FB2]  }
0x2e: {  	s3 =	simm.s32 @!p0 $0x1082;
	s9 =	sld [smem:$0x3FB3]  }
0x2f: {  	lr =	sadd.s32 s0, s3;
	s0 =	sld [smem:$0x3FAA]  }
0x30: {  	s3 =	sld [smem:$0x3FAD]  }
0x31: {  	[smem:$0x3FB6] =	sst s10  }
0x32: {  	s10 =	sld [smem:$0x3FB4];
	_ =	sdelay $0x3  }
0x33: {  	p0 =	seq.s32 s10, $0x1;
	s10 =	sld [smem:$0x3FB6];
	_ =	sdelay $0x3  }
0x34: {  	[smem:$0x3FB6] =	sst s10  }
0x35: {  	s10 =	sld [smem:$0x3FB5];
	_ =	sdelay $0x3  }
0x36: {  	p1 =	seq.s32 s10, $0x1;
	s10 =	sld [smem:$0x3FB6];
	_ =	sdelay $0x3  }
0x37: {  	[smem:$0x3FB6] =	sst s10  }
0x38: {  	s10 =	sld [smem:$0x3FB7]  }
0x39: {  	_ = 	snop;
	(pc) =	sbr.ind lr, $3  }
0x3a: {  	_ = 	snop  }
0x3b: {  	_ = 	snop  }
0x3c: {  	p2 =	seq.s32 s10, $0x1;
	s10 =	sld [smem:$0x3FB6]  }
0x3d: {  	_ =	shalt  }
0x3e: {  	_ =	shalt  }
0x3f: {  	_ =	shalt  }
0x40: {  	_ =	shalt  }
0x41: {  	_ =	shalt  }
0x42: {  	_ =	shalt  }
0x43: {  	_ =	shalt  }
0x44: {  	_ =	shalt  }
0x45: {  	_ =	shalt  }
0x46: {  	_ =	shalt  }
0x47: {  	_ =	shalt  }
0x48: {  	_ =	shalt  }
0x49: {  	_ =	shalt  }
0x4a: {  	_ =	shalt  }
0x4b: {  	_ =	shalt  }
0x4c: {  	_ =	shalt  }
0x4d: {  	_ =	shalt  }
0x4e: {  	_ =	shalt  }
0x4f: {  	_ =	shalt  }
0x50: {  	_ =	shalt  }
0x51: {  	_ =	shalt  }
0x52: {  	_ =	shalt  }
0x53: {  	_ =	shalt  }
0x54: {  	_ =	shalt  }
0x55: {  	_ =	shalt  }
0x56: {  	_ =	shalt  }
0x57: {  	_ =	shalt  }
0x58: {  	_ =	shalt  }
0x59: {  	_ =	shalt  }
0x5a: {  	_ =	shalt  }
0x5b: {  	_ =	shalt  }
0x5c: {  	_ =	shalt  }
0x5d: {  	_ =	shalt  }
0x5e: {  	_ =	shalt  }
0x5f: {  	_ =	shalt  }
0x60: {  	_ =	shalt  }
0x61: {  	_ =	shalt  }
0x62: {  	_ =	shalt  }
0x63: {  	_ =	shalt  }
0x64: {  	_ =	shalt  }
0x65: {  	_ =	shalt  }
0x66: {  	_ =	shalt  }
0x67: {  	_ =	shalt  }
0x68: {  	_ =	shalt  }
0x69: {  	_ =	shalt  }
0x6a: {  	_ =	shalt  }
0x6b: {  	_ =	shalt  }
0x6c: {  	_ =	shalt  }
0x6d: {  	_ =	shalt  }
0x6e: {  	_ =	shalt  }
0x6f: {  	_ =	shalt  }
0x70: {  	_ =	shalt  }
0x71: {  	_ =	shalt  }
0x72: {  	_ =	shalt  }
0x73: {  	_ =	shalt  }
0x74: {  	_ =	shalt  }
0x75: {  	_ =	shalt  }
0x76: {  	_ =	shalt  }
0x77: {  	_ =	shalt  }
0x78: {  	_ =	shalt  }
0x79: {  	_ =	shalt  }
0x7a: {  	_ =	shalt  }
0x7b: {  	_ =	shalt  }
0x7c: {  	_ =	shalt  }
0x7d: {  	_ =	shalt  }
0x7e: {  	_ =	shalt  }
0x7f: {  	_ =	shalt  }
0x80: {  	_ =	shalt  }
0x81: {  	_ =	shalt  }
0x82: {  	_ =	shalt  }
0x83: {  	_ =	shalt  }
0x84: {  	_ =	shalt  }
0x85: {  	_ =	shalt  }
0x86: {  	_ =	shalt  }
0x87: {  	_ =	shalt  }
.Lfunc_end0:
.L_simem_size_0:
called_computation_lowered:
.L_overlay_start_0:
0x88: {  	s2 =	sld [smem:$0x3FD9]  }
0x89: {  	s3 =	sld [smem:$0x3FFE];
	_ =	sdelay $0x1  }
0x8a: {  	s1 =	srdreg.scid  }
0x8b: {  	s0 =	sand.u32 $0x1, s1  }
0x8c: {  	s17 =	sshll.u32 s0, $0xA;
	s2 =	sadd.s32 s3, s2  }
0x8d: {  	s2 =	sadd.s32 s2, s17  }
0x8e: {  	[smem:$0x3FC2] =	sst s2  }
0x8f: {  	_ = 	snop  }
0x90: {  	s18 =	sld [smem:$0x3FC9]  }
0x91: {  	s4 =	sld [smem:$0x3FC8]  }
0x92: {  	s5 =	sld [smem:$0x3FC7]  }
0x93: {  	s6 =	sld [smem:$0x3FC6]  }
0x94: {  	s7 =	sld [smem:$0x3FC5];
	(tm) =	ssettm $0x1  }
0x95: {  	s19 =	sld [smem:$0x3FFB];
	_ =	sdelay $0x3  }
0x96: {  	_ =	strace s19  }
0x97: {  	s2 =	sld [smem:$0x3FFC];
	_ =	sdelay $0x3  }
0x98: {  	_ =	strace s2  }
0x99: {  	s2 =	sld [smem:$0x3FFD];
	_ =	sdelay $0x3  }
0x9a: {  	_ =	strace s2  }
0x9b: {  	_ =	strace $0x8FFFFFFF  }
0x9c: {  	s20 =	sld [smem:$0x3FDB];
	_ =	sdelay $0x1  }
0x9d: {  	s8 =	simm.s32 $_scs_section_size  }
0x9e: {  	s9 =	simm.s32 $_size__tile_overlayer_lowered;
	s10 =	simm.s32 $_tile_overlayer_lowered  }
0x9f: {  	s11 =	simm.s32 $0x1BFF;
	s21 =	sshll.u32 s10, $0x1;
	s8 =	sadd.s32 s8, s20  }
0xa0: {  	s22 =	simm.s32 $0x0;
	s9 =	sshll.u32 s9, $0x1;
	s10 =	sadd.s32 s21, s8  }
0xa1: {  	[timem:s22], [sflag:s11] =	dma.local [hbm:s10], s9  }
0xa2: {  	_ =	swait.ge [sflag:s11], s9  }
0xa3: {  	s9 =	ssub.s32 $0x0, s9;
	[sflag:s11] =	ssyncset.done $0x0  }
0xa4: {  	[sflag:s11] =	ssyncadd.s32 s9;
	_ =	sdelay $0x1  }
0xa5: {  	s23 =	simm.s32 $0x1B8B  }
0xa6: {  	_ =	swait.ge [sflag:s23], $0x1  }
0xa7: {  	[sflag:s23] =	ssyncset.done $0x0  }
0xa8: {  	[sflag:s23] =	ssyncadd.s32 $0xFFFFFFFF  }
0xa9: {  	s9 =	sld [smem:$0x0]  }
0xaa: {  	s10 =	sand.u32 $0xFFFFFFFE, s1  }
0xab: {  	p0 =	sne.s32 s1, s10  }
0xac: {  	s10 =	sshll.u32 @p0 s10, $0xE  }
0xad: {  	s10 =	sadd.s32 @p0 $0x11B8D, s10;
	s11 =	sshll.u32 @p0 s9, $0x11  }
0xae: {  	s10 =	sor.u32 @p0 s11, s10  }
0xaf: {  	[sflag:s10] =	ssyncadd.remote.s32 @p0 $0x1;
	_ =	sdelay $0x1  }
0xb0: {  	s10 =	simm.s32 @p0 $0x1B8D  }
0xb1: {  	_ =	swait.eq @p0 [sflag:s10], $0x1  }
0xb2: {  	[sflag:s10] =	ssyncadd.s32 @p0 $0xFFFFFFFF  }
0xb3: {  	s11 =	sshll.u32 @!p0 s1, $0xE  }
0xb4: {  	s11 =	sor.u32 @!p0 $0x4000, s11;
	s10 =	simm.s32 @!p0 $0x1B8D  }
0xb5: {  	s9 =	sshll.u32 @!p0 s9, $0x11;
	s11 =	sadd.s32 @!p0 $0x11B8D, s11;
	_ =	swait.eq @!p0 [sflag:s10], $0x1  }
0xb6: {  	s9 =	sor.u32 @!p0 s9, s11;
	[sflag:s10] =	ssyncadd.s32 @!p0 $0xFFFFFFFF  }
0xb7: {  	s25 =	simm.s32 $0x1B8E;
	s24 =	sld [smem:$0x3FFE];
	[sflag:s9] =	ssyncadd.remote.s32 @!p0 $0x1  }
0xb8: {  	s26 =	simm.s32 $execute0_lowered;
	[smem:$0x3FD2] =	sst s25  }
0xb9: {  	s10 =	sshll.u32 s26, $0x1;
	_ =	strace $0x80000049;
	[dreg:$0x1] =	wrdreg $0xFFFFFFFF  }
0xba: {  	s28 =	simm.s32 $_size_execute0_lowered;
	s8 =	sadd.s32 s8, s10;
	[dreg:$0x0] =	wrdreg $0x0  }
0xbb: {  	s10 =	sshll.u32 s28, $0x1;
	[dreg:$0x2] =	wrdreg s8  }
0xbc: {  	[dreg:$0x3] =	wrdreg s10  }
0xbd: {  	[dreg:$0x4] =	wrdreg $0xC0  }
0xbe: {  	_ =	task [dreg:s22], $0x5FFFF  }
0xbf: {  	[dreg:$0x1] =	wrdreg $0xFFFFFFFF  }
0xc0: {  	[dreg:$0x0] =	wrdreg $0x60  }
0xc1: {  	[dreg:$0x2] =	wrdreg s18  }
0xc2: {  	[dreg:$0x3] =	wrdreg s4  }
0xc3: {  	[dreg:$0x4] =	wrdreg s5  }
0xc4: {  	[dreg:$0x5] =	wrdreg s6  }
0xc5: {  	[dreg:$0x6] =	wrdreg s7  }
0xc6: {  	[dreg:$0x7] =	wrdreg s24  }
0xc7: {  	[dreg:$0x8] =	wrdreg $0x9  }
0xc8: {  	_ =	task.clear_ibuf [dreg:s22], $0x9FFFF;
	_ =	strace $0x90000049  }
0xc9: {  	s29 =	simm.s32 $0x9;
	_ =	strace $0x8000004B  }
0xca: {  	_ =	swait.ge [sflag:s29], $0x1  }
0xcb: {  	[sflag:s29] =	ssyncadd.s32 $0xFFFFFFFF  }
0xcc: {  	_ =	strace $0x9000004B  }
0xcd: {  	_ =	sfence  }
0xce: {  	s30 =	sld [smem:$0x0];
	_ =	sdelay $0x2  }
0xcf: {  	s31 =	sshll.u32 s1, $0xD;
	s1 =	sshrl.u32 s1, $0x2  }
0xd0: {  	s4 =	sand.u32 $0x4000, s31;
	s1 =	sadd.s32 s1, s30  }
0xd1: {  	s0 =	sor.u32 s4, s0;
	s1 =	sshll.u32 s1, $0x11  }
0xd2: {  	s0 =	sor.u32 s1, s0  }
0xd3: {  	s0 =	sadd.s32 $0x8F2B, s0  }
0xd4: {  	[sflag:s0] =	ssyncadd.remote.s32 $0x1  }
0xd5: {  	_ =	sfence.sel $0xFFFF  }
0xd6: {  	[dreg:$0x0] =	wrdreg $0xFFFFFFFF;
	(pc) =	sbr.abs _section_cstart, $3  }
0xd7: {  	[dreg:$0x1] =	wrdreg $0xFFFFFFFF  }
0xd8: {  	_ =	task.clear_ibuf [dreg:s22], $0x2FFFF;
	_ =	strace $0x9FFFFFFF  }
0xd9: {  	(tm) =	ssettm $0x7FFFFFFF  }
tec
execute0_lowered:
.L_overlay_start_1:
0x0: {  	(tag) =	ssettag $0x1  }
0x1: {  	s0 =	rddreg [dreg:$0x0]  }
0x2: {  	s3 =	rddreg [dreg:$0x1]  }
0x3: {  	s4 =	rddreg [dreg:$0x2]  }
0x4: {  	s1 =	rddreg [dreg:$0x3]  }
0x5: {  	s2 =	rddreg [dreg:$0x4]  }
0x6: {  	s5 =	rddreg [dreg:$0x5];
	s6 =	srdreg.scid;
	v0 =	vlaneseq.u32  }
0x7: {  	s9 =	simm.s32 $0x0;
	s7 =	stileid.u32;
	s12 =	simm.s32 $0x400;
	v11 =	vmul.u32 $0x80, v0  }
0x8: {  	s13 =	simm.s32 $0x7A1400;
	s14 =	simm.s32 $0x600;
	[smem:$0x7FF] =	sst s9  }
0x9: {  	s15 =	simm.s32 $0x8600;
	s16 =	simm.s32 $0x10600;
	_ =	strace $0x8000004A;
	v12 =	vor.u32 $0x800, v11;
	[tilespmem:$0x1FF50] =	vst v11  }
0xa: {  	vm0 =	vmmov $0x1;
	s18 =	simm.s32 $0xA600;
	s19 =	simm.s32 $0x12600;
	s17 =	simm.s32 $0xC600;
	v13 =	vor.u32 $0x1000, v11;
	[tilespmem:$0x1FF60] =	vst v12  }
0xb: {  	vm1 =	vmmov $0x3;
	vm2 =	vmmov $0x7;
	s22 =	simm.s32 $0x14600;
	s23 =	simm.s32 $0x6600;
	s6 =	sand.u32 $0x1, s6;
	v59 =	vor.u32 $0x4000, v11;
	[tilespmem:$0x1FF70] =	vst v13  }
0xc: {  	vm3 =	vmmov $0xf;
	vm4 =	vmmov $0x1f;
	s21 =	simm.s32 $0x4600;
	s7 =	sshll.u32 s7, $0x7;
	s8 =	sshll.u32 s6, $0x6;
	v60 =	vor.u32 $0x4800, v11;
	[tilespmem:$0x1FF80] =	vst v59  }
0xd: {  	vm5 =	vmmov $0x3f;
	vm6 =	vmmov $0x7f;
	s24 =	simm.s32 $0x6600;
	s6 =	ssub.s32 $0x2, s6;
	s7 =	sor.u32 s8, s7;
	v61 =	vor.u32 $0x5000, v11;
	[tilespmem:$0x1FF90] =	vst v60  }
0xe: {  	vm7 =	vmmov $0xff;
	vm8 =	vmmov $0x1ff;
	s26 =	sshrl.u32 s6, $0x1;
	v62 =	vor.u32 $0x5800, v11;
	s5 =	sadd.s32 s7, s5;
	s0 =	sadd.s32 s0, s7;
	[tilespmem:$0x1FFA0] =	vst v61  }
0xf: {  	vm9 =	vmmov $0x3ff;
	vm10 =	vmmov $0x7ff;
	v63 =	vor.u32 $0x6000, v11;
	s6 =	ssub.s32 s6, s26;
	s28 =	sadd.s32 s3, s7;
	[tilespmem:$0x1FFB0] =	vst v62;
	[dreg:$0x7] =	wrdreg s0  }
0x10: {  	vm11 =	vmmov $0xfff;
	vm12 =	vmmov $0x1fff;
	v0 =	vor.u32 $0x6800, v11;
	s29 =	sadd.s32 s4, s7;
	s3 =	simm.s32 $0x2;
	[tilespmem:$0x1FFC0] =	vst v63;
	[dreg:$0x8] =	wrdreg s28  }
0x11: {  	vm13 =	vmmov $0x3fff;
	vm14 =	vmmov $0x7fff;
	v1 =	vor.u32 $0x7000, v11;
	s7 =	simm.s32 $0x4600;
	[tilespmem:$0x1FFD0] =	vst v0;
	[dreg:$0x9] =	wrdreg s29;
	s30 =	sadd.s32 $0x1FA00, s5  }
0x12: {  	v14 =	vor.u32 $0x1800, v11;
	v15 =	vor.u32 $0x2000, v11;
	v2 =	vor.u32 $0x7800, v11;
	s26 =	simm.s32 $0x1;
	[tilespmem:$0x1FFE0] =	vst v1;
	s31 =	smax.u32 s6, $0x1;
	[dreg:$0xa] =	wrdreg s30  }
0x13: {  	v56 =	vor.u32 $0x2800, v11;
	v57 =	vor.u32 $0x3000, v11;
	v58 =	vor.u32 $0x3800, v11;
	s4 =	simm.s32 $0x0;
	[tilespmem:$0x1FFF0] =	vst v2;
	s5 =	simm.s32 $0x2600;
	[dreg:$0xb] =	wrdreg s31  }
.LBB2_1:
0x14: {  	[dreg:$0xc] =	wrdreg s4  }
0x15: {  	s0 =	rddreg [dreg:$0x7]  }
0x16: {  	[tilespmem:s9], [sflag:$0x2] =	stream.linear.gather [hbm4b:s0+s9], $0x200, $0x38;
	[tilespmem:$0x18800] =	vst v63  }
0x17: {  	_ =	swait.ge [sflag:s3], $0x200  }
0x18: {  	[sflag:s3] =	ssyncset.done $0x0  }
0x19: {  	s29 =	simm.s32 $0x200;
	s28 =	rddreg [dreg:$0x8];
	[sflag:s3] =	ssyncadd.s32 $0xFFFFFE00  }
0x1a: {  	[tilespmem:s29], [sflag:$0x2] =	stream.linear.gather [hbm4b:s28+s9], $0x200, $0x38;
	[tilespmem:$0x18800] =	vst v63  }
0x1b: {  	_ =	swait.ge [sflag:s3], $0x200  }
0x1c: {  	[sflag:s3] =	ssyncset.done $0x0  }
0x1d: {  	s31 =	rddreg [dreg:$0x9];
	[sflag:s3] =	ssyncadd.s32 $0xFFFFFE00  }
0x1e: {  	[tilespmem:s12], [sflag:$0x2] =	stream.linear.gather [hbm4b:s31+s9], $0x200, $0x38;
	[tilespmem:$0x18800] =	vst v63  }
0x1f: {  	_ =	swait.ge [sflag:s3], $0x200  }
0x20: {  	[sflag:s3] =	ssyncset.done $0x0  }
0x21: {  	s30 =	simm.s32 $0x0;
	[sflag:s3] =	ssyncadd.s32 $0xFFFFFE00  }
.LBB2_2:
0x22: {  	s31 =	sshra.s32 s30, $0x2  }
0x23: {  	v18 =	vld [tilespmem:s31+$0x0];
	_ =	sdelay $0x4  }
0x24: {  	v17 =	vld [tilespmem:s31+$0x200];
	(v2sf) =	vpush v18, $0x0  }
0x25: {  	v16 =	vld [tilespmem:s31+$0x400];
	_ =	sdelay $0x3  }
0x26: {  	(v2sf) =	vpush v17, $0x0  }
0x27: {  	(v2sf) =	vpush v16, $0x0;
	_ =	sdelay $0x3  }
0x28: {  	(v2sf) =	vpush v18, $0x1;
	_ =	sdelay $0x2  }
0x29: {  	(v2sf) =	vpush v17, $0x1;
	_ =	sdelay $0x1  }
0x2a: {  	s11 =	spop (v2sf);
	(v2sf) =	vpush v16, $0x1;
	_ =	sdelay $0x3  }
0x2b: {  	(v2sf) =	vpush v18, $0x2  }
0x2c: {  	s28 =	spop (v2sf)  }
0x2d: {  	s29 =	spop (v2sf);
	(v2sf) =	vpush v17, $0x2  }
0x2e: {  	s0 =	sand.u32 $0xFFFFF80, s11  }
0x2f: {  	s0 =	sadd.s32 s1, s0;
	s8 =	sand.u32 $0xFFFFF80, s28  }
0x30: {  	[tilespmem:s14], [sflag:$0x1] =	stream.strided.gather [hbm4b:s0+s12], $0x2000, s13, s12, $0x38;
	[tilespmem:$0x18800] =	vst v63  }
0x31: {  	s0 =	sadd.s32 s2, s8;
	s8 =	spop (v2sf);
	(v2sf) =	vpush v16, $0x2  }
0x32: {  	s9 =	sand.u32 $0xFFFFF80, s29  }
0x33: {  	[tilespmem:s15], [sflag:$0x1] =	stream.strided.gather [hbm4b:s0+s12], $0x2000, s13, s12, $0x38;
	[tilespmem:$0x18800] =	vst v63  }
0x34: {  	s10 =	sand.u32 $0xFFFFF80, s8;
	s0 =	sadd.s32 s2, s9;
	s9 =	spop (v2sf)  }
0x35: {  	[tilespmem:s16], [sflag:$0x1] =	stream.strided.gather [hbm4b:s0+s12], $0x2000, s13, s12, $0x38;
	[tilespmem:$0x18800] =	vst v63  }
0x36: {  	s20 =	sand.u32 $0xFFFFF80, s9;
	s0 =	sadd.s32 s1, s10;
	s10 =	spop (v2sf);
	(v2sf) =	vpush v18, $0x3  }
0x37: {  	[tilespmem:s5], [sflag:$0x1] =	stream.strided.gather [hbm4b:s0+s12], $0x2000, s13, s12, $0x38;
	(v2sf) =	vpush v17, $0x3;
	[tilespmem:$0x18800] =	vst v63  }
0x38: {  	s0 =	sadd.s32 s2, s20  }
0x39: {  	[tilespmem:s18], [sflag:$0x1] =	stream.strided.gather [hbm4b:s0+s12], $0x2000, s13, s12, $0x38;
	[tilespmem:$0x18800] =	vst v63  }
0x3a: {  	s5 =	spop (v2sf);
	(v2sf) =	vpush v16, $0x3  }
0x3b: {  	s25 =	sand.u32 $0xFFFFF80, s10  }
0x3c: {  	s0 =	sadd.s32 s2, s25;
	s3 =	sand.u32 $0xFFFFF80, s5;
	s6 =	spop (v2sf)  }
0x3d: {  	[tilespmem:s19], [sflag:$0x1] =	stream.strided.gather [hbm4b:s0+s12], $0x2000, s13, s12, $0x38;
	[tilespmem:$0x18800] =	vst v63  }
0x3e: {  	s0 =	sadd.s32 s1, s3;
	s4 =	sand.u32 $0xFFFFF80, s6  }
0x3f: {  	[tilespmem:s7], [sflag:$0x1] =	stream.strided.gather [hbm4b:s0+s12], $0x2000, s13, s12, $0x38;
	[tilespmem:$0x18800] =	vst v63  }
0x40: {  	s7 =	spop (v2sf);
	s0 =	sadd.s32 s2, s4  }
0x41: {  	[tilespmem:s17], [sflag:$0x1] =	stream.strided.gather [hbm4b:s0+s12], $0x2000, s13, s12, $0x38;
	[tilespmem:$0x18800] =	vst v63  }
0x42: {  	s17 =	sand.u32 $0xFFFFF80, s7  }
0x43: {  	s0 =	sadd.s32 s2, s17  }
0x44: {  	[tilespmem:s22], [sflag:$0x1] =	stream.strided.gather [hbm4b:s0+s12], $0x2000, s13, s12, $0x38;
	[tilespmem:$0x18800] =	vst v63  }
0x45: {  	s4 =	spop (v2sf)  }
0x46: {  	s3 =	sand.u32 $0xFFFFF80, s4;
	s0 =	spop (v2sf)  }
0x47: {  	s3 =	sadd.s32 s1, s3;
	s17 =	sand.u32 $0xFFFFF80, s0  }
0x48: {  	[tilespmem:s23], [sflag:$0x1] =	stream.strided.gather [hbm4b:s3+s12], $0x2000, s13, s12, $0x38;
	[tilespmem:$0x18800] =	vst v63  }
0x49: {  	s25 =	simm.s32 $0xE600;
	s3 =	spop (v2sf);
	s17 =	sadd.s32 s2, s17  }
0x4a: {  	[tilespmem:s25], [sflag:$0x1] =	stream.strided.gather [hbm4b:s17+s12], $0x2000, s13, s12, $0x38;
	[tilespmem:$0x18800] =	vst v63  }
0x4b: {  	s17 =	sand.u32 $0xFFFFF80, s3  }
0x4c: {  	s25 =	simm.s32 $0x16600;
	s17 =	sadd.s32 s2, s17  }
0x4d: {  	[tilespmem:s25], [sflag:$0x1] =	stream.strided.gather [hbm4b:s17+s12], $0x2000, s13, s12, $0x38;
	[tilespmem:$0x18800] =	vst v63  }
0x4e: {  	_ =	swait.ge [sflag:s26], $0x2000  }
0x4f: {  	[sflag:s26] =	ssyncset.done $0x0  }
0x50: {  	[sflag:s26] =	ssyncadd.s32 $0xFFFFE000  }
0x51: {  	_ =	swait.ge [sflag:s26], $0x2000  }
0x52: {  	[sflag:s26] =	ssyncset.done $0x0  }
0x53: {  	[sflag:s26] =	ssyncadd.s32 $0xFFFFE000  }
0x54: {  	_ =	swait.ge [sflag:s26], $0x2000  }
0x55: {  	[sflag:s26] =	ssyncset.done $0x0  }
0x56: {  	[sflag:s26] =	ssyncadd.s32 $0xFFFFE000  }
0x57: {  	_ =	swait.ge [sflag:s26], $0x2000  }
0x58: {  	[sflag:s26] =	ssyncset.done $0x0  }
0x59: {  	[sflag:s26] =	ssyncadd.s32 $0xFFFFE000  }
0x5a: {  	_ =	swait.ge [sflag:s26], $0x2000  }
0x5b: {  	[sflag:s26] =	ssyncset.done $0x0  }
0x5c: {  	[sflag:s26] =	ssyncadd.s32 $0xFFFFE000  }
0x5d: {  	_ =	swait.ge [sflag:s26], $0x2000  }
0x5e: {  	[sflag:s26] =	ssyncset.done $0x0  }
0x5f: {  	[sflag:s26] =	ssyncadd.s32 $0xFFFFE000  }
0x60: {  	_ =	swait.ge [sflag:s26], $0x2000  }
0x61: {  	[sflag:s26] =	ssyncset.done $0x0  }
0x62: {  	[sflag:s26] =	ssyncadd.s32 $0xFFFFE000  }
0x63: {  	_ =	swait.ge [sflag:s26], $0x2000  }
0x64: {  	[sflag:s26] =	ssyncset.done $0x0  }
0x65: {  	[sflag:s26] =	ssyncadd.s32 $0xFFFFE000  }
0x66: {  	_ =	swait.ge [sflag:s26], $0x2000  }
0x67: {  	[sflag:s26] =	ssyncset.done $0x0  }
0x68: {  	[sflag:s26] =	ssyncadd.s32 $0xFFFFE000  }
0x69: {  	_ =	swait.ge [sflag:s26], $0x2000  }
0x6a: {  	[sflag:s26] =	ssyncset.done $0x0  }
0x6b: {  	[sflag:s26] =	ssyncadd.s32 $0xFFFFE000  }
0x6c: {  	s11 =	sand.u32 $0x7F, s11;
	_ =	swait.ge [sflag:s26], $0x2000  }
0x6d: {  	v19 =	vor.u32 s11, v11;
	s17 =	sand.u32 $0x7F, s28;
	[sflag:s26] =	ssyncset.done $0x0  }
0x6e: {  	s29 =	sand.u32 $0x7F, s29;
	v20 =	vor.u32 s17, v11;
	[sflag:s26] =	ssyncadd.s32 $0xFFFFE000  }
0x6f: {  	v21 =	vor.u32 s29, v11;
	_ =	swait.ge [sflag:s26], $0x2000  }
0x70: {  	v22 =	vor.u32 s11, v12;
	[sflag:s26] =	ssyncset.done $0x0  }
0x71: {  	v23 =	vor.u32 s17, v12;
	[sflag:s26] =	ssyncadd.s32 $0xFFFFE000  }
0x72: {  	v24 =	vor.u32 s29, v12;
	v19 =	vld.idx.msk [tilespmem:v19+s14+$0x0], $0xffff  }
0x73: {  	v25 =	vor.u32 s11, v13;
	v20 =	vld.idx.msk [tilespmem:v20+s15+$0x0], $0xffff  }
0x74: {  	v26 =	vor.u32 s17, v13;
	v21 =	vld.idx.msk [tilespmem:v21+s16+$0x0], $0xffff  }
0x75: {  	v27 =	vor.u32 s29, v13;
	v22 =	vld.idx.msk [tilespmem:v22+s14+$0x0], $0xffff  }
0x76: {  	v28 =	vor.u32 s11, v14;
	v23 =	vld.idx.msk [tilespmem:v23+s15+$0x0], $0xffff  }
0x77: {  	v29 =	vor.u32 s17, v14;
	v24 =	vld.idx.msk [tilespmem:v24+s16+$0x0], $0xffff  }
0x78: {  	s8 =	sand.u32 $0x7F, s8;
	v30 =	vor.u32 s29, v14;
	v25 =	vld.idx.msk [tilespmem:v25+s14+$0x0], $0xffff  }
0x79: {  	v31 =	vor.u32 s8, v15;
	s9 =	sand.u32 $0x7F, s9;
	v26 =	vld.idx.msk [tilespmem:v26+s15+$0x0], $0xffff  }
0x7a: {  	v32 =	vor.u32 s9, v15;
	s10 =	sand.u32 $0x7F, s10;
	v27 =	vld.idx.msk [tilespmem:v27+s16+$0x0], $0xffff  }
0x7b: {  	v33 =	vor.u32 s10, v15;
	v28 =	vld.idx.msk [tilespmem:v28+s14+$0x0], $0xffff  }
0x7c: {  	v34 =	vor.u32 s8, v56;
	v29 =	vld.idx.msk [tilespmem:v29+s15+$0x0], $0xffff  }
0x7d: {  	v35 =	vor.u32 s9, v56;
	v30 =	vld.idx.msk [tilespmem:v30+s16+$0x0], $0xffff  }
0x7e: {  	v36 =	vor.u32 s10, v56;
	v31 =	vld.idx.msk [tilespmem:v31+s14+$0x0], $0xffff  }
0x7f: {  	v37 =	vor.u32 s8, v57;
	v32 =	vld.idx.msk [tilespmem:v32+s15+$0x0], $0xffff  }
0x80: {  	v38 =	vor.u32 s9, v57;
	v33 =	vld.idx.msk [tilespmem:v33+s16+$0x0], $0xffff  }
0x81: {  	v39 =	vor.u32 s10, v57;
	v34 =	vld.idx.msk [tilespmem:v34+s14+$0x0], $0xffff  }
0x82: {  	v40 =	vor.u32 s8, v58;
	v35 =	vld.idx.msk [tilespmem:v35+s15+$0x0], $0xffff  }
0x83: {  	v41 =	vor.u32 s9, v58;
	v36 =	vld.idx.msk [tilespmem:v36+s16+$0x0], $0xffff  }
0x84: {  	s5 =	sand.u32 $0x7F, s5;
	v42 =	vor.u32 s10, v58;
	v37 =	vld.idx.msk [tilespmem:v37+s14+$0x0], $0xffff  }
0x85: {  	s6 =	sand.u32 $0x7F, s6;
	v43 =	vor.u32 s5, v59;
	v38 =	vld.idx.msk [tilespmem:v38+s15+$0x0], $0xffff  }
0x86: {  	v44 =	vor.u32 s6, v59;
	s7 =	sand.u32 $0x7F, s7;
	v39 =	vld.idx.msk [tilespmem:v39+s16+$0x0], $0xffff  }
0x87: {  	v45 =	vor.u32 s7, v59;
	v40 =	vld.idx.msk [tilespmem:v40+s14+$0x0], $0xffff  }
0x88: {  	v46 =	vor.u32 s5, v60;
	v41 =	vld.idx.msk [tilespmem:v41+s15+$0x0], $0xffff  }
0x89: {  	v47 =	vor.u32 s6, v60;
	v42 =	vld.idx.msk [tilespmem:v42+s16+$0x0], $0xffff  }
0x8a: {  	v48 =	vor.u32 s7, v60;
	v43 =	vld.idx.msk [tilespmem:v43+s14+$0x0], $0xffff  }
0x8b: {  	v49 =	vor.u32 s5, v61;
	v44 =	vld.idx.msk [tilespmem:v44+s15+$0x0], $0xffff  }
0x8c: {  	v50 =	vor.u32 s6, v61;
	v45 =	vld.idx.msk [tilespmem:v45+s16+$0x0], $0xffff  }
0x8d: {  	v51 =	vor.u32 s7, v61;
	v46 =	vld.idx.msk [tilespmem:v46+s14+$0x0], $0xffff  }
0x8e: {  	v52 =	vor.u32 s5, v62;
	v47 =	vld.idx.msk [tilespmem:v47+s15+$0x0], $0xffff  }
0x8f: {  	v53 =	vor.u32 s6, v62;
	s0 =	sand.u32 $0x7F, s0;
	v48 =	vld.idx.msk [tilespmem:v48+s16+$0x0], $0xffff  }
0x90: {  	v4 =	vor.u32 s0, v63;
	s3 =	sand.u32 $0x7F, s3;
	(v2sf) =	vpush v18, $0x4;
	v49 =	vld.idx.msk [tilespmem:v49+s14+$0x0], $0xffff  }
0x91: {  	s4 =	sand.u32 $0x7F, s4;
	v5 =	vor.u32 s3, v63;
	(v2sf) =	vpush v17, $0x4;
	v50 =	vld.idx.msk [tilespmem:v50+s15+$0x0], $0xffff  }
0x92: {  	v6 =	vor.u32 s4, v0;
	v51 =	vld.idx.msk [tilespmem:v51+s16+$0x0], $0xffff;
	(v2sf) =	vpush v16, $0x4  }
0x93: {  	v52 =	vld.idx.msk [tilespmem:v52+s14+$0x0], $0xffff  }
0x94: {  	v54 =	vor.u32 s7, v62;
	v53 =	vld.idx.msk [tilespmem:v53+s15+$0x0], $0xffff  }
0x95: {  	v55 =	vor.u32 s4, v63;
	v13 =	vmov v56;
	v56 =	vld.idx.msk [tilespmem:v4+s15+$0x0], $0xffff  }
0x96: {  	v59 =	vor.u32 s0, v0;
	v7 =	vor.u32 s3, v0;
	v12 =	vmov v57;
	v57 =	vld.idx.msk [tilespmem:v5+s16+$0x0], $0xffff  }
0x97: {  	v0 =	vor.u32 s4, v2;
	v11 =	vmovc v58;
	v4 =	vor.u32 s4, v1;
	v5 =	vor.u32 s0, v1;
	v58 =	vld.idx.msk [tilespmem:v6+s14+$0x0], $0xffff  }
0x98: {  	v6 =	vor.u32 s3, v1;
	v1 =	vor.u32 s0, v2;
	v2 =	vld [tilespmem:$0x1FFF0];
	(v2sf) =	vpush v18, $0x5  }
0x99: {  	v54 =	vld.idx.msk [tilespmem:v54+s16+$0x0], $0xffff  }
0x9a: {  	v55 =	vld.idx.msk [tilespmem:v55+s14+$0x0], $0xffff  }
0x9b: {  	v59 =	vld.idx.msk [tilespmem:v59+s15+$0x0], $0xffff  }
0x9c: {  	v60 =	vld.idx.msk [tilespmem:v7+s16+$0x0], $0xffff;
	(v2sf) =	vpush v17, $0x5  }
0x9d: {  	v0 =	vld.idx.msk [tilespmem:v0+s14+$0x0], $0xffff;
	(v2sf) =	vpush v16, $0x5;
	v2 =	vor.u32 s3, v2  }
0x9e: {  	v61 =	vld.idx.msk [tilespmem:v4+s14+$0x0], $0xffff  }
0x9f: {  	v62 =	vld.idx.msk [tilespmem:v5+s15+$0x0], $0xffff;
	s0 =	spop (v2sf)  }
0xa0: {  	v63 =	vld.idx.msk [tilespmem:v6+s16+$0x0], $0xffff;
	s6 =	sand.u32 $0xFFFFF80, s0;
	s11 =	spop (v2sf)  }
0xa1: {  	v1 =	vld.idx.msk [tilespmem:v1+s15+$0x0], $0xffff;
	s3 =	sadd.s32 s1, s6;
	s7 =	sand.u32 $0xFFFFF80, s11;
	s28 =	spop (v2sf)  }
0xa2: {  	v20 =	vsub.f32 v20, v21;
	v7 =	vsub.f32 v23, v24;
	v2 =	vld.idx.msk [tilespmem:v2+s16+$0x0], $0xffff;
	[tilespmem:s14], [sflag:$0x1] =	stream.strided.gather [hbm4b:s3+s12], $0x2000, s13, s12, $0x38  }
0xa3: {  	v24 =	vsub.f32 v26, v27;
	(v2sf) =	vpush v18, $0x6;
	s3 =	sadd.s32 s2, s7;
	s8 =	sand.u32 $0xFFFFF80, s28  }
0xa4: {  	v26 =	vsub.f32 v32, v33;
	(v2sf) =	vpush v17, $0x6;
	[tilespmem:s15], [sflag:$0x1] =	stream.strided.gather [hbm4b:s3+s12], $0x2000, s13, s12, $0x38;
	[tilespmem:$0x18800] =	vst v63  }
0xa5: {  	v30 =	vsub.f32 v29, v30;
	v44 =	vsub.f32 v44, v45;
	s3 =	sadd.s32 s2, s8  }
0xa6: {  	v45 =	vsub.f32 v56, v57;
	v56 =	vsub.f32 v41, v42;
	[tilespmem:s16], [sflag:$0x1] =	stream.strided.gather [hbm4b:s3+s12], $0x2000, s13, s12, $0x38;
	[tilespmem:$0x18800] =	vst v63  }
0xa7: {  	v57 =	vsub.f32 v47, v48;
	s3 =	spop (v2sf);
	(v2sf) =	vpush v16, $0x6  }
0xa8: {  	v59 =	vsub.f32 v59, v60;
	v60 =	vsub.f32 v50, v51  }
0xa9: {  	v6 =	vsub.f32 v53, v54;
	v19 =	vmul.f32 v20, v19;
	v20 =	vmul.f32 v7, v22  }
0xaa: {  	v27 =	vmul.f32 v24, v25;
	v22 =	vmul.f32 v26, v31;
	v31 =	vsub.f32 v35, v36  }
0xab: {  	s18 =	simm.s32 $0x2600;
	v32 =	vmul.f32 v30, v28;
	v36 =	vsub.f32 v38, v39;
	v19 =	vadd.f32 $0.0e+00, v19;
	s9 =	sand.u32 $0xFFFFF80, s3;
	s5 =	spop (v2sf)  }
0xac: {  	v23 =	vmul.f32 v45, v55;
	v33 =	vadd.f32 $0.0e+00, v22;
	s4 =	sadd.s32 s1, s9;
	s10 =	sand.u32 $0xFFFFF80, s5;
	s6 =	spop (v2sf);
	(v2sf) =	vpush v18, $0x7  }
0xad: {  	v35 =	vmul.f32 v31, v34;
	v22 =	vmul.f32 v44, v43;
	[tilespmem:s18], [sflag:$0x1] =	stream.strided.gather [hbm4b:s4+s12], $0x2000, s13, s12, $0x38;
	(v2sf) =	vpush v17, $0x7;
	[tilespmem:$0x18800] =	vst v63  }
0xae: {  	s19 =	simm.s32 $0xA600;
	v24 =	vmul.f32 v57, v46;
	v23 =	vadd.f32 $0.0e+00, v23;
	v19 =	vadd.f32 v20, v19;
	s4 =	sadd.s32 s2, s10;
	s17 =	sand.u32 $0xFFFFF80, s6  }
0xaf: {  	v39 =	vmul.f32 v36, v37;
	v38 =	vadd.f32 v35, v33;
	v22 =	vadd.f32 $0.0e+00, v22;
	[tilespmem:s19], [sflag:$0x1] =	stream.strided.gather [hbm4b:s4+s12], $0x2000, s13, s12, $0x38;
	[tilespmem:$0x18800] =	vst v63  }
0xb0: {  	s20 =	simm.s32 $0x12600;
	v21 =	vmul.f32 v56, v40;
	v4 =	vsub.f32 v62, v63;
	v19 =	vadd.f32 v27, v19;
	s4 =	sadd.s32 s2, s17  }
0xb1: {  	v25 =	vmul.f32 v59, v58;
	v20 =	vadd.f32 v39, v38;
	v22 =	vadd.f32 v24, v22;
	[tilespmem:s20], [sflag:$0x1] =	stream.strided.gather [hbm4b:s4+s12], $0x2000, s13, s12, $0x38;
	[tilespmem:$0x18800] =	vst v63  }
0xb2: {  	v5 =	vmul.f32 v60, v49;
	v19 =	vadd.f32 v32, v19;
	s7 =	spop (v2sf);
	(v2sf) =	vpush v16, $0x7  }
0xb3: {  	v23 =	vadd.f32 v25, v23;
	v7 =	vmul.f32 v4, v61;
	v1 =	vsub.f32 v1, v2;
	s29 =	sand.u32 $0xFFFFF80, s7;
	s10 =	spop (v2sf)  }
0xb4: {  	v29 =	vmul.f32 v6, v52;
	v2 =	vadd.f32 v21, v20;
	v28 =	vadd.f32 v5, v22;
	(xrf2) =	vadd.scan.msk.f32 $0xffff, v19;
	s4 =	sadd.s32 s1, s29;
	s8 =	sand.u32 $0xFFFFF80, s10  }
0xb5: {  	v30 =	vadd.f32 v7, v23;
	v0 =	vmul.f32 v1, v0;
	[tilespmem:s21], [sflag:$0x1] =	stream.strided.gather [hbm4b:s4+s12], $0x2000, s13, s12, $0x38;
	[tilespmem:$0x18800] =	vst v63  }
0xb6: {  	s22 =	simm.s32 $0xC600;
	v1 =	vadd.f32 v29, v28;
	(xrf2) =	vadd.scan.msk.f32 $0xffff, v2;
	s4 =	sadd.s32 s2, s8;
	s29 =	spop (v2sf)  }
0xb7: {  	v0 =	vadd.f32 v0, v30;
	[tilespmem:s22], [sflag:$0x1] =	stream.strided.gather [hbm4b:s4+s12], $0x2000, s13, s12, $0x38;
	[tilespmem:$0x18800] =	vst v63  }
0xb8: {  	(xrf2) =	vadd.scan.msk.f32 $0xffff, v1;
	s9 =	sand.u32 $0xFFFFF80, s29  }
0xb9: {  	s23 =	simm.s32 $0x14600;
	(xrf2) =	vadd.scan.msk.f32 $0xffff, v0;
	s4 =	sadd.s32 s2, s9  }
0xba: {  	[tilespmem:s23], [sflag:$0x1] =	stream.strided.gather [hbm4b:s4+s12], $0x2000, s13, s12, $0x38;
	[tilespmem:$0x18800] =	vst v63  }
0xbb: {  	s4 =	spop (v2sf)  }
0xbc: {  	s17 =	sand.u32 $0xFFFFF80, s4;
	s8 =	spop (v2sf)  }
0xbd: {  	s9 =	sadd.s32 s1, s17;
	s17 =	sand.u32 $0xFFFFF80, s8  }
0xbe: {  	[tilespmem:s24], [sflag:$0x1] =	stream.strided.gather [hbm4b:s9+s12], $0x2000, s13, s12, $0x38;
	[tilespmem:$0x18800] =	vst v63  }
0xbf: {  	s20 =	simm.s32 $0xE600;
	s17 =	sadd.s32 s2, s17  }
0xc0: {  	[tilespmem:s20], [sflag:$0x1] =	stream.strided.gather [hbm4b:s17+s12], $0x2000, s13, s12, $0x38;
	[tilespmem:$0x18800] =	vst v63  }
0xc1: {  	v21, _, _ =	vpop (xrf2);
	s9 =	spop (v2sf)  }
0xc2: {  	v22, _, _ =	vpop (xrf2);
	s17 =	sand.u32 $0xFFFFF80, s9  }
0xc3: {  	v20, _, _ =	vpop (xrf2);
	s17 =	sadd.s32 s2, s17  }
0xc4: {  	v19, _, _ =	vpop (xrf2);
	[tilespmem:s25], [sflag:$0x1] =	stream.strided.gather [hbm4b:s17+s12], $0x2000, s13, s12, $0x38;
	[tilespmem:$0x18800] =	vst v63  }
0xc5: {  	_ =	swait.ge [sflag:s26], $0x2000  }
0xc6: {  	[sflag:s26] =	ssyncset.done $0x0  }
0xc7: {  	[sflag:s26] =	ssyncadd.s32 $0xFFFFE000  }
0xc8: {  	_ =	swait.ge [sflag:s26], $0x2000  }
0xc9: {  	[sflag:s26] =	ssyncset.done $0x0  }
0xca: {  	[sflag:s26] =	ssyncadd.s32 $0xFFFFE000  }
0xcb: {  	_ =	swait.ge [sflag:s26], $0x2000  }
0xcc: {  	[sflag:s26] =	ssyncset.done $0x0  }
0xcd: {  	[sflag:s26] =	ssyncadd.s32 $0xFFFFE000  }
0xce: {  	_ =	swait.ge [sflag:s26], $0x2000  }
0xcf: {  	[sflag:s26] =	ssyncset.done $0x0  }
0xd0: {  	[sflag:s26] =	ssyncadd.s32 $0xFFFFE000  }
0xd1: {  	_ =	swait.ge [sflag:s26], $0x2000  }
0xd2: {  	[sflag:s26] =	ssyncset.done $0x0  }
0xd3: {  	[sflag:s26] =	ssyncadd.s32 $0xFFFFE000  }
0xd4: {  	_ =	swait.ge [sflag:s26], $0x2000  }
0xd5: {  	[sflag:s26] =	ssyncset.done $0x0  }
0xd6: {  	[sflag:s26] =	ssyncadd.s32 $0xFFFFE000  }
0xd7: {  	_ =	swait.ge [sflag:s26], $0x2000  }
0xd8: {  	[sflag:s26] =	ssyncset.done $0x0  }
0xd9: {  	[sflag:s26] =	ssyncadd.s32 $0xFFFFE000  }
0xda: {  	_ =	swait.ge [sflag:s26], $0x2000  }
0xdb: {  	[sflag:s26] =	ssyncset.done $0x0  }
0xdc: {  	[sflag:s26] =	ssyncadd.s32 $0xFFFFE000  }
0xdd: {  	_ =	swait.ge [sflag:s26], $0x2000  }
0xde: {  	[sflag:s26] =	ssyncset.done $0x0  }
0xdf: {  	[sflag:s26] =	ssyncadd.s32 $0xFFFFE000  }
0xe0: {  	_ =	swait.ge [sflag:s26], $0x2000  }
0xe1: {  	[sflag:s26] =	ssyncset.done $0x0  }
0xe2: {  	[sflag:s26] =	ssyncadd.s32 $0xFFFFE000  }
0xe3: {  	_ =	swait.ge [sflag:s26], $0x2000  }
0xe4: {  	[sflag:s26] =	ssyncset.done $0x0  }
0xe5: {  	v0 =	vld [tilespmem:$0x1FF50];
	[sflag:s26] =	ssyncadd.s32 $0xFFFFE000  }
0xe6: {  	v1 =	vld [tilespmem:$0x1FF50];
	_ =	swait.ge [sflag:s26], $0x2000  }
0xe7: {  	v3 =	vld [tilespmem:$0x1FF60];
	_ =	sdelay $0x3  }
0xe8: {  	s0 =	sand.u32 $0x7F, s0  }
0xe9: {  	v31 =	vor.u32 s0, v3;
	v3 =	vld [tilespmem:$0x1FF60];
	_ =	sdelay $0x3  }
0xea: {  	s11 =	sand.u32 $0x7F, s11  }
0xeb: {  	v32 =	vor.u32 s11, v3;
	v3 =	vld [tilespmem:$0x1FF60];
	_ =	sdelay $0x3  }
0xec: {  	s28 =	sand.u32 $0x7F, s28  }
0xed: {  	v33 =	vor.u32 s28, v3;
	v3 =	vld [tilespmem:$0x1FF70];
	_ =	sdelay $0x4  }
0xee: {  	v34 =	vor.u32 s0, v3;
	v3 =	vld [tilespmem:$0x1FF70];
	_ =	sdelay $0x4  }
0xef: {  	v35 =	vor.u32 s11, v3;
	v3 =	vld [tilespmem:$0x1FF70];
	_ =	sdelay $0x4  }
0xf0: {  	v36 =	vor.u32 s28, v3;
	v3 =	vld [tilespmem:$0x1FF80];
	_ =	sdelay $0x3  }
0xf1: {  	s17 =	sand.u32 $0x7F, s7;
	v2 =	vld [tilespmem:$0x1FF50]  }
0xf2: {  	v52 =	vor.u32 s17, v3;
	v3 =	vld [tilespmem:$0x1FF80];
	_ =	sdelay $0x3  }
0xf3: {  	v39 =	vor.u32 s28, v14;
	v2 =	vor.u32 s28, v2;
	s28 =	sand.u32 $0x7F, s10  }
0xf4: {  	v53 =	vor.u32 s28, v3;
	v3 =	vld [tilespmem:$0x1FF80];
	_ =	sdelay $0x3  }
0xf5: {  	s29 =	sand.u32 $0x7F, s29  }
0xf6: {  	v54 =	vor.u32 s29, v3;
	v3 =	vld [tilespmem:$0x1FF90];
	_ =	sdelay $0x4  }
0xf7: {  	v55 =	vor.u32 s17, v3;
	v3 =	vld [tilespmem:$0x1FF90];
	_ =	sdelay $0x4  }
0xf8: {  	v56 =	vor.u32 s28, v3;
	v3 =	vld [tilespmem:$0x1FF90];
	_ =	sdelay $0x4  }
0xf9: {  	v57 =	vor.u32 s29, v3;
	v3 =	vld [tilespmem:$0x1FFA0];
	_ =	sdelay $0x4  }
0xfa: {  	v58 =	vor.u32 s17, v3;
	v3 =	vld [tilespmem:$0x1FFA0];
	_ =	sdelay $0x4  }
0xfb: {  	v59 =	vor.u32 s28, v3;
	v3 =	vld [tilespmem:$0x1FFA0];
	_ =	sdelay $0x4  }
0xfc: {  	v60 =	vor.u32 s29, v3;
	v3 =	vld [tilespmem:$0x1FFB0];
	_ =	sdelay $0x1  }
0xfd: {  	v37 =	vor.u32 s0, v14  }
0xfe: {  	v38 =	vor.u32 s11, v14;
	s3 =	sand.u32 $0x7F, s3  }
0xff: {  	v46 =	vor.u32 s3, v12;
	v4 =	vld [tilespmem:$0x1FFF0]  }
0x100: {  	[sflag:s26] =	ssyncset.done $0x0;
	v61 =	vor.u32 s17, v3;
	v3 =	vld [tilespmem:$0x1FFB0]  }
0x101: {  	v5 =	vld [tilespmem:$0x1FFF0];
	[sflag:s26] =	ssyncadd.s32 $0xFFFFE000;
	v0 =	vor.u32 s0, v0  }
0x102: {  	v1 =	vor.u32 s11, v1;
	v29 =	vld.idx.msk [tilespmem:v37+s14+$0x0], $0xffff  }
0x103: {  	v30 =	vld.idx.msk [tilespmem:v38+s15+$0x0], $0xffff  }
0x104: {  	v38 =	vld.idx.msk [tilespmem:v46+s14+$0x0], $0xffff  }
0x105: {  	v62 =	vor.u32 s28, v3;
	v3 =	vld [tilespmem:$0x1FFB0]  }
0x106: {  	v0 =	vld.idx.msk [tilespmem:v0+s14+$0x0], $0xffff  }
0x107: {  	v40 =	vor.u32 s3, v15;
	v1 =	vld.idx.msk [tilespmem:v1+s15+$0x0], $0xffff;
	s11 =	sand.u32 $0x7F, s6  }
0x108: {  	v2 =	vld.idx.msk [tilespmem:v2+s16+$0x0], $0xffff;
	v48 =	vor.u32 s11, v12  }
0x109: {  	v23 =	vld.idx.msk [tilespmem:v31+s14+$0x0], $0xffff  }
0x10a: {  	v63 =	vor.u32 s29, v3;
	v3 =	vld [tilespmem:$0x1FFC0]  }
0x10b: {  	s5 =	sand.u32 $0x7F, s5;
	v24 =	vld.idx.msk [tilespmem:v32+s15+$0x0], $0xffff  }
0x10c: {  	v41 =	vor.u32 s5, v15;
	v32 =	vld.idx.msk [tilespmem:v40+s14+$0x0], $0xffff  }
0x10d: {  	v49 =	vor.u32 s3, v11;
	v40 =	vld.idx.msk [tilespmem:v48+s16+$0x0], $0xffff  }
0x10e: {  	v43 =	vor.u32 s3, v13;
	s3 =	sand.u32 $0x7F, s4;
	v48 =	vld.idx.msk [tilespmem:v56+s15+$0x0], $0xffff  }
0x10f: {  	v56 =	vor.u32 s3, v3;
	v3 =	vld [tilespmem:$0x1FFC0]  }
0x110: {  	v25 =	vld.idx.msk [tilespmem:v33+s16+$0x0], $0xffff  }
0x111: {  	v33 =	vld.idx.msk [tilespmem:v41+s15+$0x0], $0xffff;
	v42 =	vor.u32 s11, v15  }
0x112: {  	v50 =	vor.u32 s5, v11;
	v41 =	vld.idx.msk [tilespmem:v49+s14+$0x0], $0xffff  }
0x113: {  	s4 =	sand.u32 $0x7F, s8;
	v49 =	vld.idx.msk [tilespmem:v57+s16+$0x0], $0xffff  }
0x114: {  	v57 =	vor.u32 s4, v3;
	v3 =	vld [tilespmem:$0x1FFC0]  }
0x115: {  	v26 =	vld.idx.msk [tilespmem:v34+s14+$0x0], $0xffff  }
0x116: {  	v47 =	vor.u32 s5, v12;
	v34 =	vld.idx.msk [tilespmem:v42+s16+$0x0], $0xffff  }
0x117: {  	v4 =	vor.u32 s3, v4;
	v42 =	vld.idx.msk [tilespmem:v50+s15+$0x0], $0xffff  }
0x118: {  	v44 =	vor.u32 s5, v13;
	s5 =	sand.u32 $0x7F, s9;
	v5 =	vor.u32 s4, v5;
	v50 =	vld.idx.msk [tilespmem:v58+s14+$0x0], $0xffff  }
0x119: {  	v58 =	vor.u32 s5, v3;
	v3 =	vld [tilespmem:$0x1FFD0]  }
0x11a: {  	v31 =	vld.idx.msk [tilespmem:v39+s16+$0x0], $0xffff  }
0x11b: {  	v39 =	vld.idx.msk [tilespmem:v47+s15+$0x0], $0xffff  }
0x11c: {  	v4 =	vld.idx.msk [tilespmem:v4+s14+$0x0], $0xffff;
	v45 =	vor.u32 s11, v13  }
0x11d: {  	v5 =	vld.idx.msk [tilespmem:v5+s15+$0x0], $0xffff;
	v51 =	vor.u32 s11, v11  }
0x11e: {  	v6 =	vor.u32 s3, v3;
	v3 =	vld [tilespmem:$0x1FFD0]  }
0x11f: {  	v27 =	vld.idx.msk [tilespmem:v35+s15+$0x0], $0xffff  }
0x120: {  	v35 =	vld.idx.msk [tilespmem:v43+s14+$0x0], $0xffff  }
0x121: {  	v37 =	vld.idx.msk [tilespmem:v45+s16+$0x0], $0xffff  }
0x122: {  	v43 =	vld.idx.msk [tilespmem:v51+s16+$0x0], $0xffff  }
0x123: {  	v7 =	vor.u32 s4, v3;
	v3 =	vld [tilespmem:$0x1FFD0]  }
0x124: {  	v28 =	vld.idx.msk [tilespmem:v36+s16+$0x0], $0xffff  }
0x125: {  	v36 =	vld.idx.msk [tilespmem:v44+s15+$0x0], $0xffff  }
0x126: {  	v45 =	vld.idx.msk [tilespmem:v53+s15+$0x0], $0xffff  }
0x127: {  	(v2sf) =	vpush v18, $0x8;
	v53 =	vld.idx.msk [tilespmem:v61+s14+$0x0], $0xffff  }
0x128: {  	(v2sf) =	vpush v17, $0x8;
	v61 =	vor.u32 s5, v3;
	v3 =	vld [tilespmem:$0x1FFE0]  }
0x129: {  	(v2sf) =	vpush v16, $0x8;
	v44 =	vld.idx.msk [tilespmem:v52+s14+$0x0], $0xffff  }
0x12a: {  	v46 =	vld.idx.msk [tilespmem:v54+s16+$0x0], $0xffff  }
0x12b: {  	v51 =	vld.idx.msk [tilespmem:v59+s15+$0x0], $0xffff  }
0x12c: {  	v54 =	vld.idx.msk [tilespmem:v62+s15+$0x0], $0xffff  }
0x12d: {  	v62 =	vor.u32 s3, v3;
	v3 =	vld [tilespmem:$0x1FFE0]  }
0x12e: {  	v59 =	vld.idx.msk [tilespmem:v6+s14+$0x0], $0xffff  }
0x12f: {  	v6 =	vld [tilespmem:$0x1FFF0]  }
0x130: {  	v47 =	vld.idx.msk [tilespmem:v55+s14+$0x0], $0xffff  }
0x131: {  	v55 =	vld.idx.msk [tilespmem:v63+s16+$0x0], $0xffff  }
0x132: {  	(v2sf) =	vpush v18, $0x9;
	v63 =	vor.u32 s4, v3;
	v3 =	vld [tilespmem:$0x1FFE0]  }
0x133: {  	v52 =	vld.idx.msk [tilespmem:v60+s16+$0x0], $0xffff  }
0x134: {  	v56 =	vld.idx.msk [tilespmem:v56+s14+$0x0], $0xffff;
	v6 =	vor.u32 s5, v6  }
0x135: {  	(v2sf) =	vpush v17, $0x9;
	v57 =	vld.idx.msk [tilespmem:v57+s15+$0x0], $0xffff  }
0x136: {  	(v2sf) =	vpush v16, $0x9;
	s0 =	spop (v2sf);
	v58 =	vld.idx.msk [tilespmem:v58+s16+$0x0], $0xffff  }
0x137: {  	s11 =	spop (v2sf);
	v60 =	vld.idx.msk [tilespmem:v7+s15+$0x0], $0xffff;
	v3 =	vor.u32 s5, v3  }
0x138: {  	v1 =	vsub.f32 v1, v2;
	s28 =	spop (v2sf);
	(v2sf) =	vpush v18, $0xA;
	v61 =	vld.idx.msk [tilespmem:v61+s16+$0x0], $0xffff  }
0x139: {  	v2 =	vld.idx.msk [tilespmem:v6+s16+$0x0], $0xffff  }
0x13a: {  	v0 =	vmul.f32 v1, v0;
	s6 =	sand.u32 $0xFFFFF80, s0;
	v1 =	vsub.f32 v24, v25;
	v62 =	vld.idx.msk [tilespmem:v62+s14+$0x0], $0xffff  }
0x13b: {  	s7 =	sand.u32 $0xFFFFF80, s11;
	(v2sf) =	vpush v17, $0xA;
	s3 =	sadd.s32 s1, s6;
	v63 =	vld.idx.msk [tilespmem:v63+s15+$0x0], $0xffff  }
0x13c: {  	v0 =	vadd.f32 $0.0e+00, v0;
	v1 =	vmul.f32 v1, v23;
	v27 =	vsub.f32 v27, v28;
	v3 =	vld.idx.msk [tilespmem:v3+s16+$0x0], $0xffff;
	[tilespmem:s14], [sflag:$0x1] =	stream.strided.gather [hbm4b:s3+s12], $0x2000, s13, s12, $0x38  }
0x13d: {  	v28 =	vsub.f32 v33, v34;
	s8 =	sand.u32 $0xFFFFF80, s28;
	s3 =	sadd.s32 s2, s7  }
0x13e: {  	v0 =	vadd.f32 v1, v0;
	v33 =	vsub.f32 v30, v31;
	v1 =	vmul.f32 v27, v26;
	[tilespmem:s15], [sflag:$0x1] =	stream.strided.gather [hbm4b:s3+s12], $0x2000, s13, s12, $0x38;
	[tilespmem:$0x18800] =	vst v63  }
0x13f: {  	v23 =	vmul.f32 v28, v32;
	s3 =	sadd.s32 s2, s8  }
0x140: {  	v0 =	vadd.f32 v1, v0;
	v1 =	vmul.f32 v33, v29;
	v29 =	vsub.f32 v45, v46;
	[tilespmem:s16], [sflag:$0x1] =	stream.strided.gather [hbm4b:s3+s12], $0x2000, s13, s12, $0x38;
	[tilespmem:$0x18800] =	vst v63  }
0x141: {  	s3 =	spop (v2sf);
	(v2sf) =	vpush v16, $0xA  }
0x142: {  	v34 =	vsub.f32 v36, v37;
	v36 =	vadd.f32 $0.0e+00, v23;
	v23 =	vmul.f32 v29, v44  }
0x143: {  	v31 =	vsub.f32 v42, v43;
	v32 =	vsub.f32 v48, v49  }
0x144: {  	v37 =	vmul.f32 v34, v35;
	v0 =	vadd.f32 v1, v0;
	v23 =	vadd.f32 $0.0e+00, v23;
	s9 =	sand.u32 $0xFFFFF80, s3;
	s5 =	spop (v2sf)  }
0x145: {  	v25 =	vmul.f32 v32, v47;
	v7 =	vsub.f32 v39, v40;
	s4 =	sadd.s32 s1, s9;
	s6 =	spop (v2sf);
	(v2sf) =	vpush v18, $0xB  }
0x146: {  	v30 =	vsub.f32 v57, v58;
	[tilespmem:s18], [sflag:$0x1] =	stream.strided.gather [hbm4b:s4+s12], $0x2000, s13, s12, $0x38;
	(v2sf) =	vpush v17, $0xB;
	[tilespmem:$0x18800] =	vst v63  }
0x147: {  	v1 =	vadd.f32 v37, v36;
	v23 =	vadd.f32 v25, v23;
	v28 =	vmul.f32 v7, v38;
	s10 =	sand.u32 $0xFFFFF80, s5;
	s7 =	spop (v2sf)  }
0x148: {  	v34 =	vsub.f32 v51, v52;
	v24 =	vmul.f32 v30, v56;
	v33 =	vsub.f32 v60, v61;
	s4 =	sadd.s32 s2, s10;
	s17 =	sand.u32 $0xFFFFF80, s6;
	s29 =	sand.u32 $0xFFFFF80, s7  }
0x149: {  	v1 =	vadd.f32 v28, v1;
	v6 =	vmul.f32 v31, v41;
	(v2sf) =	vpush v16, $0xB;
	[tilespmem:s19], [sflag:$0x1] =	stream.strided.gather [hbm4b:s4+s12], $0x2000, s13, s12, $0x38;
	[tilespmem:$0x18800] =	vst v63  }
0x14a: {  	v24 =	vadd.f32 $0.0e+00, v24;
	v26 =	vmul.f32 v33, v59;
	v3 =	vsub.f32 v63, v3;
	s10 =	spop (v2sf);
	s19 =	simm.s32 $0x12600;
	s4 =	sadd.s32 s2, s17  }
0x14b: {  	v35 =	vmul.f32 v34, v50;
	v36 =	vsub.f32 v54, v55;
	v1 =	vadd.f32 v6, v1;
	[tilespmem:s19], [sflag:$0x1] =	stream.strided.gather [hbm4b:s4+s12], $0x2000, s13, s12, $0x38;
	[tilespmem:$0x18800] =	vst v63  }
0x14c: {  	(xrf2) =	vadd.scan.msk.f32 $0xffff, v0;
	v2 =	vsub.f32 v5, v2;
	v24 =	vadd.f32 v26, v24;
	v3 =	vmul.f32 v3, v62;
	s8 =	sand.u32 $0xFFFFF80, s10;
	s4 =	sadd.s32 s1, s29  }
0x14d: {  	v37 =	vadd.f32 v35, v23;
	v38 =	vmul.f32 v36, v53;
	[tilespmem:s21], [sflag:$0x1] =	stream.strided.gather [hbm4b:s4+s12], $0x2000, s13, s12, $0x38;
	[tilespmem:$0x18800] =	vst v63  }
0x14e: {  	(xrf2) =	vadd.scan.msk.f32 $0xffff, v1;
	v2 =	vmul.f32 v2, v4;
	v0 =	vadd.f32 v3, v24;
	s4 =	sadd.s32 s2, s8  }
0x14f: {  	v1 =	vadd.f32 v38, v37;
	[tilespmem:s22], [sflag:$0x1] =	stream.strided.gather [hbm4b:s4+s12], $0x2000, s13, s12, $0x38;
	[tilespmem:$0x18800] =	vst v63  }
0x150: {  	v0 =	vadd.f32 v2, v0;
	s29 =	spop (v2sf)  }
0x151: {  	(xrf2) =	vadd.scan.msk.f32 $0xffff, v1;
	s9 =	sand.u32 $0xFFFFF80, s29  }
0x152: {  	(xrf2) =	vadd.scan.msk.f32 $0xffff, v0;
	s4 =	sadd.s32 s2, s9  }
0x153: {  	[tilespmem:s23], [sflag:$0x1] =	stream.strided.gather [hbm4b:s4+s12], $0x2000, s13, s12, $0x38;
	[tilespmem:$0x18800] =	vst v63  }
0x154: {  	s4 =	spop (v2sf)  }
0x155: {  	s17 =	sand.u32 $0xFFFFF80, s4;
	s8 =	spop (v2sf)  }
0x156: {  	s23 =	simm.s32 $0x6600;
	s9 =	sadd.s32 s1, s17;
	s17 =	sand.u32 $0xFFFFF80, s8  }
0x157: {  	[tilespmem:s23], [sflag:$0x1] =	stream.strided.gather [hbm4b:s9+s12], $0x2000, s13, s12, $0x38;
	[tilespmem:$0x18800] =	vst v63  }
0x158: {  	s9 =	spop (v2sf);
	s17 =	sadd.s32 s2, s17  }
0x159: {  	v25, _, _ =	vpop (xrf2);
	[tilespmem:s20], [sflag:$0x1] =	stream.strided.gather [hbm4b:s17+s12], $0x2000, s13, s12, $0x38;
	[tilespmem:$0x18800] =	vst v63  }
0x15a: {  	v26, _, _ =	vpop (xrf2);
	s17 =	sand.u32 $0xFFFFF80, s9  }
0x15b: {  	v23, _, _ =	vpop (xrf2);
	s17 =	sadd.s32 s2, s17  }
0x15c: {  	v24, _, _ =	vpop (xrf2);
	[tilespmem:s25], [sflag:$0x1] =	stream.strided.gather [hbm4b:s17+s12], $0x2000, s13, s12, $0x38;
	[tilespmem:$0x18800] =	vst v63  }
0x15d: {  	_ =	swait.ge [sflag:s26], $0x2000  }
0x15e: {  	[sflag:s26] =	ssyncset.done $0x0  }
0x15f: {  	[sflag:s26] =	ssyncadd.s32 $0xFFFFE000  }
0x160: {  	_ =	swait.ge [sflag:s26], $0x2000  }
0x161: {  	[sflag:s26] =	ssyncset.done $0x0  }
0x162: {  	[sflag:s26] =	ssyncadd.s32 $0xFFFFE000  }
0x163: {  	_ =	swait.ge [sflag:s26], $0x2000  }
0x164: {  	[sflag:s26] =	ssyncset.done $0x0  }
0x165: {  	[sflag:s26] =	ssyncadd.s32 $0xFFFFE000  }
0x166: {  	_ =	swait.ge [sflag:s26], $0x2000  }
0x167: {  	[sflag:s26] =	ssyncset.done $0x0  }
0x168: {  	[sflag:s26] =	ssyncadd.s32 $0xFFFFE000  }
0x169: {  	_ =	swait.ge [sflag:s26], $0x2000  }
0x16a: {  	[sflag:s26] =	ssyncset.done $0x0  }
0x16b: {  	[sflag:s26] =	ssyncadd.s32 $0xFFFFE000  }
0x16c: {  	_ =	swait.ge [sflag:s26], $0x2000  }
0x16d: {  	[sflag:s26] =	ssyncset.done $0x0  }
0x16e: {  	[sflag:s26] =	ssyncadd.s32 $0xFFFFE000  }
0x16f: {  	_ =	swait.ge [sflag:s26], $0x2000  }
0x170: {  	[sflag:s26] =	ssyncset.done $0x0  }
0x171: {  	[sflag:s26] =	ssyncadd.s32 $0xFFFFE000  }
0x172: {  	_ =	swait.ge [sflag:s26], $0x2000  }
0x173: {  	[sflag:s26] =	ssyncset.done $0x0  }
0x174: {  	[sflag:s26] =	ssyncadd.s32 $0xFFFFE000  }
0x175: {  	_ =	swait.ge [sflag:s26], $0x2000  }
0x176: {  	[sflag:s26] =	ssyncset.done $0x0  }
0x177: {  	[sflag:s26] =	ssyncadd.s32 $0xFFFFE000  }
0x178: {  	_ =	swait.ge [sflag:s26], $0x2000  }
0x179: {  	[sflag:s26] =	ssyncset.done $0x0  }
0x17a: {  	[sflag:s26] =	ssyncadd.s32 $0xFFFFE000  }
0x17b: {  	_ =	swait.ge [sflag:s26], $0x2000  }
0x17c: {  	[sflag:s26] =	ssyncset.done $0x0  }
0x17d: {  	v0 =	vld [tilespmem:$0x1FF50];
	[sflag:s26] =	ssyncadd.s32 $0xFFFFE000  }
0x17e: {  	v1 =	vld [tilespmem:$0x1FF50];
	_ =	swait.ge [sflag:s26], $0x2000  }
0x17f: {  	v2 =	vld [tilespmem:$0x1FF50]  }
0x180: {  	v3 =	vld [tilespmem:$0x1FF60]  }
0x181: {  	v39 =	vld [tilespmem:$0x1FF60]  }
0x182: {  	v40 =	vld [tilespmem:$0x1FF60]  }
0x183: {  	v41 =	vld [tilespmem:$0x1FF70]  }
0x184: {  	v7 =	vld [tilespmem:$0x1FF70]  }
0x185: {  	s0 =	sand.u32 $0x7F, s0;
	v43 =	vld [tilespmem:$0x1FF70]  }
0x186: {  	s11 =	sand.u32 $0x7F, s11;
	v45 =	vor.u32 s0, v14;
	v60 =	vld [tilespmem:$0x1FF80]  }
0x187: {  	v46 =	vor.u32 s11, v14;
	s28 =	sand.u32 $0x7F, s28;
	v62 =	vld [tilespmem:$0x1FF80]  }
0x188: {  	v47 =	vor.u32 s28, v14;
	s3 =	sand.u32 $0x7F, s3;
	v8 =	vld [tilespmem:$0x1FFF0]  }
0x189: {  	s5 =	sand.u32 $0x7F, s5;
	v48 =	vor.u32 s3, v15;
	[sflag:s26] =	ssyncset.done $0x0;
	v9 =	vld [tilespmem:$0x1FFF0]  }
0x18a: {  	v49 =	vor.u32 s5, v15;
	v10 =	vld [tilespmem:$0x1FFF0];
	[sflag:s26] =	ssyncadd.s32 $0xFFFFE000  }
0x18b: {  	v51 =	vor.u32 s3, v13;
	v29 =	vld.idx.msk [tilespmem:v45+s14+$0x0], $0xffff  }
0x18c: {  	v52 =	vor.u32 s5, v13;
	v30 =	vld.idx.msk [tilespmem:v46+s15+$0x0], $0xffff  }
0x18d: {  	v54 =	vor.u32 s3, v12;
	v31 =	vld.idx.msk [tilespmem:v47+s16+$0x0], $0xffff  }
0x18e: {  	v32 =	vld.idx.msk [tilespmem:v48+s14+$0x0], $0xffff  }
0x18f: {  	v33 =	vld.idx.msk [tilespmem:v49+s15+$0x0], $0xffff  }
0x190: {  	v55 =	vor.u32 s5, v12;
	v35 =	vld.idx.msk [tilespmem:v51+s14+$0x0], $0xffff  }
0x191: {  	v57 =	vor.u32 s3, v11;
	v36 =	vld.idx.msk [tilespmem:v52+s15+$0x0], $0xffff  }
0x192: {  	v38 =	vld.idx.msk [tilespmem:v54+s14+$0x0], $0xffff  }
0x193: {  	v52 =	vld [tilespmem:$0x1FF80]  }
0x194: {  	v54 =	vld [tilespmem:$0x1FF90]  }
0x195: {  	v0 =	vor.u32 s0, v0;
	v4 =	vor.u32 s11, v39;
	v39 =	vld.idx.msk [tilespmem:v55+s15+$0x0], $0xffff  }
0x196: {  	s17 =	sand.u32 $0x7F, s7;
	v1 =	vor.u32 s11, v1;
	v6 =	vor.u32 s0, v41;
	v41 =	vld.idx.msk [tilespmem:v57+s14+$0x0], $0xffff  }
0x197: {  	v2 =	vor.u32 s28, v2;
	v3 =	vor.u32 s0, v3;
	v61 =	vor.u32 s17, v60;
	v60 =	vld [tilespmem:$0x1FF90]  }
0x198: {  	v5 =	vor.u32 s28, v40;
	v42 =	vor.u32 s11, v7;
	v44 =	vor.u32 s28, v43;
	s28 =	sand.u32 $0x7F, s10;
	v7 =	vld [tilespmem:$0x1FFE0]  }
0x199: {  	v63 =	vor.u32 s28, v62;
	v62 =	vld [tilespmem:$0x1FFA0]  }
0x19a: {  	v0 =	vld.idx.msk [tilespmem:v0+s14+$0x0], $0xffff  }
0x19b: {  	v1 =	vld.idx.msk [tilespmem:v1+s15+$0x0], $0xffff  }
0x19c: {  	v2 =	vld.idx.msk [tilespmem:v2+s16+$0x0], $0xffff  }
0x19d: {  	v3 =	vld.idx.msk [tilespmem:v3+s14+$0x0], $0xffff  }
0x19e: {  	v58 =	vor.u32 s5, v11;
	v4 =	vld.idx.msk [tilespmem:v4+s15+$0x0], $0xffff  }
0x19f: {  	v5 =	vld.idx.msk [tilespmem:v5+s16+$0x0], $0xffff  }
0x1a0: {  	v6 =	vld.idx.msk [tilespmem:v6+s14+$0x0], $0xffff  }
0x1a1: {  	s3 =	sand.u32 $0x7F, s4;
	v27 =	vld.idx.msk [tilespmem:v42+s15+$0x0], $0xffff  }
0x1a2: {  	s11 =	sand.u32 $0x7F, s6;
	v8 =	vor.u32 s3, v8;
	v28 =	vld.idx.msk [tilespmem:v44+s16+$0x0], $0xffff  }
0x1a3: {  	v50 =	vor.u32 s11, v15;
	v42 =	vld.idx.msk [tilespmem:v58+s15+$0x0], $0xffff  }
0x1a4: {  	v53 =	vor.u32 s11, v13;
	v58 =	vld [tilespmem:$0x1FF90]  }
0x1a5: {  	s29 =	sand.u32 $0x7F, s29;
	v56 =	vor.u32 s11, v12;
	v44 =	vld.idx.msk [tilespmem:v61+s14+$0x0], $0xffff  }
0x1a6: {  	v59 =	vor.u32 s11, v11;
	v61 =	vor.u32 s29, v60;
	v60 =	vld [tilespmem:$0x1FFB0]  }
0x1a7: {  	v8 =	vld.idx.msk [tilespmem:v8+s14+$0x0], $0xffff  }
0x1a8: {  	v34 =	vld.idx.msk [tilespmem:v50+s16+$0x0], $0xffff  }
0x1a9: {  	v37 =	vld.idx.msk [tilespmem:v53+s16+$0x0], $0xffff  }
0x1aa: {  	v55 =	vor.u32 s17, v54;
	v40 =	vld.idx.msk [tilespmem:v56+s16+$0x0], $0xffff  }
0x1ab: {  	v43 =	vld.idx.msk [tilespmem:v59+s16+$0x0], $0xffff  }
0x1ac: {  	v45 =	vld.idx.msk [tilespmem:v63+s15+$0x0], $0xffff  }
0x1ad: {  	s5 =	sand.u32 $0x7F, s9;
	v56 =	vld [tilespmem:$0x1FFA0]  }
0x1ae: {  	s4 =	sand.u32 $0x7F, s8;
	v7 =	vor.u32 s5, v7;
	v63 =	vor.u32 s17, v62;
	v62 =	vld [tilespmem:$0x1FFB0]  }
0x1af: {  	v9 =	vor.u32 s4, v9;
	v47 =	vld.idx.msk [tilespmem:v55+s14+$0x0], $0xffff  }
0x1b0: {  	v10 =	vor.u32 s5, v10;
	v59 =	vor.u32 s28, v58;
	v58 =	vld [tilespmem:$0x1FFA0]  }
0x1b1: {  	v53 =	vor.u32 s29, v52;
	v49 =	vld.idx.msk [tilespmem:v61+s16+$0x0], $0xffff  }
0x1b2: {  	v61 =	vor.u32 s28, v60;
	v60 =	vld [tilespmem:$0x1FFD0]  }
0x1b3: {  	v7 =	vld.idx.msk [tilespmem:v7+s16+$0x0], $0xffff  }
0x1b4: {  	v1 =	vsub.f32 v1, v2;
	v2 =	vld.idx.msk [tilespmem:v9+s15+$0x0], $0xffff  }
0x1b5: {  	v9 =	vld.idx.msk [tilespmem:v10+s16+$0x0], $0xffff  }
0x1b6: {  	v46 =	vld.idx.msk [tilespmem:v53+s16+$0x0], $0xffff  }
0x1b7: {  	v50 =	vld.idx.msk [tilespmem:v63+s14+$0x0], $0xffff  }
0x1b8: {  	v57 =	vor.u32 s28, v56;
	v56 =	vld [tilespmem:$0x1FFC0]  }
0x1b9: {  	(v2sf) =	vpush v18, $0xC;
	v63 =	vor.u32 s29, v62;
	v62 =	vld [tilespmem:$0x1FFE0]  }
0x1ba: {  	v48 =	vld.idx.msk [tilespmem:v59+s15+$0x0], $0xffff  }
0x1bb: {  	(v2sf) =	vpush v17, $0xC;
	v59 =	vld [tilespmem:$0x1FFB0]  }
0x1bc: {  	v52 =	vor.u32 s29, v58;
	v58 =	vld [tilespmem:$0x1FFC0]  }
0x1bd: {  	v54 =	vld.idx.msk [tilespmem:v61+s15+$0x0], $0xffff  }
0x1be: {  	v61 =	vld [tilespmem:$0x1FFD0]  }
0x1bf: {  	(v2sf) =	vpush v16, $0xC;
	v51 =	vld.idx.msk [tilespmem:v57+s15+$0x0], $0xffff  }
0x1c0: {  	v60 =	vor.u32 s4, v60;
	v57 =	vld [tilespmem:$0x1FFC0]  }
0x1c1: {  	(v2sf) =	vpush v18, $0xD;
	v56 =	vor.u32 s3, v56;
	v55 =	vld.idx.msk [tilespmem:v63+s16+$0x0], $0xffff  }
0x1c2: {  	v62 =	vor.u32 s3, v62;
	v63 =	vld [tilespmem:$0x1FFE0]  }
0x1c3: {  	v53 =	vor.u32 s17, v59;
	v59 =	vld [tilespmem:$0x1FFD0]  }
0x1c4: {  	(v2sf) =	vpush v17, $0xD;
	v52 =	vld.idx.msk [tilespmem:v52+s16+$0x0], $0xffff;
	v58 =	vor.u32 s5, v58  }
0x1c5: {  	v61 =	vor.u32 s5, v61;
	v60 =	vld.idx.msk [tilespmem:v60+s15+$0x0], $0xffff  }
0x1c6: {  	(v2sf) =	vpush v16, $0xD;
	v57 =	vor.u32 s4, v57;
	v56 =	vld.idx.msk [tilespmem:v56+s14+$0x0], $0xffff  }
0x1c7: {  	v0 =	vmul.f32 v1, v0;
	v1 =	vsub.f32 v4, v5;
	v63 =	vor.u32 s4, v63;
	v62 =	vld.idx.msk [tilespmem:v62+s14+$0x0], $0xffff  }
0x1c8: {  	s0 =	spop (v2sf);
	(v2sf) =	vpush v18, $0xE;
	v53 =	vld.idx.msk [tilespmem:v53+s14+$0x0], $0xffff;
	v59 =	vor.u32 s3, v59  }
0x1c9: {  	v28 =	vsub.f32 v27, v28;
	v1 =	vmul.f32 v1, v3;
	v0 =	vadd.f32 $0.0e+00, v0;
	v58 =	vld.idx.msk [tilespmem:v58+s16+$0x0], $0xffff  }
0x1ca: {  	s11 =	spop (v2sf);
	(v2sf) =	vpush v17, $0xE;
	v3 =	vsub.f32 v33, v34;
	v61 =	vld.idx.msk [tilespmem:v61+s16+$0x0], $0xffff  }
0x1cb: {  	s6 =	sand.u32 $0xFFFFF80, s0;
	v34 =	vsub.f32 v30, v31;
	v0 =	vadd.f32 v1, v0;
	v1 =	vmul.f32 v28, v6;
	v57 =	vld.idx.msk [tilespmem:v57+s15+$0x0], $0xffff  }
0x1cc: {  	s7 =	sand.u32 $0xFFFFF80, s11;
	s3 =	sadd.s32 s1, s6;
	v63 =	vld.idx.msk [tilespmem:v63+s15+$0x0], $0xffff  }
0x1cd: {  	v0 =	vadd.f32 v1, v0;
	v1 =	vmul.f32 v34, v29;
	v59 =	vld.idx.msk [tilespmem:v59+s14+$0x0], $0xffff;
	[tilespmem:s14], [sflag:$0x1] =	stream.strided.gather [hbm4b:s3+s12], $0x2000, s13, s12, $0x38  }
0x1ce: {  	s6 =	spop (v2sf);
	(v2sf) =	vpush v16, $0xE;
	s3 =	sadd.s32 s2, s7  }
0x1cf: {  	v0 =	vadd.f32 v1, v0;
	v1 =	vsub.f32 v45, v46;
	[tilespmem:s15], [sflag:$0x1] =	stream.strided.gather [hbm4b:s3+s12], $0x2000, s13, s12, $0x38;
	[tilespmem:$0x18800] =	vst v63  }
0x1d0: {  	v36 =	vsub.f32 v36, v37;
	v3 =	vmul.f32 v3, v32;
	s8 =	sand.u32 $0xFFFFF80, s6;
	s3 =	spop (v2sf)  }
0x1d1: {  	v40 =	vsub.f32 v39, v40;
	v30 =	vsub.f32 v48, v49;
	v1 =	vmul.f32 v1, v44;
	s9 =	sadd.s32 s2, s8;
	s10 =	sand.u32 $0xFFFFF80, s3  }
0x1d2: {  	v27 =	vsub.f32 v42, v43;
	v37 =	vmul.f32 v36, v35;
	v3 =	vadd.f32 $0.0e+00, v3;
	[tilespmem:s16], [sflag:$0x1] =	stream.strided.gather [hbm4b:s9+s12], $0x2000, s13, s12, $0x38;
	[tilespmem:$0x18800] =	vst v63  }
0x1d3: {  	v5 =	vmul.f32 v30, v47;
	v1 =	vadd.f32 $0.0e+00, v1;
	(v2sf) =	vpush v18, $0xF;
	s5 =	spop (v2sf);
	s4 =	sadd.s32 s1, s10  }
0x1d4: {  	v28 =	vsub.f32 v57, v58;
	(v2sf) =	vpush v17, $0xF;
	[tilespmem:s18], [sflag:$0x1] =	stream.strided.gather [hbm4b:s4+s12], $0x2000, s13, s12, $0x38;
	[tilespmem:$0x18800] =	vst v63  }
0x1d5: {  	v3 =	vadd.f32 v37, v3;
	v1 =	vadd.f32 v5, v1;
	s17 =	sand.u32 $0xFFFFF80, s5;
	s4 =	spop (v2sf)  }
0x1d6: {  	v10 =	vsub.f32 v60, v61;
	v18 =	vmul.f32 v40, v38;
	v6 =	vmul.f32 v28, v56;
	s7 =	sadd.s32 s2, s17;
	s18 =	simm.s32 $0xA600;
	s28 =	sand.u32 $0xFFFFF80, s4  }
0x1d7: {  	v29 =	vmul.f32 v27, v41;
	v7 =	vsub.f32 v63, v7;
	v17 =	vsub.f32 v51, v52;
	[tilespmem:s18], [sflag:$0x1] =	stream.strided.gather [hbm4b:s7+s12], $0x2000, s13, s12, $0x38;
	[tilespmem:$0x18800] =	vst v63  }
0x1d8: {  	v3 =	vadd.f32 v18, v3;
	v6 =	vadd.f32 $0.0e+00, v6;
	v10 =	vmul.f32 v10, v59;
	s7 =	sadd.s32 s2, s28;
	s28 =	spop (v2sf)  }
0x1d9: {  	v31 =	vmul.f32 v17, v50;
	(v2sf) =	vpush v16, $0xF;
	v16 =	vsub.f32 v54, v55;
	s29 =	sand.u32 $0xFFFFF80, s28;
	s10 =	spop (v2sf)  }
0x1da: {  	v2 =	vsub.f32 v2, v9;
	v7 =	vmul.f32 v7, v62;
	v6 =	vadd.f32 v10, v6;
	[tilespmem:s19], [sflag:$0x1] =	stream.strided.gather [hbm4b:s7+s12], $0x2000, s13, s12, $0x38;
	[tilespmem:$0x18800] =	vst v63  }
0x1db: {  	(xrf2) =	vadd.scan.msk.f32 $0xffff, v0;
	v3 =	vadd.f32 v29, v3;
	v1 =	vadd.f32 v31, v1;
	s7 =	sadd.s32 s1, s29;
	v32 =	vmul.f32 v16, v53;
	s8 =	sand.u32 $0xFFFFF80, s10  }
0x1dc: {  	v2 =	vmul.f32 v2, v8;
	v0 =	vadd.f32 v7, v6;
	[tilespmem:s21], [sflag:$0x1] =	stream.strided.gather [hbm4b:s7+s12], $0x2000, s13, s12, $0x38;
	[tilespmem:$0x18800] =	vst v63  }
0x1dd: {  	(xrf2) =	vadd.scan.msk.f32 $0xffff, v3;
	s29 =	spop (v2sf);
	v1 =	vadd.f32 v32, v1;
	s7 =	sadd.s32 s2, s8  }
0x1de: {  	v0 =	vadd.f32 v2, v0;
	[tilespmem:s22], [sflag:$0x1] =	stream.strided.gather [hbm4b:s7+s12], $0x2000, s13, s12, $0x38;
	[tilespmem:$0x18800] =	vst v63  }
0x1df: {  	s9 =	sand.u32 $0xFFFFF80, s29;
	(xrf2) =	vadd.scan.msk.f32 $0xffff, v1  }
0x1e0: {  	s8 =	sadd.s32 s2, s9;
	s22 =	simm.s32 $0x14600;
	(xrf2) =	vadd.scan.msk.f32 $0xffff, v0  }
0x1e1: {  	[tilespmem:s22], [sflag:$0x1] =	stream.strided.gather [hbm4b:s8+s12], $0x2000, s13, s12, $0x38;
	[tilespmem:$0x18800] =	vst v63  }
0x1e2: {  	s7 =	spop (v2sf)  }
0x1e3: {  	s17 =	sand.u32 $0xFFFFF80, s7;
	s8 =	spop (v2sf)  }
0x1e4: {  	s9 =	sadd.s32 s1, s17;
	s17 =	sand.u32 $0xFFFFF80, s8  }
0x1e5: {  	v61 =	vld [tilespmem:$0x1FFA0];
	[tilespmem:s23], [sflag:$0x1] =	stream.strided.gather [hbm4b:s9+s12], $0x2000, s13, s12, $0x38  }
0x1e6: {  	v60 =	vld [tilespmem:$0x1FF90];
	s17 =	sadd.s32 s2, s17  }
0x1e7: {  	v57 =	vmov v12;
	v12 =	vld [tilespmem:$0x1FF60];
	[tilespmem:s20], [sflag:$0x1] =	stream.strided.gather [hbm4b:s17+s12], $0x2000, s13, s12, $0x38  }
0x1e8: {  	v58 =	vmov v11;
	v11 =	vld [tilespmem:$0x1FF50];
	v16, _, _ =	vpop (xrf2);
	s9 =	spop (v2sf)  }
0x1e9: {  	v63 =	vld [tilespmem:$0x1FFC0];
	v17, _, _ =	vpop (xrf2);
	s20 =	sand.u32 $0xFFFFF80, s9  }
0x1ea: {  	v56 =	vmov v13;
	v13 =	vld [tilespmem:$0x1FF70];
	v18, _, _ =	vpop (xrf2);
	s17 =	sadd.s32 s2, s20  }
0x1eb: {  	v62 =	vld [tilespmem:$0x1FFB0];
	v27, _, _ =	vpop (xrf2);
	[tilespmem:s25], [sflag:$0x1] =	stream.strided.gather [hbm4b:s17+s12], $0x2000, s13, s12, $0x38  }
0x1ec: {  	v59 =	vld [tilespmem:$0x1FF80];
	_ =	swait.ge [sflag:s26], $0x2000  }
0x1ed: {  	[sflag:s26] =	ssyncset.done $0x0  }
0x1ee: {  	[sflag:s26] =	ssyncadd.s32 $0xFFFFE000  }
0x1ef: {  	_ =	swait.ge [sflag:s26], $0x2000  }
0x1f0: {  	[sflag:s26] =	ssyncset.done $0x0  }
0x1f1: {  	[sflag:s26] =	ssyncadd.s32 $0xFFFFE000  }
0x1f2: {  	_ =	swait.ge [sflag:s26], $0x2000  }
0x1f3: {  	[sflag:s26] =	ssyncset.done $0x0  }
0x1f4: {  	[sflag:s26] =	ssyncadd.s32 $0xFFFFE000  }
0x1f5: {  	_ =	swait.ge [sflag:s26], $0x2000  }
0x1f6: {  	[sflag:s26] =	ssyncset.done $0x0  }
0x1f7: {  	[sflag:s26] =	ssyncadd.s32 $0xFFFFE000  }
0x1f8: {  	_ =	swait.ge [sflag:s26], $0x2000  }
0x1f9: {  	[sflag:s26] =	ssyncset.done $0x0  }
0x1fa: {  	[sflag:s26] =	ssyncadd.s32 $0xFFFFE000  }
0x1fb: {  	_ =	swait.ge [sflag:s26], $0x2000  }
0x1fc: {  	[sflag:s26] =	ssyncset.done $0x0  }
0x1fd: {  	[sflag:s26] =	ssyncadd.s32 $0xFFFFE000  }
0x1fe: {  	_ =	swait.ge [sflag:s26], $0x2000  }
0x1ff: {  	[sflag:s26] =	ssyncset.done $0x0  }
0x200: {  	[sflag:s26] =	ssyncadd.s32 $0xFFFFE000  }
0x201: {  	_ =	swait.ge [sflag:s26], $0x2000  }
0x202: {  	[sflag:s26] =	ssyncset.done $0x0  }
0x203: {  	[sflag:s26] =	ssyncadd.s32 $0xFFFFE000  }
0x204: {  	_ =	swait.ge [sflag:s26], $0x2000  }
0x205: {  	[sflag:s26] =	ssyncset.done $0x0  }
0x206: {  	[sflag:s26] =	ssyncadd.s32 $0xFFFFE000  }
0x207: {  	_ =	swait.ge [sflag:s26], $0x2000  }
0x208: {  	[sflag:s26] =	ssyncset.done $0x0  }
0x209: {  	[sflag:s26] =	ssyncadd.s32 $0xFFFFE000  }
0x20a: {  	s0 =	sand.u32 $0x7F, s0;
	_ =	swait.ge [sflag:s26], $0x2000  }
0x20b: {  	s11 =	sand.u32 $0x7F, s11;
	v0 =	vor.u32 s0, v11;
	[sflag:s26] =	ssyncset.done $0x0  }
0x20c: {  	s6 =	sand.u32 $0x7F, s6;
	v1 =	vor.u32 s11, v11;
	[sflag:s26] =	ssyncadd.s32 $0xFFFFE000  }
0x20d: {  	v2 =	vor.u32 s6, v11;
	_ =	swait.ge [sflag:s26], $0x2000  }
0x20e: {  	v3 =	vor.u32 s0, v12;
	[sflag:s26] =	ssyncset.done $0x0  }
0x20f: {  	v33 =	vor.u32 s11, v12;
	[sflag:s26] =	ssyncadd.s32 $0xFFFFE000  }
0x210: {  	v34 =	vor.u32 s6, v12;
	v0 =	vld.idx.msk [tilespmem:v0+s14+$0x0], $0xffff  }
0x211: {  	v35 =	vor.u32 s0, v13;
	v1 =	vld.idx.msk [tilespmem:v1+s15+$0x0], $0xffff  }
0x212: {  	v36 =	vor.u32 s11, v13;
	v2 =	vld.idx.msk [tilespmem:v2+s16+$0x0], $0xffff  }
0x213: {  	v8 =	vor.u32 s6, v13;
	v3 =	vld.idx.msk [tilespmem:v3+s14+$0x0], $0xffff  }
0x214: {  	v9 =	vor.u32 s0, v14;
	v4 =	vld.idx.msk [tilespmem:v33+s15+$0x0], $0xffff  }
0x215: {  	v10 =	vor.u32 s11, v14;
	v5 =	vld.idx.msk [tilespmem:v34+s16+$0x0], $0xffff  }
0x216: {  	v37 =	vor.u32 s6, v14;
	s20 =	sand.u32 $0x7F, s3;
	v6 =	vld.idx.msk [tilespmem:v35+s14+$0x0], $0xffff  }
0x217: {  	s25 =	sand.u32 $0x7F, s5;
	v38 =	vor.u32 s20, v15;
	v7 =	vld.idx.msk [tilespmem:v36+s15+$0x0], $0xffff  }
0x218: {  	s4 =	sand.u32 $0x7F, s4;
	v39 =	vor.u32 s25, v15;
	v8 =	vld.idx.msk [tilespmem:v8+s16+$0x0], $0xffff  }
0x219: {  	v40 =	vor.u32 s4, v15;
	v9 =	vld.idx.msk [tilespmem:v9+s14+$0x0], $0xffff  }
0x21a: {  	v41 =	vor.u32 s20, v56;
	v10 =	vld.idx.msk [tilespmem:v10+s15+$0x0], $0xffff  }
0x21b: {  	v42 =	vor.u32 s25, v56;
	v28 =	vld.idx.msk [tilespmem:v37+s16+$0x0], $0xffff  }
0x21c: {  	v43 =	vor.u32 s4, v56;
	v29 =	vld.idx.msk [tilespmem:v38+s14+$0x0], $0xffff  }
0x21d: {  	v44 =	vor.u32 s20, v57;
	v30 =	vld.idx.msk [tilespmem:v39+s15+$0x0], $0xffff  }
0x21e: {  	v45 =	vor.u32 s25, v57;
	v31 =	vld.idx.msk [tilespmem:v40+s16+$0x0], $0xffff  }
0x21f: {  	v46 =	vor.u32 s4, v57;
	v32 =	vld.idx.msk [tilespmem:v41+s14+$0x0], $0xffff  }
0x220: {  	v47 =	vor.u32 s20, v58;
	v33 =	vld.idx.msk [tilespmem:v42+s15+$0x0], $0xffff  }
0x221: {  	v48 =	vor.u32 s25, v58;
	v34 =	vld.idx.msk [tilespmem:v43+s16+$0x0], $0xffff  }
0x222: {  	v49 =	vor.u32 s4, v58;
	s6 =	sand.u32 $0x7F, s28;
	v35 =	vld.idx.msk [tilespmem:v44+s14+$0x0], $0xffff  }
0x223: {  	v50 =	vor.u32 s6, v59;
	s11 =	sand.u32 $0x7F, s10;
	v36 =	vld.idx.msk [tilespmem:v45+s15+$0x0], $0xffff  }
0x224: {  	v51 =	vor.u32 s11, v59;
	s20 =	sand.u32 $0x7F, s29;
	v37 =	vld.idx.msk [tilespmem:v46+s16+$0x0], $0xffff  }
0x225: {  	v52 =	vor.u32 s20, v59;
	v38 =	vld.idx.msk [tilespmem:v47+s14+$0x0], $0xffff  }
0x226: {  	v53 =	vor.u32 s6, v60;
	v39 =	vld.idx.msk [tilespmem:v48+s15+$0x0], $0xffff  }
0x227: {  	v54 =	vor.u32 s11, v60;
	v40 =	vld.idx.msk [tilespmem:v49+s16+$0x0], $0xffff  }
0x228: {  	v55 =	vor.u32 s20, v60;
	v41 =	vld.idx.msk [tilespmem:v50+s14+$0x0], $0xffff  }
0x229: {  	v42 =	vld.idx.msk [tilespmem:v51+s15+$0x0], $0xffff  }
0x22a: {  	v43 =	vld.idx.msk [tilespmem:v52+s16+$0x0], $0xffff  }
0x22b: {  	v47 =	vor.u32 s6, v61;
	v44 =	vld.idx.msk [tilespmem:v53+s14+$0x0], $0xffff  }
0x22c: {  	v48 =	vor.u32 s11, v61;
	v45 =	vld.idx.msk [tilespmem:v54+s15+$0x0], $0xffff  }
0x22d: {  	s28 =	sand.u32 $0x7F, s8;
	v49 =	vor.u32 s20, v61;
	v46 =	vld.idx.msk [tilespmem:v55+s16+$0x0], $0xffff  }
0x22e: {  	v53 =	vor.u32 s28, v63;
	v54 =	vld [tilespmem:$0x1FFD0]  }
0x22f: {  	v55 =	vld [tilespmem:$0x1FFD0]  }
0x230: {  	v47 =	vld.idx.msk [tilespmem:v47+s14+$0x0], $0xffff  }
0x231: {  	v50 =	vor.u32 s6, v62;
	v1 =	vsub.f32 v1, v2;
	v2 =	vld.idx.msk [tilespmem:v48+s15+$0x0], $0xffff  }
0x232: {  	v52 =	vor.u32 s20, v62;
	v49 =	vld.idx.msk [tilespmem:v49+s16+$0x0], $0xffff  }
0x233: {  	v7 =	vsub.f32 v7, v8;
	v8 =	vld.idx.msk [tilespmem:v53+s15+$0x0], $0xffff  }
0x234: {  	v51 =	vor.u32 s11, v62;
	v53 =	vld [tilespmem:$0x1FFE0]  }
0x235: {  	v33 =	vsub.f32 v33, v34;
	v34 =	vld [tilespmem:$0x1FFE0];
	v0 =	vmul.f32 v1, v0;
	v1 =	vsub.f32 v4, v5  }
0x236: {  	s25 =	sand.u32 $0x7F, s7;
	v4 =	vld.idx.msk [tilespmem:v50+s14+$0x0], $0xffff  }
0x237: {  	v48 =	vor.u32 s25, v63;
	v1 =	vmul.f32 v1, v3;
	v3 =	vld.idx.msk [tilespmem:v52+s16+$0x0], $0xffff  }
0x238: {  	v52 =	vld [tilespmem:$0x1FFD0]  }
0x239: {  	v50 =	vld.idx.msk [tilespmem:v51+s15+$0x0], $0xffff;
	v51 =	vor.u32 s25, v54  }
0x23a: {  	s29 =	sand.u32 $0x7F, s9;
	v36 =	vsub.f32 v36, v37;
	v37 =	vld [tilespmem:$0x1FFF0]  }
0x23b: {  	v30 =	vsub.f32 v30, v31;
	v5 =	vor.u32 s29, v63;
	v54 =	vld [tilespmem:$0x1FFE0]  }
0x23c: {  	v6 =	vmul.f32 v7, v6;
	v0 =	vadd.f32 $0.0e+00, v0;
	v31 =	vld.idx.msk [tilespmem:v48+s14+$0x0], $0xffff;
	v53 =	vor.u32 s25, v53  }
0x23d: {  	v7 =	vsub.f32 v10, v28;
	v48 =	vor.u32 s29, v55;
	v55 =	vld [tilespmem:$0x1FFF0];
	v52 =	vor.u32 s28, v52  }
0x23e: {  	v28 =	vor.u32 s29, v34;
	v0 =	vadd.f32 v1, v0;
	v1 =	vmul.f32 v30, v29;
	v10 =	vld.idx.msk [tilespmem:v51+s14+$0x0], $0xffff  }
0x23f: {  	v51 =	vmul.f32 v7, v9;
	v9 =	vmul.f32 v36, v35;
	v36 =	vsub.f32 v42, v43;
	v42 =	vld [tilespmem:$0x1FFF0]  }
0x240: {  	v54 =	vor.u32 s28, v54;
	v5 =	vld.idx.msk [tilespmem:v5+s16+$0x0], $0xffff  }
0x241: {  	v29 =	vmul.f32 v33, v32;
	v33 =	vor.u32 s29, v37;
	v1 =	vadd.f32 $0.0e+00, v1;
	v37 =	vld.idx.msk [tilespmem:v53+s14+$0x0], $0xffff  }
0x242: {  	v55 =	vor.u32 s28, v55;
	v32 =	vld.idx.msk [tilespmem:v52+s15+$0x0], $0xffff  }
0x243: {  	v1 =	vadd.f32 v29, v1;
	v52 =	vld.idx.msk [tilespmem:v48+s16+$0x0], $0xffff  }
0x244: {  	v2 =	vsub.f32 v2, v49;
	v28 =	vld.idx.msk [tilespmem:v28+s16+$0x0], $0xffff;
	v34 =	vor.u32 s25, v42  }
0x245: {  	v46 =	vsub.f32 v45, v46;
	v43 =	vld.idx.msk [tilespmem:v54+s15+$0x0], $0xffff;
	v1 =	vadd.f32 v9, v1;
	v9 =	vmul.f32 v36, v41  }
0x246: {  	v2 =	vmul.f32 v2, v47;
	v0 =	vadd.f32 v6, v0;
	v33 =	vld.idx.msk [tilespmem:v33+s16+$0x0], $0xffff;
	v5 =	vsub.f32 v8, v5  }
0x247: {  	v29 =	vmul.f32 v46, v44;
	v48 =	vsub.f32 v39, v40;
	v9 =	vadd.f32 $0.0e+00, v9;
	v8 =	vld.idx.msk [tilespmem:v55+s15+$0x0], $0xffff  }
0x248: {  	v3 =	vsub.f32 v50, v3;
	v5 =	vmul.f32 v5, v31;
	v7 =	vsub.f32 v32, v52  }
0x249: {  	v0 =	vadd.f32 v51, v0;
	v35 =	vmul.f32 v48, v38;
	v9 =	vadd.f32 v29, v9;
	v49 =	vld.idx.msk [tilespmem:v34+s14+$0x0], $0xffff  }
0x24a: {  	v5 =	vadd.f32 $0.0e+00, v5;
	v6 =	vsub.f32 v43, v28;
	v7 =	vmul.f32 v7, v10  }
0x24b: {  	v3 =	vmul.f32 v3, v4;
	v1 =	vadd.f32 v35, v1;
	v2 =	vadd.f32 v2, v9  }
0x24c: {  	v51 =	vmul.f32 v6, v37;
	v52 =	vsub.f32 v8, v33;
	v50 =	vadd.f32 v7, v5  }
0x24d: {  	(xrf2) =	vadd.scan.msk.f32 $0xffff, v0;
	v0 =	vadd.f32 v3, v2;
	v2 =	vbroadcast v21, $0xF;
	v3 =	vbroadcast v22, $0xF  }
0x24e: {  	v54 =	vbroadcast v20, $0xF;
	(xrf2) =	vadd.scan.msk.f32 $0xffff, v1;
	v53 =	vmul.f32 v52, v49;
	v1 =	vadd.f32 v51, v50  }
0x24f: {  	v2 =	vsel vm0, v2, v3;
	(xrf2) =	vadd.scan.msk.f32 $0xffff, v0;
	v0 =	vbroadcast v19, $0xF  }
0x250: {  	v3 =	vbroadcast v25, $0xF;
	v2 =	vsel vm1, v2, v54;
	v1 =	vadd.f32 v53, v1  }
0x251: {  	v0 =	vsel vm2, v2, v0;
	v2 =	vbroadcast v26, $0xF  }
0x252: {  	v0 =	vsel vm3, v0, v3;
	(xrf2) =	vadd.scan.msk.f32 $0xffff, v1;
	v1 =	vbroadcast v23, $0xF  }
0x253: {  	v0 =	vsel vm4, v0, v2;
	v2 =	vbroadcast v24, $0xF  }
0x254: {  	v0 =	vsel vm5, v0, v1;
	v1 =	vbroadcast v16, $0xF  }
0x255: {  	v0 =	vsel vm6, v0, v2;
	v2 =	vbroadcast v17, $0xF  }
0x256: {  	v0 =	vsel vm7, v0, v1;
	v1 =	vbroadcast v18, $0xF  }
0x257: {  	v3, _, _ =	vpop (xrf2);
	v0 =	vsel vm8, v0, v2;
	v2 =	vbroadcast v27, $0xF  }
0x258: {  	v55, _, _ =	vpop (xrf2);
	v0 =	vsel vm9, v0, v1;
	v1 =	vbroadcast v3, $0xF  }
0x259: {  	v3, _, _ =	vpop (xrf2);
	v0 =	vsel vm10, v0, v2  }
0x25a: {  	v0 =	vsel vm11, v0, v1;
	v1 =	vbroadcast v3, $0xF  }
0x25b: {  	p0 =	sne.s32 s30, $0x7C0;
	v2 =	vbroadcast v55, $0xF  }
.Ltmp0:
0x25c: {  	_ = 	snop;
	(pc) =	sbr.rel @p0 .LBB2_2-.Ltmp0, $4  }
0x25d: {  	v0 =	vsel vm12, v0, v2  }
0x25e: {  	v2 =	vld [tilespmem:$0x1FFF0];
	v0 =	vsel vm13, v0, v1;
	v1, _, _ =	vpop (xrf2)  }
0x25f: {  	s30 =	sadd.s32 $0x40, s30;
	v0 =	vsel vm14, v0, v1;
	v1 =	vld [tilespmem:$0x1FFE0]  }
0x260: {  	s17 =	simm.s32 $0xC600;
	s5 =	simm.s32 $0x2600;
	s7 =	simm.s32 $0x4600;
	[tilespmem:s31+$0x18600] =	vst v0;
	v0 =	vld [tilespmem:$0x1FFD0]  }
0x261: {  	s9 =	simm.s32 $0x0;
	s0 =	rddreg [dreg:$0xa];
	s3 =	simm.s32 $0x18600  }
0x262: {  	[hbm4b:s0+s9] =	stream.linear.scatter [tilespmem:s3], [sflag:$0x2], $0x200, $0x38;
	[tilespmem:$0x18800] =	vst v63  }
0x263: {  	s3 =	simm.s32 $0x2  }
0x264: {  	_ =	swait.ge [sflag:s3], $0x200  }
0x265: {  	s4 =	rddreg [dreg:$0xc]  }
0x266: {  	s31 =	rddreg [dreg:$0xb];
	s4 =	sadd.s32 $0x1, s4  }
0x267: {  	p0 =	sne.s32 s4, s31  }
.Ltmp1:
0x268: {  	_ = 	snop;
	(pc) =	sbr.rel @p0 .LBB2_1-.Ltmp1, $3  }
0x269: {  	_ =	sdelay $0x1  }
0x26a: {  	[sflag:s3] =	ssyncset.done $0x0  }
0x26b: {  	[sflag:s3] =	ssyncadd.s32 $0xFFFFFE00  }
0x26c: {  	_ =	sfence.sel $0x180000  }
0x26d: {  	[bflag:$0x0] =	sbarrier.arrive $0xFFFF  }
0x26e: {  	_ =	strace $0x9000004A  }
0x26f: {  	s0 =	stileid.u32;
	[bflag:$0x2] =	sbarrier.arrive $0xFFFF  }
0x270: {  	p0 =	sne.s32 s0, $0x0;
	s0 =	rddreg [dreg:$0x6]  }
0x271: {  	s0 =	sadd.s32 @!p0 $0x100000, s0  }
0x272: {  	[sflag:s0] =	ssyncadd.tile.s32 @!p0 $0x1;
	_ =	shalt  }
.Lfunc_end2:
_tile_overlayer_lowered:
.L_overlay_start_2:
0x273: {  	(tag) =	ssettag $0x2  }
0x274: {  	s0 =	rddreg [dreg:$0x0];
	s2 =	stileid.u32  }
0x275: {  	s1 =	rddreg [dreg:$0x1];
	p0 =	sne.s32 s2, $0x0  }
0x276: {  	s3 =	rddreg [dreg:$0x2];
	[bflag:$0x3] =	sbarrier.arrive $0xFFFF;
	s2 =	simm.s32 @!p0 $0x1C02  }
0x277: {  	[timem:s3], [sflag:s2] =	dma.local @!p0 [hbm:s0], s1  }
0x278: {  	s0 =	simm.s32 @!p0 $0x2  }
0x279: {  	_ =	swait.ge @!p0 [sflag:s0], s1  }
0x27a: {  	s1 =	ssub.s32 @!p0 $0x0, s1;
	[sflag:s0] =	ssyncset.done @!p0 $0x0  }
0x27b: {  	[sflag:s0] =	ssyncadd.s32 @!p0 s1  }
0x27c: {  	[bflag:$0x3] =	sbarrier.arrive $0xFFFF  }
0x27d: {  	_ =	shalt  }

// kernel: kernel.8.cloned.1.call-start
scs
__scs_entry_jumppad:
0x0: {  	(pc) =	sbr.rel $0x88, $3  }
0x1: {  	(tag) =	ssettag $0x0;
	lr =	simm.s32 $0x1  }
0x2: {  	[smem:$0x3F9B] =	sst lr;
	_ =	strace $0xD0000000  }
0x3: {  	_ = 	snop  }
0x4: {  	_ = 	snop  }
0x5: {  	_ = 	snop  }
0x6: {  	_ = 	snop  }
0x7: {  	_ = 	snop  }
__scs_overlays_trampoline_lowered:
0x8: {  	[smem:$0x3FAA] =	sst s0  }
0x9: {  	[smem:$0x3FAB] =	sst s1  }
0xa: {  	[smem:$0x3FAC] =	sst s2  }
0xb: {  	[smem:$0x3FAD] =	sst s3  }
0xc: {  	[smem:$0x3FAE] =	sst s4  }
0xd: {  	[smem:$0x3FAF] =	sst s5  }
0xe: {  	[smem:$0x3FB0] =	sst s6  }
0xf: {  	[smem:$0x3FB1] =	sst s7  }
0x10: {  	[smem:$0x3FB2] =	sst s8  }
0x11: {  	[smem:$0x3FB3] =	sst s9;
	s0 =	simm.s32 @!p0 $0x0  }
0x12: {  	s1 =	sld [smem:$0x3F99];
	s0 =	simm.s32 @p0 $0x1  }
0x13: {  	[smem:$0x3FB4] =	sst s0;
	s0 =	simm.s32 @!p1 $0x0  }
0x14: {  	s2 =	sld [smem:$0x3F98];
	s0 =	simm.s32 @p1 $0x1  }
0x15: {  	[smem:$0x3FB5] =	sst s0;
	s0 =	simm.s32 @!p2 $0x0  }
0x16: {  	s3 =	sld [smem:$0x3FDB];
	s0 =	simm.s32 @p2 $0x1  }
0x17: {  	s4 =	simm.s32 $0x1BF5;
	[smem:$0x3FB7] =	sst s0  }
0x18: {  	s0 =	sld [smem:$0x3F9A];
	_ =	swait.ge [sflag:s4], $0x0  }
0x19: {  	s7 =	sld [smem:$0x3F9B]  }
0x1a: {  	s8 =	sadd.s32 $0xFFFFE003, lr  }
0x1b: {  	s9 =	sadd.s32 $0xFFFFFEF7, lr;
	s5 =	simm.s32 $0xFFFFFFFF;
	p2 =	slt.u32 s8, $0xFFFFF086  }
0x1c: {  	p1 =	slt.u32 s9, $0xF7A;
	s5 =	simm.s32 @!p2 $0x0  }
0x1d: {  	s5 =	simm.s32 @p1 $0x1;
	p0 =	seq.s32 s7, s2  }
0x1e: {  	s7 =	smul.u32 @!p0 $0xF7A, s2;
	p2 =	seq.s32 @!p0 s5, $0x0  }
0x1f: {  	s9 =	smul.u32 $0xF7A, s1;
	s8 =	simm.s32 @!p0 $0x1BF5;
	p2 =	por !p2, p0  }
0x20: {  	[sflag:s8] =	ssyncset.s32 @!p0 $0xFFFFF086;
	s6 =	sadd.s32 @!p0 s3, s7;
	s7 =	simm.s32 @!p0 $0x108  }
0x21: {  	s3 =	sadd.s32 s3, s9;
	s6 =	sadd.s32 @!p0 $0x88, s6;
	s7 =	simm.s32 @p2 $0x1082  }
0x22: {  	[simem:s7], [sflag:s8] =	dma.local @!p0 [hbm:s6], $0xF7A  }
0x23: {  	s9 =	sor.u32 $0xD0000000, s2;
	s6 =	simm.s32 $0x108;
	_ =	swait.ge @!p0 [sflag:s8], $0x0  }
0x24: {  	s3 =	sadd.s32 $0x88, s3;
	s6 =	simm.s32 @!p1 $0x1082;
	[sflag:s4] =	ssyncset.s32 $0xFFFFF086  }
0x25: {  	[simem:s6], [sflag:s4] =	dma.local [hbm:s3], $0xF7A  }
0x26: {  	[smem:$0x3F9B] =	sst s1;
	(tag) =	ssettag s2;
	_ =	strace s9  }
0x27: {  	s1 =	sld [smem:$0x3FAB]  }
0x28: {  	s2 =	sld [smem:$0x3FAC]  }
0x29: {  	s4 =	sld [smem:$0x3FAE]  }
0x2a: {  	p0 =	seq.s32 s5, $0x0;
	s5 =	sld [smem:$0x3FAF]  }
0x2b: {  	s6 =	sld [smem:$0x3FB0]  }
0x2c: {  	s7 =	sld [smem:$0x3FB1]  }
0x2d: {  	s3 =	simm.s32 $0x108;
	s8 =	sld [smem:$0x3FB2]  }
0x2e: {  	s3 =	simm.s32 @!p0 $0x1082;
	s9 =	sld [smem:$0x3FB3]  }
0x2f: {  	lr =	sadd.s32 s0, s3;
	s0 =	sld [smem:$0x3FAA]  }
0x30: {  	s3 =	sld [smem:$0x3FAD]  }
0x31: {  	[smem:$0x3FB6] =	sst s10  }
0x32: {  	s10 =	sld [smem:$0x3FB4];
	_ =	sdelay $0x3  }
0x33: {  	p0 =	seq.s32 s10, $0x1;
	s10 =	sld [smem:$0x3FB6];
	_ =	sdelay $0x3  }
0x34: {  	[smem:$0x3FB6] =	sst s10  }
0x35: {  	s10 =	sld [smem:$0x3FB5];
	_ =	sdelay $0x3  }
0x36: {  	p1 =	seq.s32 s10, $0x1;
	s10 =	sld [smem:$0x3FB6];
	_ =	sdelay $0x3  }
0x37: {  	[smem:$0x3FB6] =	sst s10  }
0x38: {  	s10 =	sld [smem:$0x3FB7]  }
0x39: {  	_ = 	snop;
	(pc) =	sbr.ind lr, $3  }
0x3a: {  	_ = 	snop  }
0x3b: {  	_ = 	snop  }
0x3c: {  	p2 =	seq.s32 s10, $0x1;
	s10 =	sld [smem:$0x3FB6]  }
0x3d: {  	_ =	shalt  }
0x3e: {  	_ =	shalt  }
0x3f: {  	_ =	shalt  }
0x40: {  	_ =	shalt  }
0x41: {  	_ =	shalt  }
0x42: {  	_ =	shalt  }
0x43: {  	_ =	shalt  }
0x44: {  	_ =	shalt  }
0x45: {  	_ =	shalt  }
0x46: {  	_ =	shalt  }
0x47: {  	_ =	shalt  }
0x48: {  	_ =	shalt  }
0x49: {  	_ =	shalt  }
0x4a: {  	_ =	shalt  }
0x4b: {  	_ =	shalt  }
0x4c: {  	_ =	shalt  }
0x4d: {  	_ =	shalt  }
0x4e: {  	_ =	shalt  }
0x4f: {  	_ =	shalt  }
0x50: {  	_ =	shalt  }
0x51: {  	_ =	shalt  }
0x52: {  	_ =	shalt  }
0x53: {  	_ =	shalt  }
0x54: {  	_ =	shalt  }
0x55: {  	_ =	shalt  }
0x56: {  	_ =	shalt  }
0x57: {  	_ =	shalt  }
0x58: {  	_ =	shalt  }
0x59: {  	_ =	shalt  }
0x5a: {  	_ =	shalt  }
0x5b: {  	_ =	shalt  }
0x5c: {  	_ =	shalt  }
0x5d: {  	_ =	shalt  }
0x5e: {  	_ =	shalt  }
0x5f: {  	_ =	shalt  }
0x60: {  	_ =	shalt  }
0x61: {  	_ =	shalt  }
0x62: {  	_ =	shalt  }
0x63: {  	_ =	shalt  }
0x64: {  	_ =	shalt  }
0x65: {  	_ =	shalt  }
0x66: {  	_ =	shalt  }
0x67: {  	_ =	shalt  }
0x68: {  	_ =	shalt  }
0x69: {  	_ =	shalt  }
0x6a: {  	_ =	shalt  }
0x6b: {  	_ =	shalt  }
0x6c: {  	_ =	shalt  }
0x6d: {  	_ =	shalt  }
0x6e: {  	_ =	shalt  }
0x6f: {  	_ =	shalt  }
0x70: {  	_ =	shalt  }
0x71: {  	_ =	shalt  }
0x72: {  	_ =	shalt  }
0x73: {  	_ =	shalt  }
0x74: {  	_ =	shalt  }
0x75: {  	_ =	shalt  }
0x76: {  	_ =	shalt  }
0x77: {  	_ =	shalt  }
0x78: {  	_ =	shalt  }
0x79: {  	_ =	shalt  }
0x7a: {  	_ =	shalt  }
0x7b: {  	_ =	shalt  }
0x7c: {  	_ =	shalt  }
0x7d: {  	_ =	shalt  }
0x7e: {  	_ =	shalt  }
0x7f: {  	_ =	shalt  }
0x80: {  	_ =	shalt  }
0x81: {  	_ =	shalt  }
0x82: {  	_ =	shalt  }
0x83: {  	_ =	shalt  }
0x84: {  	_ =	shalt  }
0x85: {  	_ =	shalt  }
0x86: {  	_ =	shalt  }
0x87: {  	_ =	shalt  }
.Lfunc_end0:
.L_simem_size_0:
called_computation.1_lowered:
.L_overlay_start_0:
0x88: {  	s2 =	sld [smem:$0x3FD9]  }
0x89: {  	s3 =	sld [smem:$0x3FFE];
	_ =	sdelay $0x1  }
0x8a: {  	s1 =	srdreg.scid  }
0x8b: {  	s0 =	sand.u32 $0x1, s1  }
0x8c: {  	s17 =	sshll.u32 s0, $0xA;
	s2 =	sadd.s32 s3, s2  }
0x8d: {  	s2 =	sadd.s32 s2, s17  }
0x8e: {  	[smem:$0x3FC2] =	sst s2  }
0x8f: {  	_ = 	snop  }
0x90: {  	s2 =	sld [smem:$0x3FC8]  }
0x91: {  	s18 =	sld [smem:$0x3FC7];
	(tm) =	ssettm $0x1  }
0x92: {  	s4 =	sld [smem:$0x3FFB];
	_ =	sdelay $0x3  }
0x93: {  	_ =	strace s4  }
0x94: {  	s4 =	sld [smem:$0x3FFC];
	_ =	sdelay $0x3  }
0x95: {  	_ =	strace s4  }
0x96: {  	s4 =	sld [smem:$0x3FFD];
	_ =	sdelay $0x3  }
0x97: {  	_ =	strace s4  }
0x98: {  	_ =	strace $0x8FFFFFFF  }
0x99: {  	s19 =	sld [smem:$0x3FDB];
	_ =	sdelay $0x1  }
0x9a: {  	s5 =	simm.s32 $_scs_section_size  }
0x9b: {  	s6 =	simm.s32 $_size__tile_overlayer_lowered;
	s7 =	simm.s32 $_tile_overlayer_lowered  }
0x9c: {  	s22 =	simm.s32 $0x1BFF;
	s21 =	sshll.u32 s7, $0x1;
	s4 =	sadd.s32 s5, s19  }
0x9d: {  	s8 =	simm.s32 $0x0;
	s20 =	sshll.u32 s6, $0x1;
	s6 =	sadd.s32 s21, s4  }
0x9e: {  	[timem:s8], [sflag:s22] =	dma.local [hbm:s6], s20  }
0x9f: {  	_ =	swait.ge [sflag:s22], s20  }
0xa0: {  	s5 =	ssub.s32 $0x0, s20;
	[sflag:s22] =	ssyncset.done $0x0  }
0xa1: {  	[sflag:s22] =	ssyncadd.s32 s5;
	_ =	sdelay $0x1  }
0xa2: {  	s23 =	simm.s32 $0x1B8B  }
0xa3: {  	_ =	swait.ge [sflag:s23], $0x1  }
0xa4: {  	[sflag:s23] =	ssyncset.done $0x0  }
0xa5: {  	s25 =	simm.s32 $0x1B8E;
	s24 =	sld [smem:$0x3FFE];
	[sflag:s23] =	ssyncadd.s32 $0xFFFFFFFF  }
0xa6: {  	s26 =	simm.s32 $execute0_lowered;
	[smem:$0x3FD2] =	sst s25  }
0xa7: {  	s6 =	sshll.u32 s26, $0x1;
	_ =	strace $0x80000046;
	[dreg:$0x1] =	wrdreg $0xFFFFFFFF  }
0xa8: {  	s28 =	simm.s32 $_size_execute0_lowered;
	s4 =	sadd.s32 s4, s6;
	[dreg:$0x0] =	wrdreg $0x0  }
0xa9: {  	s6 =	sshll.u32 s28, $0x1;
	[dreg:$0x2] =	wrdreg s4  }
0xaa: {  	[dreg:$0x3] =	wrdreg s6  }
0xab: {  	[dreg:$0x4] =	wrdreg $0xC0  }
0xac: {  	_ =	task [dreg:s8], $0x5FFFF  }
0xad: {  	[dreg:$0x1] =	wrdreg $0xFFFFFFFF  }
0xae: {  	[dreg:$0x0] =	wrdreg $0x60  }
0xaf: {  	[dreg:$0x2] =	wrdreg s2  }
0xb0: {  	[dreg:$0x3] =	wrdreg s18  }
0xb1: {  	[dreg:$0x4] =	wrdreg s24  }
0xb2: {  	[dreg:$0x5] =	wrdreg $0xA  }
0xb3: {  	_ =	task.clear_ibuf [dreg:s8], $0x6FFFF;
	_ =	strace $0x90000046  }
0xb4: {  	s29 =	simm.s32 $0xA;
	_ =	strace $0x80000048  }
0xb5: {  	_ =	swait.ge [sflag:s29], $0x1  }
0xb6: {  	[sflag:s29] =	ssyncadd.s32 $0xFFFFFFFF  }
0xb7: {  	_ =	strace $0x90000048  }
0xb8: {  	_ =	sfence  }
0xb9: {  	s30 =	sld [smem:$0x0];
	_ =	sdelay $0x2  }
0xba: {  	s31 =	sshll.u32 s1, $0xD;
	s1 =	sshrl.u32 s1, $0x2  }
0xbb: {  	s3 =	sand.u32 $0x4000, s31;
	s1 =	sadd.s32 s1, s30  }
0xbc: {  	s0 =	sor.u32 s3, s0;
	s1 =	sshll.u32 s1, $0x11  }
0xbd: {  	s0 =	sor.u32 s1, s0  }
0xbe: {  	s0 =	sadd.s32 $0x8F2B, s0  }
0xbf: {  	[sflag:s0] =	ssyncadd.remote.s32 $0x1  }
0xc0: {  	_ =	sfence.sel $0xFFFF  }
0xc1: {  	[dreg:$0x0] =	wrdreg $0xFFFFFFFF;
	(pc) =	sbr.abs _section_cstart, $3  }
0xc2: {  	[dreg:$0x1] =	wrdreg $0xFFFFFFFF  }
0xc3: {  	_ =	task.clear_ibuf [dreg:s8], $0x2FFFF;
	_ =	strace $0x9FFFFFFF  }
0xc4: {  	(tm) =	ssettm $0x7FFFFFFF  }
0xc5: {  	_ =	shalt  }
tec
execute0_lowered:
.L_overlay_start_1:
0x0: {  	(tag) =	ssettag $0x1  }
0x1: {  	s4 =	rddreg [dreg:$0x0]  }
0x2: {  	s5 =	rddreg [dreg:$0x1]  }
0x3: {  	s6 =	rddreg [dreg:$0x2]  }
0x4: {  	s0 =	rddreg [dreg:$0x3];
	s3 =	srdreg.scid  }
0x5: {  	s2 =	simm.s32 $0x0;
	s1 =	stileid.u32;
	s10 =	simm.s32 $0x80  }
0x6: {  	s11 =	simm.s32 $0x400;
	s12 =	simm.s32 $0x600;
	s13 =	simm.s32 $0x480  }
0x7: {  	s14 =	simm.s32 $0x280;
	s15 =	simm.s32 $0x680;
	s16 =	simm.s32 $0x100  }
0x8: {  	s17 =	simm.s32 $0x500;
	s18 =	simm.s32 $0x300;
	s19 =	simm.s32 $0x700  }
0x9: {  	s20 =	simm.s32 $0x180;
	s21 =	simm.s32 $0x580;
	s22 =	simm.s32 $0x380  }
0xa: {  	s23 =	simm.s32 $0x780;
	s24 =	simm.s32 $0x1;
	s25 =	simm.s32 $0x800  }
0xb: {  	s26 =	simm.s32 $0x0;
	s3 =	sand.u32 $0x1, s3;
	[smem:$0x7FF] =	sst s2  }
0xc: {  	s7 =	sshll.u32 s1, $0x7;
	s8 =	sshll.u32 s3, $0x6;
	s31 =	ssub.s32 $0x2, s3  }
0xd: {  	_ =	strace $0x80000047;
	s7 =	sor.u32 s8, s7;
	s9 =	sshrl.u32 s31, $0x1  }
0xe: {  	s3 =	sadd.s32 $0x800, s6;
	s6 =	sadd.s32 s7, s6;
	s8 =	ssub.s32 s31, s9  }
0xf: {  	s4 =	sadd.s32 s4, s7;
	s5 =	sadd.s32 s5, s7;
	s9 =	simm.s32 $0x200  }
0x10: {  	s6 =	sadd.s32 $0x1F200, s6;
	s7 =	smax.u32 s8, $0x1;
	s8 =	simm.s32 $0x2  }
.LBB2_1:
0x11: {  	[tilespmem:s2], [sflag:$0x2] =	stream.linear.gather [hbm4b:s4+s2], $0x200, $0x38;
	[tilespmem:$0xA00] =	vst v63  }
0x12: {  	_ =	swait.ge [sflag:s8], $0x200  }
0x13: {  	[sflag:s8] =	ssyncset.done $0x0  }
0x14: {  	[sflag:s8] =	ssyncadd.s32 $0xFFFFFE00  }
0x15: {  	[tilespmem:s9], [sflag:$0x2] =	stream.linear.gather [hbm4b:s5+s2], $0x200, $0x38;
	[tilespmem:$0xA00] =	vst v63  }
0x16: {  	_ =	swait.ge [sflag:s8], $0x200  }
0x17: {  	[sflag:s8] =	ssyncset.done $0x0  }
0x18: {  	[sflag:s8] =	ssyncadd.s32 $0xFFFFFE00  }
0x19: {  	[tilespmem:s11], [sflag:$0x1] =	stream.indirect.gather [hbm4b:s3+s10], $0x1, s2, s10, $0xb8;
	[tilespmem:$0xA00] =	vst v63  }
0x1a: {  	_ = 	snop  }
0x1b: {  	[tilespmem:s12], [sflag:$0x1] =	stream.indirect.gather [hbm4b:s3+s10], $0x1, s9, s10, $0xb8;
	[tilespmem:$0xA00] =	vst v63  }
0x1c: {  	_ = 	snop  }
0x1d: {  	[tilespmem:s13], [sflag:$0x1] =	stream.indirect.gather [hbm4b:s3+s10], $0x1, s10, s10, $0xb8;
	[tilespmem:$0xA00] =	vst v63  }
0x1e: {  	_ = 	snop  }
0x1f: {  	[tilespmem:s15], [sflag:$0x1] =	stream.indirect.gather [hbm4b:s3+s10], $0x1, s14, s10, $0xb8;
	[tilespmem:$0xA00] =	vst v63  }
0x20: {  	_ = 	snop  }
0x21: {  	[tilespmem:s17], [sflag:$0x1] =	stream.indirect.gather [hbm4b:s3+s10], $0x1, s16, s10, $0xb8;
	[tilespmem:$0xA00] =	vst v63  }
0x22: {  	_ = 	snop  }
0x23: {  	[tilespmem:s19], [sflag:$0x1] =	stream.indirect.gather [hbm4b:s3+s10], $0x1, s18, s10, $0xb8;
	[tilespmem:$0xA00] =	vst v63  }
0x24: {  	_ = 	snop  }
0x25: {  	[tilespmem:s21], [sflag:$0x1] =	stream.indirect.gather [hbm4b:s3+s10], $0x1, s20, s10, $0xb8;
	[tilespmem:$0xA00] =	vst v63  }
0x26: {  	_ = 	snop  }
0x27: {  	[tilespmem:s23], [sflag:$0x1] =	stream.indirect.gather [hbm4b:s3+s10], $0x1, s22, s10, $0xb8;
	[tilespmem:$0xA00] =	vst v63  }
0x28: {  	_ =	swait.ge [sflag:s24], $0x80  }
0x29: {  	[sflag:s24] =	ssyncset.done $0x0  }
0x2a: {  	[sflag:s24] =	ssyncadd.s32 $0xFFFFFF80  }
0x2b: {  	_ =	swait.ge [sflag:s24], $0x80  }
0x2c: {  	[sflag:s24] =	ssyncset.done $0x0  }
0x2d: {  	[sflag:s24] =	ssyncadd.s32 $0xFFFFFF80  }
0x2e: {  	_ =	swait.ge [sflag:s24], $0x80  }
0x2f: {  	[sflag:s24] =	ssyncset.done $0x0  }
0x30: {  	[sflag:s24] =	ssyncadd.s32 $0xFFFFFF80  }
0x31: {  	_ =	swait.ge [sflag:s24], $0x80  }
0x32: {  	[sflag:s24] =	ssyncset.done $0x0  }
0x33: {  	[sflag:s24] =	ssyncadd.s32 $0xFFFFFF80  }
0x34: {  	_ =	swait.ge [sflag:s24], $0x80  }
0x35: {  	[sflag:s24] =	ssyncset.done $0x0  }
0x36: {  	[sflag:s24] =	ssyncadd.s32 $0xFFFFFF80  }
0x37: {  	_ =	swait.ge [sflag:s24], $0x80  }
0x38: {  	[sflag:s24] =	ssyncset.done $0x0  }
0x39: {  	[sflag:s24] =	ssyncadd.s32 $0xFFFFFF80  }
0x3a: {  	_ =	swait.ge [sflag:s24], $0x80  }
0x3b: {  	[sflag:s24] =	ssyncset.done $0x0  }
0x3c: {  	[sflag:s24] =	ssyncadd.s32 $0xFFFFFF80  }
0x3d: {  	_ =	swait.ge [sflag:s24], $0x80  }
0x3e: {  	[sflag:s24] =	ssyncset.done $0x0  }
0x3f: {  	s28 =	simm.s32 $0x0;
	[sflag:s24] =	ssyncadd.s32 $0xFFFFFF80  }
0x40: {  	v0 =	vld [tilespmem:s28+$0x400]  }
0x41: {  	s29 =	simm.s32 $0x40;
	v1 =	vld [tilespmem:s28+$0x600]  }
.LBB2_2:
0x42: {  	_ = 	snop  }
0x43: {  	p0 =	sne.s32 s29, $0x7C0  }
.Ltmp0:
0x44: {  	_ = 	snop;
	(pc) =	sbr.rel @p0 .LBB2_2-.Ltmp0, $4  }
0x45: {  	_ = 	snop  }
0x46: {  	s30 =	sshra.s32 s29, $0x2;
	v2 =	vsub.f32 v0, v1  }
0x47: {  	v0 =	vld [tilespmem:s30+$0x400]  }
0x48: {  	s29 =	sadd.s32 $0x40, s29;
	v1 =	vld [tilespmem:s30+$0x600];
	[tilespmem:s28+$0x800] =	vst v2;
	s28 =	smov.u32 s30  }
0x49: {  	_ =	sdelay $0x3  }
0x4a: {  	s26 =	sadd.s32 $0x1, s26;
	v0 =	vsub.f32 v0, v1  }
0x4b: {  	p0 =	sne.s32 s26, s7  }
.Ltmp1:
0x4c: {  	[tilespmem:s28+$0x800] =	vst v0;
	(pc) =	sbr.rel @p0 .LBB2_1-.Ltmp1, $4  }
0x4d: {  	[hbm4b:s6+s2] =	stream.linear.scatter [tilespmem:s25], [sflag:$0x2], $0x200, $0x38;
	[tilespmem:$0xA00] =	vst v63  }
0x4e: {  	_ =	swait.ge [sflag:s8], $0x200  }
0x4f: {  	[sflag:s8] =	ssyncset.done $0x0  }
0x50: {  	[sflag:s8] =	ssyncadd.s32 $0xFFFFFE00  }
0x51: {  	_ =	sfence.sel $0x180000  }
0x52: {  	[bflag:$0x0] =	sbarrier.arrive $0xFFFF  }
0x53: {  	p0 =	sne.s32 s1, $0x0;
	_ =	strace $0x90000047  }
0x54: {  	s0 =	sadd.s32 @!p0 $0x100000, s0;
	[bflag:$0x2] =	sbarrier.arrive $0xFFFF  }
0x55: {  	[sflag:s0] =	ssyncadd.tile.s32 @!p0 $0x1;
	_ =	shalt  }
.Lfunc_end2:
_tile_overlayer_lowered:
.L_overlay_start_2:
0x56: {  	(tag) =	ssettag $0x2  }
0x57: {  	s0 =	rddreg [dreg:$0x0];
	s2 =	stileid.u32  }
0x58: {  	s1 =	rddreg [dreg:$0x1];
	p0 =	sne.s32 s2, $0x0  }
0x59: {  	s3 =	rddreg [dreg:$0x2];
	[bflag:$0x3] =	sbarrier.arrive $0xFFFF;
	s2 =	simm.s32 @!p0 $0x1C02  }
0x5a: {  	[timem:s3], [sflag:s2] =	dma.local @!p0 [hbm:s0], s1  }
0x5b: {  	s0 =	simm.s32 @!p0 $0x2  }
0x5c: {  	_ =	swait.ge @!p0 [sflag:s0], s1  }
0x5d: {  	s1 =	ssub.s32 @!p0 $0x0, s1;
	[sflag:s0] =	ssyncset.done @!p0 $0x0  }
0x5e: {  	[sflag:s0] =	ssyncadd.s32 @!p0 s1  }
0x5f: {  	[bflag:$0x3] =	sbarrier.arrive $0xFFFF  }
0x60: {  	_ =	shalt  }

</sc_bundles>
